<compile_context>
chip_gen: v7x
topology: tpu7x:2x2x1
jax: 0.10.2.dev20260603
libtpu: 0.0.44.dev20260713+nightly
codegen_flags: <defaults>
</compile_context>

<pallas_src>
import functools

import jax
import jax.numpy as jnp
from jax import lax
from jax.experimental import pallas as pl
from jax.experimental.pallas import tpu as pltpu
from jax.experimental.pallas import tpu_sc as plsc

NC = 2
NS = 16
NW = NC * NS
CH = 64


NB = 5


def _sc_degrees(src1d, dst1d, n):
    e = src1d.shape[0]
    ew = e // NW
    nchunk = ew // CH
    nround = nchunk // NB
    npad = ((n + NS * 40 - 1) // (NS * 40)) * (NS * 40)
    rows_per_tile = npad // NS
    ones = jnp.ones((CH,), jnp.float32)
    zeros = jnp.zeros((rows_per_tile,), jnp.float32)

    mesh = plsc.VectorSubcoreMesh(core_axis_name="c", subcore_axis_name="s")

    @functools.partial(
        pl.kernel,
        mesh=mesh,
        out_type=jax.ShapeDtypeStruct((NC, 2, npad), jnp.float32),
        scratch_types=[
            pltpu.VMEM((CH,), jnp.float32),
            pltpu.VMEM((rows_per_tile,), jnp.float32),
            pltpu.VMEM_SHARED((npad,), jnp.float32),
            pltpu.VMEM_SHARED((npad,), jnp.float32),
            pltpu.SemaphoreType.DMA,
            pltpu.SemaphoreType.DMA,
        ]
        + [pltpu.VMEM((CH,), jnp.int32) for _ in range(2 * NB)],
    )
    def k(src_hbm, dst_hbm, ones_hbm, zeros_hbm, out_hbm,
          ones_v, stage_v, acc_s, acc_d, sem_i, sem_s, *idxb):
        sidx = idxb[:NB]
        didx = idxb[NB:]
        c = lax.axis_index("c")
        s = lax.axis_index("s")
        w = s * NC + c
        base = w * ew
        row0 = s * rows_per_tile

        pltpu.sync_copy(ones_hbm, ones_v)
        pltpu.sync_copy(zeros_hbm, stage_v)
        pltpu.sync_copy(stage_v, acc_s.at[pl.ds(row0, rows_per_tile)])
        pltpu.sync_copy(stage_v, acc_d.at[pl.ds(row0, rows_per_tile)])
        plsc.subcore_barrier()

        def round_(g, carry):
            ch0 = g * NB
            ih = []
            for b in range(NB):
                off = base + (ch0 + b) * CH
                ih.append(pltpu.async_copy(
                    src_hbm.at[pl.ds(off, CH)], sidx[b], sem_i))
                ih.append(pltpu.async_copy(
                    dst_hbm.at[pl.ds(off, CH)], didx[b], sem_i))
            for h_ in ih:
                h_.wait()
            sh = []
            for b in range(NB):
                sh.append(pltpu.async_copy(
                    ones_v, acc_s.at[sidx[b]], sem_s, add=True))
                sh.append(pltpu.async_copy(
                    ones_v, acc_d.at[didx[b]], sem_s, add=True))
            for h_ in sh:
                h_.wait()
            return carry

        lax.fori_loop(0, nround, round_, 0)
        plsc.subcore_barrier()

        pltpu.sync_copy(acc_s.at[pl.ds(row0, rows_per_tile)], stage_v)
        pltpu.sync_copy(stage_v, out_hbm.at[c, 0, pl.ds(row0, rows_per_tile)])
        pltpu.sync_copy(acc_d.at[pl.ds(row0, rows_per_tile)], stage_v)
        pltpu.sync_copy(stage_v, out_hbm.at[c, 1, pl.ds(row0, rows_per_tile)])

    return k(src1d, dst1d, ones, zeros)


def _sc_edge_agg(h, src1d, dst1d):
    n, d = h.shape
    e = src1d.shape[0]
    ew = e // NW
    nchunk = ew // CH
    nround = nchunk // NB
    npad = ((n + NS * 40 - 1) // (NS * 40)) * (NS * 40)
    rows_per_tile = npad // NS
    zrows = CH
    nz = rows_per_tile // zrows
    zeros = jnp.zeros((zrows, d), jnp.float32)

    mesh = plsc.VectorSubcoreMesh(core_axis_name="c", subcore_axis_name="s")

    @functools.partial(
        pl.kernel,
        mesh=mesh,
        out_type=jax.ShapeDtypeStruct((NC, npad, d), jnp.float32),
        scratch_types=[
            pltpu.VMEM_SHARED((npad, d), jnp.float32),
            pltpu.SemaphoreType.DMA,
            pltpu.SemaphoreType.DMA,
        ]
        + [pltpu.SemaphoreType.DMA for _ in range(2 * NB)]
        + [pltpu.VMEM((CH,), jnp.int32) for _ in range(4 * NB)]
        + [pltpu.VMEM((CH, d), jnp.float32) for _ in range(NB)],
    )
    def k(h_hbm, src_hbm, dst_hbm, zeros_hbm, out_hbm,
          acc, sem_i0, sem_i1, *bufs):
        sem_i = (sem_i0, sem_i1)
        sem_g = bufs[:NB]
        sem_sl = bufs[NB:2 * NB]
        sidx = (bufs[2 * NB:3 * NB], bufs[3 * NB:4 * NB])
        didx = (bufs[4 * NB:5 * NB], bufs[5 * NB:6 * NB])
        rows = bufs[6 * NB:]
        c = lax.axis_index("c")
        s = lax.axis_index("s")
        w = s * NC + c
        base = w * ew
        row0 = s * rows_per_tile

        pltpu.sync_copy(zeros_hbm, rows[0])
        for j in range(nz):
            pltpu.sync_copy(rows[0], acc.at[pl.ds(row0 + j * zrows, zrows)])
        plsc.subcore_barrier()

        def fire_idx(p, ch0):
            ih = []
            for b in range(NB):
                off = base + (ch0 + b) * CH
                ih.append(pltpu.async_copy(src_hbm.at[pl.ds(off, CH)],
                                           sidx[p][b], sem_i[p]))
                ih.append(pltpu.async_copy(dst_hbm.at[pl.ds(off, CH)],
                                           didx[p][b], sem_i[p]))
            return ih

        def drain(hs):
            for h_ in hs:
                h_.wait()

        def pair(t, carry):
            ch0 = 2 * t * NB
            ih0 = fire_idx(0, ch0)
            ih1 = fire_idx(1, ch0 + NB)
            drain(ih0)
            gh = [None] * (2 * NB)
            sh = [None] * NB
            for ci in range(2 * NB):
                p, b = ci // NB, ci % NB
                if ci == NB:
                    drain(ih1)
                if ci >= NB:
                    sh[b].wait()
                gh[ci] = pltpu.async_copy(
                    h_hbm.at[sidx[p][b]], rows[b], sem_g[b])
                if ci >= 1:
                    cj = ci - 1
                    gh[cj].wait()
                    sh[cj % NB] = pltpu.async_copy(
                        rows[cj % NB], acc.at[didx[cj // NB][cj % NB]],
                        sem_sl[cj % NB], add=True)
            cj = 2 * NB - 1
            gh[cj].wait()
            sh[cj % NB] = pltpu.async_copy(
                rows[cj % NB], acc.at[didx[1][cj % NB]],
                sem_sl[cj % NB], add=True)
            drain(sh)
            return carry

        lax.fori_loop(0, nround // 2, pair, 0)
        plsc.subcore_barrier()

        for j in range(nz):
            r = row0 + j * zrows
            pltpu.sync_copy(acc.at[pl.ds(r, zrows)], rows[0])
            pltpu.sync_copy(rows[0], out_hbm.at[c, pl.ds(r, zrows)])

    return k(h, src1d, dst1d, zeros)


_DOT = functools.partial(
    lax.dot_general,
    dimension_numbers=(((1,), (0,)), ((), ())),
    preferred_element_type=jnp.float32,
    precision=lax.Precision.HIGHEST,
)


def _nrm(c0_ref, c1_ref):
    return lax.rsqrt(jnp.maximum(c0_ref[...] + c1_ref[...], 1.0))


def _tc_pre(x, cs0, cs1, W1):
    n, d = x.shape
    blk = 2000
    grid = n // blk

    def body(x_ref, c0_ref, c1_ref, w_ref, o_ref):
        o_ref[...] = _DOT(x_ref[...] * _nrm(c0_ref, c1_ref), w_ref[...])

    mat = pl.BlockSpec((blk, d), lambda i: (i, 0))
    col = pl.BlockSpec((blk, 1), lambda i: (i, 0))
    return pl.pallas_call(
        body,
        grid=(grid,),
        in_specs=[mat, col, col, pl.BlockSpec((d, d), lambda i: (0, 0))],
        out_specs=mat,
        out_shape=jax.ShapeDtypeStruct((n, d), jnp.float32),
    )(x, cs0, cs1, W1)


def _tc_mid(agg, n, cd0, cd1, cs0, cs1, b1, W2):
    d = agg.shape[2]
    blk = 2000
    grid = n // blk

    def body(a0_ref, a1_ref, cd0_ref, cd1_ref, cs0_ref, cs1_ref,
             b_ref, w_ref, o_ref):
        h1 = (a0_ref[0] + a1_ref[0]) * _nrm(cd0_ref, cd1_ref) + b_ref[...]
        o_ref[...] = _DOT(h1 * _nrm(cs0_ref, cs1_ref), w_ref[...])

    mat = pl.BlockSpec((blk, d), lambda i: (i, 0))
    col = pl.BlockSpec((blk, 1), lambda i: (i, 0))
    p0 = pl.BlockSpec((1, blk, d), lambda i: (0, i, 0))
    p1 = pl.BlockSpec((1, blk, d), lambda i: (1, i, 0))
    return pl.pallas_call(
        body,
        grid=(grid,),
        in_specs=[p0, p1, col, col, col, col,
                  pl.BlockSpec((1, d), lambda i: (0, 0)),
                  pl.BlockSpec((d, d), lambda i: (0, 0))],
        out_specs=mat,
        out_shape=jax.ShapeDtypeStruct((n, d), jnp.float32),
    )(agg, agg, cd0, cd1, cs0, cs1, b1, W2)


def _tc_final(agg, n, cd0, cd1, b2, W3, b3, W4, b4):
    d = agg.shape[2]
    dh = W3.shape[1]
    blk = 2000
    grid = n // blk

    def body(a0_ref, a1_ref, cd0_ref, cd1_ref, b2_ref, w3_ref, b3_ref,
             w4_ref, b4_ref, o_ref):
        h2 = (a0_ref[0] + a1_ref[0]) * _nrm(cd0_ref, cd1_ref) + b2_ref[...]
        t = jnp.maximum(_DOT(h2, w3_ref[...]) + b3_ref[...], 0.0)
        z = _DOT(t, w4_ref[...]) + b4_ref[...]
        rn = jnp.sqrt(jnp.sum(z * z, axis=1, keepdims=True))
        o_ref[...] = jnp.maximum(jnp.abs(z / rn), 1e-6)

    mat = pl.BlockSpec((blk, d), lambda i: (i, 0))
    col = pl.BlockSpec((blk, 1), lambda i: (i, 0))
    p0 = pl.BlockSpec((1, blk, d), lambda i: (0, i, 0))
    p1 = pl.BlockSpec((1, blk, d), lambda i: (1, i, 0))
    return pl.pallas_call(
        body,
        grid=(grid,),
        in_specs=[p0, p1, col, col,
                  pl.BlockSpec((1, d), lambda i: (0, 0)),
                  pl.BlockSpec((d, dh), lambda i: (0, 0)),
                  pl.BlockSpec((1, dh), lambda i: (0, 0)),
                  pl.BlockSpec((dh, d), lambda i: (0, 0)),
                  pl.BlockSpec((1, d), lambda i: (0, 0))],
        out_specs=mat,
        out_shape=jax.ShapeDtypeStruct((n, d), jnp.float32),
    )(agg, agg, cd0, cd1, b2, W3, b3, W4, b4)


def kernel(x, edge_index, W1, b1, W2, b2, W3, b3, W4, b4):
    n = x.shape[0]
    e = edge_index.shape[1]

    npad = ((n + NS * 40 - 1) // (NS * 40)) * (NS * 40)
    quant = NW * CH * NB * 2
    epad = ((e + quant - 1) // quant) * quant
    pad = epad - e
    src1d = edge_index[0]
    dst1d = edge_index[1]
    src_cnt = src1d
    if pad:
        fill_gather = (jnp.arange(pad, dtype=jnp.int32) * 97) % n
        fill_discard = n + (jnp.arange(pad, dtype=jnp.int32) % (npad - n))
        src1d = jnp.concatenate([src1d, fill_gather])
        src_cnt = jnp.concatenate([src_cnt, fill_discard])
        dst1d = jnp.concatenate([dst1d, fill_discard])

    cnt = _sc_degrees(src_cnt, dst1d, n)
    cs0 = cnt[0, 0, :n].reshape(n, 1)
    cs1 = cnt[1, 0, :n].reshape(n, 1)
    cd0 = cnt[0, 1, :n].reshape(n, 1)
    cd1 = cnt[1, 1, :n].reshape(n, 1)

    h0 = _tc_pre(x, cs0, cs1, W1)
    agg1 = _sc_edge_agg(h0, src1d, dst1d)
    h1 = _tc_mid(agg1, n, cd0, cd1, cs0, cs1, b1.reshape(1, -1), W2)
    agg2 = _sc_edge_agg(h1, src1d, dst1d)
    return _tc_final(agg2, n, cd0, cd1,
                     b2.reshape(1, -1), W3, b3.reshape(1, -1), W4,
                     b4.reshape(1, -1))

# --- scband reference (transcript-rebuilt; emitter-appended) ---
"""Pipeline reference for scband-gnnmodel-80951543595551 (READ-ONLY COPY).

The authoritative reference and input builder live on the scoring server;
editing this copy changes nothing except your own understanding.
"""

import jax, jax.numpy as jnp
import numpy as np

N = 10000
E = 320000
D_IN = 128
D_HID = 128
D_OUT = 128


def _graph_conv(x, src, dst, W, b):
    n = x.shape[0]
    e_ones = jnp.ones((src.shape[0],), dtype=x.dtype)
    # DGL GraphConv norm='both': pre-normalize by out-degree^{-1/2} of src nodes
    deg_out = jax.ops.segment_sum(e_ones, src, num_segments=n)
    norm_src = jnp.power(jnp.clip(deg_out, 1.0, None), -0.5)
    h = x * norm_src[:, None]
    h = h @ W
    # message passing: gather from src, scatter-add to dst
    agg = jax.ops.segment_sum(h[src], dst, num_segments=n)
    # post-normalize by in-degree^{-1/2} of dst nodes
    deg_in = jax.ops.segment_sum(e_ones, dst, num_segments=n)
    norm_dst = jnp.power(jnp.clip(deg_in, 1.0, None), -0.5)
    return agg * norm_dst[:, None] + b


def _proj(x):
    eps = 1e-06
    if x.shape[0] == 1:
        row_norms = jnp.linalg.norm(jnp.abs(x))
        return jnp.maximum(jnp.full_like(x, eps), jnp.abs(x / row_norms))
    row_norms = jnp.linalg.norm(jnp.abs(x), axis=1)
    return jnp.maximum(jnp.full_like(x, eps), jnp.abs(x / row_norms[:, None]))


def setup_inputs(seed: int = 0) -> dict:
    key = jax.random.key(seed)
    ks = jax.random.split(key, 12)
    x = jax.random.normal(ks[0], (N, D_IN), dtype=jnp.float32)
    edge_index = jax.random.randint(ks[1], (2, E), 0, N, dtype=jnp.int32)
    W1 = jax.random.normal(ks[2], (D_IN, D_HID), dtype=jnp.float32) * (1.0 / np.sqrt(D_IN))
    b1 = jnp.zeros((D_HID,), dtype=jnp.float32)
    W2 = jax.random.normal(ks[3], (D_HID, D_HID), dtype=jnp.float32) * (1.0 / np.sqrt(D_HID))
    b2 = jnp.zeros((D_HID,), dtype=jnp.float32)
    W3 = jax.random.normal(ks[4], (D_HID, 2 * D_HID), dtype=jnp.float32) * (1.0 / np.sqrt(D_HID))
    b3 = jnp.zeros((2 * D_HID,), dtype=jnp.float32)
    W4 = jax.random.normal(ks[5], (2 * D_HID, D_OUT), dtype=jnp.float32) * (1.0 / np.sqrt(2 * D_HID))
    b4 = jnp.zeros((D_OUT,), dtype=jnp.float32)
    return {"x": x, "edge_index": edge_index, "W1": W1, "b1": b1, "W2": W2, "b2": b2, "W3": W3, "b3": b3, "W4": W4, "b4": b4}


def reference(x, edge_index, W1, b1, W2, b2, W3, b3, W4, b4):
    src = edge_index[0]
    dst = edge_index[1]
    h = _graph_conv(x, src, dst, W1, b1)
    h = _graph_conv(h, src, dst, W2, b2)
    h = jnp.maximum(h @ W3 + b3, 0.0) @ W4 + b4
    return _proj(h)

if __name__ == "__main__":
    import jax
    _d = setup_inputs()
    print(jax.jit(kernel)(*tuple(_d.values())))

</pallas_src>

<mosaic_0001>
#map = affine_map<(d0, d1) -> (0, 0)>
#map1 = affine_map<(d0, d1) -> (0)>
#map2 = affine_map<(d0, d1) -> (0, 0, 0)>
module attributes {stable_mosaic.version = 14 : i64} {
  func.func @k(%arg0: i32, %arg1: i32, %arg2: memref<10000x128xf32, #tpu.memory_space<hbm>>, %arg3: memref<327680xi32, #tpu.memory_space<hbm>>, %arg4: memref<327680xi32, #tpu.memory_space<hbm>>, %arg5: memref<64x128xf32, #tpu.memory_space<hbm>>, %arg6: memref<2x10240x128xf32, #tpu.memory_space<hbm>>, %arg7: memref<10240x128xf32, #tpu.memory_space<vmem_shared>>, %arg8: memref<!tpu.dma_semaphore, #tpu.memory_space<semaphore_mem>>, %arg9: memref<!tpu.dma_semaphore, #tpu.memory_space<semaphore_mem>>, %arg10: memref<!tpu.dma_semaphore, #tpu.memory_space<semaphore_mem>>, %arg11: memref<!tpu.dma_semaphore, #tpu.memory_space<semaphore_mem>>, %arg12: memref<!tpu.dma_semaphore, #tpu.memory_space<semaphore_mem>>, %arg13: memref<!tpu.dma_semaphore, #tpu.memory_space<semaphore_mem>>, %arg14: memref<!tpu.dma_semaphore, #tpu.memory_space<semaphore_mem>>, %arg15: memref<!tpu.dma_semaphore, #tpu.memory_space<semaphore_mem>>, %arg16: memref<!tpu.dma_semaphore, #tpu.memory_space<semaphore_mem>>, %arg17: memref<!tpu.dma_semaphore, #tpu.memory_space<semaphore_mem>>, %arg18: memref<!tpu.dma_semaphore, #tpu.memory_space<semaphore_mem>>, %arg19: memref<!tpu.dma_semaphore, #tpu.memory_space<semaphore_mem>>, %arg20: memref<64xi32, #tpu.memory_space<vmem>>, %arg21: memref<64xi32, #tpu.memory_space<vmem>>, %arg22: memref<64xi32, #tpu.memory_space<vmem>>, %arg23: memref<64xi32, #tpu.memory_space<vmem>>, %arg24: memref<64xi32, #tpu.memory_space<vmem>>, %arg25: memref<64xi32, #tpu.memory_space<vmem>>, %arg26: memref<64xi32, #tpu.memory_space<vmem>>, %arg27: memref<64xi32, #tpu.memory_space<vmem>>, %arg28: memref<64xi32, #tpu.memory_space<vmem>>, %arg29: memref<64xi32, #tpu.memory_space<vmem>>, %arg30: memref<64xi32, #tpu.memory_space<vmem>>, %arg31: memref<64xi32, #tpu.memory_space<vmem>>, %arg32: memref<64xi32, #tpu.memory_space<vmem>>, %arg33: memref<64xi32, #tpu.memory_space<vmem>>, %arg34: memref<64xi32, #tpu.memory_space<vmem>>, %arg35: memref<64xi32, #tpu.memory_space<vmem>>, %arg36: memref<64xi32, #tpu.memory_space<vmem>>, %arg37: memref<64xi32, #tpu.memory_space<vmem>>, %arg38: memref<64xi32, #tpu.memory_space<vmem>>, %arg39: memref<64xi32, #tpu.memory_space<vmem>>, %arg40: memref<64x128xf32, #tpu.memory_space<vmem>>, %arg41: memref<64x128xf32, #tpu.memory_space<vmem>>, %arg42: memref<64x128xf32, #tpu.memory_space<vmem>>, %arg43: memref<64x128xf32, #tpu.memory_space<vmem>>, %arg44: memref<64x128xf32, #tpu.memory_space<vmem>>) attributes {dimension_semantics = [#tpu.dimension_semantics<core_parallel>, #tpu.dimension_semantics<subcore_parallel>], iteration_bounds = array<i64: 2, 16>, scalar_prefetch = 0 : i64, scratch_operands = 38 : i64, tpu.core_type = #tpu.core_type<sc_vector_subcore>, window_params = [{transform_indices = #map}, {transform_indices = #map1}, {transform_indices = #map1}, {transform_indices = #map}, {transform_indices = #map2}]} {
    %mul3A = arith.constant 2 : i32
    %mul3A_0 = arith.muli %arg1, %mul3A : i32
    %add3A = arith.addi %mul3A_0, %arg0 : i32
    %mul3A_1 = arith.constant 10240 : i32
    %mul3A_2 = arith.muli %add3A, %mul3A_1 : i32
    %mul3A_3 = arith.constant 640 : i32
    %mul3A_4 = arith.muli %arg1, %mul3A_3 : i32
    "tpu.region"() ({
      %run_scoped3A = tpu.sem_alloc : memref<!tpu.dma_semaphore, #tpu.memory_space<semaphore_mem>>
      tpu.enqueue_dma source(%arg5 : memref<64x128xf32, #tpu.memory_space<hbm>>) target(%arg40 : memref<64x128xf32, #tpu.memory_space<vmem>>) target_semaphore(%run_scoped3A : memref<!tpu.dma_semaphore, #tpu.memory_space<semaphore_mem>>)
      tpu.wait_dma2 semaphore(%run_scoped3A : memref<!tpu.dma_semaphore, #tpu.memory_space<semaphore_mem>>) src(%arg5 : memref<64x128xf32, #tpu.memory_space<hbm>>) dst(%arg40 : memref<64x128xf32, #tpu.memory_space<vmem>>)
      tpu.yield
    }) : () -> ()
    %add3A_5 = arith.constant 0 : i32
    %add3A_6 = arith.addi %mul3A_4, %add3A_5 : i32
    "tpu.region"() ({
      %run_scoped3A = tpu.sem_alloc : memref<!tpu.dma_semaphore, #tpu.memory_space<semaphore_mem>>
      %dma_start3A = arith.constant 0 : i32
      %dma_start3A_51 = tpu.memref_slice %arg7[%add3A_6, %dma_start3A] : memref<10240x128xf32, #tpu.memory_space<vmem_shared>> -> memref<64x128xf32, #tpu.memory_space<vmem_shared>>
      %dma_start3A_52 = arith.constant 0 : i32
      %dma_start3A_53 = tpu.memref_slice %arg7[%add3A_6, %dma_start3A_52] : memref<10240x128xf32, #tpu.memory_space<vmem_shared>> -> memref<64x128xf32, #tpu.memory_space<vmem_shared>>
      tpu.enqueue_dma source(%arg40 : memref<64x128xf32, #tpu.memory_space<vmem>>) target(%dma_start3A_53 : memref<64x128xf32, #tpu.memory_space<vmem_shared>>) target_semaphore(%run_scoped3A : memref<!tpu.dma_semaphore, #tpu.memory_space<semaphore_mem>>)
      %dma_wait3A = arith.constant 0 : i32
      %dma_wait3A_54 = tpu.memref_slice %arg7[%add3A_6, %dma_wait3A] : memref<10240x128xf32, #tpu.memory_space<vmem_shared>> -> memref<64x128xf32, #tpu.memory_space<vmem_shared>>
      %dma_wait3A_55 = arith.constant 0 : i32
      %dma_wait3A_56 = tpu.memref_slice %arg7[%add3A_6, %dma_wait3A_55] : memref<10240x128xf32, #tpu.memory_space<vmem_shared>> -> memref<64x128xf32, #tpu.memory_space<vmem_shared>>
      tpu.wait_dma2 semaphore(%run_scoped3A : memref<!tpu.dma_semaphore, #tpu.memory_space<semaphore_mem>>) src(%arg40 : memref<64x128xf32, #tpu.memory_space<vmem>>) dst(%dma_wait3A_56 : memref<64x128xf32, #tpu.memory_space<vmem_shared>>)
      tpu.yield
    }) : () -> ()
    %add3A_7 = arith.constant 64 : i32
    %add3A_8 = arith.addi %mul3A_4, %add3A_7 : i32
    "tpu.region"() ({
      %run_scoped3A = tpu.sem_alloc : memref<!tpu.dma_semaphore, #tpu.memory_space<semaphore_mem>>
      %dma_start3A = arith.constant 0 : i32
      %dma_start3A_51 = tpu.memref_slice %arg7[%add3A_8, %dma_start3A] : memref<10240x128xf32, #tpu.memory_space<vmem_shared>> -> memref<64x128xf32, #tpu.memory_space<vmem_shared>>
      %dma_start3A_52 = arith.constant 0 : i32
      %dma_start3A_53 = tpu.memref_slice %arg7[%add3A_8, %dma_start3A_52] : memref<10240x128xf32, #tpu.memory_space<vmem_shared>> -> memref<64x128xf32, #tpu.memory_space<vmem_shared>>
      tpu.enqueue_dma source(%arg40 : memref<64x128xf32, #tpu.memory_space<vmem>>) target(%dma_start3A_53 : memref<64x128xf32, #tpu.memory_space<vmem_shared>>) target_semaphore(%run_scoped3A : memref<!tpu.dma_semaphore, #tpu.memory_space<semaphore_mem>>)
      %dma_wait3A = arith.constant 0 : i32
      %dma_wait3A_54 = tpu.memref_slice %arg7[%add3A_8, %dma_wait3A] : memref<10240x128xf32, #tpu.memory_space<vmem_shared>> -> memref<64x128xf32, #tpu.memory_space<vmem_shared>>
      %dma_wait3A_55 = arith.constant 0 : i32
      %dma_wait3A_56 = tpu.memref_slice %arg7[%add3A_8, %dma_wait3A_55] : memref<10240x128xf32, #tpu.memory_space<vmem_shared>> -> memref<64x128xf32, #tpu.memory_space<vmem_shared>>
      tpu.wait_dma2 semaphore(%run_scoped3A : memref<!tpu.dma_semaphore, #tpu.memory_space<semaphore_mem>>) src(%arg40 : memref<64x128xf32, #tpu.memory_space<vmem>>) dst(%dma_wait3A_56 : memref<64x128xf32, #tpu.memory_space<vmem_shared>>)
      tpu.yield
    }) : () -> ()
    %add3A_9 = arith.constant 128 : i32
    %add3A_10 = arith.addi %mul3A_4, %add3A_9 : i32
    "tpu.region"() ({
      %run_scoped3A = tpu.sem_alloc : memref<!tpu.dma_semaphore, #tpu.memory_space<semaphore_mem>>
      %dma_start3A = arith.constant 0 : i32
      %dma_start3A_51 = tpu.memref_slice %arg7[%add3A_10, %dma_start3A] : memref<10240x128xf32, #tpu.memory_space<vmem_shared>> -> memref<64x128xf32, #tpu.memory_space<vmem_shared>>
      %dma_start3A_52 = arith.constant 0 : i32
      %dma_start3A_53 = tpu.memref_slice %arg7[%add3A_10, %dma_start3A_52] : memref<10240x128xf32, #tpu.memory_space<vmem_shared>> -> memref<64x128xf32, #tpu.memory_space<vmem_shared>>
      tpu.enqueue_dma source(%arg40 : memref<64x128xf32, #tpu.memory_space<vmem>>) target(%dma_start3A_53 : memref<64x128xf32, #tpu.memory_space<vmem_shared>>) target_semaphore(%run_scoped3A : memref<!tpu.dma_semaphore, #tpu.memory_space<semaphore_mem>>)
      %dma_wait3A = arith.constant 0 : i32
      %dma_wait3A_54 = tpu.memref_slice %arg7[%add3A_10, %dma_wait3A] : memref<10240x128xf32, #tpu.memory_space<vmem_shared>> -> memref<64x128xf32, #tpu.memory_space<vmem_shared>>
      %dma_wait3A_55 = arith.constant 0 : i32
      %dma_wait3A_56 = tpu.memref_slice %arg7[%add3A_10, %dma_wait3A_55] : memref<10240x128xf32, #tpu.memory_space<vmem_shared>> -> memref<64x128xf32, #tpu.memory_space<vmem_shared>>
      tpu.wait_dma2 semaphore(%run_scoped3A : memref<!tpu.dma_semaphore, #tpu.memory_space<semaphore_mem>>) src(%arg40 : memref<64x128xf32, #tpu.memory_space<vmem>>) dst(%dma_wait3A_56 : memref<64x128xf32, #tpu.memory_space<vmem_shared>>)
      tpu.yield
    }) : () -> ()
    %add3A_11 = arith.constant 192 : i32
    %add3A_12 = arith.addi %mul3A_4, %add3A_11 : i32
    "tpu.region"() ({
      %run_scoped3A = tpu.sem_alloc : memref<!tpu.dma_semaphore, #tpu.memory_space<semaphore_mem>>
      %dma_start3A = arith.constant 0 : i32
      %dma_start3A_51 = tpu.memref_slice %arg7[%add3A_12, %dma_start3A] : memref<10240x128xf32, #tpu.memory_space<vmem_shared>> -> memref<64x128xf32, #tpu.memory_space<vmem_shared>>
      %dma_start3A_52 = arith.constant 0 : i32
      %dma_start3A_53 = tpu.memref_slice %arg7[%add3A_12, %dma_start3A_52] : memref<10240x128xf32, #tpu.memory_space<vmem_shared>> -> memref<64x128xf32, #tpu.memory_space<vmem_shared>>
      tpu.enqueue_dma source(%arg40 : memref<64x128xf32, #tpu.memory_space<vmem>>) target(%dma_start3A_53 : memref<64x128xf32, #tpu.memory_space<vmem_shared>>) target_semaphore(%run_scoped3A : memref<!tpu.dma_semaphore, #tpu.memory_space<semaphore_mem>>)
      %dma_wait3A = arith.constant 0 : i32
      %dma_wait3A_54 = tpu.memref_slice %arg7[%add3A_12, %dma_wait3A] : memref<10240x128xf32, #tpu.memory_space<vmem_shared>> -> memref<64x128xf32, #tpu.memory_space<vmem_shared>>
      %dma_wait3A_55 = arith.constant 0 : i32
      %dma_wait3A_56 = tpu.memref_slice %arg7[%add3A_12, %dma_wait3A_55] : memref<10240x128xf32, #tpu.memory_space<vmem_shared>> -> memref<64x128xf32, #tpu.memory_space<vmem_shared>>
      tpu.wait_dma2 semaphore(%run_scoped3A : memref<!tpu.dma_semaphore, #tpu.memory_space<semaphore_mem>>) src(%arg40 : memref<64x128xf32, #tpu.memory_space<vmem>>) dst(%dma_wait3A_56 : memref<64x128xf32, #tpu.memory_space<vmem_shared>>)
      tpu.yield
    }) : () -> ()
    %add3A_13 = arith.constant 256 : i32
    %add3A_14 = arith.addi %mul3A_4, %add3A_13 : i32
    "tpu.region"() ({
      %run_scoped3A = tpu.sem_alloc : memref<!tpu.dma_semaphore, #tpu.memory_space<semaphore_mem>>
      %dma_start3A = arith.constant 0 : i32
      %dma_start3A_51 = tpu.memref_slice %arg7[%add3A_14, %dma_start3A] : memref<10240x128xf32, #tpu.memory_space<vmem_shared>> -> memref<64x128xf32, #tpu.memory_space<vmem_shared>>
      %dma_start3A_52 = arith.constant 0 : i32
      %dma_start3A_53 = tpu.memref_slice %arg7[%add3A_14, %dma_start3A_52] : memref<10240x128xf32, #tpu.memory_space<vmem_shared>> -> memref<64x128xf32, #tpu.memory_space<vmem_shared>>
      tpu.enqueue_dma source(%arg40 : memref<64x128xf32, #tpu.memory_space<vmem>>) target(%dma_start3A_53 : memref<64x128xf32, #tpu.memory_space<vmem_shared>>) target_semaphore(%run_scoped3A : memref<!tpu.dma_semaphore, #tpu.memory_space<semaphore_mem>>)
      %dma_wait3A = arith.constant 0 : i32
      %dma_wait3A_54 = tpu.memref_slice %arg7[%add3A_14, %dma_wait3A] : memref<10240x128xf32, #tpu.memory_space<vmem_shared>> -> memref<64x128xf32, #tpu.memory_space<vmem_shared>>
      %dma_wait3A_55 = arith.constant 0 : i32
      %dma_wait3A_56 = tpu.memref_slice %arg7[%add3A_14, %dma_wait3A_55] : memref<10240x128xf32, #tpu.memory_space<vmem_shared>> -> memref<64x128xf32, #tpu.memory_space<vmem_shared>>
      tpu.wait_dma2 semaphore(%run_scoped3A : memref<!tpu.dma_semaphore, #tpu.memory_space<semaphore_mem>>) src(%arg40 : memref<64x128xf32, #tpu.memory_space<vmem>>) dst(%dma_wait3A_56 : memref<64x128xf32, #tpu.memory_space<vmem_shared>>)
      tpu.yield
    }) : () -> ()
    %add3A_15 = arith.constant 320 : i32
    %add3A_16 = arith.addi %mul3A_4, %add3A_15 : i32
    "tpu.region"() ({
      %run_scoped3A = tpu.sem_alloc : memref<!tpu.dma_semaphore, #tpu.memory_space<semaphore_mem>>
      %dma_start3A = arith.constant 0 : i32
      %dma_start3A_51 = tpu.memref_slice %arg7[%add3A_16, %dma_start3A] : memref<10240x128xf32, #tpu.memory_space<vmem_shared>> -> memref<64x128xf32, #tpu.memory_space<vmem_shared>>
      %dma_start3A_52 = arith.constant 0 : i32
      %dma_start3A_53 = tpu.memref_slice %arg7[%add3A_16, %dma_start3A_52] : memref<10240x128xf32, #tpu.memory_space<vmem_shared>> -> memref<64x128xf32, #tpu.memory_space<vmem_shared>>
      tpu.enqueue_dma source(%arg40 : memref<64x128xf32, #tpu.memory_space<vmem>>) target(%dma_start3A_53 : memref<64x128xf32, #tpu.memory_space<vmem_shared>>) target_semaphore(%run_scoped3A : memref<!tpu.dma_semaphore, #tpu.memory_space<semaphore_mem>>)
      %dma_wait3A = arith.constant 0 : i32
      %dma_wait3A_54 = tpu.memref_slice %arg7[%add3A_16, %dma_wait3A] : memref<10240x128xf32, #tpu.memory_space<vmem_shared>> -> memref<64x128xf32, #tpu.memory_space<vmem_shared>>
      %dma_wait3A_55 = arith.constant 0 : i32
      %dma_wait3A_56 = tpu.memref_slice %arg7[%add3A_16, %dma_wait3A_55] : memref<10240x128xf32, #tpu.memory_space<vmem_shared>> -> memref<64x128xf32, #tpu.memory_space<vmem_shared>>
      tpu.wait_dma2 semaphore(%run_scoped3A : memref<!tpu.dma_semaphore, #tpu.memory_space<semaphore_mem>>) src(%arg40 : memref<64x128xf32, #tpu.memory_space<vmem>>) dst(%dma_wait3A_56 : memref<64x128xf32, #tpu.memory_space<vmem_shared>>)
      tpu.yield
    }) : () -> ()
    %add3A_17 = arith.constant 384 : i32
    %add3A_18 = arith.addi %mul3A_4, %add3A_17 : i32
    "tpu.region"() ({
      %run_scoped3A = tpu.sem_alloc : memref<!tpu.dma_semaphore, #tpu.memory_space<semaphore_mem>>
      %dma_start3A = arith.constant 0 : i32
      %dma_start3A_51 = tpu.memref_slice %arg7[%add3A_18, %dma_start3A] : memref<10240x128xf32, #tpu.memory_space<vmem_shared>> -> memref<64x128xf32, #tpu.memory_space<vmem_shared>>
      %dma_start3A_52 = arith.constant 0 : i32
      %dma_start3A_53 = tpu.memref_slice %arg7[%add3A_18, %dma_start3A_52] : memref<10240x128xf32, #tpu.memory_space<vmem_shared>> -> memref<64x128xf32, #tpu.memory_space<vmem_shared>>
      tpu.enqueue_dma source(%arg40 : memref<64x128xf32, #tpu.memory_space<vmem>>) target(%dma_start3A_53 : memref<64x128xf32, #tpu.memory_space<vmem_shared>>) target_semaphore(%run_scoped3A : memref<!tpu.dma_semaphore, #tpu.memory_space<semaphore_mem>>)
      %dma_wait3A = arith.constant 0 : i32
      %dma_wait3A_54 = tpu.memref_slice %arg7[%add3A_18, %dma_wait3A] : memref<10240x128xf32, #tpu.memory_space<vmem_shared>> -> memref<64x128xf32, #tpu.memory_space<vmem_shared>>
      %dma_wait3A_55 = arith.constant 0 : i32
      %dma_wait3A_56 = tpu.memref_slice %arg7[%add3A_18, %dma_wait3A_55] : memref<10240x128xf32, #tpu.memory_space<vmem_shared>> -> memref<64x128xf32, #tpu.memory_space<vmem_shared>>
      tpu.wait_dma2 semaphore(%run_scoped3A : memref<!tpu.dma_semaphore, #tpu.memory_space<semaphore_mem>>) src(%arg40 : memref<64x128xf32, #tpu.memory_space<vmem>>) dst(%dma_wait3A_56 : memref<64x128xf32, #tpu.memory_space<vmem_shared>>)
      tpu.yield
    }) : () -> ()
    %add3A_19 = arith.constant 448 : i32
    %add3A_20 = arith.addi %mul3A_4, %add3A_19 : i32
    "tpu.region"() ({
      %run_scoped3A = tpu.sem_alloc : memref<!tpu.dma_semaphore, #tpu.memory_space<semaphore_mem>>
      %dma_start3A = arith.constant 0 : i32
      %dma_start3A_51 = tpu.memref_slice %arg7[%add3A_20, %dma_start3A] : memref<10240x128xf32, #tpu.memory_space<vmem_shared>> -> memref<64x128xf32, #tpu.memory_space<vmem_shared>>
      %dma_start3A_52 = arith.constant 0 : i32
      %dma_start3A_53 = tpu.memref_slice %arg7[%add3A_20, %dma_start3A_52] : memref<10240x128xf32, #tpu.memory_space<vmem_shared>> -> memref<64x128xf32, #tpu.memory_space<vmem_shared>>
      tpu.enqueue_dma source(%arg40 : memref<64x128xf32, #tpu.memory_space<vmem>>) target(%dma_start3A_53 : memref<64x128xf32, #tpu.memory_space<vmem_shared>>) target_semaphore(%run_scoped3A : memref<!tpu.dma_semaphore, #tpu.memory_space<semaphore_mem>>)
      %dma_wait3A = arith.constant 0 : i32
      %dma_wait3A_54 = tpu.memref_slice %arg7[%add3A_20, %dma_wait3A] : memref<10240x128xf32, #tpu.memory_space<vmem_shared>> -> memref<64x128xf32, #tpu.memory_space<vmem_shared>>
      %dma_wait3A_55 = arith.constant 0 : i32
      %dma_wait3A_56 = tpu.memref_slice %arg7[%add3A_20, %dma_wait3A_55] : memref<10240x128xf32, #tpu.memory_space<vmem_shared>> -> memref<64x128xf32, #tpu.memory_space<vmem_shared>>
      tpu.wait_dma2 semaphore(%run_scoped3A : memref<!tpu.dma_semaphore, #tpu.memory_space<semaphore_mem>>) src(%arg40 : memref<64x128xf32, #tpu.memory_space<vmem>>) dst(%dma_wait3A_56 : memref<64x128xf32, #tpu.memory_space<vmem_shared>>)
      tpu.yield
    }) : () -> ()
    %add3A_21 = arith.constant 512 : i32
    %add3A_22 = arith.addi %mul3A_4, %add3A_21 : i32
    "tpu.region"() ({
      %run_scoped3A = tpu.sem_alloc : memref<!tpu.dma_semaphore, #tpu.memory_space<semaphore_mem>>
      %dma_start3A = arith.constant 0 : i32
      %dma_start3A_51 = tpu.memref_slice %arg7[%add3A_22, %dma_start3A] : memref<10240x128xf32, #tpu.memory_space<vmem_shared>> -> memref<64x128xf32, #tpu.memory_space<vmem_shared>>
      %dma_start3A_52 = arith.constant 0 : i32
      %dma_start3A_53 = tpu.memref_slice %arg7[%add3A_22, %dma_start3A_52] : memref<10240x128xf32, #tpu.memory_space<vmem_shared>> -> memref<64x128xf32, #tpu.memory_space<vmem_shared>>
      tpu.enqueue_dma source(%arg40 : memref<64x128xf32, #tpu.memory_space<vmem>>) target(%dma_start3A_53 : memref<64x128xf32, #tpu.memory_space<vmem_shared>>) target_semaphore(%run_scoped3A : memref<!tpu.dma_semaphore, #tpu.memory_space<semaphore_mem>>)
      %dma_wait3A = arith.constant 0 : i32
      %dma_wait3A_54 = tpu.memref_slice %arg7[%add3A_22, %dma_wait3A] : memref<10240x128xf32, #tpu.memory_space<vmem_shared>> -> memref<64x128xf32, #tpu.memory_space<vmem_shared>>
      %dma_wait3A_55 = arith.constant 0 : i32
      %dma_wait3A_56 = tpu.memref_slice %arg7[%add3A_22, %dma_wait3A_55] : memref<10240x128xf32, #tpu.memory_space<vmem_shared>> -> memref<64x128xf32, #tpu.memory_space<vmem_shared>>
      tpu.wait_dma2 semaphore(%run_scoped3A : memref<!tpu.dma_semaphore, #tpu.memory_space<semaphore_mem>>) src(%arg40 : memref<64x128xf32, #tpu.memory_space<vmem>>) dst(%dma_wait3A_56 : memref<64x128xf32, #tpu.memory_space<vmem_shared>>)
      tpu.yield
    }) : () -> ()
    %add3A_23 = arith.constant 576 : i32
    %add3A_24 = arith.addi %mul3A_4, %add3A_23 : i32
    "tpu.region"() ({
      %run_scoped3A = tpu.sem_alloc : memref<!tpu.dma_semaphore, #tpu.memory_space<semaphore_mem>>
      %dma_start3A = arith.constant 0 : i32
      %dma_start3A_51 = tpu.memref_slice %arg7[%add3A_24, %dma_start3A] : memref<10240x128xf32, #tpu.memory_space<vmem_shared>> -> memref<64x128xf32, #tpu.memory_space<vmem_shared>>
      %dma_start3A_52 = arith.constant 0 : i32
      %dma_start3A_53 = tpu.memref_slice %arg7[%add3A_24, %dma_start3A_52] : memref<10240x128xf32, #tpu.memory_space<vmem_shared>> -> memref<64x128xf32, #tpu.memory_space<vmem_shared>>
      tpu.enqueue_dma source(%arg40 : memref<64x128xf32, #tpu.memory_space<vmem>>) target(%dma_start3A_53 : memref<64x128xf32, #tpu.memory_space<vmem_shared>>) target_semaphore(%run_scoped3A : memref<!tpu.dma_semaphore, #tpu.memory_space<semaphore_mem>>)
      %dma_wait3A = arith.constant 0 : i32
      %dma_wait3A_54 = tpu.memref_slice %arg7[%add3A_24, %dma_wait3A] : memref<10240x128xf32, #tpu.memory_space<vmem_shared>> -> memref<64x128xf32, #tpu.memory_space<vmem_shared>>
      %dma_wait3A_55 = arith.constant 0 : i32
      %dma_wait3A_56 = tpu.memref_slice %arg7[%add3A_24, %dma_wait3A_55] : memref<10240x128xf32, #tpu.memory_space<vmem_shared>> -> memref<64x128xf32, #tpu.memory_space<vmem_shared>>
      tpu.wait_dma2 semaphore(%run_scoped3A : memref<!tpu.dma_semaphore, #tpu.memory_space<semaphore_mem>>) src(%arg40 : memref<64x128xf32, #tpu.memory_space<vmem>>) dst(%dma_wait3A_56 : memref<64x128xf32, #tpu.memory_space<vmem_shared>>)
      tpu.yield
    }) : () -> ()
    %barrier3A = arith.constant 0 : index
    tpu.barrier barrier_id(%barrier3A)
    %scan3A = arith.constant 0 : i32
    %scan3A_25 = arith.constant 0 : i32
    %scan3A_26 = arith.constant 16 : i32
    %scan3A_27 = arith.addi %scan3A_25, %scan3A_26 : i32
    %scan3A_28 = arith.constant 1 : i32
    scf.for %scan3A_51 = %scan3A_25 to %scan3A_27 step %scan3A_28  : i32 {
      %mul3A_52 = arith.constant 2 : i32
      %mul3A_53 = arith.muli %mul3A_52, %scan3A_51 : i32
      %mul3A_54 = arith.constant 5 : i32
      %mul3A_55 = arith.muli %mul3A_53, %mul3A_54 : i32
      %add3A_56 = arith.constant 0 : i32
      %add3A_57 = arith.addi %mul3A_55, %add3A_56 : i32
      %mul3A_58 = arith.constant 64 : i32
      %mul3A_59 = arith.muli %add3A_57, %mul3A_58 : i32
      %add3A_60 = arith.addi %mul3A_2, %mul3A_59 : i32
      %dma_start3A = tpu.memref_slice %arg3[%add3A_60] : memref<327680xi32, #tpu.memory_space<hbm>> -> memref<64xi32, #tpu.memory_space<hbm>>
      %dma_start3A_61 = tpu.memref_slice %arg3[%add3A_60] : memref<327680xi32, #tpu.memory_space<hbm>> -> memref<64xi32, #tpu.memory_space<hbm>>
      tpu.enqueue_dma source(%dma_start3A_61 : memref<64xi32, #tpu.memory_space<hbm>>) target(%arg20 : memref<64xi32, #tpu.memory_space<vmem>>) target_semaphore(%arg8 : memref<!tpu.dma_semaphore, #tpu.memory_space<semaphore_mem>>)
      %dma_start3A_62 = tpu.memref_slice %arg4[%add3A_60] : memref<327680xi32, #tpu.memory_space<hbm>> -> memref<64xi32, #tpu.memory_space<hbm>>
      %dma_start3A_63 = tpu.memref_slice %arg4[%add3A_60] : memref<327680xi32, #tpu.memory_space<hbm>> -> memref<64xi32, #tpu.memory_space<hbm>>
      tpu.enqueue_dma source(%dma_start3A_63 : memref<64xi32, #tpu.memory_space<hbm>>) target(%arg30 : memref<64xi32, #tpu.memory_space<vmem>>) target_semaphore(%arg8 : memref<!tpu.dma_semaphore, #tpu.memory_space<semaphore_mem>>)
      %add3A_64 = arith.constant 1 : i32
      %add3A_65 = arith.addi %mul3A_55, %add3A_64 : i32
      %mul3A_66 = arith.constant 64 : i32
      %mul3A_67 = arith.muli %add3A_65, %mul3A_66 : i32
      %add3A_68 = arith.addi %mul3A_2, %mul3A_67 : i32
      %dma_start3A_69 = tpu.memref_slice %arg3[%add3A_68] : memref<327680xi32, #tpu.memory_space<hbm>> -> memref<64xi32, #tpu.memory_space<hbm>>
      %dma_start3A_70 = tpu.memref_slice %arg3[%add3A_68] : memref<327680xi32, #tpu.memory_space<hbm>> -> memref<64xi32, #tpu.memory_space<hbm>>
      tpu.enqueue_dma source(%dma_start3A_70 : memref<64xi32, #tpu.memory_space<hbm>>) target(%arg21 : memref<64xi32, #tpu.memory_space<vmem>>) target_semaphore(%arg8 : memref<!tpu.dma_semaphore, #tpu.memory_space<semaphore_mem>>)
      %dma_start3A_71 = tpu.memref_slice %arg4[%add3A_68] : memref<327680xi32, #tpu.memory_space<hbm>> -> memref<64xi32, #tpu.memory_space<hbm>>
      %dma_start3A_72 = tpu.memref_slice %arg4[%add3A_68] : memref<327680xi32, #tpu.memory_space<hbm>> -> memref<64xi32, #tpu.memory_space<hbm>>
      tpu.enqueue_dma source(%dma_start3A_72 : memref<64xi32, #tpu.memory_space<hbm>>) target(%arg31 : memref<64xi32, #tpu.memory_space<vmem>>) target_semaphore(%arg8 : memref<!tpu.dma_semaphore, #tpu.memory_space<semaphore_mem>>)
      %add3A_73 = arith.constant 2 : i32
      %add3A_74 = arith.addi %mul3A_55, %add3A_73 : i32
      %mul3A_75 = arith.constant 64 : i32
      %mul3A_76 = arith.muli %add3A_74, %mul3A_75 : i32
      %add3A_77 = arith.addi %mul3A_2, %mul3A_76 : i32
      %dma_start3A_78 = tpu.memref_slice %arg3[%add3A_77] : memref<327680xi32, #tpu.memory_space<hbm>> -> memref<64xi32, #tpu.memory_space<hbm>>
      %dma_start3A_79 = tpu.memref_slice %arg3[%add3A_77] : memref<327680xi32, #tpu.memory_space<hbm>> -> memref<64xi32, #tpu.memory_space<hbm>>
      tpu.enqueue_dma source(%dma_start3A_79 : memref<64xi32, #tpu.memory_space<hbm>>) target(%arg22 : memref<64xi32, #tpu.memory_space<vmem>>) target_semaphore(%arg8 : memref<!tpu.dma_semaphore, #tpu.memory_space<semaphore_mem>>)
      %dma_start3A_80 = tpu.memref_slice %arg4[%add3A_77] : memref<327680xi32, #tpu.memory_space<hbm>> -> memref<64xi32, #tpu.memory_space<hbm>>
      %dma_start3A_81 = tpu.memref_slice %arg4[%add3A_77] : memref<327680xi32, #tpu.memory_space<hbm>> -> memref<64xi32, #tpu.memory_space<hbm>>
      tpu.enqueue_dma source(%dma_start3A_81 : memref<64xi32, #tpu.memory_space<hbm>>) target(%arg32 : memref<64xi32, #tpu.memory_space<vmem>>) target_semaphore(%arg8 : memref<!tpu.dma_semaphore, #tpu.memory_space<semaphore_mem>>)
      %add3A_82 = arith.constant 3 : i32
      %add3A_83 = arith.addi %mul3A_55, %add3A_82 : i32
      %mul3A_84 = arith.constant 64 : i32
      %mul3A_85 = arith.muli %add3A_83, %mul3A_84 : i32
      %add3A_86 = arith.addi %mul3A_2, %mul3A_85 : i32
      %dma_start3A_87 = tpu.memref_slice %arg3[%add3A_86] : memref<327680xi32, #tpu.memory_space<hbm>> -> memref<64xi32, #tpu.memory_space<hbm>>
      %dma_start3A_88 = tpu.memref_slice %arg3[%add3A_86] : memref<327680xi32, #tpu.memory_space<hbm>> -> memref<64xi32, #tpu.memory_space<hbm>>
      tpu.enqueue_dma source(%dma_start3A_88 : memref<64xi32, #tpu.memory_space<hbm>>) target(%arg23 : memref<64xi32, #tpu.memory_space<vmem>>) target_semaphore(%arg8 : memref<!tpu.dma_semaphore, #tpu.memory_space<semaphore_mem>>)
      %dma_start3A_89 = tpu.memref_slice %arg4[%add3A_86] : memref<327680xi32, #tpu.memory_space<hbm>> -> memref<64xi32, #tpu.memory_space<hbm>>
      %dma_start3A_90 = tpu.memref_slice %arg4[%add3A_86] : memref<327680xi32, #tpu.memory_space<hbm>> -> memref<64xi32, #tpu.memory_space<hbm>>
      tpu.enqueue_dma source(%dma_start3A_90 : memref<64xi32, #tpu.memory_space<hbm>>) target(%arg33 : memref<64xi32, #tpu.memory_space<vmem>>) target_semaphore(%arg8 : memref<!tpu.dma_semaphore, #tpu.memory_space<semaphore_mem>>)
      %add3A_91 = arith.constant 4 : i32
      %add3A_92 = arith.addi %mul3A_55, %add3A_91 : i32
      %mul3A_93 = arith.constant 64 : i32
      %mul3A_94 = arith.muli %add3A_92, %mul3A_93 : i32
      %add3A_95 = arith.addi %mul3A_2, %mul3A_94 : i32
      %dma_start3A_96 = tpu.memref_slice %arg3[%add3A_95] : memref<327680xi32, #tpu.memory_space<hbm>> -> memref<64xi32, #tpu.memory_space<hbm>>
      %dma_start3A_97 = tpu.memref_slice %arg3[%add3A_95] : memref<327680xi32, #tpu.memory_space<hbm>> -> memref<64xi32, #tpu.memory_space<hbm>>
      tpu.enqueue_dma source(%dma_start3A_97 : memref<64xi32, #tpu.memory_space<hbm>>) target(%arg24 : memref<64xi32, #tpu.memory_space<vmem>>) target_semaphore(%arg8 : memref<!tpu.dma_semaphore, #tpu.memory_space<semaphore_mem>>)
      %dma_start3A_98 = tpu.memref_slice %arg4[%add3A_95] : memref<327680xi32, #tpu.memory_space<hbm>> -> memref<64xi32, #tpu.memory_space<hbm>>
      %dma_start3A_99 = tpu.memref_slice %arg4[%add3A_95] : memref<327680xi32, #tpu.memory_space<hbm>> -> memref<64xi32, #tpu.memory_space<hbm>>
      tpu.enqueue_dma source(%dma_start3A_99 : memref<64xi32, #tpu.memory_space<hbm>>) target(%arg34 : memref<64xi32, #tpu.memory_space<vmem>>) target_semaphore(%arg8 : memref<!tpu.dma_semaphore, #tpu.memory_space<semaphore_mem>>)
      %add3A_100 = arith.constant 5 : i32
      %add3A_101 = arith.addi %mul3A_55, %add3A_100 : i32
      %add3A_102 = arith.constant 0 : i32
      %add3A_103 = arith.addi %add3A_101, %add3A_102 : i32
      %mul3A_104 = arith.constant 64 : i32
      %mul3A_105 = arith.muli %add3A_103, %mul3A_104 : i32
      %add3A_106 = arith.addi %mul3A_2, %mul3A_105 : i32
      %dma_start3A_107 = tpu.memref_slice %arg3[%add3A_106] : memref<327680xi32, #tpu.memory_space<hbm>> -> memref<64xi32, #tpu.memory_space<hbm>>
      %dma_start3A_108 = tpu.memref_slice %arg3[%add3A_106] : memref<327680xi32, #tpu.memory_space<hbm>> -> memref<64xi32, #tpu.memory_space<hbm>>
      tpu.enqueue_dma source(%dma_start3A_108 : memref<64xi32, #tpu.memory_space<hbm>>) target(%arg25 : memref<64xi32, #tpu.memory_space<vmem>>) target_semaphore(%arg9 : memref<!tpu.dma_semaphore, #tpu.memory_space<semaphore_mem>>)
      %dma_start3A_109 = tpu.memref_slice %arg4[%add3A_106] : memref<327680xi32, #tpu.memory_space<hbm>> -> memref<64xi32, #tpu.memory_space<hbm>>
      %dma_start3A_110 = tpu.memref_slice %arg4[%add3A_106] : memref<327680xi32, #tpu.memory_space<hbm>> -> memref<64xi32, #tpu.memory_space<hbm>>
      tpu.enqueue_dma source(%dma_start3A_110 : memref<64xi32, #tpu.memory_space<hbm>>) target(%arg35 : memref<64xi32, #tpu.memory_space<vmem>>) target_semaphore(%arg9 : memref<!tpu.dma_semaphore, #tpu.memory_space<semaphore_mem>>)
      %add3A_111 = arith.constant 1 : i32
      %add3A_112 = arith.addi %add3A_101, %add3A_111 : i32
      %mul3A_113 = arith.constant 64 : i32
      %mul3A_114 = arith.muli %add3A_112, %mul3A_113 : i32
      %add3A_115 = arith.addi %mul3A_2, %mul3A_114 : i32
      %dma_start3A_116 = tpu.memref_slice %arg3[%add3A_115] : memref<327680xi32, #tpu.memory_space<hbm>> -> memref<64xi32, #tpu.memory_space<hbm>>
      %dma_start3A_117 = tpu.memref_slice %arg3[%add3A_115] : memref<327680xi32, #tpu.memory_space<hbm>> -> memref<64xi32, #tpu.memory_space<hbm>>
      tpu.enqueue_dma source(%dma_start3A_117 : memref<64xi32, #tpu.memory_space<hbm>>) target(%arg26 : memref<64xi32, #tpu.memory_space<vmem>>) target_semaphore(%arg9 : memref<!tpu.dma_semaphore, #tpu.memory_space<semaphore_mem>>)
      %dma_start3A_118 = tpu.memref_slice %arg4[%add3A_115] : memref<327680xi32, #tpu.memory_space<hbm>> -> memref<64xi32, #tpu.memory_space<hbm>>
      %dma_start3A_119 = tpu.memref_slice %arg4[%add3A_115] : memref<327680xi32, #tpu.memory_space<hbm>> -> memref<64xi32, #tpu.memory_space<hbm>>
      tpu.enqueue_dma source(%dma_start3A_119 : memref<64xi32, #tpu.memory_space<hbm>>) target(%arg36 : memref<64xi32, #tpu.memory_space<vmem>>) target_semaphore(%arg9 : memref<!tpu.dma_semaphore, #tpu.memory_space<semaphore_mem>>)
      %add3A_120 = arith.constant 2 : i32
      %add3A_121 = arith.addi %add3A_101, %add3A_120 : i32
      %mul3A_122 = arith.constant 64 : i32
      %mul3A_123 = arith.muli %add3A_121, %mul3A_122 : i32
      %add3A_124 = arith.addi %mul3A_2, %mul3A_123 : i32
      %dma_start3A_125 = tpu.memref_slice %arg3[%add3A_124] : memref<327680xi32, #tpu.memory_space<hbm>> -> memref<64xi32, #tpu.memory_space<hbm>>
      %dma_start3A_126 = tpu.memref_slice %arg3[%add3A_124] : memref<327680xi32, #tpu.memory_space<hbm>> -> memref<64xi32, #tpu.memory_space<hbm>>
      tpu.enqueue_dma source(%dma_start3A_126 : memref<64xi32, #tpu.memory_space<hbm>>) target(%arg27 : memref<64xi32, #tpu.memory_space<vmem>>) target_semaphore(%arg9 : memref<!tpu.dma_semaphore, #tpu.memory_space<semaphore_mem>>)
      %dma_start3A_127 = tpu.memref_slice %arg4[%add3A_124] : memref<327680xi32, #tpu.memory_space<hbm>> -> memref<64xi32, #tpu.memory_space<hbm>>
      %dma_start3A_128 = tpu.memref_slice %arg4[%add3A_124] : memref<327680xi32, #tpu.memory_space<hbm>> -> memref<64xi32, #tpu.memory_space<hbm>>
      tpu.enqueue_dma source(%dma_start3A_128 : memref<64xi32, #tpu.memory_space<hbm>>) target(%arg37 : memref<64xi32, #tpu.memory_space<vmem>>) target_semaphore(%arg9 : memref<!tpu.dma_semaphore, #tpu.memory_space<semaphore_mem>>)
      %add3A_129 = arith.constant 3 : i32
      %add3A_130 = arith.addi %add3A_101, %add3A_129 : i32
      %mul3A_131 = arith.constant 64 : i32
      %mul3A_132 = arith.muli %add3A_130, %mul3A_131 : i32
      %add3A_133 = arith.addi %mul3A_2, %mul3A_132 : i32
      %dma_start3A_134 = tpu.memref_slice %arg3[%add3A_133] : memref<327680xi32, #tpu.memory_space<hbm>> -> memref<64xi32, #tpu.memory_space<hbm>>
      %dma_start3A_135 = tpu.memref_slice %arg3[%add3A_133] : memref<327680xi32, #tpu.memory_space<hbm>> -> memref<64xi32, #tpu.memory_space<hbm>>
      tpu.enqueue_dma source(%dma_start3A_135 : memref<64xi32, #tpu.memory_space<hbm>>) target(%arg28 : memref<64xi32, #tpu.memory_space<vmem>>) target_semaphore(%arg9 : memref<!tpu.dma_semaphore, #tpu.memory_space<semaphore_mem>>)
      %dma_start3A_136 = tpu.memref_slice %arg4[%add3A_133] : memref<327680xi32, #tpu.memory_space<hbm>> -> memref<64xi32, #tpu.memory_space<hbm>>
      %dma_start3A_137 = tpu.memref_slice %arg4[%add3A_133] : memref<327680xi32, #tpu.memory_space<hbm>> -> memref<64xi32, #tpu.memory_space<hbm>>
      tpu.enqueue_dma source(%dma_start3A_137 : memref<64xi32, #tpu.memory_space<hbm>>) target(%arg38 : memref<64xi32, #tpu.memory_space<vmem>>) target_semaphore(%arg9 : memref<!tpu.dma_semaphore, #tpu.memory_space<semaphore_mem>>)
      %add3A_138 = arith.constant 4 : i32
      %add3A_139 = arith.addi %add3A_101, %add3A_138 : i32
      %mul3A_140 = arith.constant 64 : i32
      %mul3A_141 = arith.muli %add3A_139, %mul3A_140 : i32
      %add3A_142 = arith.addi %mul3A_2, %mul3A_141 : i32
      %dma_start3A_143 = tpu.memref_slice %arg3[%add3A_142] : memref<327680xi32, #tpu.memory_space<hbm>> -> memref<64xi32, #tpu.memory_space<hbm>>
      %dma_start3A_144 = tpu.memref_slice %arg3[%add3A_142] : memref<327680xi32, #tpu.memory_space<hbm>> -> memref<64xi32, #tpu.memory_space<hbm>>
      tpu.enqueue_dma source(%dma_start3A_144 : memref<64xi32, #tpu.memory_space<hbm>>) target(%arg29 : memref<64xi32, #tpu.memory_space<vmem>>) target_semaphore(%arg9 : memref<!tpu.dma_semaphore, #tpu.memory_space<semaphore_mem>>)
      %dma_start3A_145 = tpu.memref_slice %arg4[%add3A_142] : memref<327680xi32, #tpu.memory_space<hbm>> -> memref<64xi32, #tpu.memory_space<hbm>>
      %dma_start3A_146 = tpu.memref_slice %arg4[%add3A_142] : memref<327680xi32, #tpu.memory_space<hbm>> -> memref<64xi32, #tpu.memory_space<hbm>>
      tpu.enqueue_dma source(%dma_start3A_146 : memref<64xi32, #tpu.memory_space<hbm>>) target(%arg39 : memref<64xi32, #tpu.memory_space<vmem>>) target_semaphore(%arg9 : memref<!tpu.dma_semaphore, #tpu.memory_space<semaphore_mem>>)
      %dma_wait3A = tpu.memref_slice %arg3[%add3A_60] : memref<327680xi32, #tpu.memory_space<hbm>> -> memref<64xi32, #tpu.memory_space<hbm>>
      %dma_wait3A_147 = tpu.memref_slice %arg3[%add3A_60] : memref<327680xi32, #tpu.memory_space<hbm>> -> memref<64xi32, #tpu.memory_space<hbm>>
      tpu.wait_dma2 semaphore(%arg8 : memref<!tpu.dma_semaphore, #tpu.memory_space<semaphore_mem>>) src(%dma_wait3A_147 : memref<64xi32, #tpu.memory_space<hbm>>) dst(%arg20 : memref<64xi32, #tpu.memory_space<vmem>>)
      %dma_wait3A_148 = tpu.memref_slice %arg4[%add3A_60] : memref<327680xi32, #tpu.memory_space<hbm>> -> memref<64xi32, #tpu.memory_space<hbm>>
      %dma_wait3A_149 = tpu.memref_slice %arg4[%add3A_60] : memref<327680xi32, #tpu.memory_space<hbm>> -> memref<64xi32, #tpu.memory_space<hbm>>
      tpu.wait_dma2 semaphore(%arg8 : memref<!tpu.dma_semaphore, #tpu.memory_space<semaphore_mem>>) src(%dma_wait3A_149 : memref<64xi32, #tpu.memory_space<hbm>>) dst(%arg30 : memref<64xi32, #tpu.memory_space<vmem>>)
      %dma_wait3A_150 = tpu.memref_slice %arg3[%add3A_68] : memref<327680xi32, #tpu.memory_space<hbm>> -> memref<64xi32, #tpu.memory_space<hbm>>
      %dma_wait3A_151 = tpu.memref_slice %arg3[%add3A_68] : memref<327680xi32, #tpu.memory_space<hbm>> -> memref<64xi32, #tpu.memory_space<hbm>>
      tpu.wait_dma2 semaphore(%arg8 : memref<!tpu.dma_semaphore, #tpu.memory_space<semaphore_mem>>) src(%dma_wait3A_151 : memref<64xi32, #tpu.memory_space<hbm>>) dst(%arg21 : memref<64xi32, #tpu.memory_space<vmem>>)
      %dma_wait3A_152 = tpu.memref_slice %arg4[%add3A_68] : memref<327680xi32, #tpu.memory_space<hbm>> -> memref<64xi32, #tpu.memory_space<hbm>>
      %dma_wait3A_153 = tpu.memref_slice %arg4[%add3A_68] : memref<327680xi32, #tpu.memory_space<hbm>> -> memref<64xi32, #tpu.memory_space<hbm>>
      tpu.wait_dma2 semaphore(%arg8 : memref<!tpu.dma_semaphore, #tpu.memory_space<semaphore_mem>>) src(%dma_wait3A_153 : memref<64xi32, #tpu.memory_space<hbm>>) dst(%arg31 : memref<64xi32, #tpu.memory_space<vmem>>)
      %dma_wait3A_154 = tpu.memref_slice %arg3[%add3A_77] : memref<327680xi32, #tpu.memory_space<hbm>> -> memref<64xi32, #tpu.memory_space<hbm>>
      %dma_wait3A_155 = tpu.memref_slice %arg3[%add3A_77] : memref<327680xi32, #tpu.memory_space<hbm>> -> memref<64xi32, #tpu.memory_space<hbm>>
      tpu.wait_dma2 semaphore(%arg8 : memref<!tpu.dma_semaphore, #tpu.memory_space<semaphore_mem>>) src(%dma_wait3A_155 : memref<64xi32, #tpu.memory_space<hbm>>) dst(%arg22 : memref<64xi32, #tpu.memory_space<vmem>>)
      %dma_wait3A_156 = tpu.memref_slice %arg4[%add3A_77] : memref<327680xi32, #tpu.memory_space<hbm>> -> memref<64xi32, #tpu.memory_space<hbm>>
      %dma_wait3A_157 = tpu.memref_slice %arg4[%add3A_77] : memref<327680xi32, #tpu.memory_space<hbm>> -> memref<64xi32, #tpu.memory_space<hbm>>
      tpu.wait_dma2 semaphore(%arg8 : memref<!tpu.dma_semaphore, #tpu.memory_space<semaphore_mem>>) src(%dma_wait3A_157 : memref<64xi32, #tpu.memory_space<hbm>>) dst(%arg32 : memref<64xi32, #tpu.memory_space<vmem>>)
      %dma_wait3A_158 = tpu.memref_slice %arg3[%add3A_86] : memref<327680xi32, #tpu.memory_space<hbm>> -> memref<64xi32, #tpu.memory_space<hbm>>
      %dma_wait3A_159 = tpu.memref_slice %arg3[%add3A_86] : memref<327680xi32, #tpu.memory_space<hbm>> -> memref<64xi32, #tpu.memory_space<hbm>>
      tpu.wait_dma2 semaphore(%arg8 : memref<!tpu.dma_semaphore, #tpu.memory_space<semaphore_mem>>) src(%dma_wait3A_159 : memref<64xi32, #tpu.memory_space<hbm>>) dst(%arg23 : memref<64xi32, #tpu.memory_space<vmem>>)
      %dma_wait3A_160 = tpu.memref_slice %arg4[%add3A_86] : memref<327680xi32, #tpu.memory_space<hbm>> -> memref<64xi32, #tpu.memory_space<hbm>>
      %dma_wait3A_161 = tpu.memref_slice %arg4[%add3A_86] : memref<327680xi32, #tpu.memory_space<hbm>> -> memref<64xi32, #tpu.memory_space<hbm>>
      tpu.wait_dma2 semaphore(%arg8 : memref<!tpu.dma_semaphore, #tpu.memory_space<semaphore_mem>>) src(%dma_wait3A_161 : memref<64xi32, #tpu.memory_space<hbm>>) dst(%arg33 : memref<64xi32, #tpu.memory_space<vmem>>)
      %dma_wait3A_162 = tpu.memref_slice %arg3[%add3A_95] : memref<327680xi32, #tpu.memory_space<hbm>> -> memref<64xi32, #tpu.memory_space<hbm>>
      %dma_wait3A_163 = tpu.memref_slice %arg3[%add3A_95] : memref<327680xi32, #tpu.memory_space<hbm>> -> memref<64xi32, #tpu.memory_space<hbm>>
      tpu.wait_dma2 semaphore(%arg8 : memref<!tpu.dma_semaphore, #tpu.memory_space<semaphore_mem>>) src(%dma_wait3A_163 : memref<64xi32, #tpu.memory_space<hbm>>) dst(%arg24 : memref<64xi32, #tpu.memory_space<vmem>>)
      %dma_wait3A_164 = tpu.memref_slice %arg4[%add3A_95] : memref<327680xi32, #tpu.memory_space<hbm>> -> memref<64xi32, #tpu.memory_space<hbm>>
      %dma_wait3A_165 = tpu.memref_slice %arg4[%add3A_95] : memref<327680xi32, #tpu.memory_space<hbm>> -> memref<64xi32, #tpu.memory_space<hbm>>
      tpu.wait_dma2 semaphore(%arg8 : memref<!tpu.dma_semaphore, #tpu.memory_space<semaphore_mem>>) src(%dma_wait3A_165 : memref<64xi32, #tpu.memory_space<hbm>>) dst(%arg34 : memref<64xi32, #tpu.memory_space<vmem>>)
      %dma_start3A_166 = arith.constant 0 : i32
      %dma_start3A_167 = arith.constant 0 : i32
      %dma_start3A_168 = tpu.memref_slice %arg2[%dma_start3A_166, %dma_start3A_167] : memref<10000x128xf32, #tpu.memory_space<hbm>> -> memref<10000x128xf32, #tpu.memory_space<hbm>>
      tpu.enqueue_indirect_dma source(%dma_start3A_168 : memref<10000x128xf32, #tpu.memory_space<hbm>>) target(%arg40 : memref<64x128xf32, #tpu.memory_space<vmem>>) offsets(%arg20 : memref<64xi32, #tpu.memory_space<vmem>>) semaphore(%arg10 : memref<!tpu.dma_semaphore, #tpu.memory_space<semaphore_mem>>)
      %dma_start3A_169 = arith.constant 0 : i32
      %dma_start3A_170 = arith.constant 0 : i32
      %dma_start3A_171 = tpu.memref_slice %arg2[%dma_start3A_169, %dma_start3A_170] : memref<10000x128xf32, #tpu.memory_space<hbm>> -> memref<10000x128xf32, #tpu.memory_space<hbm>>
      tpu.enqueue_indirect_dma source(%dma_start3A_171 : memref<10000x128xf32, #tpu.memory_space<hbm>>) target(%arg41 : memref<64x128xf32, #tpu.memory_space<vmem>>) offsets(%arg21 : memref<64xi32, #tpu.memory_space<vmem>>) semaphore(%arg11 : memref<!tpu.dma_semaphore, #tpu.memory_space<semaphore_mem>>)
      %dma_wait3A_172 = arith.constant 0 : i32
      %dma_wait3A_173 = arith.constant 0 : i32
      %dma_wait3A_174 = tpu.memref_slice %arg2[%dma_wait3A_172, %dma_wait3A_173] : memref<10000x128xf32, #tpu.memory_space<hbm>> -> memref<10000x128xf32, #tpu.memory_space<hbm>>
      tpu.wait_indirect_dma semaphore(%arg10 : memref<!tpu.dma_semaphore, #tpu.memory_space<semaphore_mem>>) src(%dma_wait3A_174 : memref<10000x128xf32, #tpu.memory_space<hbm>>) dst(%arg40 : memref<64x128xf32, #tpu.memory_space<vmem>>)
      %dma_start3A_175 = arith.constant 0 : i32
      %dma_start3A_176 = arith.constant 0 : i32
      %dma_start3A_177 = tpu.memref_slice %arg7[%dma_start3A_175, %dma_start3A_176] : memref<10240x128xf32, #tpu.memory_space<vmem_shared>> -> memref<10240x128xf32, #tpu.memory_space<vmem_shared>>
      tpu.enqueue_indirect_dma source(%arg40 : memref<64x128xf32, #tpu.memory_space<vmem>>) target(%dma_start3A_177 : memref<10240x128xf32, #tpu.memory_space<vmem_shared>>) offsets(%arg30 : memref<64xi32, #tpu.memory_space<vmem>>) semaphore(%arg15 : memref<!tpu.dma_semaphore, #tpu.memory_space<semaphore_mem>>) {add = true}
      %dma_start3A_178 = arith.constant 0 : i32
      %dma_start3A_179 = arith.constant 0 : i32
      %dma_start3A_180 = tpu.memref_slice %arg2[%dma_start3A_178, %dma_start3A_179] : memref<10000x128xf32, #tpu.memory_space<hbm>> -> memref<10000x128xf32, #tpu.memory_space<hbm>>
      tpu.enqueue_indirect_dma source(%dma_start3A_180 : memref<10000x128xf32, #tpu.memory_space<hbm>>) target(%arg42 : memref<64x128xf32, #tpu.memory_space<vmem>>) offsets(%arg22 : memref<64xi32, #tpu.memory_space<vmem>>) semaphore(%arg12 : memref<!tpu.dma_semaphore, #tpu.memory_space<semaphore_mem>>)
      %dma_wait3A_181 = arith.constant 0 : i32
      %dma_wait3A_182 = arith.constant 0 : i32
      %dma_wait3A_183 = tpu.memref_slice %arg2[%dma_wait3A_181, %dma_wait3A_182] : memref<10000x128xf32, #tpu.memory_space<hbm>> -> memref<10000x128xf32, #tpu.memory_space<hbm>>
      tpu.wait_indirect_dma semaphore(%arg11 : memref<!tpu.dma_semaphore, #tpu.memory_space<semaphore_mem>>) src(%dma_wait3A_183 : memref<10000x128xf32, #tpu.memory_space<hbm>>) dst(%arg41 : memref<64x128xf32, #tpu.memory_space<vmem>>)
      %dma_start3A_184 = arith.constant 0 : i32
      %dma_start3A_185 = arith.constant 0 : i32
      %dma_start3A_186 = tpu.memref_slice %arg7[%dma_start3A_184, %dma_start3A_185] : memref<10240x128xf32, #tpu.memory_space<vmem_shared>> -> memref<10240x128xf32, #tpu.memory_space<vmem_shared>>
      tpu.enqueue_indirect_dma source(%arg41 : memref<64x128xf32, #tpu.memory_space<vmem>>) target(%dma_start3A_186 : memref<10240x128xf32, #tpu.memory_space<vmem_shared>>) offsets(%arg31 : memref<64xi32, #tpu.memory_space<vmem>>) semaphore(%arg16 : memref<!tpu.dma_semaphore, #tpu.memory_space<semaphore_mem>>) {add = true}
      %dma_start3A_187 = arith.constant 0 : i32
      %dma_start3A_188 = arith.constant 0 : i32
      %dma_start3A_189 = tpu.memref_slice %arg2[%dma_start3A_187, %dma_start3A_188] : memref<10000x128xf32, #tpu.memory_space<hbm>> -> memref<10000x128xf32, #tpu.memory_space<hbm>>
      tpu.enqueue_indirect_dma source(%dma_start3A_189 : memref<10000x128xf32, #tpu.memory_space<hbm>>) target(%arg43 : memref<64x128xf32, #tpu.memory_space<vmem>>) offsets(%arg23 : memref<64xi32, #tpu.memory_space<vmem>>) semaphore(%arg13 : memref<!tpu.dma_semaphore, #tpu.memory_space<semaphore_mem>>)
      %dma_wait3A_190 = arith.constant 0 : i32
      %dma_wait3A_191 = arith.constant 0 : i32
      %dma_wait3A_192 = tpu.memref_slice %arg2[%dma_wait3A_190, %dma_wait3A_191] : memref<10000x128xf32, #tpu.memory_space<hbm>> -> memref<10000x128xf32, #tpu.memory_space<hbm>>
      tpu.wait_indirect_dma semaphore(%arg12 : memref<!tpu.dma_semaphore, #tpu.memory_space<semaphore_mem>>) src(%dma_wait3A_192 : memref<10000x128xf32, #tpu.memory_space<hbm>>) dst(%arg42 : memref<64x128xf32, #tpu.memory_space<vmem>>)
      %dma_start3A_193 = arith.constant 0 : i32
      %dma_start3A_194 = arith.constant 0 : i32
      %dma_start3A_195 = tpu.memref_slice %arg7[%dma_start3A_193, %dma_start3A_194] : memref<10240x128xf32, #tpu.memory_space<vmem_shared>> -> memref<10240x128xf32, #tpu.memory_space<vmem_shared>>
      tpu.enqueue_indirect_dma source(%arg42 : memref<64x128xf32, #tpu.memory_space<vmem>>) target(%dma_start3A_195 : memref<10240x128xf32, #tpu.memory_space<vmem_shared>>) offsets(%arg32 : memref<64xi32, #tpu.memory_space<vmem>>) semaphore(%arg17 : memref<!tpu.dma_semaphore, #tpu.memory_space<semaphore_mem>>) {add = true}
      %dma_start3A_196 = arith.constant 0 : i32
      %dma_start3A_197 = arith.constant 0 : i32
      %dma_start3A_198 = tpu.memref_slice %arg2[%dma_start3A_196, %dma_start3A_197] : memref<10000x128xf32, #tpu.memory_space<hbm>> -> memref<10000x128xf32, #tpu.memory_space<hbm>>
      tpu.enqueue_indirect_dma source(%dma_start3A_198 : memref<10000x128xf32, #tpu.memory_space<hbm>>) target(%arg44 : memref<64x128xf32, #tpu.memory_space<vmem>>) offsets(%arg24 : memref<64xi32, #tpu.memory_space<vmem>>) semaphore(%arg14 : memref<!tpu.dma_semaphore, #tpu.memory_space<semaphore_mem>>)
      %dma_wait3A_199 = arith.constant 0 : i32
      %dma_wait3A_200 = arith.constant 0 : i32
      %dma_wait3A_201 = tpu.memref_slice %arg2[%dma_wait3A_199, %dma_wait3A_200] : memref<10000x128xf32, #tpu.memory_space<hbm>> -> memref<10000x128xf32, #tpu.memory_space<hbm>>
      tpu.wait_indirect_dma semaphore(%arg13 : memref<!tpu.dma_semaphore, #tpu.memory_space<semaphore_mem>>) src(%dma_wait3A_201 : memref<10000x128xf32, #tpu.memory_space<hbm>>) dst(%arg43 : memref<64x128xf32, #tpu.memory_space<vmem>>)
      %dma_start3A_202 = arith.constant 0 : i32
      %dma_start3A_203 = arith.constant 0 : i32
      %dma_start3A_204 = tpu.memref_slice %arg7[%dma_start3A_202, %dma_start3A_203] : memref<10240x128xf32, #tpu.memory_space<vmem_shared>> -> memref<10240x128xf32, #tpu.memory_space<vmem_shared>>
      tpu.enqueue_indirect_dma source(%arg43 : memref<64x128xf32, #tpu.memory_space<vmem>>) target(%dma_start3A_204 : memref<10240x128xf32, #tpu.memory_space<vmem_shared>>) offsets(%arg33 : memref<64xi32, #tpu.memory_space<vmem>>) semaphore(%arg18 : memref<!tpu.dma_semaphore, #tpu.memory_space<semaphore_mem>>) {add = true}
      %dma_wait3A_205 = tpu.memref_slice %arg3[%add3A_106] : memref<327680xi32, #tpu.memory_space<hbm>> -> memref<64xi32, #tpu.memory_space<hbm>>
      %dma_wait3A_206 = tpu.memref_slice %arg3[%add3A_106] : memref<327680xi32, #tpu.memory_space<hbm>> -> memref<64xi32, #tpu.memory_space<hbm>>
      tpu.wait_dma2 semaphore(%arg9 : memref<!tpu.dma_semaphore, #tpu.memory_space<semaphore_mem>>) src(%dma_wait3A_206 : memref<64xi32, #tpu.memory_space<hbm>>) dst(%arg25 : memref<64xi32, #tpu.memory_space<vmem>>)
      %dma_wait3A_207 = tpu.memref_slice %arg4[%add3A_106] : memref<327680xi32, #tpu.memory_space<hbm>> -> memref<64xi32, #tpu.memory_space<hbm>>
      %dma_wait3A_208 = tpu.memref_slice %arg4[%add3A_106] : memref<327680xi32, #tpu.memory_space<hbm>> -> memref<64xi32, #tpu.memory_space<hbm>>
      tpu.wait_dma2 semaphore(%arg9 : memref<!tpu.dma_semaphore, #tpu.memory_space<semaphore_mem>>) src(%dma_wait3A_208 : memref<64xi32, #tpu.memory_space<hbm>>) dst(%arg35 : memref<64xi32, #tpu.memory_space<vmem>>)
      %dma_wait3A_209 = tpu.memref_slice %arg3[%add3A_115] : memref<327680xi32, #tpu.memory_space<hbm>> -> memref<64xi32, #tpu.memory_space<hbm>>
      %dma_wait3A_210 = tpu.memref_slice %arg3[%add3A_115] : memref<327680xi32, #tpu.memory_space<hbm>> -> memref<64xi32, #tpu.memory_space<hbm>>
      tpu.wait_dma2 semaphore(%arg9 : memref<!tpu.dma_semaphore, #tpu.memory_space<semaphore_mem>>) src(%dma_wait3A_210 : memref<64xi32, #tpu.memory_space<hbm>>) dst(%arg26 : memref<64xi32, #tpu.memory_space<vmem>>)
      %dma_wait3A_211 = tpu.memref_slice %arg4[%add3A_115] : memref<327680xi32, #tpu.memory_space<hbm>> -> memref<64xi32, #tpu.memory_space<hbm>>
      %dma_wait3A_212 = tpu.memref_slice %arg4[%add3A_115] : memref<327680xi32, #tpu.memory_space<hbm>> -> memref<64xi32, #tpu.memory_space<hbm>>
      tpu.wait_dma2 semaphore(%arg9 : memref<!tpu.dma_semaphore, #tpu.memory_space<semaphore_mem>>) src(%dma_wait3A_212 : memref<64xi32, #tpu.memory_space<hbm>>) dst(%arg36 : memref<64xi32, #tpu.memory_space<vmem>>)
      %dma_wait3A_213 = tpu.memref_slice %arg3[%add3A_124] : memref<327680xi32, #tpu.memory_space<hbm>> -> memref<64xi32, #tpu.memory_space<hbm>>
      %dma_wait3A_214 = tpu.memref_slice %arg3[%add3A_124] : memref<327680xi32, #tpu.memory_space<hbm>> -> memref<64xi32, #tpu.memory_space<hbm>>
      tpu.wait_dma2 semaphore(%arg9 : memref<!tpu.dma_semaphore, #tpu.memory_space<semaphore_mem>>) src(%dma_wait3A_214 : memref<64xi32, #tpu.memory_space<hbm>>) dst(%arg27 : memref<64xi32, #tpu.memory_space<vmem>>)
      %dma_wait3A_215 = tpu.memref_slice %arg4[%add3A_124] : memref<327680xi32, #tpu.memory_space<hbm>> -> memref<64xi32, #tpu.memory_space<hbm>>
      %dma_wait3A_216 = tpu.memref_slice %arg4[%add3A_124] : memref<327680xi32, #tpu.memory_space<hbm>> -> memref<64xi32, #tpu.memory_space<hbm>>
      tpu.wait_dma2 semaphore(%arg9 : memref<!tpu.dma_semaphore, #tpu.memory_space<semaphore_mem>>) src(%dma_wait3A_216 : memref<64xi32, #tpu.memory_space<hbm>>) dst(%arg37 : memref<64xi32, #tpu.memory_space<vmem>>)
      %dma_wait3A_217 = tpu.memref_slice %arg3[%add3A_133] : memref<327680xi32, #tpu.memory_space<hbm>> -> memref<64xi32, #tpu.memory_space<hbm>>
      %dma_wait3A_218 = tpu.memref_slice %arg3[%add3A_133] : memref<327680xi32, #tpu.memory_space<hbm>> -> memref<64xi32, #tpu.memory_space<hbm>>
      tpu.wait_dma2 semaphore(%arg9 : memref<!tpu.dma_semaphore, #tpu.memory_space<semaphore_mem>>) src(%dma_wait3A_218 : memref<64xi32, #tpu.memory_space<hbm>>) dst(%arg28 : memref<64xi32, #tpu.memory_space<vmem>>)
      %dma_wait3A_219 = tpu.memref_slice %arg4[%add3A_133] : memref<327680xi32, #tpu.memory_space<hbm>> -> memref<64xi32, #tpu.memory_space<hbm>>
      %dma_wait3A_220 = tpu.memref_slice %arg4[%add3A_133] : memref<327680xi32, #tpu.memory_space<hbm>> -> memref<64xi32, #tpu.memory_space<hbm>>
      tpu.wait_dma2 semaphore(%arg9 : memref<!tpu.dma_semaphore, #tpu.memory_space<semaphore_mem>>) src(%dma_wait3A_220 : memref<64xi32, #tpu.memory_space<hbm>>) dst(%arg38 : memref<64xi32, #tpu.memory_space<vmem>>)
      %dma_wait3A_221 = tpu.memref_slice %arg3[%add3A_142] : memref<327680xi32, #tpu.memory_space<hbm>> -> memref<64xi32, #tpu.memory_space<hbm>>
      %dma_wait3A_222 = tpu.memref_slice %arg3[%add3A_142] : memref<327680xi32, #tpu.memory_space<hbm>> -> memref<64xi32, #tpu.memory_space<hbm>>
      tpu.wait_dma2 semaphore(%arg9 : memref<!tpu.dma_semaphore, #tpu.memory_space<semaphore_mem>>) src(%dma_wait3A_222 : memref<64xi32, #tpu.memory_space<hbm>>) dst(%arg29 : memref<64xi32, #tpu.memory_space<vmem>>)
      %dma_wait3A_223 = tpu.memref_slice %arg4[%add3A_142] : memref<327680xi32, #tpu.memory_space<hbm>> -> memref<64xi32, #tpu.memory_space<hbm>>
      %dma_wait3A_224 = tpu.memref_slice %arg4[%add3A_142] : memref<327680xi32, #tpu.memory_space<hbm>> -> memref<64xi32, #tpu.memory_space<hbm>>
      tpu.wait_dma2 semaphore(%arg9 : memref<!tpu.dma_semaphore, #tpu.memory_space<semaphore_mem>>) src(%dma_wait3A_224 : memref<64xi32, #tpu.memory_space<hbm>>) dst(%arg39 : memref<64xi32, #tpu.memory_space<vmem>>)
      %dma_wait3A_225 = arith.constant 0 : i32
      %dma_wait3A_226 = arith.constant 0 : i32
      %dma_wait3A_227 = tpu.memref_slice %arg7[%dma_wait3A_225, %dma_wait3A_226] : memref<10240x128xf32, #tpu.memory_space<vmem_shared>> -> memref<10240x128xf32, #tpu.memory_space<vmem_shared>>
      tpu.wait_indirect_dma semaphore(%arg15 : memref<!tpu.dma_semaphore, #tpu.memory_space<semaphore_mem>>) src(%arg40 : memref<64x128xf32, #tpu.memory_space<vmem>>) dst(%dma_wait3A_227 : memref<10240x128xf32, #tpu.memory_space<vmem_shared>>)
      %dma_start3A_228 = arith.constant 0 : i32
      %dma_start3A_229 = arith.constant 0 : i32
      %dma_start3A_230 = tpu.memref_slice %arg2[%dma_start3A_228, %dma_start3A_229] : memref<10000x128xf32, #tpu.memory_space<hbm>> -> memref<10000x128xf32, #tpu.memory_space<hbm>>
      tpu.enqueue_indirect_dma source(%dma_start3A_230 : memref<10000x128xf32, #tpu.memory_space<hbm>>) target(%arg40 : memref<64x128xf32, #tpu.memory_space<vmem>>) offsets(%arg25 : memref<64xi32, #tpu.memory_space<vmem>>) semaphore(%arg10 : memref<!tpu.dma_semaphore, #tpu.memory_space<semaphore_mem>>)
      %dma_wait3A_231 = arith.constant 0 : i32
      %dma_wait3A_232 = arith.constant 0 : i32
      %dma_wait3A_233 = tpu.memref_slice %arg2[%dma_wait3A_231, %dma_wait3A_232] : memref<10000x128xf32, #tpu.memory_space<hbm>> -> memref<10000x128xf32, #tpu.memory_space<hbm>>
      tpu.wait_indirect_dma semaphore(%arg14 : memref<!tpu.dma_semaphore, #tpu.memory_space<semaphore_mem>>) src(%dma_wait3A_233 : memref<10000x128xf32, #tpu.memory_space<hbm>>) dst(%arg44 : memref<64x128xf32, #tpu.memory_space<vmem>>)
      %dma_start3A_234 = arith.constant 0 : i32
      %dma_start3A_235 = arith.constant 0 : i32
      %dma_start3A_236 = tpu.memref_slice %arg7[%dma_start3A_234, %dma_start3A_235] : memref<10240x128xf32, #tpu.memory_space<vmem_shared>> -> memref<10240x128xf32, #tpu.memory_space<vmem_shared>>
      tpu.enqueue_indirect_dma source(%arg44 : memref<64x128xf32, #tpu.memory_space<vmem>>) target(%dma_start3A_236 : memref<10240x128xf32, #tpu.memory_space<vmem_shared>>) offsets(%arg34 : memref<64xi32, #tpu.memory_space<vmem>>) semaphore(%arg19 : memref<!tpu.dma_semaphore, #tpu.memory_space<semaphore_mem>>) {add = true}
      %dma_wait3A_237 = arith.constant 0 : i32
      %dma_wait3A_238 = arith.constant 0 : i32
      %dma_wait3A_239 = tpu.memref_slice %arg7[%dma_wait3A_237, %dma_wait3A_238] : memref<10240x128xf32, #tpu.memory_space<vmem_shared>> -> memref<10240x128xf32, #tpu.memory_space<vmem_shared>>
      tpu.wait_indirect_dma semaphore(%arg16 : memref<!tpu.dma_semaphore, #tpu.memory_space<semaphore_mem>>) src(%arg41 : memref<64x128xf32, #tpu.memory_space<vmem>>) dst(%dma_wait3A_239 : memref<10240x128xf32, #tpu.memory_space<vmem_shared>>)
      %dma_start3A_240 = arith.constant 0 : i32
      %dma_start3A_241 = arith.constant 0 : i32
      %dma_start3A_242 = tpu.memref_slice %arg2[%dma_start3A_240, %dma_start3A_241] : memref<10000x128xf32, #tpu.memory_space<hbm>> -> memref<10000x128xf32, #tpu.memory_space<hbm>>
      tpu.enqueue_indirect_dma source(%dma_start3A_242 : memref<10000x128xf32, #tpu.memory_space<hbm>>) target(%arg41 : memref<64x128xf32, #tpu.memory_space<vmem>>) offsets(%arg26 : memref<64xi32, #tpu.memory_space<vmem>>) semaphore(%arg11 : memref<!tpu.dma_semaphore, #tpu.memory_space<semaphore_mem>>)
      %dma_wait3A_243 = arith.constant 0 : i32
      %dma_wait3A_244 = arith.constant 0 : i32
      %dma_wait3A_245 = tpu.memref_slice %arg2[%dma_wait3A_243, %dma_wait3A_244] : memref<10000x128xf32, #tpu.memory_space<hbm>> -> memref<10000x128xf32, #tpu.memory_space<hbm>>
      tpu.wait_indirect_dma semaphore(%arg10 : memref<!tpu.dma_semaphore, #tpu.memory_space<semaphore_mem>>) src(%dma_wait3A_245 : memref<10000x128xf32, #tpu.memory_space<hbm>>) dst(%arg40 : memref<64x128xf32, #tpu.memory_space<vmem>>)
      %dma_start3A_246 = arith.constant 0 : i32
      %dma_start3A_247 = arith.constant 0 : i32
      %dma_start3A_248 = tpu.memref_slice %arg7[%dma_start3A_246, %dma_start3A_247] : memref<10240x128xf32, #tpu.memory_space<vmem_shared>> -> memref<10240x128xf32, #tpu.memory_space<vmem_shared>>
      tpu.enqueue_indirect_dma source(%arg40 : memref<64x128xf32, #tpu.memory_space<vmem>>) target(%dma_start3A_248 : memref<10240x128xf32, #tpu.memory_space<vmem_shared>>) offsets(%arg35 : memref<64xi32, #tpu.memory_space<vmem>>) semaphore(%arg15 : memref<!tpu.dma_semaphore, #tpu.memory_space<semaphore_mem>>) {add = true}
      %dma_wait3A_249 = arith.constant 0 : i32
      %dma_wait3A_250 = arith.constant 0 : i32
      %dma_wait3A_251 = tpu.memref_slice %arg7[%dma_wait3A_249, %dma_wait3A_250] : memref<10240x128xf32, #tpu.memory_space<vmem_shared>> -> memref<10240x128xf32, #tpu.memory_space<vmem_shared>>
      tpu.wait_indirect_dma semaphore(%arg17 : memref<!tpu.dma_semaphore, #tpu.memory_space<semaphore_mem>>) src(%arg42 : memref<64x128xf32, #tpu.memory_space<vmem>>) dst(%dma_wait3A_251 : memref<10240x128xf32, #tpu.memory_space<vmem_shared>>)
      %dma_start3A_252 = arith.constant 0 : i32
      %dma_start3A_253 = arith.constant 0 : i32
      %dma_start3A_254 = tpu.memref_slice %arg2[%dma_start3A_252, %dma_start3A_253] : memref<10000x128xf32, #tpu.memory_space<hbm>> -> memref<10000x128xf32, #tpu.memory_space<hbm>>
      tpu.enqueue_indirect_dma source(%dma_start3A_254 : memref<10000x128xf32, #tpu.memory_space<hbm>>) target(%arg42 : memref<64x128xf32, #tpu.memory_space<vmem>>) offsets(%arg27 : memref<64xi32, #tpu.memory_space<vmem>>) semaphore(%arg12 : memref<!tpu.dma_semaphore, #tpu.memory_space<semaphore_mem>>)
      %dma_wait3A_255 = arith.constant 0 : i32
      %dma_wait3A_256 = arith.constant 0 : i32
      %dma_wait3A_257 = tpu.memref_slice %arg2[%dma_wait3A_255, %dma_wait3A_256] : memref<10000x128xf32, #tpu.memory_space<hbm>> -> memref<10000x128xf32, #tpu.memory_space<hbm>>
      tpu.wait_indirect_dma semaphore(%arg11 : memref<!tpu.dma_semaphore, #tpu.memory_space<semaphore_mem>>) src(%dma_wait3A_257 : memref<10000x128xf32, #tpu.memory_space<hbm>>) dst(%arg41 : memref<64x128xf32, #tpu.memory_space<vmem>>)
      %dma_start3A_258 = arith.constant 0 : i32
      %dma_start3A_259 = arith.constant 0 : i32
      %dma_start3A_260 = tpu.memref_slice %arg7[%dma_start3A_258, %dma_start3A_259] : memref<10240x128xf32, #tpu.memory_space<vmem_shared>> -> memref<10240x128xf32, #tpu.memory_space<vmem_shared>>
      tpu.enqueue_indirect_dma source(%arg41 : memref<64x128xf32, #tpu.memory_space<vmem>>) target(%dma_start3A_260 : memref<10240x128xf32, #tpu.memory_space<vmem_shared>>) offsets(%arg36 : memref<64xi32, #tpu.memory_space<vmem>>) semaphore(%arg16 : memref<!tpu.dma_semaphore, #tpu.memory_space<semaphore_mem>>) {add = true}
      %dma_wait3A_261 = arith.constant 0 : i32
      %dma_wait3A_262 = arith.constant 0 : i32
      %dma_wait3A_263 = tpu.memref_slice %arg7[%dma_wait3A_261, %dma_wait3A_262] : memref<10240x128xf32, #tpu.memory_space<vmem_shared>> -> memref<10240x128xf32, #tpu.memory_space<vmem_shared>>
      tpu.wait_indirect_dma semaphore(%arg18 : memref<!tpu.dma_semaphore, #tpu.memory_space<semaphore_mem>>) src(%arg43 : memref<64x128xf32, #tpu.memory_space<vmem>>) dst(%dma_wait3A_263 : memref<10240x128xf32, #tpu.memory_space<vmem_shared>>)
      %dma_start3A_264 = arith.constant 0 : i32
      %dma_start3A_265 = arith.constant 0 : i32
      %dma_start3A_266 = tpu.memref_slice %arg2[%dma_start3A_264, %dma_start3A_265] : memref<10000x128xf32, #tpu.memory_space<hbm>> -> memref<10000x128xf32, #tpu.memory_space<hbm>>
      tpu.enqueue_indirect_dma source(%dma_start3A_266 : memref<10000x128xf32, #tpu.memory_space<hbm>>) target(%arg43 : memref<64x128xf32, #tpu.memory_space<vmem>>) offsets(%arg28 : memref<64xi32, #tpu.memory_space<vmem>>) semaphore(%arg13 : memref<!tpu.dma_semaphore, #tpu.memory_space<semaphore_mem>>)
      %dma_wait3A_267 = arith.constant 0 : i32
      %dma_wait3A_268 = arith.constant 0 : i32
      %dma_wait3A_269 = tpu.memref_slice %arg2[%dma_wait3A_267, %dma_wait3A_268] : memref<10000x128xf32, #tpu.memory_space<hbm>> -> memref<10000x128xf32, #tpu.memory_space<hbm>>
      tpu.wait_indirect_dma semaphore(%arg12 : memref<!tpu.dma_semaphore, #tpu.memory_space<semaphore_mem>>) src(%dma_wait3A_269 : memref<10000x128xf32, #tpu.memory_space<hbm>>) dst(%arg42 : memref<64x128xf32, #tpu.memory_space<vmem>>)
      %dma_start3A_270 = arith.constant 0 : i32
      %dma_start3A_271 = arith.constant 0 : i32
      %dma_start3A_272 = tpu.memref_slice %arg7[%dma_start3A_270, %dma_start3A_271] : memref<10240x128xf32, #tpu.memory_space<vmem_shared>> -> memref<10240x128xf32, #tpu.memory_space<vmem_shared>>
      tpu.enqueue_indirect_dma source(%arg42 : memref<64x128xf32, #tpu.memory_space<vmem>>) target(%dma_start3A_272 : memref<10240x128xf32, #tpu.memory_space<vmem_shared>>) offsets(%arg37 : memref<64xi32, #tpu.memory_space<vmem>>) semaphore(%arg17 : memref<!tpu.dma_semaphore, #tpu.memory_space<semaphore_mem>>) {add = true}
      %dma_wait3A_273 = arith.constant 0 : i32
      %dma_wait3A_274 = arith.constant 0 : i32
      %dma_wait3A_275 = tpu.memref_slice %arg7[%dma_wait3A_273, %dma_wait3A_274] : memref<10240x128xf32, #tpu.memory_space<vmem_shared>> -> memref<10240x128xf32, #tpu.memory_space<vmem_shared>>
      tpu.wait_indirect_dma semaphore(%arg19 : memref<!tpu.dma_semaphore, #tpu.memory_space<semaphore_mem>>) src(%arg44 : memref<64x128xf32, #tpu.memory_space<vmem>>) dst(%dma_wait3A_275 : memref<10240x128xf32, #tpu.memory_space<vmem_shared>>)
      %dma_start3A_276 = arith.constant 0 : i32
      %dma_start3A_277 = arith.constant 0 : i32
      %dma_start3A_278 = tpu.memref_slice %arg2[%dma_start3A_276, %dma_start3A_277] : memref<10000x128xf32, #tpu.memory_space<hbm>> -> memref<10000x128xf32, #tpu.memory_space<hbm>>
      tpu.enqueue_indirect_dma source(%dma_start3A_278 : memref<10000x128xf32, #tpu.memory_space<hbm>>) target(%arg44 : memref<64x128xf32, #tpu.memory_space<vmem>>) offsets(%arg29 : memref<64xi32, #tpu.memory_space<vmem>>) semaphore(%arg14 : memref<!tpu.dma_semaphore, #tpu.memory_space<semaphore_mem>>)
      %dma_wait3A_279 = arith.constant 0 : i32
      %dma_wait3A_280 = arith.constant 0 : i32
      %dma_wait3A_281 = tpu.memref_slice %arg2[%dma_wait3A_279, %dma_wait3A_280] : memref<10000x128xf32, #tpu.memory_space<hbm>> -> memref<10000x128xf32, #tpu.memory_space<hbm>>
      tpu.wait_indirect_dma semaphore(%arg13 : memref<!tpu.dma_semaphore, #tpu.memory_space<semaphore_mem>>) src(%dma_wait3A_281 : memref<10000x128xf32, #tpu.memory_space<hbm>>) dst(%arg43 : memref<64x128xf32, #tpu.memory_space<vmem>>)
      %dma_start3A_282 = arith.constant 0 : i32
      %dma_start3A_283 = arith.constant 0 : i32
      %dma_start3A_284 = tpu.memref_slice %arg7[%dma_start3A_282, %dma_start3A_283] : memref<10240x128xf32, #tpu.memory_space<vmem_shared>> -> memref<10240x128xf32, #tpu.memory_space<vmem_shared>>
      tpu.enqueue_indirect_dma source(%arg43 : memref<64x128xf32, #tpu.memory_space<vmem>>) target(%dma_start3A_284 : memref<10240x128xf32, #tpu.memory_space<vmem_shared>>) offsets(%arg38 : memref<64xi32, #tpu.memory_space<vmem>>) semaphore(%arg18 : memref<!tpu.dma_semaphore, #tpu.memory_space<semaphore_mem>>) {add = true}
      %dma_wait3A_285 = arith.constant 0 : i32
      %dma_wait3A_286 = arith.constant 0 : i32
      %dma_wait3A_287 = tpu.memref_slice %arg2[%dma_wait3A_285, %dma_wait3A_286] : memref<10000x128xf32, #tpu.memory_space<hbm>> -> memref<10000x128xf32, #tpu.memory_space<hbm>>
      tpu.wait_indirect_dma semaphore(%arg14 : memref<!tpu.dma_semaphore, #tpu.memory_space<semaphore_mem>>) src(%dma_wait3A_287 : memref<10000x128xf32, #tpu.memory_space<hbm>>) dst(%arg44 : memref<64x128xf32, #tpu.memory_space<vmem>>)
      %dma_start3A_288 = arith.constant 0 : i32
      %dma_start3A_289 = arith.constant 0 : i32
      %dma_start3A_290 = tpu.memref_slice %arg7[%dma_start3A_288, %dma_start3A_289] : memref<10240x128xf32, #tpu.memory_space<vmem_shared>> -> memref<10240x128xf32, #tpu.memory_space<vmem_shared>>
      tpu.enqueue_indirect_dma source(%arg44 : memref<64x128xf32, #tpu.memory_space<vmem>>) target(%dma_start3A_290 : memref<10240x128xf32, #tpu.memory_space<vmem_shared>>) offsets(%arg39 : memref<64xi32, #tpu.memory_space<vmem>>) semaphore(%arg19 : memref<!tpu.dma_semaphore, #tpu.memory_space<semaphore_mem>>) {add = true}
      %dma_wait3A_291 = arith.constant 0 : i32
      %dma_wait3A_292 = arith.constant 0 : i32
      %dma_wait3A_293 = tpu.memref_slice %arg7[%dma_wait3A_291, %dma_wait3A_292] : memref<10240x128xf32, #tpu.memory_space<vmem_shared>> -> memref<10240x128xf32, #tpu.memory_space<vmem_shared>>
      tpu.wait_indirect_dma semaphore(%arg15 : memref<!tpu.dma_semaphore, #tpu.memory_space<semaphore_mem>>) src(%arg40 : memref<64x128xf32, #tpu.memory_space<vmem>>) dst(%dma_wait3A_293 : memref<10240x128xf32, #tpu.memory_space<vmem_shared>>)
      %dma_wait3A_294 = arith.constant 0 : i32
      %dma_wait3A_295 = arith.constant 0 : i32
      %dma_wait3A_296 = tpu.memref_slice %arg7[%dma_wait3A_294, %dma_wait3A_295] : memref<10240x128xf32, #tpu.memory_space<vmem_shared>> -> memref<10240x128xf32, #tpu.memory_space<vmem_shared>>
      tpu.wait_indirect_dma semaphore(%arg16 : memref<!tpu.dma_semaphore, #tpu.memory_space<semaphore_mem>>) src(%arg41 : memref<64x128xf32, #tpu.memory_space<vmem>>) dst(%dma_wait3A_296 : memref<10240x128xf32, #tpu.memory_space<vmem_shared>>)
      %dma_wait3A_297 = arith.constant 0 : i32
      %dma_wait3A_298 = arith.constant 0 : i32
      %dma_wait3A_299 = tpu.memref_slice %arg7[%dma_wait3A_297, %dma_wait3A_298] : memref<10240x128xf32, #tpu.memory_space<vmem_shared>> -> memref<10240x128xf32, #tpu.memory_space<vmem_shared>>
      tpu.wait_indirect_dma semaphore(%arg17 : memref<!tpu.dma_semaphore, #tpu.memory_space<semaphore_mem>>) src(%arg42 : memref<64x128xf32, #tpu.memory_space<vmem>>) dst(%dma_wait3A_299 : memref<10240x128xf32, #tpu.memory_space<vmem_shared>>)
      %dma_wait3A_300 = arith.constant 0 : i32
      %dma_wait3A_301 = arith.constant 0 : i32
      %dma_wait3A_302 = tpu.memref_slice %arg7[%dma_wait3A_300, %dma_wait3A_301] : memref<10240x128xf32, #tpu.memory_space<vmem_shared>> -> memref<10240x128xf32, #tpu.memory_space<vmem_shared>>
      tpu.wait_indirect_dma semaphore(%arg18 : memref<!tpu.dma_semaphore, #tpu.memory_space<semaphore_mem>>) src(%arg43 : memref<64x128xf32, #tpu.memory_space<vmem>>) dst(%dma_wait3A_302 : memref<10240x128xf32, #tpu.memory_space<vmem_shared>>)
      %dma_wait3A_303 = arith.constant 0 : i32
      %dma_wait3A_304 = arith.constant 0 : i32
      %dma_wait3A_305 = tpu.memref_slice %arg7[%dma_wait3A_303, %dma_wait3A_304] : memref<10240x128xf32, #tpu.memory_space<vmem_shared>> -> memref<10240x128xf32, #tpu.memory_space<vmem_shared>>
      tpu.wait_indirect_dma semaphore(%arg19 : memref<!tpu.dma_semaphore, #tpu.memory_space<semaphore_mem>>) src(%arg44 : memref<64x128xf32, #tpu.memory_space<vmem>>) dst(%dma_wait3A_305 : memref<10240x128xf32, #tpu.memory_space<vmem_shared>>)
    }
    %scan3A_29 = arith.constant 16 : i32
    %barrier3A_30 = arith.constant 0 : index
    tpu.barrier barrier_id(%barrier3A_30)
    %add3A_31 = arith.constant 0 : i32
    %add3A_32 = arith.addi %mul3A_4, %add3A_31 : i32
    "tpu.region"() ({
      %run_scoped3A = tpu.sem_alloc : memref<!tpu.dma_semaphore, #tpu.memory_space<semaphore_mem>>
      %dma_start3A = arith.constant 0 : i32
      %dma_start3A_51 = tpu.memref_slice %arg7[%add3A_32, %dma_start3A] : memref<10240x128xf32, #tpu.memory_space<vmem_shared>> -> memref<64x128xf32, #tpu.memory_space<vmem_shared>>
      %dma_start3A_52 = arith.constant 0 : i32
      %dma_start3A_53 = tpu.memref_slice %arg7[%add3A_32, %dma_start3A_52] : memref<10240x128xf32, #tpu.memory_space<vmem_shared>> -> memref<64x128xf32, #tpu.memory_space<vmem_shared>>
      tpu.enqueue_dma source(%dma_start3A_53 : memref<64x128xf32, #tpu.memory_space<vmem_shared>>) target(%arg40 : memref<64x128xf32, #tpu.memory_space<vmem>>) target_semaphore(%run_scoped3A : memref<!tpu.dma_semaphore, #tpu.memory_space<semaphore_mem>>)
      %dma_wait3A = arith.constant 0 : i32
      %dma_wait3A_54 = tpu.memref_slice %arg7[%add3A_32, %dma_wait3A] : memref<10240x128xf32, #tpu.memory_space<vmem_shared>> -> memref<64x128xf32, #tpu.memory_space<vmem_shared>>
      %dma_wait3A_55 = arith.constant 0 : i32
      %dma_wait3A_56 = tpu.memref_slice %arg7[%add3A_32, %dma_wait3A_55] : memref<10240x128xf32, #tpu.memory_space<vmem_shared>> -> memref<64x128xf32, #tpu.memory_space<vmem_shared>>
      tpu.wait_dma2 semaphore(%run_scoped3A : memref<!tpu.dma_semaphore, #tpu.memory_space<semaphore_mem>>) src(%dma_wait3A_56 : memref<64x128xf32, #tpu.memory_space<vmem_shared>>) dst(%arg40 : memref<64x128xf32, #tpu.memory_space<vmem>>)
      tpu.yield
    }) : () -> ()
    "tpu.region"() ({
      %run_scoped3A = tpu.sem_alloc : memref<!tpu.dma_semaphore, #tpu.memory_space<semaphore_mem>>
      %dma_start3A = arith.constant 0 : i32
      %dma_start3A_51 = tpu.memref_slice %arg6[%arg0, %add3A_32, %dma_start3A] : memref<2x10240x128xf32, #tpu.memory_space<hbm>> -> memref<1x64x128xf32, #tpu.memory_space<hbm>>
      %dma_start3A_52 = tpu.memref_squeeze %dma_start3A_51 : memref<1x64x128xf32, #tpu.memory_space<hbm>> -> memref<64x128xf32, #tpu.memory_space<hbm>>
      %dma_start3A_53 = arith.constant 0 : i32
      %dma_start3A_54 = tpu.memref_slice %arg6[%arg0, %add3A_32, %dma_start3A_53] : memref<2x10240x128xf32, #tpu.memory_space<hbm>> -> memref<1x64x128xf32, #tpu.memory_space<hbm>>
      %dma_start3A_55 = tpu.memref_squeeze %dma_start3A_54 : memref<1x64x128xf32, #tpu.memory_space<hbm>> -> memref<64x128xf32, #tpu.memory_space<hbm>>
      tpu.enqueue_dma source(%arg40 : memref<64x128xf32, #tpu.memory_space<vmem>>) target(%dma_start3A_55 : memref<64x128xf32, #tpu.memory_space<hbm>>) target_semaphore(%run_scoped3A : memref<!tpu.dma_semaphore, #tpu.memory_space<semaphore_mem>>)
      %dma_wait3A = arith.constant 0 : i32
      %dma_wait3A_56 = tpu.memref_slice %arg6[%arg0, %add3A_32, %dma_wait3A] : memref<2x10240x128xf32, #tpu.memory_space<hbm>> -> memref<1x64x128xf32, #tpu.memory_space<hbm>>
      %dma_wait3A_57 = tpu.memref_squeeze %dma_wait3A_56 : memref<1x64x128xf32, #tpu.memory_space<hbm>> -> memref<64x128xf32, #tpu.memory_space<hbm>>
      %dma_wait3A_58 = arith.constant 0 : i32
      %dma_wait3A_59 = tpu.memref_slice %arg6[%arg0, %add3A_32, %dma_wait3A_58] : memref<2x10240x128xf32, #tpu.memory_space<hbm>> -> memref<1x64x128xf32, #tpu.memory_space<hbm>>
      %dma_wait3A_60 = tpu.memref_squeeze %dma_wait3A_59 : memref<1x64x128xf32, #tpu.memory_space<hbm>> -> memref<64x128xf32, #tpu.memory_space<hbm>>
      tpu.wait_dma2 semaphore(%run_scoped3A : memref<!tpu.dma_semaphore, #tpu.memory_space<semaphore_mem>>) src(%arg40 : memref<64x128xf32, #tpu.memory_space<vmem>>) dst(%dma_wait3A_60 : memref<64x128xf32, #tpu.memory_space<hbm>>)
      tpu.yield
    }) : () -> ()
    %add3A_33 = arith.constant 64 : i32
    %add3A_34 = arith.addi %mul3A_4, %add3A_33 : i32
    "tpu.region"() ({
      %run_scoped3A = tpu.sem_alloc : memref<!tpu.dma_semaphore, #tpu.memory_space<semaphore_mem>>
      %dma_start3A = arith.constant 0 : i32
      %dma_start3A_51 = tpu.memref_slice %arg7[%add3A_34, %dma_start3A] : memref<10240x128xf32, #tpu.memory_space<vmem_shared>> -> memref<64x128xf32, #tpu.memory_space<vmem_shared>>
      %dma_start3A_52 = arith.constant 0 : i32
      %dma_start3A_53 = tpu.memref_slice %arg7[%add3A_34, %dma_start3A_52] : memref<10240x128xf32, #tpu.memory_space<vmem_shared>> -> memref<64x128xf32, #tpu.memory_space<vmem_shared>>
      tpu.enqueue_dma source(%dma_start3A_53 : memref<64x128xf32, #tpu.memory_space<vmem_shared>>) target(%arg40 : memref<64x128xf32, #tpu.memory_space<vmem>>) target_semaphore(%run_scoped3A : memref<!tpu.dma_semaphore, #tpu.memory_space<semaphore_mem>>)
      %dma_wait3A = arith.constant 0 : i32
      %dma_wait3A_54 = tpu.memref_slice %arg7[%add3A_34, %dma_wait3A] : memref<10240x128xf32, #tpu.memory_space<vmem_shared>> -> memref<64x128xf32, #tpu.memory_space<vmem_shared>>
      %dma_wait3A_55 = arith.constant 0 : i32
      %dma_wait3A_56 = tpu.memref_slice %arg7[%add3A_34, %dma_wait3A_55] : memref<10240x128xf32, #tpu.memory_space<vmem_shared>> -> memref<64x128xf32, #tpu.memory_space<vmem_shared>>
      tpu.wait_dma2 semaphore(%run_scoped3A : memref<!tpu.dma_semaphore, #tpu.memory_space<semaphore_mem>>) src(%dma_wait3A_56 : memref<64x128xf32, #tpu.memory_space<vmem_shared>>) dst(%arg40 : memref<64x128xf32, #tpu.memory_space<vmem>>)
      tpu.yield
    }) : () -> ()
    "tpu.region"() ({
      %run_scoped3A = tpu.sem_alloc : memref<!tpu.dma_semaphore, #tpu.memory_space<semaphore_mem>>
      %dma_start3A = arith.constant 0 : i32
      %dma_start3A_51 = tpu.memref_slice %arg6[%arg0, %add3A_34, %dma_start3A] : memref<2x10240x128xf32, #tpu.memory_space<hbm>> -> memref<1x64x128xf32, #tpu.memory_space<hbm>>
      %dma_start3A_52 = tpu.memref_squeeze %dma_start3A_51 : memref<1x64x128xf32, #tpu.memory_space<hbm>> -> memref<64x128xf32, #tpu.memory_space<hbm>>
      %dma_start3A_53 = arith.constant 0 : i32
      %dma_start3A_54 = tpu.memref_slice %arg6[%arg0, %add3A_34, %dma_start3A_53] : memref<2x10240x128xf32, #tpu.memory_space<hbm>> -> memref<1x64x128xf32, #tpu.memory_space<hbm>>
      %dma_start3A_55 = tpu.memref_squeeze %dma_start3A_54 : memref<1x64x128xf32, #tpu.memory_space<hbm>> -> memref<64x128xf32, #tpu.memory_space<hbm>>
      tpu.enqueue_dma source(%arg40 : memref<64x128xf32, #tpu.memory_space<vmem>>) target(%dma_start3A_55 : memref<64x128xf32, #tpu.memory_space<hbm>>) target_semaphore(%run_scoped3A : memref<!tpu.dma_semaphore, #tpu.memory_space<semaphore_mem>>)
      %dma_wait3A = arith.constant 0 : i32
      %dma_wait3A_56 = tpu.memref_slice %arg6[%arg0, %add3A_34, %dma_wait3A] : memref<2x10240x128xf32, #tpu.memory_space<hbm>> -> memref<1x64x128xf32, #tpu.memory_space<hbm>>
      %dma_wait3A_57 = tpu.memref_squeeze %dma_wait3A_56 : memref<1x64x128xf32, #tpu.memory_space<hbm>> -> memref<64x128xf32, #tpu.memory_space<hbm>>
      %dma_wait3A_58 = arith.constant 0 : i32
      %dma_wait3A_59 = tpu.memref_slice %arg6[%arg0, %add3A_34, %dma_wait3A_58] : memref<2x10240x128xf32, #tpu.memory_space<hbm>> -> memref<1x64x128xf32, #tpu.memory_space<hbm>>
      %dma_wait3A_60 = tpu.memref_squeeze %dma_wait3A_59 : memref<1x64x128xf32, #tpu.memory_space<hbm>> -> memref<64x128xf32, #tpu.memory_space<hbm>>
      tpu.wait_dma2 semaphore(%run_scoped3A : memref<!tpu.dma_semaphore, #tpu.memory_space<semaphore_mem>>) src(%arg40 : memref<64x128xf32, #tpu.memory_space<vmem>>) dst(%dma_wait3A_60 : memref<64x128xf32, #tpu.memory_space<hbm>>)
      tpu.yield
    }) : () -> ()
    %add3A_35 = arith.constant 128 : i32
    %add3A_36 = arith.addi %mul3A_4, %add3A_35 : i32
    "tpu.region"() ({
      %run_scoped3A = tpu.sem_alloc : memref<!tpu.dma_semaphore, #tpu.memory_space<semaphore_mem>>
      %dma_start3A = arith.constant 0 : i32
      %dma_start3A_51 = tpu.memref_slice %arg7[%add3A_36, %dma_start3A] : memref<10240x128xf32, #tpu.memory_space<vmem_shared>> -> memref<64x128xf32, #tpu.memory_space<vmem_shared>>
      %dma_start3A_52 = arith.constant 0 : i32
      %dma_start3A_53 = tpu.memref_slice %arg7[%add3A_36, %dma_start3A_52] : memref<10240x128xf32, #tpu.memory_space<vmem_shared>> -> memref<64x128xf32, #tpu.memory_space<vmem_shared>>
      tpu.enqueue_dma source(%dma_start3A_53 : memref<64x128xf32, #tpu.memory_space<vmem_shared>>) target(%arg40 : memref<64x128xf32, #tpu.memory_space<vmem>>) target_semaphore(%run_scoped3A : memref<!tpu.dma_semaphore, #tpu.memory_space<semaphore_mem>>)
      %dma_wait3A = arith.constant 0 : i32
      %dma_wait3A_54 = tpu.memref_slice %arg7[%add3A_36, %dma_wait3A] : memref<10240x128xf32, #tpu.memory_space<vmem_shared>> -> memref<64x128xf32, #tpu.memory_space<vmem_shared>>
      %dma_wait3A_55 = arith.constant 0 : i32
      %dma_wait3A_56 = tpu.memref_slice %arg7[%add3A_36, %dma_wait3A_55] : memref<10240x128xf32, #tpu.memory_space<vmem_shared>> -> memref<64x128xf32, #tpu.memory_space<vmem_shared>>
      tpu.wait_dma2 semaphore(%run_scoped3A : memref<!tpu.dma_semaphore, #tpu.memory_space<semaphore_mem>>) src(%dma_wait3A_56 : memref<64x128xf32, #tpu.memory_space<vmem_shared>>) dst(%arg40 : memref<64x128xf32, #tpu.memory_space<vmem>>)
      tpu.yield
    }) : () -> ()
    "tpu.region"() ({
      %run_scoped3A = tpu.sem_alloc : memref<!tpu.dma_semaphore, #tpu.memory_space<semaphore_mem>>
      %dma_start3A = arith.constant 0 : i32
      %dma_start3A_51 = tpu.memref_slice %arg6[%arg0, %add3A_36, %dma_start3A] : memref<2x10240x128xf32, #tpu.memory_space<hbm>> -> memref<1x64x128xf32, #tpu.memory_space<hbm>>
      %dma_start3A_52 = tpu.memref_squeeze %dma_start3A_51 : memref<1x64x128xf32, #tpu.memory_space<hbm>> -> memref<64x128xf32, #tpu.memory_space<hbm>>
      %dma_start3A_53 = arith.constant 0 : i32
      %dma_start3A_54 = tpu.memref_slice %arg6[%arg0, %add3A_36, %dma_start3A_53] : memref<2x10240x128xf32, #tpu.memory_space<hbm>> -> memref<1x64x128xf32, #tpu.memory_space<hbm>>
      %dma_start3A_55 = tpu.memref_squeeze %dma_start3A_54 : memref<1x64x128xf32, #tpu.memory_space<hbm>> -> memref<64x128xf32, #tpu.memory_space<hbm>>
      tpu.enqueue_dma source(%arg40 : memref<64x128xf32, #tpu.memory_space<vmem>>) target(%dma_start3A_55 : memref<64x128xf32, #tpu.memory_space<hbm>>) target_semaphore(%run_scoped3A : memref<!tpu.dma_semaphore, #tpu.memory_space<semaphore_mem>>)
      %dma_wait3A = arith.constant 0 : i32
      %dma_wait3A_56 = tpu.memref_slice %arg6[%arg0, %add3A_36, %dma_wait3A] : memref<2x10240x128xf32, #tpu.memory_space<hbm>> -> memref<1x64x128xf32, #tpu.memory_space<hbm>>
      %dma_wait3A_57 = tpu.memref_squeeze %dma_wait3A_56 : memref<1x64x128xf32, #tpu.memory_space<hbm>> -> memref<64x128xf32, #tpu.memory_space<hbm>>
      %dma_wait3A_58 = arith.constant 0 : i32
      %dma_wait3A_59 = tpu.memref_slice %arg6[%arg0, %add3A_36, %dma_wait3A_58] : memref<2x10240x128xf32, #tpu.memory_space<hbm>> -> memref<1x64x128xf32, #tpu.memory_space<hbm>>
      %dma_wait3A_60 = tpu.memref_squeeze %dma_wait3A_59 : memref<1x64x128xf32, #tpu.memory_space<hbm>> -> memref<64x128xf32, #tpu.memory_space<hbm>>
      tpu.wait_dma2 semaphore(%run_scoped3A : memref<!tpu.dma_semaphore, #tpu.memory_space<semaphore_mem>>) src(%arg40 : memref<64x128xf32, #tpu.memory_space<vmem>>) dst(%dma_wait3A_60 : memref<64x128xf32, #tpu.memory_space<hbm>>)
      tpu.yield
    }) : () -> ()
    %add3A_37 = arith.constant 192 : i32
    %add3A_38 = arith.addi %mul3A_4, %add3A_37 : i32
    "tpu.region"() ({
      %run_scoped3A = tpu.sem_alloc : memref<!tpu.dma_semaphore, #tpu.memory_space<semaphore_mem>>
      %dma_start3A = arith.constant 0 : i32
      %dma_start3A_51 = tpu.memref_slice %arg7[%add3A_38, %dma_start3A] : memref<10240x128xf32, #tpu.memory_space<vmem_shared>> -> memref<64x128xf32, #tpu.memory_space<vmem_shared>>
      %dma_start3A_52 = arith.constant 0 : i32
      %dma_start3A_53 = tpu.memref_slice %arg7[%add3A_38, %dma_start3A_52] : memref<10240x128xf32, #tpu.memory_space<vmem_shared>> -> memref<64x128xf32, #tpu.memory_space<vmem_shared>>
      tpu.enqueue_dma source(%dma_start3A_53 : memref<64x128xf32, #tpu.memory_space<vmem_shared>>) target(%arg40 : memref<64x128xf32, #tpu.memory_space<vmem>>) target_semaphore(%run_scoped3A : memref<!tpu.dma_semaphore, #tpu.memory_space<semaphore_mem>>)
      %dma_wait3A = arith.constant 0 : i32
      %dma_wait3A_54 = tpu.memref_slice %arg7[%add3A_38, %dma_wait3A] : memref<10240x128xf32, #tpu.memory_space<vmem_shared>> -> memref<64x128xf32, #tpu.memory_space<vmem_shared>>
      %dma_wait3A_55 = arith.constant 0 : i32
      %dma_wait3A_56 = tpu.memref_slice %arg7[%add3A_38, %dma_wait3A_55] : memref<10240x128xf32, #tpu.memory_space<vmem_shared>> -> memref<64x128xf32, #tpu.memory_space<vmem_shared>>
      tpu.wait_dma2 semaphore(%run_scoped3A : memref<!tpu.dma_semaphore, #tpu.memory_space<semaphore_mem>>) src(%dma_wait3A_56 : memref<64x128xf32, #tpu.memory_space<vmem_shared>>) dst(%arg40 : memref<64x128xf32, #tpu.memory_space<vmem>>)
      tpu.yield
    }) : () -> ()
    "tpu.region"() ({
      %run_scoped3A = tpu.sem_alloc : memref<!tpu.dma_semaphore, #tpu.memory_space<semaphore_mem>>
      %dma_start3A = arith.constant 0 : i32
      %dma_start3A_51 = tpu.memref_slice %arg6[%arg0, %add3A_38, %dma_start3A] : memref<2x10240x128xf32, #tpu.memory_space<hbm>> -> memref<1x64x128xf32, #tpu.memory_space<hbm>>
      %dma_start3A_52 = tpu.memref_squeeze %dma_start3A_51 : memref<1x64x128xf32, #tpu.memory_space<hbm>> -> memref<64x128xf32, #tpu.memory_space<hbm>>
      %dma_start3A_53 = arith.constant 0 : i32
      %dma_start3A_54 = tpu.memref_slice %arg6[%arg0, %add3A_38, %dma_start3A_53] : memref<2x10240x128xf32, #tpu.memory_space<hbm>> -> memref<1x64x128xf32, #tpu.memory_space<hbm>>
      %dma_start3A_55 = tpu.memref_squeeze %dma_start3A_54 : memref<1x64x128xf32, #tpu.memory_space<hbm>> -> memref<64x128xf32, #tpu.memory_space<hbm>>
      tpu.enqueue_dma source(%arg40 : memref<64x128xf32, #tpu.memory_space<vmem>>) target(%dma_start3A_55 : memref<64x128xf32, #tpu.memory_space<hbm>>) target_semaphore(%run_scoped3A : memref<!tpu.dma_semaphore, #tpu.memory_space<semaphore_mem>>)
      %dma_wait3A = arith.constant 0 : i32
      %dma_wait3A_56 = tpu.memref_slice %arg6[%arg0, %add3A_38, %dma_wait3A] : memref<2x10240x128xf32, #tpu.memory_space<hbm>> -> memref<1x64x128xf32, #tpu.memory_space<hbm>>
      %dma_wait3A_57 = tpu.memref_squeeze %dma_wait3A_56 : memref<1x64x128xf32, #tpu.memory_space<hbm>> -> memref<64x128xf32, #tpu.memory_space<hbm>>
      %dma_wait3A_58 = arith.constant 0 : i32
      %dma_wait3A_59 = tpu.memref_slice %arg6[%arg0, %add3A_38, %dma_wait3A_58] : memref<2x10240x128xf32, #tpu.memory_space<hbm>> -> memref<1x64x128xf32, #tpu.memory_space<hbm>>
      %dma_wait3A_60 = tpu.memref_squeeze %dma_wait3A_59 : memref<1x64x128xf32, #tpu.memory_space<hbm>> -> memref<64x128xf32, #tpu.memory_space<hbm>>
      tpu.wait_dma2 semaphore(%run_scoped3A : memref<!tpu.dma_semaphore, #tpu.memory_space<semaphore_mem>>) src(%arg40 : memref<64x128xf32, #tpu.memory_space<vmem>>) dst(%dma_wait3A_60 : memref<64x128xf32, #tpu.memory_space<hbm>>)
      tpu.yield
    }) : () -> ()
    %add3A_39 = arith.constant 256 : i32
    %add3A_40 = arith.addi %mul3A_4, %add3A_39 : i32
    "tpu.region"() ({
      %run_scoped3A = tpu.sem_alloc : memref<!tpu.dma_semaphore, #tpu.memory_space<semaphore_mem>>
      %dma_start3A = arith.constant 0 : i32
      %dma_start3A_51 = tpu.memref_slice %arg7[%add3A_40, %dma_start3A] : memref<10240x128xf32, #tpu.memory_space<vmem_shared>> -> memref<64x128xf32, #tpu.memory_space<vmem_shared>>
      %dma_start3A_52 = arith.constant 0 : i32
      %dma_start3A_53 = tpu.memref_slice %arg7[%add3A_40, %dma_start3A_52] : memref<10240x128xf32, #tpu.memory_space<vmem_shared>> -> memref<64x128xf32, #tpu.memory_space<vmem_shared>>
      tpu.enqueue_dma source(%dma_start3A_53 : memref<64x128xf32, #tpu.memory_space<vmem_shared>>) target(%arg40 : memref<64x128xf32, #tpu.memory_space<vmem>>) target_semaphore(%run_scoped3A : memref<!tpu.dma_semaphore, #tpu.memory_space<semaphore_mem>>)
      %dma_wait3A = arith.constant 0 : i32
      %dma_wait3A_54 = tpu.memref_slice %arg7[%add3A_40, %dma_wait3A] : memref<10240x128xf32, #tpu.memory_space<vmem_shared>> -> memref<64x128xf32, #tpu.memory_space<vmem_shared>>
      %dma_wait3A_55 = arith.constant 0 : i32
      %dma_wait3A_56 = tpu.memref_slice %arg7[%add3A_40, %dma_wait3A_55] : memref<10240x128xf32, #tpu.memory_space<vmem_shared>> -> memref<64x128xf32, #tpu.memory_space<vmem_shared>>
      tpu.wait_dma2 semaphore(%run_scoped3A : memref<!tpu.dma_semaphore, #tpu.memory_space<semaphore_mem>>) src(%dma_wait3A_56 : memref<64x128xf32, #tpu.memory_space<vmem_shared>>) dst(%arg40 : memref<64x128xf32, #tpu.memory_space<vmem>>)
      tpu.yield
    }) : () -> ()
    "tpu.region"() ({
      %run_scoped3A = tpu.sem_alloc : memref<!tpu.dma_semaphore, #tpu.memory_space<semaphore_mem>>
      %dma_start3A = arith.constant 0 : i32
      %dma_start3A_51 = tpu.memref_slice %arg6[%arg0, %add3A_40, %dma_start3A] : memref<2x10240x128xf32, #tpu.memory_space<hbm>> -> memref<1x64x128xf32, #tpu.memory_space<hbm>>
      %dma_start3A_52 = tpu.memref_squeeze %dma_start3A_51 : memref<1x64x128xf32, #tpu.memory_space<hbm>> -> memref<64x128xf32, #tpu.memory_space<hbm>>
      %dma_start3A_53 = arith.constant 0 : i32
      %dma_start3A_54 = tpu.memref_slice %arg6[%arg0, %add3A_40, %dma_start3A_53] : memref<2x10240x128xf32, #tpu.memory_space<hbm>> -> memref<1x64x128xf32, #tpu.memory_space<hbm>>
      %dma_start3A_55 = tpu.memref_squeeze %dma_start3A_54 : memref<1x64x128xf32, #tpu.memory_space<hbm>> -> memref<64x128xf32, #tpu.memory_space<hbm>>
      tpu.enqueue_dma source(%arg40 : memref<64x128xf32, #tpu.memory_space<vmem>>) target(%dma_start3A_55 : memref<64x128xf32, #tpu.memory_space<hbm>>) target_semaphore(%run_scoped3A : memref<!tpu.dma_semaphore, #tpu.memory_space<semaphore_mem>>)
      %dma_wait3A = arith.constant 0 : i32
      %dma_wait3A_56 = tpu.memref_slice %arg6[%arg0, %add3A_40, %dma_wait3A] : memref<2x10240x128xf32, #tpu.memory_space<hbm>> -> memref<1x64x128xf32, #tpu.memory_space<hbm>>
      %dma_wait3A_57 = tpu.memref_squeeze %dma_wait3A_56 : memref<1x64x128xf32, #tpu.memory_space<hbm>> -> memref<64x128xf32, #tpu.memory_space<hbm>>
      %dma_wait3A_58 = arith.constant 0 : i32
      %dma_wait3A_59 = tpu.memref_slice %arg6[%arg0, %add3A_40, %dma_wait3A_58] : memref<2x10240x128xf32, #tpu.memory_space<hbm>> -> memref<1x64x128xf32, #tpu.memory_space<hbm>>
      %dma_wait3A_60 = tpu.memref_squeeze %dma_wait3A_59 : memref<1x64x128xf32, #tpu.memory_space<hbm>> -> memref<64x128xf32, #tpu.memory_space<hbm>>
      tpu.wait_dma2 semaphore(%run_scoped3A : memref<!tpu.dma_semaphore, #tpu.memory_space<semaphore_mem>>) src(%arg40 : memref<64x128xf32, #tpu.memory_space<vmem>>) dst(%dma_wait3A_60 : memref<64x128xf32, #tpu.memory_space<hbm>>)
      tpu.yield
    }) : () -> ()
    %add3A_41 = arith.constant 320 : i32
    %add3A_42 = arith.addi %mul3A_4, %add3A_41 : i32
    "tpu.region"() ({
      %run_scoped3A = tpu.sem_alloc : memref<!tpu.dma_semaphore, #tpu.memory_space<semaphore_mem>>
      %dma_start3A = arith.constant 0 : i32
      %dma_start3A_51 = tpu.memref_slice %arg7[%add3A_42, %dma_start3A] : memref<10240x128xf32, #tpu.memory_space<vmem_shared>> -> memref<64x128xf32, #tpu.memory_space<vmem_shared>>
      %dma_start3A_52 = arith.constant 0 : i32
      %dma_start3A_53 = tpu.memref_slice %arg7[%add3A_42, %dma_start3A_52] : memref<10240x128xf32, #tpu.memory_space<vmem_shared>> -> memref<64x128xf32, #tpu.memory_space<vmem_shared>>
      tpu.enqueue_dma source(%dma_start3A_53 : memref<64x128xf32, #tpu.memory_space<vmem_shared>>) target(%arg40 : memref<64x128xf32, #tpu.memory_space<vmem>>) target_semaphore(%run_scoped3A : memref<!tpu.dma_semaphore, #tpu.memory_space<semaphore_mem>>)
      %dma_wait3A = arith.constant 0 : i32
      %dma_wait3A_54 = tpu.memref_slice %arg7[%add3A_42, %dma_wait3A] : memref<10240x128xf32, #tpu.memory_space<vmem_shared>> -> memref<64x128xf32, #tpu.memory_space<vmem_shared>>
      %dma_wait3A_55 = arith.constant 0 : i32
      %dma_wait3A_56 = tpu.memref_slice %arg7[%add3A_42, %dma_wait3A_55] : memref<10240x128xf32, #tpu.memory_space<vmem_shared>> -> memref<64x128xf32, #tpu.memory_space<vmem_shared>>
      tpu.wait_dma2 semaphore(%run_scoped3A : memref<!tpu.dma_semaphore, #tpu.memory_space<semaphore_mem>>) src(%dma_wait3A_56 : memref<64x128xf32, #tpu.memory_space<vmem_shared>>) dst(%arg40 : memref<64x128xf32, #tpu.memory_space<vmem>>)
      tpu.yield
    }) : () -> ()
    "tpu.region"() ({
      %run_scoped3A = tpu.sem_alloc : memref<!tpu.dma_semaphore, #tpu.memory_space<semaphore_mem>>
      %dma_start3A = arith.constant 0 : i32
      %dma_start3A_51 = tpu.memref_slice %arg6[%arg0, %add3A_42, %dma_start3A] : memref<2x10240x128xf32, #tpu.memory_space<hbm>> -> memref<1x64x128xf32, #tpu.memory_space<hbm>>
      %dma_start3A_52 = tpu.memref_squeeze %dma_start3A_51 : memref<1x64x128xf32, #tpu.memory_space<hbm>> -> memref<64x128xf32, #tpu.memory_space<hbm>>
      %dma_start3A_53 = arith.constant 0 : i32
      %dma_start3A_54 = tpu.memref_slice %arg6[%arg0, %add3A_42, %dma_start3A_53] : memref<2x10240x128xf32, #tpu.memory_space<hbm>> -> memref<1x64x128xf32, #tpu.memory_space<hbm>>
      %dma_start3A_55 = tpu.memref_squeeze %dma_start3A_54 : memref<1x64x128xf32, #tpu.memory_space<hbm>> -> memref<64x128xf32, #tpu.memory_space<hbm>>
      tpu.enqueue_dma source(%arg40 : memref<64x128xf32, #tpu.memory_space<vmem>>) target(%dma_start3A_55 : memref<64x128xf32, #tpu.memory_space<hbm>>) target_semaphore(%run_scoped3A : memref<!tpu.dma_semaphore, #tpu.memory_space<semaphore_mem>>)
      %dma_wait3A = arith.constant 0 : i32
      %dma_wait3A_56 = tpu.memref_slice %arg6[%arg0, %add3A_42, %dma_wait3A] : memref<2x10240x128xf32, #tpu.memory_space<hbm>> -> memref<1x64x128xf32, #tpu.memory_space<hbm>>
      %dma_wait3A_57 = tpu.memref_squeeze %dma_wait3A_56 : memref<1x64x128xf32, #tpu.memory_space<hbm>> -> memref<64x128xf32, #tpu.memory_space<hbm>>
      %dma_wait3A_58 = arith.constant 0 : i32
      %dma_wait3A_59 = tpu.memref_slice %arg6[%arg0, %add3A_42, %dma_wait3A_58] : memref<2x10240x128xf32, #tpu.memory_space<hbm>> -> memref<1x64x128xf32, #tpu.memory_space<hbm>>
      %dma_wait3A_60 = tpu.memref_squeeze %dma_wait3A_59 : memref<1x64x128xf32, #tpu.memory_space<hbm>> -> memref<64x128xf32, #tpu.memory_space<hbm>>
      tpu.wait_dma2 semaphore(%run_scoped3A : memref<!tpu.dma_semaphore, #tpu.memory_space<semaphore_mem>>) src(%arg40 : memref<64x128xf32, #tpu.memory_space<vmem>>) dst(%dma_wait3A_60 : memref<64x128xf32, #tpu.memory_space<hbm>>)
      tpu.yield
    }) : () -> ()
    %add3A_43 = arith.constant 384 : i32
    %add3A_44 = arith.addi %mul3A_4, %add3A_43 : i32
    "tpu.region"() ({
      %run_scoped3A = tpu.sem_alloc : memref<!tpu.dma_semaphore, #tpu.memory_space<semaphore_mem>>
      %dma_start3A = arith.constant 0 : i32
      %dma_start3A_51 = tpu.memref_slice %arg7[%add3A_44, %dma_start3A] : memref<10240x128xf32, #tpu.memory_space<vmem_shared>> -> memref<64x128xf32, #tpu.memory_space<vmem_shared>>
      %dma_start3A_52 = arith.constant 0 : i32
      %dma_start3A_53 = tpu.memref_slice %arg7[%add3A_44, %dma_start3A_52] : memref<10240x128xf32, #tpu.memory_space<vmem_shared>> -> memref<64x128xf32, #tpu.memory_space<vmem_shared>>
      tpu.enqueue_dma source(%dma_start3A_53 : memref<64x128xf32, #tpu.memory_space<vmem_shared>>) target(%arg40 : memref<64x128xf32, #tpu.memory_space<vmem>>) target_semaphore(%run_scoped3A : memref<!tpu.dma_semaphore, #tpu.memory_space<semaphore_mem>>)
      %dma_wait3A = arith.constant 0 : i32
      %dma_wait3A_54 = tpu.memref_slice %arg7[%add3A_44, %dma_wait3A] : memref<10240x128xf32, #tpu.memory_space<vmem_shared>> -> memref<64x128xf32, #tpu.memory_space<vmem_shared>>
      %dma_wait3A_55 = arith.constant 0 : i32
      %dma_wait3A_56 = tpu.memref_slice %arg7[%add3A_44, %dma_wait3A_55] : memref<10240x128xf32, #tpu.memory_space<vmem_shared>> -> memref<64x128xf32, #tpu.memory_space<vmem_shared>>
      tpu.wait_dma2 semaphore(%run_scoped3A : memref<!tpu.dma_semaphore, #tpu.memory_space<semaphore_mem>>) src(%dma_wait3A_56 : memref<64x128xf32, #tpu.memory_space<vmem_shared>>) dst(%arg40 : memref<64x128xf32, #tpu.memory_space<vmem>>)
      tpu.yield
    }) : () -> ()
    "tpu.region"() ({
      %run_scoped3A = tpu.sem_alloc : memref<!tpu.dma_semaphore, #tpu.memory_space<semaphore_mem>>
      %dma_start3A = arith.constant 0 : i32
      %dma_start3A_51 = tpu.memref_slice %arg6[%arg0, %add3A_44, %dma_start3A] : memref<2x10240x128xf32, #tpu.memory_space<hbm>> -> memref<1x64x128xf32, #tpu.memory_space<hbm>>
      %dma_start3A_52 = tpu.memref_squeeze %dma_start3A_51 : memref<1x64x128xf32, #tpu.memory_space<hbm>> -> memref<64x128xf32, #tpu.memory_space<hbm>>
      %dma_start3A_53 = arith.constant 0 : i32
      %dma_start3A_54 = tpu.memref_slice %arg6[%arg0, %add3A_44, %dma_start3A_53] : memref<2x10240x128xf32, #tpu.memory_space<hbm>> -> memref<1x64x128xf32, #tpu.memory_space<hbm>>
      %dma_start3A_55 = tpu.memref_squeeze %dma_start3A_54 : memref<1x64x128xf32, #tpu.memory_space<hbm>> -> memref<64x128xf32, #tpu.memory_space<hbm>>
      tpu.enqueue_dma source(%arg40 : memref<64x128xf32, #tpu.memory_space<vmem>>) target(%dma_start3A_55 : memref<64x128xf32, #tpu.memory_space<hbm>>) target_semaphore(%run_scoped3A : memref<!tpu.dma_semaphore, #tpu.memory_space<semaphore_mem>>)
      %dma_wait3A = arith.constant 0 : i32
      %dma_wait3A_56 = tpu.memref_slice %arg6[%arg0, %add3A_44, %dma_wait3A] : memref<2x10240x128xf32, #tpu.memory_space<hbm>> -> memref<1x64x128xf32, #tpu.memory_space<hbm>>
      %dma_wait3A_57 = tpu.memref_squeeze %dma_wait3A_56 : memref<1x64x128xf32, #tpu.memory_space<hbm>> -> memref<64x128xf32, #tpu.memory_space<hbm>>
      %dma_wait3A_58 = arith.constant 0 : i32
      %dma_wait3A_59 = tpu.memref_slice %arg6[%arg0, %add3A_44, %dma_wait3A_58] : memref<2x10240x128xf32, #tpu.memory_space<hbm>> -> memref<1x64x128xf32, #tpu.memory_space<hbm>>
      %dma_wait3A_60 = tpu.memref_squeeze %dma_wait3A_59 : memref<1x64x128xf32, #tpu.memory_space<hbm>> -> memref<64x128xf32, #tpu.memory_space<hbm>>
      tpu.wait_dma2 semaphore(%run_scoped3A : memref<!tpu.dma_semaphore, #tpu.memory_space<semaphore_mem>>) src(%arg40 : memref<64x128xf32, #tpu.memory_space<vmem>>) dst(%dma_wait3A_60 : memref<64x128xf32, #tpu.memory_space<hbm>>)
      tpu.yield
    }) : () -> ()
    %add3A_45 = arith.constant 448 : i32
    %add3A_46 = arith.addi %mul3A_4, %add3A_45 : i32
    "tpu.region"() ({
      %run_scoped3A = tpu.sem_alloc : memref<!tpu.dma_semaphore, #tpu.memory_space<semaphore_mem>>
      %dma_start3A = arith.constant 0 : i32
      %dma_start3A_51 = tpu.memref_slice %arg7[%add3A_46, %dma_start3A] : memref<10240x128xf32, #tpu.memory_space<vmem_shared>> -> memref<64x128xf32, #tpu.memory_space<vmem_shared>>
      %dma_start3A_52 = arith.constant 0 : i32
      %dma_start3A_53 = tpu.memref_slice %arg7[%add3A_46, %dma_start3A_52] : memref<10240x128xf32, #tpu.memory_space<vmem_shared>> -> memref<64x128xf32, #tpu.memory_space<vmem_shared>>
      tpu.enqueue_dma source(%dma_start3A_53 : memref<64x128xf32, #tpu.memory_space<vmem_shared>>) target(%arg40 : memref<64x128xf32, #tpu.memory_space<vmem>>) target_semaphore(%run_scoped3A : memref<!tpu.dma_semaphore, #tpu.memory_space<semaphore_mem>>)
      %dma_wait3A = arith.constant 0 : i32
      %dma_wait3A_54 = tpu.memref_slice %arg7[%add3A_46, %dma_wait3A] : memref<10240x128xf32, #tpu.memory_space<vmem_shared>> -> memref<64x128xf32, #tpu.memory_space<vmem_shared>>
      %dma_wait3A_55 = arith.constant 0 : i32
      %dma_wait3A_56 = tpu.memref_slice %arg7[%add3A_46, %dma_wait3A_55] : memref<10240x128xf32, #tpu.memory_space<vmem_shared>> -> memref<64x128xf32, #tpu.memory_space<vmem_shared>>
      tpu.wait_dma2 semaphore(%run_scoped3A : memref<!tpu.dma_semaphore, #tpu.memory_space<semaphore_mem>>) src(%dma_wait3A_56 : memref<64x128xf32, #tpu.memory_space<vmem_shared>>) dst(%arg40 : memref<64x128xf32, #tpu.memory_space<vmem>>)
      tpu.yield
    }) : () -> ()
    "tpu.region"() ({
      %run_scoped3A = tpu.sem_alloc : memref<!tpu.dma_semaphore, #tpu.memory_space<semaphore_mem>>
      %dma_start3A = arith.constant 0 : i32
      %dma_start3A_51 = tpu.memref_slice %arg6[%arg0, %add3A_46, %dma_start3A] : memref<2x10240x128xf32, #tpu.memory_space<hbm>> -> memref<1x64x128xf32, #tpu.memory_space<hbm>>
      %dma_start3A_52 = tpu.memref_squeeze %dma_start3A_51 : memref<1x64x128xf32, #tpu.memory_space<hbm>> -> memref<64x128xf32, #tpu.memory_space<hbm>>
      %dma_start3A_53 = arith.constant 0 : i32
      %dma_start3A_54 = tpu.memref_slice %arg6[%arg0, %add3A_46, %dma_start3A_53] : memref<2x10240x128xf32, #tpu.memory_space<hbm>> -> memref<1x64x128xf32, #tpu.memory_space<hbm>>
      %dma_start3A_55 = tpu.memref_squeeze %dma_start3A_54 : memref<1x64x128xf32, #tpu.memory_space<hbm>> -> memref<64x128xf32, #tpu.memory_space<hbm>>
      tpu.enqueue_dma source(%arg40 : memref<64x128xf32, #tpu.memory_space<vmem>>) target(%dma_start3A_55 : memref<64x128xf32, #tpu.memory_space<hbm>>) target_semaphore(%run_scoped3A : memref<!tpu.dma_semaphore, #tpu.memory_space<semaphore_mem>>)
      %dma_wait3A = arith.constant 0 : i32
      %dma_wait3A_56 = tpu.memref_slice %arg6[%arg0, %add3A_46, %dma_wait3A] : memref<2x10240x128xf32, #tpu.memory_space<hbm>> -> memref<1x64x128xf32, #tpu.memory_space<hbm>>
      %dma_wait3A_57 = tpu.memref_squeeze %dma_wait3A_56 : memref<1x64x128xf32, #tpu.memory_space<hbm>> -> memref<64x128xf32, #tpu.memory_space<hbm>>
      %dma_wait3A_58 = arith.constant 0 : i32
      %dma_wait3A_59 = tpu.memref_slice %arg6[%arg0, %add3A_46, %dma_wait3A_58] : memref<2x10240x128xf32, #tpu.memory_space<hbm>> -> memref<1x64x128xf32, #tpu.memory_space<hbm>>
      %dma_wait3A_60 = tpu.memref_squeeze %dma_wait3A_59 : memref<1x64x128xf32, #tpu.memory_space<hbm>> -> memref<64x128xf32, #tpu.memory_space<hbm>>
      tpu.wait_dma2 semaphore(%run_scoped3A : memref<!tpu.dma_semaphore, #tpu.memory_space<semaphore_mem>>) src(%arg40 : memref<64x128xf32, #tpu.memory_space<vmem>>) dst(%dma_wait3A_60 : memref<64x128xf32, #tpu.memory_space<hbm>>)
      tpu.yield
    }) : () -> ()
    %add3A_47 = arith.constant 512 : i32
    %add3A_48 = arith.addi %mul3A_4, %add3A_47 : i32
    "tpu.region"() ({
      %run_scoped3A = tpu.sem_alloc : memref<!tpu.dma_semaphore, #tpu.memory_space<semaphore_mem>>
      %dma_start3A = arith.constant 0 : i32
      %dma_start3A_51 = tpu.memref_slice %arg7[%add3A_48, %dma_start3A] : memref<10240x128xf32, #tpu.memory_space<vmem_shared>> -> memref<64x128xf32, #tpu.memory_space<vmem_shared>>
      %dma_start3A_52 = arith.constant 0 : i32
      %dma_start3A_53 = tpu.memref_slice %arg7[%add3A_48, %dma_start3A_52] : memref<10240x128xf32, #tpu.memory_space<vmem_shared>> -> memref<64x128xf32, #tpu.memory_space<vmem_shared>>
      tpu.enqueue_dma source(%dma_start3A_53 : memref<64x128xf32, #tpu.memory_space<vmem_shared>>) target(%arg40 : memref<64x128xf32, #tpu.memory_space<vmem>>) target_semaphore(%run_scoped3A : memref<!tpu.dma_semaphore, #tpu.memory_space<semaphore_mem>>)
      %dma_wait3A = arith.constant 0 : i32
      %dma_wait3A_54 = tpu.memref_slice %arg7[%add3A_48, %dma_wait3A] : memref<10240x128xf32, #tpu.memory_space<vmem_shared>> -> memref<64x128xf32, #tpu.memory_space<vmem_shared>>
      %dma_wait3A_55 = arith.constant 0 : i32
      %dma_wait3A_56 = tpu.memref_slice %arg7[%add3A_48, %dma_wait3A_55] : memref<10240x128xf32, #tpu.memory_space<vmem_shared>> -> memref<64x128xf32, #tpu.memory_space<vmem_shared>>
      tpu.wait_dma2 semaphore(%run_scoped3A : memref<!tpu.dma_semaphore, #tpu.memory_space<semaphore_mem>>) src(%dma_wait3A_56 : memref<64x128xf32, #tpu.memory_space<vmem_shared>>) dst(%arg40 : memref<64x128xf32, #tpu.memory_space<vmem>>)
      tpu.yield
    }) : () -> ()
    "tpu.region"() ({
      %run_scoped3A = tpu.sem_alloc : memref<!tpu.dma_semaphore, #tpu.memory_space<semaphore_mem>>
      %dma_start3A = arith.constant 0 : i32
      %dma_start3A_51 = tpu.memref_slice %arg6[%arg0, %add3A_48, %dma_start3A] : memref<2x10240x128xf32, #tpu.memory_space<hbm>> -> memref<1x64x128xf32, #tpu.memory_space<hbm>>
      %dma_start3A_52 = tpu.memref_squeeze %dma_start3A_51 : memref<1x64x128xf32, #tpu.memory_space<hbm>> -> memref<64x128xf32, #tpu.memory_space<hbm>>
      %dma_start3A_53 = arith.constant 0 : i32
      %dma_start3A_54 = tpu.memref_slice %arg6[%arg0, %add3A_48, %dma_start3A_53] : memref<2x10240x128xf32, #tpu.memory_space<hbm>> -> memref<1x64x128xf32, #tpu.memory_space<hbm>>
      %dma_start3A_55 = tpu.memref_squeeze %dma_start3A_54 : memref<1x64x128xf32, #tpu.memory_space<hbm>> -> memref<64x128xf32, #tpu.memory_space<hbm>>
      tpu.enqueue_dma source(%arg40 : memref<64x128xf32, #tpu.memory_space<vmem>>) target(%dma_start3A_55 : memref<64x128xf32, #tpu.memory_space<hbm>>) target_semaphore(%run_scoped3A : memref<!tpu.dma_semaphore, #tpu.memory_space<semaphore_mem>>)
      %dma_wait3A = arith.constant 0 : i32
      %dma_wait3A_56 = tpu.memref_slice %arg6[%arg0, %add3A_48, %dma_wait3A] : memref<2x10240x128xf32, #tpu.memory_space<hbm>> -> memref<1x64x128xf32, #tpu.memory_space<hbm>>
      %dma_wait3A_57 = tpu.memref_squeeze %dma_wait3A_56 : memref<1x64x128xf32, #tpu.memory_space<hbm>> -> memref<64x128xf32, #tpu.memory_space<hbm>>
      %dma_wait3A_58 = arith.constant 0 : i32
      %dma_wait3A_59 = tpu.memref_slice %arg6[%arg0, %add3A_48, %dma_wait3A_58] : memref<2x10240x128xf32, #tpu.memory_space<hbm>> -> memref<1x64x128xf32, #tpu.memory_space<hbm>>
      %dma_wait3A_60 = tpu.memref_squeeze %dma_wait3A_59 : memref<1x64x128xf32, #tpu.memory_space<hbm>> -> memref<64x128xf32, #tpu.memory_space<hbm>>
      tpu.wait_dma2 semaphore(%run_scoped3A : memref<!tpu.dma_semaphore, #tpu.memory_space<semaphore_mem>>) src(%arg40 : memref<64x128xf32, #tpu.memory_space<vmem>>) dst(%dma_wait3A_60 : memref<64x128xf32, #tpu.memory_space<hbm>>)
      tpu.yield
    }) : () -> ()
    %add3A_49 = arith.constant 576 : i32
    %add3A_50 = arith.addi %mul3A_4, %add3A_49 : i32
    "tpu.region"() ({
      %run_scoped3A = tpu.sem_alloc : memref<!tpu.dma_semaphore, #tpu.memory_space<semaphore_mem>>
      %dma_start3A = arith.constant 0 : i32
      %dma_start3A_51 = tpu.memref_slice %arg7[%add3A_50, %dma_start3A] : memref<10240x128xf32, #tpu.memory_space<vmem_shared>> -> memref<64x128xf32, #tpu.memory_space<vmem_shared>>
      %dma_start3A_52 = arith.constant 0 : i32
      %dma_start3A_53 = tpu.memref_slice %arg7[%add3A_50, %dma_start3A_52] : memref<10240x128xf32, #tpu.memory_space<vmem_shared>> -> memref<64x128xf32, #tpu.memory_space<vmem_shared>>
      tpu.enqueue_dma source(%dma_start3A_53 : memref<64x128xf32, #tpu.memory_space<vmem_shared>>) target(%arg40 : memref<64x128xf32, #tpu.memory_space<vmem>>) target_semaphore(%run_scoped3A : memref<!tpu.dma_semaphore, #tpu.memory_space<semaphore_mem>>)
      %dma_wait3A = arith.constant 0 : i32
      %dma_wait3A_54 = tpu.memref_slice %arg7[%add3A_50, %dma_wait3A] : memref<10240x128xf32, #tpu.memory_space<vmem_shared>> -> memref<64x128xf32, #tpu.memory_space<vmem_shared>>
      %dma_wait3A_55 = arith.constant 0 : i32
      %dma_wait3A_56 = tpu.memref_slice %arg7[%add3A_50, %dma_wait3A_55] : memref<10240x128xf32, #tpu.memory_space<vmem_shared>> -> memref<64x128xf32, #tpu.memory_space<vmem_shared>>
      tpu.wait_dma2 semaphore(%run_scoped3A : memref<!tpu.dma_semaphore, #tpu.memory_space<semaphore_mem>>) src(%dma_wait3A_56 : memref<64x128xf32, #tpu.memory_space<vmem_shared>>) dst(%arg40 : memref<64x128xf32, #tpu.memory_space<vmem>>)
      tpu.yield
    }) : () -> ()
    "tpu.region"() ({
      %run_scoped3A = tpu.sem_alloc : memref<!tpu.dma_semaphore, #tpu.memory_space<semaphore_mem>>
      %dma_start3A = arith.constant 0 : i32
      %dma_start3A_51 = tpu.memref_slice %arg6[%arg0, %add3A_50, %dma_start3A] : memref<2x10240x128xf32, #tpu.memory_space<hbm>> -> memref<1x64x128xf32, #tpu.memory_space<hbm>>
      %dma_start3A_52 = tpu.memref_squeeze %dma_start3A_51 : memref<1x64x128xf32, #tpu.memory_space<hbm>> -> memref<64x128xf32, #tpu.memory_space<hbm>>
      %dma_start3A_53 = arith.constant 0 : i32
      %dma_start3A_54 = tpu.memref_slice %arg6[%arg0, %add3A_50, %dma_start3A_53] : memref<2x10240x128xf32, #tpu.memory_space<hbm>> -> memref<1x64x128xf32, #tpu.memory_space<hbm>>
      %dma_start3A_55 = tpu.memref_squeeze %dma_start3A_54 : memref<1x64x128xf32, #tpu.memory_space<hbm>> -> memref<64x128xf32, #tpu.memory_space<hbm>>
      tpu.enqueue_dma source(%arg40 : memref<64x128xf32, #tpu.memory_space<vmem>>) target(%dma_start3A_55 : memref<64x128xf32, #tpu.memory_space<hbm>>) target_semaphore(%run_scoped3A : memref<!tpu.dma_semaphore, #tpu.memory_space<semaphore_mem>>)
      %dma_wait3A = arith.constant 0 : i32
      %dma_wait3A_56 = tpu.memref_slice %arg6[%arg0, %add3A_50, %dma_wait3A] : memref<2x10240x128xf32, #tpu.memory_space<hbm>> -> memref<1x64x128xf32, #tpu.memory_space<hbm>>
      %dma_wait3A_57 = tpu.memref_squeeze %dma_wait3A_56 : memref<1x64x128xf32, #tpu.memory_space<hbm>> -> memref<64x128xf32, #tpu.memory_space<hbm>>
      %dma_wait3A_58 = arith.constant 0 : i32
      %dma_wait3A_59 = tpu.memref_slice %arg6[%arg0, %add3A_50, %dma_wait3A_58] : memref<2x10240x128xf32, #tpu.memory_space<hbm>> -> memref<1x64x128xf32, #tpu.memory_space<hbm>>
      %dma_wait3A_60 = tpu.memref_squeeze %dma_wait3A_59 : memref<1x64x128xf32, #tpu.memory_space<hbm>> -> memref<64x128xf32, #tpu.memory_space<hbm>>
      tpu.wait_dma2 semaphore(%run_scoped3A : memref<!tpu.dma_semaphore, #tpu.memory_space<semaphore_mem>>) src(%arg40 : memref<64x128xf32, #tpu.memory_space<vmem>>) dst(%dma_wait3A_60 : memref<64x128xf32, #tpu.memory_space<hbm>>)
      tpu.yield
    }) : () -> ()
    return
  }
}

#map = affine_map<(d0, d1) -> (0)>
#map1 = affine_map<(d0, d1) -> (0, 0, 0)>
module attributes {stable_mosaic.version = 14 : i64} {
  func.func @k(%arg0: i32, %arg1: i32, %arg2: memref<327680xi32, #tpu.memory_space<hbm>>, %arg3: memref<327680xi32, #tpu.memory_space<hbm>>, %arg4: memref<64xf32, #tpu.memory_space<hbm>>, %arg5: memref<640xf32, #tpu.memory_space<hbm>>, %arg6: memref<2x2x10240xf32, #tpu.memory_space<hbm>>, %arg7: memref<64xf32, #tpu.memory_space<vmem>>, %arg8: memref<640xf32, #tpu.memory_space<vmem>>, %arg9: memref<10240xf32, #tpu.memory_space<vmem_shared>>, %arg10: memref<10240xf32, #tpu.memory_space<vmem_shared>>, %arg11: memref<!tpu.dma_semaphore, #tpu.memory_space<semaphore_mem>>, %arg12: memref<!tpu.dma_semaphore, #tpu.memory_space<semaphore_mem>>, %arg13: memref<64xi32, #tpu.memory_space<vmem>>, %arg14: memref<64xi32, #tpu.memory_space<vmem>>, %arg15: memref<64xi32, #tpu.memory_space<vmem>>, %arg16: memref<64xi32, #tpu.memory_space<vmem>>, %arg17: memref<64xi32, #tpu.memory_space<vmem>>, %arg18: memref<64xi32, #tpu.memory_space<vmem>>, %arg19: memref<64xi32, #tpu.memory_space<vmem>>, %arg20: memref<64xi32, #tpu.memory_space<vmem>>, %arg21: memref<64xi32, #tpu.memory_space<vmem>>, %arg22: memref<64xi32, #tpu.memory_space<vmem>>) attributes {dimension_semantics = [#tpu.dimension_semantics<core_parallel>, #tpu.dimension_semantics<subcore_parallel>], iteration_bounds = array<i64: 2, 16>, scalar_prefetch = 0 : i64, scratch_operands = 16 : i64, tpu.core_type = #tpu.core_type<sc_vector_subcore>, window_params = [{transform_indices = #map}, {transform_indices = #map}, {transform_indices = #map}, {transform_indices = #map}, {transform_indices = #map1}]} {
    %mul3A = arith.constant 2 : i32
    %mul3A_0 = arith.muli %arg1, %mul3A : i32
    %add3A = arith.addi %mul3A_0, %arg0 : i32
    %mul3A_1 = arith.constant 10240 : i32
    %mul3A_2 = arith.muli %add3A, %mul3A_1 : i32
    %mul3A_3 = arith.constant 640 : i32
    %mul3A_4 = arith.muli %arg1, %mul3A_3 : i32
    "tpu.region"() ({
      %run_scoped3A_12 = tpu.sem_alloc : memref<!tpu.dma_semaphore, #tpu.memory_space<semaphore_mem>>
      tpu.enqueue_dma source(%arg4 : memref<64xf32, #tpu.memory_space<hbm>>) target(%arg7 : memref<64xf32, #tpu.memory_space<vmem>>) target_semaphore(%run_scoped3A_12 : memref<!tpu.dma_semaphore, #tpu.memory_space<semaphore_mem>>)
      tpu.wait_dma2 semaphore(%run_scoped3A_12 : memref<!tpu.dma_semaphore, #tpu.memory_space<semaphore_mem>>) src(%arg4 : memref<64xf32, #tpu.memory_space<hbm>>) dst(%arg7 : memref<64xf32, #tpu.memory_space<vmem>>)
      tpu.yield
    }) : () -> ()
    "tpu.region"() ({
      %run_scoped3A_12 = tpu.sem_alloc : memref<!tpu.dma_semaphore, #tpu.memory_space<semaphore_mem>>
      tpu.enqueue_dma source(%arg5 : memref<640xf32, #tpu.memory_space<hbm>>) target(%arg8 : memref<640xf32, #tpu.memory_space<vmem>>) target_semaphore(%run_scoped3A_12 : memref<!tpu.dma_semaphore, #tpu.memory_space<semaphore_mem>>)
      tpu.wait_dma2 semaphore(%run_scoped3A_12 : memref<!tpu.dma_semaphore, #tpu.memory_space<semaphore_mem>>) src(%arg5 : memref<640xf32, #tpu.memory_space<hbm>>) dst(%arg8 : memref<640xf32, #tpu.memory_space<vmem>>)
      tpu.yield
    }) : () -> ()
    "tpu.region"() ({
      %run_scoped3A_12 = tpu.sem_alloc : memref<!tpu.dma_semaphore, #tpu.memory_space<semaphore_mem>>
      %dma_start3A = tpu.memref_slice %arg9[%mul3A_4] : memref<10240xf32, #tpu.memory_space<vmem_shared>> -> memref<640xf32, #tpu.memory_space<vmem_shared>>
      %dma_start3A_13 = tpu.memref_slice %arg9[%mul3A_4] : memref<10240xf32, #tpu.memory_space<vmem_shared>> -> memref<640xf32, #tpu.memory_space<vmem_shared>>
      tpu.enqueue_dma source(%arg8 : memref<640xf32, #tpu.memory_space<vmem>>) target(%dma_start3A_13 : memref<640xf32, #tpu.memory_space<vmem_shared>>) target_semaphore(%run_scoped3A_12 : memref<!tpu.dma_semaphore, #tpu.memory_space<semaphore_mem>>)
      %dma_wait3A = tpu.memref_slice %arg9[%mul3A_4] : memref<10240xf32, #tpu.memory_space<vmem_shared>> -> memref<640xf32, #tpu.memory_space<vmem_shared>>
      %dma_wait3A_14 = tpu.memref_slice %arg9[%mul3A_4] : memref<10240xf32, #tpu.memory_space<vmem_shared>> -> memref<640xf32, #tpu.memory_space<vmem_shared>>
      tpu.wait_dma2 semaphore(%run_scoped3A_12 : memref<!tpu.dma_semaphore, #tpu.memory_space<semaphore_mem>>) src(%arg8 : memref<640xf32, #tpu.memory_space<vmem>>) dst(%dma_wait3A_14 : memref<640xf32, #tpu.memory_space<vmem_shared>>)
      tpu.yield
    }) : () -> ()
    "tpu.region"() ({
      %run_scoped3A_12 = tpu.sem_alloc : memref<!tpu.dma_semaphore, #tpu.memory_space<semaphore_mem>>
      %dma_start3A = tpu.memref_slice %arg10[%mul3A_4] : memref<10240xf32, #tpu.memory_space<vmem_shared>> -> memref<640xf32, #tpu.memory_space<vmem_shared>>
      %dma_start3A_13 = tpu.memref_slice %arg10[%mul3A_4] : memref<10240xf32, #tpu.memory_space<vmem_shared>> -> memref<640xf32, #tpu.memory_space<vmem_shared>>
      tpu.enqueue_dma source(%arg8 : memref<640xf32, #tpu.memory_space<vmem>>) target(%dma_start3A_13 : memref<640xf32, #tpu.memory_space<vmem_shared>>) target_semaphore(%run_scoped3A_12 : memref<!tpu.dma_semaphore, #tpu.memory_space<semaphore_mem>>)
      %dma_wait3A = tpu.memref_slice %arg10[%mul3A_4] : memref<10240xf32, #tpu.memory_space<vmem_shared>> -> memref<640xf32, #tpu.memory_space<vmem_shared>>
      %dma_wait3A_14 = tpu.memref_slice %arg10[%mul3A_4] : memref<10240xf32, #tpu.memory_space<vmem_shared>> -> memref<640xf32, #tpu.memory_space<vmem_shared>>
      tpu.wait_dma2 semaphore(%run_scoped3A_12 : memref<!tpu.dma_semaphore, #tpu.memory_space<semaphore_mem>>) src(%arg8 : memref<640xf32, #tpu.memory_space<vmem>>) dst(%dma_wait3A_14 : memref<640xf32, #tpu.memory_space<vmem_shared>>)
      tpu.yield
    }) : () -> ()
    %barrier3A = arith.constant 0 : index
    tpu.barrier barrier_id(%barrier3A)
    %scan3A = arith.constant 0 : i32
    %scan3A_5 = arith.constant 0 : i32
    %scan3A_6 = arith.constant 32 : i32
    %scan3A_7 = arith.addi %scan3A_5, %scan3A_6 : i32
    %scan3A_8 = arith.constant 1 : i32
    scf.for %scan3A_12 = %scan3A_5 to %scan3A_7 step %scan3A_8  : i32 {
      %mul3A_13 = arith.constant 5 : i32
      %mul3A_14 = arith.muli %scan3A_12, %mul3A_13 : i32
      %add3A_15 = arith.constant 0 : i32
      %add3A_16 = arith.addi %mul3A_14, %add3A_15 : i32
      %mul3A_17 = arith.constant 64 : i32
      %mul3A_18 = arith.muli %add3A_16, %mul3A_17 : i32
      %add3A_19 = arith.addi %mul3A_2, %mul3A_18 : i32
      %dma_start3A = tpu.memref_slice %arg2[%add3A_19] : memref<327680xi32, #tpu.memory_space<hbm>> -> memref<64xi32, #tpu.memory_space<hbm>>
      %dma_start3A_20 = tpu.memref_slice %arg2[%add3A_19] : memref<327680xi32, #tpu.memory_space<hbm>> -> memref<64xi32, #tpu.memory_space<hbm>>
      tpu.enqueue_dma source(%dma_start3A_20 : memref<64xi32, #tpu.memory_space<hbm>>) target(%arg13 : memref<64xi32, #tpu.memory_space<vmem>>) target_semaphore(%arg11 : memref<!tpu.dma_semaphore, #tpu.memory_space<semaphore_mem>>)
      %dma_start3A_21 = tpu.memref_slice %arg3[%add3A_19] : memref<327680xi32, #tpu.memory_space<hbm>> -> memref<64xi32, #tpu.memory_space<hbm>>
      %dma_start3A_22 = tpu.memref_slice %arg3[%add3A_19] : memref<327680xi32, #tpu.memory_space<hbm>> -> memref<64xi32, #tpu.memory_space<hbm>>
      tpu.enqueue_dma source(%dma_start3A_22 : memref<64xi32, #tpu.memory_space<hbm>>) target(%arg18 : memref<64xi32, #tpu.memory_space<vmem>>) target_semaphore(%arg11 : memref<!tpu.dma_semaphore, #tpu.memory_space<semaphore_mem>>)
      %add3A_23 = arith.constant 1 : i32
      %add3A_24 = arith.addi %mul3A_14, %add3A_23 : i32
      %mul3A_25 = arith.constant 64 : i32
      %mul3A_26 = arith.muli %add3A_24, %mul3A_25 : i32
      %add3A_27 = arith.addi %mul3A_2, %mul3A_26 : i32
      %dma_start3A_28 = tpu.memref_slice %arg2[%add3A_27] : memref<327680xi32, #tpu.memory_space<hbm>> -> memref<64xi32, #tpu.memory_space<hbm>>
      %dma_start3A_29 = tpu.memref_slice %arg2[%add3A_27] : memref<327680xi32, #tpu.memory_space<hbm>> -> memref<64xi32, #tpu.memory_space<hbm>>
      tpu.enqueue_dma source(%dma_start3A_29 : memref<64xi32, #tpu.memory_space<hbm>>) target(%arg14 : memref<64xi32, #tpu.memory_space<vmem>>) target_semaphore(%arg11 : memref<!tpu.dma_semaphore, #tpu.memory_space<semaphore_mem>>)
      %dma_start3A_30 = tpu.memref_slice %arg3[%add3A_27] : memref<327680xi32, #tpu.memory_space<hbm>> -> memref<64xi32, #tpu.memory_space<hbm>>
      %dma_start3A_31 = tpu.memref_slice %arg3[%add3A_27] : memref<327680xi32, #tpu.memory_space<hbm>> -> memref<64xi32, #tpu.memory_space<hbm>>
      tpu.enqueue_dma source(%dma_start3A_31 : memref<64xi32, #tpu.memory_space<hbm>>) target(%arg19 : memref<64xi32, #tpu.memory_space<vmem>>) target_semaphore(%arg11 : memref<!tpu.dma_semaphore, #tpu.memory_space<semaphore_mem>>)
      %add3A_32 = arith.constant 2 : i32
      %add3A_33 = arith.addi %mul3A_14, %add3A_32 : i32
      %mul3A_34 = arith.constant 64 : i32
      %mul3A_35 = arith.muli %add3A_33, %mul3A_34 : i32
      %add3A_36 = arith.addi %mul3A_2, %mul3A_35 : i32
      %dma_start3A_37 = tpu.memref_slice %arg2[%add3A_36] : memref<327680xi32, #tpu.memory_space<hbm>> -> memref<64xi32, #tpu.memory_space<hbm>>
      %dma_start3A_38 = tpu.memref_slice %arg2[%add3A_36] : memref<327680xi32, #tpu.memory_space<hbm>> -> memref<64xi32, #tpu.memory_space<hbm>>
      tpu.enqueue_dma source(%dma_start3A_38 : memref<64xi32, #tpu.memory_space<hbm>>) target(%arg15 : memref<64xi32, #tpu.memory_space<vmem>>) target_semaphore(%arg11 : memref<!tpu.dma_semaphore, #tpu.memory_space<semaphore_mem>>)
      %dma_start3A_39 = tpu.memref_slice %arg3[%add3A_36] : memref<327680xi32, #tpu.memory_space<hbm>> -> memref<64xi32, #tpu.memory_space<hbm>>
      %dma_start3A_40 = tpu.memref_slice %arg3[%add3A_36] : memref<327680xi32, #tpu.memory_space<hbm>> -> memref<64xi32, #tpu.memory_space<hbm>>
      tpu.enqueue_dma source(%dma_start3A_40 : memref<64xi32, #tpu.memory_space<hbm>>) target(%arg20 : memref<64xi32, #tpu.memory_space<vmem>>) target_semaphore(%arg11 : memref<!tpu.dma_semaphore, #tpu.memory_space<semaphore_mem>>)
      %add3A_41 = arith.constant 3 : i32
      %add3A_42 = arith.addi %mul3A_14, %add3A_41 : i32
      %mul3A_43 = arith.constant 64 : i32
      %mul3A_44 = arith.muli %add3A_42, %mul3A_43 : i32
      %add3A_45 = arith.addi %mul3A_2, %mul3A_44 : i32
      %dma_start3A_46 = tpu.memref_slice %arg2[%add3A_45] : memref<327680xi32, #tpu.memory_space<hbm>> -> memref<64xi32, #tpu.memory_space<hbm>>
      %dma_start3A_47 = tpu.memref_slice %arg2[%add3A_45] : memref<327680xi32, #tpu.memory_space<hbm>> -> memref<64xi32, #tpu.memory_space<hbm>>
      tpu.enqueue_dma source(%dma_start3A_47 : memref<64xi32, #tpu.memory_space<hbm>>) target(%arg16 : memref<64xi32, #tpu.memory_space<vmem>>) target_semaphore(%arg11 : memref<!tpu.dma_semaphore, #tpu.memory_space<semaphore_mem>>)
      %dma_start3A_48 = tpu.memref_slice %arg3[%add3A_45] : memref<327680xi32, #tpu.memory_space<hbm>> -> memref<64xi32, #tpu.memory_space<hbm>>
      %dma_start3A_49 = tpu.memref_slice %arg3[%add3A_45] : memref<327680xi32, #tpu.memory_space<hbm>> -> memref<64xi32, #tpu.memory_space<hbm>>
      tpu.enqueue_dma source(%dma_start3A_49 : memref<64xi32, #tpu.memory_space<hbm>>) target(%arg21 : memref<64xi32, #tpu.memory_space<vmem>>) target_semaphore(%arg11 : memref<!tpu.dma_semaphore, #tpu.memory_space<semaphore_mem>>)
      %add3A_50 = arith.constant 4 : i32
      %add3A_51 = arith.addi %mul3A_14, %add3A_50 : i32
      %mul3A_52 = arith.constant 64 : i32
      %mul3A_53 = arith.muli %add3A_51, %mul3A_52 : i32
      %add3A_54 = arith.addi %mul3A_2, %mul3A_53 : i32
      %dma_start3A_55 = tpu.memref_slice %arg2[%add3A_54] : memref<327680xi32, #tpu.memory_space<hbm>> -> memref<64xi32, #tpu.memory_space<hbm>>
      %dma_start3A_56 = tpu.memref_slice %arg2[%add3A_54] : memref<327680xi32, #tpu.memory_space<hbm>> -> memref<64xi32, #tpu.memory_space<hbm>>
      tpu.enqueue_dma source(%dma_start3A_56 : memref<64xi32, #tpu.memory_space<hbm>>) target(%arg17 : memref<64xi32, #tpu.memory_space<vmem>>) target_semaphore(%arg11 : memref<!tpu.dma_semaphore, #tpu.memory_space<semaphore_mem>>)
      %dma_start3A_57 = tpu.memref_slice %arg3[%add3A_54] : memref<327680xi32, #tpu.memory_space<hbm>> -> memref<64xi32, #tpu.memory_space<hbm>>
      %dma_start3A_58 = tpu.memref_slice %arg3[%add3A_54] : memref<327680xi32, #tpu.memory_space<hbm>> -> memref<64xi32, #tpu.memory_space<hbm>>
      tpu.enqueue_dma source(%dma_start3A_58 : memref<64xi32, #tpu.memory_space<hbm>>) target(%arg22 : memref<64xi32, #tpu.memory_space<vmem>>) target_semaphore(%arg11 : memref<!tpu.dma_semaphore, #tpu.memory_space<semaphore_mem>>)
      %dma_wait3A = tpu.memref_slice %arg2[%add3A_19] : memref<327680xi32, #tpu.memory_space<hbm>> -> memref<64xi32, #tpu.memory_space<hbm>>
      %dma_wait3A_59 = tpu.memref_slice %arg2[%add3A_19] : memref<327680xi32, #tpu.memory_space<hbm>> -> memref<64xi32, #tpu.memory_space<hbm>>
      tpu.wait_dma2 semaphore(%arg11 : memref<!tpu.dma_semaphore, #tpu.memory_space<semaphore_mem>>) src(%dma_wait3A_59 : memref<64xi32, #tpu.memory_space<hbm>>) dst(%arg13 : memref<64xi32, #tpu.memory_space<vmem>>)
      %dma_wait3A_60 = tpu.memref_slice %arg3[%add3A_19] : memref<327680xi32, #tpu.memory_space<hbm>> -> memref<64xi32, #tpu.memory_space<hbm>>
      %dma_wait3A_61 = tpu.memref_slice %arg3[%add3A_19] : memref<327680xi32, #tpu.memory_space<hbm>> -> memref<64xi32, #tpu.memory_space<hbm>>
      tpu.wait_dma2 semaphore(%arg11 : memref<!tpu.dma_semaphore, #tpu.memory_space<semaphore_mem>>) src(%dma_wait3A_61 : memref<64xi32, #tpu.memory_space<hbm>>) dst(%arg18 : memref<64xi32, #tpu.memory_space<vmem>>)
      %dma_wait3A_62 = tpu.memref_slice %arg2[%add3A_27] : memref<327680xi32, #tpu.memory_space<hbm>> -> memref<64xi32, #tpu.memory_space<hbm>>
      %dma_wait3A_63 = tpu.memref_slice %arg2[%add3A_27] : memref<327680xi32, #tpu.memory_space<hbm>> -> memref<64xi32, #tpu.memory_space<hbm>>
      tpu.wait_dma2 semaphore(%arg11 : memref<!tpu.dma_semaphore, #tpu.memory_space<semaphore_mem>>) src(%dma_wait3A_63 : memref<64xi32, #tpu.memory_space<hbm>>) dst(%arg14 : memref<64xi32, #tpu.memory_space<vmem>>)
      %dma_wait3A_64 = tpu.memref_slice %arg3[%add3A_27] : memref<327680xi32, #tpu.memory_space<hbm>> -> memref<64xi32, #tpu.memory_space<hbm>>
      %dma_wait3A_65 = tpu.memref_slice %arg3[%add3A_27] : memref<327680xi32, #tpu.memory_space<hbm>> -> memref<64xi32, #tpu.memory_space<hbm>>
      tpu.wait_dma2 semaphore(%arg11 : memref<!tpu.dma_semaphore, #tpu.memory_space<semaphore_mem>>) src(%dma_wait3A_65 : memref<64xi32, #tpu.memory_space<hbm>>) dst(%arg19 : memref<64xi32, #tpu.memory_space<vmem>>)
      %dma_wait3A_66 = tpu.memref_slice %arg2[%add3A_36] : memref<327680xi32, #tpu.memory_space<hbm>> -> memref<64xi32, #tpu.memory_space<hbm>>
      %dma_wait3A_67 = tpu.memref_slice %arg2[%add3A_36] : memref<327680xi32, #tpu.memory_space<hbm>> -> memref<64xi32, #tpu.memory_space<hbm>>
      tpu.wait_dma2 semaphore(%arg11 : memref<!tpu.dma_semaphore, #tpu.memory_space<semaphore_mem>>) src(%dma_wait3A_67 : memref<64xi32, #tpu.memory_space<hbm>>) dst(%arg15 : memref<64xi32, #tpu.memory_space<vmem>>)
      %dma_wait3A_68 = tpu.memref_slice %arg3[%add3A_36] : memref<327680xi32, #tpu.memory_space<hbm>> -> memref<64xi32, #tpu.memory_space<hbm>>
      %dma_wait3A_69 = tpu.memref_slice %arg3[%add3A_36] : memref<327680xi32, #tpu.memory_space<hbm>> -> memref<64xi32, #tpu.memory_space<hbm>>
      tpu.wait_dma2 semaphore(%arg11 : memref<!tpu.dma_semaphore, #tpu.memory_space<semaphore_mem>>) src(%dma_wait3A_69 : memref<64xi32, #tpu.memory_space<hbm>>) dst(%arg20 : memref<64xi32, #tpu.memory_space<vmem>>)
      %dma_wait3A_70 = tpu.memref_slice %arg2[%add3A_45] : memref<327680xi32, #tpu.memory_space<hbm>> -> memref<64xi32, #tpu.memory_space<hbm>>
      %dma_wait3A_71 = tpu.memref_slice %arg2[%add3A_45] : memref<327680xi32, #tpu.memory_space<hbm>> -> memref<64xi32, #tpu.memory_space<hbm>>
      tpu.wait_dma2 semaphore(%arg11 : memref<!tpu.dma_semaphore, #tpu.memory_space<semaphore_mem>>) src(%dma_wait3A_71 : memref<64xi32, #tpu.memory_space<hbm>>) dst(%arg16 : memref<64xi32, #tpu.memory_space<vmem>>)
      %dma_wait3A_72 = tpu.memref_slice %arg3[%add3A_45] : memref<327680xi32, #tpu.memory_space<hbm>> -> memref<64xi32, #tpu.memory_space<hbm>>
      %dma_wait3A_73 = tpu.memref_slice %arg3[%add3A_45] : memref<327680xi32, #tpu.memory_space<hbm>> -> memref<64xi32, #tpu.memory_space<hbm>>
      tpu.wait_dma2 semaphore(%arg11 : memref<!tpu.dma_semaphore, #tpu.memory_space<semaphore_mem>>) src(%dma_wait3A_73 : memref<64xi32, #tpu.memory_space<hbm>>) dst(%arg21 : memref<64xi32, #tpu.memory_space<vmem>>)
      %dma_wait3A_74 = tpu.memref_slice %arg2[%add3A_54] : memref<327680xi32, #tpu.memory_space<hbm>> -> memref<64xi32, #tpu.memory_space<hbm>>
      %dma_wait3A_75 = tpu.memref_slice %arg2[%add3A_54] : memref<327680xi32, #tpu.memory_space<hbm>> -> memref<64xi32, #tpu.memory_space<hbm>>
      tpu.wait_dma2 semaphore(%arg11 : memref<!tpu.dma_semaphore, #tpu.memory_space<semaphore_mem>>) src(%dma_wait3A_75 : memref<64xi32, #tpu.memory_space<hbm>>) dst(%arg17 : memref<64xi32, #tpu.memory_space<vmem>>)
      %dma_wait3A_76 = tpu.memref_slice %arg3[%add3A_54] : memref<327680xi32, #tpu.memory_space<hbm>> -> memref<64xi32, #tpu.memory_space<hbm>>
      %dma_wait3A_77 = tpu.memref_slice %arg3[%add3A_54] : memref<327680xi32, #tpu.memory_space<hbm>> -> memref<64xi32, #tpu.memory_space<hbm>>
      tpu.wait_dma2 semaphore(%arg11 : memref<!tpu.dma_semaphore, #tpu.memory_space<semaphore_mem>>) src(%dma_wait3A_77 : memref<64xi32, #tpu.memory_space<hbm>>) dst(%arg22 : memref<64xi32, #tpu.memory_space<vmem>>)
      %dma_start3A_78 = arith.constant 0 : i32
      %dma_start3A_79 = tpu.memref_slice %arg9[%dma_start3A_78] : memref<10240xf32, #tpu.memory_space<vmem_shared>> -> memref<10240xf32, #tpu.memory_space<vmem_shared>>
      tpu.enqueue_indirect_dma source(%arg7 : memref<64xf32, #tpu.memory_space<vmem>>) target(%dma_start3A_79 : memref<10240xf32, #tpu.memory_space<vmem_shared>>) offsets(%arg13 : memref<64xi32, #tpu.memory_space<vmem>>) semaphore(%arg12 : memref<!tpu.dma_semaphore, #tpu.memory_space<semaphore_mem>>) {add = true}
      %dma_start3A_80 = arith.constant 0 : i32
      %dma_start3A_81 = tpu.memref_slice %arg10[%dma_start3A_80] : memref<10240xf32, #tpu.memory_space<vmem_shared>> -> memref<10240xf32, #tpu.memory_space<vmem_shared>>
      tpu.enqueue_indirect_dma source(%arg7 : memref<64xf32, #tpu.memory_space<vmem>>) target(%dma_start3A_81 : memref<10240xf32, #tpu.memory_space<vmem_shared>>) offsets(%arg18 : memref<64xi32, #tpu.memory_space<vmem>>) semaphore(%arg12 : memref<!tpu.dma_semaphore, #tpu.memory_space<semaphore_mem>>) {add = true}
      %dma_start3A_82 = arith.constant 0 : i32
      %dma_start3A_83 = tpu.memref_slice %arg9[%dma_start3A_82] : memref<10240xf32, #tpu.memory_space<vmem_shared>> -> memref<10240xf32, #tpu.memory_space<vmem_shared>>
      tpu.enqueue_indirect_dma source(%arg7 : memref<64xf32, #tpu.memory_space<vmem>>) target(%dma_start3A_83 : memref<10240xf32, #tpu.memory_space<vmem_shared>>) offsets(%arg14 : memref<64xi32, #tpu.memory_space<vmem>>) semaphore(%arg12 : memref<!tpu.dma_semaphore, #tpu.memory_space<semaphore_mem>>) {add = true}
      %dma_start3A_84 = arith.constant 0 : i32
      %dma_start3A_85 = tpu.memref_slice %arg10[%dma_start3A_84] : memref<10240xf32, #tpu.memory_space<vmem_shared>> -> memref<10240xf32, #tpu.memory_space<vmem_shared>>
      tpu.enqueue_indirect_dma source(%arg7 : memref<64xf32, #tpu.memory_space<vmem>>) target(%dma_start3A_85 : memref<10240xf32, #tpu.memory_space<vmem_shared>>) offsets(%arg19 : memref<64xi32, #tpu.memory_space<vmem>>) semaphore(%arg12 : memref<!tpu.dma_semaphore, #tpu.memory_space<semaphore_mem>>) {add = true}
      %dma_start3A_86 = arith.constant 0 : i32
      %dma_start3A_87 = tpu.memref_slice %arg9[%dma_start3A_86] : memref<10240xf32, #tpu.memory_space<vmem_shared>> -> memref<10240xf32, #tpu.memory_space<vmem_shared>>
      tpu.enqueue_indirect_dma source(%arg7 : memref<64xf32, #tpu.memory_space<vmem>>) target(%dma_start3A_87 : memref<10240xf32, #tpu.memory_space<vmem_shared>>) offsets(%arg15 : memref<64xi32, #tpu.memory_space<vmem>>) semaphore(%arg12 : memref<!tpu.dma_semaphore, #tpu.memory_space<semaphore_mem>>) {add = true}
      %dma_start3A_88 = arith.constant 0 : i32
      %dma_start3A_89 = tpu.memref_slice %arg10[%dma_start3A_88] : memref<10240xf32, #tpu.memory_space<vmem_shared>> -> memref<10240xf32, #tpu.memory_space<vmem_shared>>
      tpu.enqueue_indirect_dma source(%arg7 : memref<64xf32, #tpu.memory_space<vmem>>) target(%dma_start3A_89 : memref<10240xf32, #tpu.memory_space<vmem_shared>>) offsets(%arg20 : memref<64xi32, #tpu.memory_space<vmem>>) semaphore(%arg12 : memref<!tpu.dma_semaphore, #tpu.memory_space<semaphore_mem>>) {add = true}
      %dma_start3A_90 = arith.constant 0 : i32
      %dma_start3A_91 = tpu.memref_slice %arg9[%dma_start3A_90] : memref<10240xf32, #tpu.memory_space<vmem_shared>> -> memref<10240xf32, #tpu.memory_space<vmem_shared>>
      tpu.enqueue_indirect_dma source(%arg7 : memref<64xf32, #tpu.memory_space<vmem>>) target(%dma_start3A_91 : memref<10240xf32, #tpu.memory_space<vmem_shared>>) offsets(%arg16 : memref<64xi32, #tpu.memory_space<vmem>>) semaphore(%arg12 : memref<!tpu.dma_semaphore, #tpu.memory_space<semaphore_mem>>) {add = true}
      %dma_start3A_92 = arith.constant 0 : i32
      %dma_start3A_93 = tpu.memref_slice %arg10[%dma_start3A_92] : memref<10240xf32, #tpu.memory_space<vmem_shared>> -> memref<10240xf32, #tpu.memory_space<vmem_shared>>
      tpu.enqueue_indirect_dma source(%arg7 : memref<64xf32, #tpu.memory_space<vmem>>) target(%dma_start3A_93 : memref<10240xf32, #tpu.memory_space<vmem_shared>>) offsets(%arg21 : memref<64xi32, #tpu.memory_space<vmem>>) semaphore(%arg12 : memref<!tpu.dma_semaphore, #tpu.memory_space<semaphore_mem>>) {add = true}
      %dma_start3A_94 = arith.constant 0 : i32
      %dma_start3A_95 = tpu.memref_slice %arg9[%dma_start3A_94] : memref<10240xf32, #tpu.memory_space<vmem_shared>> -> memref<10240xf32, #tpu.memory_space<vmem_shared>>
      tpu.enqueue_indirect_dma source(%arg7 : memref<64xf32, #tpu.memory_space<vmem>>) target(%dma_start3A_95 : memref<10240xf32, #tpu.memory_space<vmem_shared>>) offsets(%arg17 : memref<64xi32, #tpu.memory_space<vmem>>) semaphore(%arg12 : memref<!tpu.dma_semaphore, #tpu.memory_space<semaphore_mem>>) {add = true}
      %dma_start3A_96 = arith.constant 0 : i32
      %dma_start3A_97 = tpu.memref_slice %arg10[%dma_start3A_96] : memref<10240xf32, #tpu.memory_space<vmem_shared>> -> memref<10240xf32, #tpu.memory_space<vmem_shared>>
      tpu.enqueue_indirect_dma source(%arg7 : memref<64xf32, #tpu.memory_space<vmem>>) target(%dma_start3A_97 : memref<10240xf32, #tpu.memory_space<vmem_shared>>) offsets(%arg22 : memref<64xi32, #tpu.memory_space<vmem>>) semaphore(%arg12 : memref<!tpu.dma_semaphore, #tpu.memory_space<semaphore_mem>>) {add = true}
      %dma_wait3A_98 = arith.constant 0 : i32
      %dma_wait3A_99 = tpu.memref_slice %arg9[%dma_wait3A_98] : memref<10240xf32, #tpu.memory_space<vmem_shared>> -> memref<10240xf32, #tpu.memory_space<vmem_shared>>
      tpu.wait_indirect_dma semaphore(%arg12 : memref<!tpu.dma_semaphore, #tpu.memory_space<semaphore_mem>>) src(%arg7 : memref<64xf32, #tpu.memory_space<vmem>>) dst(%dma_wait3A_99 : memref<10240xf32, #tpu.memory_space<vmem_shared>>)
      %dma_wait3A_100 = arith.constant 0 : i32
      %dma_wait3A_101 = tpu.memref_slice %arg10[%dma_wait3A_100] : memref<10240xf32, #tpu.memory_space<vmem_shared>> -> memref<10240xf32, #tpu.memory_space<vmem_shared>>
      tpu.wait_indirect_dma semaphore(%arg12 : memref<!tpu.dma_semaphore, #tpu.memory_space<semaphore_mem>>) src(%arg7 : memref<64xf32, #tpu.memory_space<vmem>>) dst(%dma_wait3A_101 : memref<10240xf32, #tpu.memory_space<vmem_shared>>)
      %dma_wait3A_102 = arith.constant 0 : i32
      %dma_wait3A_103 = tpu.memref_slice %arg9[%dma_wait3A_102] : memref<10240xf32, #tpu.memory_space<vmem_shared>> -> memref<10240xf32, #tpu.memory_space<vmem_shared>>
      tpu.wait_indirect_dma semaphore(%arg12 : memref<!tpu.dma_semaphore, #tpu.memory_space<semaphore_mem>>) src(%arg7 : memref<64xf32, #tpu.memory_space<vmem>>) dst(%dma_wait3A_103 : memref<10240xf32, #tpu.memory_space<vmem_shared>>)
      %dma_wait3A_104 = arith.constant 0 : i32
      %dma_wait3A_105 = tpu.memref_slice %arg10[%dma_wait3A_104] : memref<10240xf32, #tpu.memory_space<vmem_shared>> -> memref<10240xf32, #tpu.memory_space<vmem_shared>>
      tpu.wait_indirect_dma semaphore(%arg12 : memref<!tpu.dma_semaphore, #tpu.memory_space<semaphore_mem>>) src(%arg7 : memref<64xf32, #tpu.memory_space<vmem>>) dst(%dma_wait3A_105 : memref<10240xf32, #tpu.memory_space<vmem_shared>>)
      %dma_wait3A_106 = arith.constant 0 : i32
      %dma_wait3A_107 = tpu.memref_slice %arg9[%dma_wait3A_106] : memref<10240xf32, #tpu.memory_space<vmem_shared>> -> memref<10240xf32, #tpu.memory_space<vmem_shared>>
      tpu.wait_indirect_dma semaphore(%arg12 : memref<!tpu.dma_semaphore, #tpu.memory_space<semaphore_mem>>) src(%arg7 : memref<64xf32, #tpu.memory_space<vmem>>) dst(%dma_wait3A_107 : memref<10240xf32, #tpu.memory_space<vmem_shared>>)
      %dma_wait3A_108 = arith.constant 0 : i32
      %dma_wait3A_109 = tpu.memref_slice %arg10[%dma_wait3A_108] : memref<10240xf32, #tpu.memory_space<vmem_shared>> -> memref<10240xf32, #tpu.memory_space<vmem_shared>>
      tpu.wait_indirect_dma semaphore(%arg12 : memref<!tpu.dma_semaphore, #tpu.memory_space<semaphore_mem>>) src(%arg7 : memref<64xf32, #tpu.memory_space<vmem>>) dst(%dma_wait3A_109 : memref<10240xf32, #tpu.memory_space<vmem_shared>>)
      %dma_wait3A_110 = arith.constant 0 : i32
      %dma_wait3A_111 = tpu.memref_slice %arg9[%dma_wait3A_110] : memref<10240xf32, #tpu.memory_space<vmem_shared>> -> memref<10240xf32, #tpu.memory_space<vmem_shared>>
      tpu.wait_indirect_dma semaphore(%arg12 : memref<!tpu.dma_semaphore, #tpu.memory_space<semaphore_mem>>) src(%arg7 : memref<64xf32, #tpu.memory_space<vmem>>) dst(%dma_wait3A_111 : memref<10240xf32, #tpu.memory_space<vmem_shared>>)
      %dma_wait3A_112 = arith.constant 0 : i32
      %dma_wait3A_113 = tpu.memref_slice %arg10[%dma_wait3A_112] : memref<10240xf32, #tpu.memory_space<vmem_shared>> -> memref<10240xf32, #tpu.memory_space<vmem_shared>>
      tpu.wait_indirect_dma semaphore(%arg12 : memref<!tpu.dma_semaphore, #tpu.memory_space<semaphore_mem>>) src(%arg7 : memref<64xf32, #tpu.memory_space<vmem>>) dst(%dma_wait3A_113 : memref<10240xf32, #tpu.memory_space<vmem_shared>>)
      %dma_wait3A_114 = arith.constant 0 : i32
      %dma_wait3A_115 = tpu.memref_slice %arg9[%dma_wait3A_114] : memref<10240xf32, #tpu.memory_space<vmem_shared>> -> memref<10240xf32, #tpu.memory_space<vmem_shared>>
      tpu.wait_indirect_dma semaphore(%arg12 : memref<!tpu.dma_semaphore, #tpu.memory_space<semaphore_mem>>) src(%arg7 : memref<64xf32, #tpu.memory_space<vmem>>) dst(%dma_wait3A_115 : memref<10240xf32, #tpu.memory_space<vmem_shared>>)
      %dma_wait3A_116 = arith.constant 0 : i32
      %dma_wait3A_117 = tpu.memref_slice %arg10[%dma_wait3A_116] : memref<10240xf32, #tpu.memory_space<vmem_shared>> -> memref<10240xf32, #tpu.memory_space<vmem_shared>>
      tpu.wait_indirect_dma semaphore(%arg12 : memref<!tpu.dma_semaphore, #tpu.memory_space<semaphore_mem>>) src(%arg7 : memref<64xf32, #tpu.memory_space<vmem>>) dst(%dma_wait3A_117 : memref<10240xf32, #tpu.memory_space<vmem_shared>>)
    }
    %scan3A_9 = arith.constant 32 : i32
    %barrier3A_10 = arith.constant 0 : index
    tpu.barrier barrier_id(%barrier3A_10)
    "tpu.region"() ({
      %run_scoped3A_12 = tpu.sem_alloc : memref<!tpu.dma_semaphore, #tpu.memory_space<semaphore_mem>>
      %dma_start3A = tpu.memref_slice %arg9[%mul3A_4] : memref<10240xf32, #tpu.memory_space<vmem_shared>> -> memref<640xf32, #tpu.memory_space<vmem_shared>>
      %dma_start3A_13 = tpu.memref_slice %arg9[%mul3A_4] : memref<10240xf32, #tpu.memory_space<vmem_shared>> -> memref<640xf32, #tpu.memory_space<vmem_shared>>
      tpu.enqueue_dma source(%dma_start3A_13 : memref<640xf32, #tpu.memory_space<vmem_shared>>) target(%arg8 : memref<640xf32, #tpu.memory_space<vmem>>) target_semaphore(%run_scoped3A_12 : memref<!tpu.dma_semaphore, #tpu.memory_space<semaphore_mem>>)
      %dma_wait3A = tpu.memref_slice %arg9[%mul3A_4] : memref<10240xf32, #tpu.memory_space<vmem_shared>> -> memref<640xf32, #tpu.memory_space<vmem_shared>>
      %dma_wait3A_14 = tpu.memref_slice %arg9[%mul3A_4] : memref<10240xf32, #tpu.memory_space<vmem_shared>> -> memref<640xf32, #tpu.memory_space<vmem_shared>>
      tpu.wait_dma2 semaphore(%run_scoped3A_12 : memref<!tpu.dma_semaphore, #tpu.memory_space<semaphore_mem>>) src(%dma_wait3A_14 : memref<640xf32, #tpu.memory_space<vmem_shared>>) dst(%arg8 : memref<640xf32, #tpu.memory_space<vmem>>)
      tpu.yield
    }) : () -> ()
    %run_scoped3A = arith.constant 0 : i32
    "tpu.region"() ({
      %run_scoped3A_12 = tpu.sem_alloc : memref<!tpu.dma_semaphore, #tpu.memory_space<semaphore_mem>>
      %dma_start3A = tpu.memref_slice %arg6[%arg0, %run_scoped3A, %mul3A_4] : memref<2x2x10240xf32, #tpu.memory_space<hbm>> -> memref<1x1x640xf32, #tpu.memory_space<hbm>>
      %dma_start3A_13 = tpu.memref_squeeze %dma_start3A : memref<1x1x640xf32, #tpu.memory_space<hbm>> -> memref<640xf32, #tpu.memory_space<hbm>>
      %dma_start3A_14 = tpu.memref_slice %arg6[%arg0, %run_scoped3A, %mul3A_4] : memref<2x2x10240xf32, #tpu.memory_space<hbm>> -> memref<1x1x640xf32, #tpu.memory_space<hbm>>
      %dma_start3A_15 = tpu.memref_squeeze %dma_start3A_14 : memref<1x1x640xf32, #tpu.memory_space<hbm>> -> memref<640xf32, #tpu.memory_space<hbm>>
      tpu.enqueue_dma source(%arg8 : memref<640xf32, #tpu.memory_space<vmem>>) target(%dma_start3A_15 : memref<640xf32, #tpu.memory_space<hbm>>) target_semaphore(%run_scoped3A_12 : memref<!tpu.dma_semaphore, #tpu.memory_space<semaphore_mem>>)
      %dma_wait3A = tpu.memref_slice %arg6[%arg0, %run_scoped3A, %mul3A_4] : memref<2x2x10240xf32, #tpu.memory_space<hbm>> -> memref<1x1x640xf32, #tpu.memory_space<hbm>>
      %dma_wait3A_16 = tpu.memref_squeeze %dma_wait3A : memref<1x1x640xf32, #tpu.memory_space<hbm>> -> memref<640xf32, #tpu.memory_space<hbm>>
      %dma_wait3A_17 = tpu.memref_slice %arg6[%arg0, %run_scoped3A, %mul3A_4] : memref<2x2x10240xf32, #tpu.memory_space<hbm>> -> memref<1x1x640xf32, #tpu.memory_space<hbm>>
      %dma_wait3A_18 = tpu.memref_squeeze %dma_wait3A_17 : memref<1x1x640xf32, #tpu.memory_space<hbm>> -> memref<640xf32, #tpu.memory_space<hbm>>
      tpu.wait_dma2 semaphore(%run_scoped3A_12 : memref<!tpu.dma_semaphore, #tpu.memory_space<semaphore_mem>>) src(%arg8 : memref<640xf32, #tpu.memory_space<vmem>>) dst(%dma_wait3A_18 : memref<640xf32, #tpu.memory_space<hbm>>)
      tpu.yield
    }) : () -> ()
    "tpu.region"() ({
      %run_scoped3A_12 = tpu.sem_alloc : memref<!tpu.dma_semaphore, #tpu.memory_space<semaphore_mem>>
      %dma_start3A = tpu.memref_slice %arg10[%mul3A_4] : memref<10240xf32, #tpu.memory_space<vmem_shared>> -> memref<640xf32, #tpu.memory_space<vmem_shared>>
      %dma_start3A_13 = tpu.memref_slice %arg10[%mul3A_4] : memref<10240xf32, #tpu.memory_space<vmem_shared>> -> memref<640xf32, #tpu.memory_space<vmem_shared>>
      tpu.enqueue_dma source(%dma_start3A_13 : memref<640xf32, #tpu.memory_space<vmem_shared>>) target(%arg8 : memref<640xf32, #tpu.memory_space<vmem>>) target_semaphore(%run_scoped3A_12 : memref<!tpu.dma_semaphore, #tpu.memory_space<semaphore_mem>>)
      %dma_wait3A = tpu.memref_slice %arg10[%mul3A_4] : memref<10240xf32, #tpu.memory_space<vmem_shared>> -> memref<640xf32, #tpu.memory_space<vmem_shared>>
      %dma_wait3A_14 = tpu.memref_slice %arg10[%mul3A_4] : memref<10240xf32, #tpu.memory_space<vmem_shared>> -> memref<640xf32, #tpu.memory_space<vmem_shared>>
      tpu.wait_dma2 semaphore(%run_scoped3A_12 : memref<!tpu.dma_semaphore, #tpu.memory_space<semaphore_mem>>) src(%dma_wait3A_14 : memref<640xf32, #tpu.memory_space<vmem_shared>>) dst(%arg8 : memref<640xf32, #tpu.memory_space<vmem>>)
      tpu.yield
    }) : () -> ()
    %run_scoped3A_11 = arith.constant 1 : i32
    "tpu.region"() ({
      %run_scoped3A_12 = tpu.sem_alloc : memref<!tpu.dma_semaphore, #tpu.memory_space<semaphore_mem>>
      %dma_start3A = tpu.memref_slice %arg6[%arg0, %run_scoped3A_11, %mul3A_4] : memref<2x2x10240xf32, #tpu.memory_space<hbm>> -> memref<1x1x640xf32, #tpu.memory_space<hbm>>
      %dma_start3A_13 = tpu.memref_squeeze %dma_start3A : memref<1x1x640xf32, #tpu.memory_space<hbm>> -> memref<640xf32, #tpu.memory_space<hbm>>
      %dma_start3A_14 = tpu.memref_slice %arg6[%arg0, %run_scoped3A_11, %mul3A_4] : memref<2x2x10240xf32, #tpu.memory_space<hbm>> -> memref<1x1x640xf32, #tpu.memory_space<hbm>>
      %dma_start3A_15 = tpu.memref_squeeze %dma_start3A_14 : memref<1x1x640xf32, #tpu.memory_space<hbm>> -> memref<640xf32, #tpu.memory_space<hbm>>
      tpu.enqueue_dma source(%arg8 : memref<640xf32, #tpu.memory_space<vmem>>) target(%dma_start3A_15 : memref<640xf32, #tpu.memory_space<hbm>>) target_semaphore(%run_scoped3A_12 : memref<!tpu.dma_semaphore, #tpu.memory_space<semaphore_mem>>)
      %dma_wait3A = tpu.memref_slice %arg6[%arg0, %run_scoped3A_11, %mul3A_4] : memref<2x2x10240xf32, #tpu.memory_space<hbm>> -> memref<1x1x640xf32, #tpu.memory_space<hbm>>
      %dma_wait3A_16 = tpu.memref_squeeze %dma_wait3A : memref<1x1x640xf32, #tpu.memory_space<hbm>> -> memref<640xf32, #tpu.memory_space<hbm>>
      %dma_wait3A_17 = tpu.memref_slice %arg6[%arg0, %run_scoped3A_11, %mul3A_4] : memref<2x2x10240xf32, #tpu.memory_space<hbm>> -> memref<1x1x640xf32, #tpu.memory_space<hbm>>
      %dma_wait3A_18 = tpu.memref_squeeze %dma_wait3A_17 : memref<1x1x640xf32, #tpu.memory_space<hbm>> -> memref<640xf32, #tpu.memory_space<hbm>>
      tpu.wait_dma2 semaphore(%run_scoped3A_12 : memref<!tpu.dma_semaphore, #tpu.memory_space<semaphore_mem>>) src(%arg8 : memref<640xf32, #tpu.memory_space<vmem>>) dst(%dma_wait3A_18 : memref<640xf32, #tpu.memory_space<hbm>>)
      tpu.yield
    }) : () -> ()
    return
  }
}

#map = affine_map<(d0, d1) -> (0, 0)>
#map1 = affine_map<(d0, d1) -> (0)>
#map2 = affine_map<(d0, d1) -> (0, 0, 0)>
module attributes {stable_mosaic.version = 14 : i64} {
  func.func @k(%arg0: i32, %arg1: i32, %arg2: memref<10000x128xf32, #tpu.memory_space<hbm>>, %arg3: memref<327680xi32, #tpu.memory_space<hbm>>, %arg4: memref<327680xi32, #tpu.memory_space<hbm>>, %arg5: memref<64x128xf32, #tpu.memory_space<hbm>>, %arg6: memref<2x10240x128xf32, #tpu.memory_space<hbm>>, %arg7: memref<10240x128xf32, #tpu.memory_space<vmem_shared>>, %arg8: memref<!tpu.dma_semaphore, #tpu.memory_space<semaphore_mem>>, %arg9: memref<!tpu.dma_semaphore, #tpu.memory_space<semaphore_mem>>, %arg10: memref<!tpu.dma_semaphore, #tpu.memory_space<semaphore_mem>>, %arg11: memref<!tpu.dma_semaphore, #tpu.memory_space<semaphore_mem>>, %arg12: memref<!tpu.dma_semaphore, #tpu.memory_space<semaphore_mem>>, %arg13: memref<!tpu.dma_semaphore, #tpu.memory_space<semaphore_mem>>, %arg14: memref<!tpu.dma_semaphore, #tpu.memory_space<semaphore_mem>>, %arg15: memref<!tpu.dma_semaphore, #tpu.memory_space<semaphore_mem>>, %arg16: memref<!tpu.dma_semaphore, #tpu.memory_space<semaphore_mem>>, %arg17: memref<!tpu.dma_semaphore, #tpu.memory_space<semaphore_mem>>, %arg18: memref<!tpu.dma_semaphore, #tpu.memory_space<semaphore_mem>>, %arg19: memref<!tpu.dma_semaphore, #tpu.memory_space<semaphore_mem>>, %arg20: memref<64xi32, #tpu.memory_space<vmem>>, %arg21: memref<64xi32, #tpu.memory_space<vmem>>, %arg22: memref<64xi32, #tpu.memory_space<vmem>>, %arg23: memref<64xi32, #tpu.memory_space<vmem>>, %arg24: memref<64xi32, #tpu.memory_space<vmem>>, %arg25: memref<64xi32, #tpu.memory_space<vmem>>, %arg26: memref<64xi32, #tpu.memory_space<vmem>>, %arg27: memref<64xi32, #tpu.memory_space<vmem>>, %arg28: memref<64xi32, #tpu.memory_space<vmem>>, %arg29: memref<64xi32, #tpu.memory_space<vmem>>, %arg30: memref<64xi32, #tpu.memory_space<vmem>>, %arg31: memref<64xi32, #tpu.memory_space<vmem>>, %arg32: memref<64xi32, #tpu.memory_space<vmem>>, %arg33: memref<64xi32, #tpu.memory_space<vmem>>, %arg34: memref<64xi32, #tpu.memory_space<vmem>>, %arg35: memref<64xi32, #tpu.memory_space<vmem>>, %arg36: memref<64xi32, #tpu.memory_space<vmem>>, %arg37: memref<64xi32, #tpu.memory_space<vmem>>, %arg38: memref<64xi32, #tpu.memory_space<vmem>>, %arg39: memref<64xi32, #tpu.memory_space<vmem>>, %arg40: memref<64x128xf32, #tpu.memory_space<vmem>>, %arg41: memref<64x128xf32, #tpu.memory_space<vmem>>, %arg42: memref<64x128xf32, #tpu.memory_space<vmem>>, %arg43: memref<64x128xf32, #tpu.memory_space<vmem>>, %arg44: memref<64x128xf32, #tpu.memory_space<vmem>>) attributes {dimension_semantics = [#tpu.dimension_semantics<core_parallel>, #tpu.dimension_semantics<subcore_parallel>], iteration_bounds = array<i64: 2, 16>, scalar_prefetch = 0 : i64, scratch_operands = 38 : i64, tpu.core_type = #tpu.core_type<sc_vector_subcore>, window_params = [{transform_indices = #map}, {transform_indices = #map1}, {transform_indices = #map1}, {transform_indices = #map}, {transform_indices = #map2}]} {
    %mul3A = arith.constant 2 : i32
    %mul3A_0 = arith.muli %arg1, %mul3A : i32
    %add3A = arith.addi %mul3A_0, %arg0 : i32
    %mul3A_1 = arith.constant 10240 : i32
    %mul3A_2 = arith.muli %add3A, %mul3A_1 : i32
    %mul3A_3 = arith.constant 640 : i32
    %mul3A_4 = arith.muli %arg1, %mul3A_3 : i32
    "tpu.region"() ({
      %run_scoped3A = tpu.sem_alloc : memref<!tpu.dma_semaphore, #tpu.memory_space<semaphore_mem>>
      tpu.enqueue_dma source(%arg5 : memref<64x128xf32, #tpu.memory_space<hbm>>) target(%arg40 : memref<64x128xf32, #tpu.memory_space<vmem>>) target_semaphore(%run_scoped3A : memref<!tpu.dma_semaphore, #tpu.memory_space<semaphore_mem>>)
      tpu.wait_dma2 semaphore(%run_scoped3A : memref<!tpu.dma_semaphore, #tpu.memory_space<semaphore_mem>>) src(%arg5 : memref<64x128xf32, #tpu.memory_space<hbm>>) dst(%arg40 : memref<64x128xf32, #tpu.memory_space<vmem>>)
      tpu.yield
    }) : () -> ()
    %add3A_5 = arith.constant 0 : i32
    %add3A_6 = arith.addi %mul3A_4, %add3A_5 : i32
    "tpu.region"() ({
      %run_scoped3A = tpu.sem_alloc : memref<!tpu.dma_semaphore, #tpu.memory_space<semaphore_mem>>
      %dma_start3A = arith.constant 0 : i32
      %dma_start3A_51 = tpu.memref_slice %arg7[%add3A_6, %dma_start3A] : memref<10240x128xf32, #tpu.memory_space<vmem_shared>> -> memref<64x128xf32, #tpu.memory_space<vmem_shared>>
      %dma_start3A_52 = arith.constant 0 : i32
      %dma_start3A_53 = tpu.memref_slice %arg7[%add3A_6, %dma_start3A_52] : memref<10240x128xf32, #tpu.memory_space<vmem_shared>> -> memref<64x128xf32, #tpu.memory_space<vmem_shared>>
      tpu.enqueue_dma source(%arg40 : memref<64x128xf32, #tpu.memory_space<vmem>>) target(%dma_start3A_53 : memref<64x128xf32, #tpu.memory_space<vmem_shared>>) target_semaphore(%run_scoped3A : memref<!tpu.dma_semaphore, #tpu.memory_space<semaphore_mem>>)
      %dma_wait3A = arith.constant 0 : i32
      %dma_wait3A_54 = tpu.memref_slice %arg7[%add3A_6, %dma_wait3A] : memref<10240x128xf32, #tpu.memory_space<vmem_shared>> -> memref<64x128xf32, #tpu.memory_space<vmem_shared>>
      %dma_wait3A_55 = arith.constant 0 : i32
      %dma_wait3A_56 = tpu.memref_slice %arg7[%add3A_6, %dma_wait3A_55] : memref<10240x128xf32, #tpu.memory_space<vmem_shared>> -> memref<64x128xf32, #tpu.memory_space<vmem_shared>>
      tpu.wait_dma2 semaphore(%run_scoped3A : memref<!tpu.dma_semaphore, #tpu.memory_space<semaphore_mem>>) src(%arg40 : memref<64x128xf32, #tpu.memory_space<vmem>>) dst(%dma_wait3A_56 : memref<64x128xf32, #tpu.memory_space<vmem_shared>>)
      tpu.yield
    }) : () -> ()
    %add3A_7 = arith.constant 64 : i32
    %add3A_8 = arith.addi %mul3A_4, %add3A_7 : i32
    "tpu.region"() ({
      %run_scoped3A = tpu.sem_alloc : memref<!tpu.dma_semaphore, #tpu.memory_space<semaphore_mem>>
      %dma_start3A = arith.constant 0 : i32
      %dma_start3A_51 = tpu.memref_slice %arg7[%add3A_8, %dma_start3A] : memref<10240x128xf32, #tpu.memory_space<vmem_shared>> -> memref<64x128xf32, #tpu.memory_space<vmem_shared>>
      %dma_start3A_52 = arith.constant 0 : i32
      %dma_start3A_53 = tpu.memref_slice %arg7[%add3A_8, %dma_start3A_52] : memref<10240x128xf32, #tpu.memory_space<vmem_shared>> -> memref<64x128xf32, #tpu.memory_space<vmem_shared>>
      tpu.enqueue_dma source(%arg40 : memref<64x128xf32, #tpu.memory_space<vmem>>) target(%dma_start3A_53 : memref<64x128xf32, #tpu.memory_space<vmem_shared>>) target_semaphore(%run_scoped3A : memref<!tpu.dma_semaphore, #tpu.memory_space<semaphore_mem>>)
      %dma_wait3A = arith.constant 0 : i32
      %dma_wait3A_54 = tpu.memref_slice %arg7[%add3A_8, %dma_wait3A] : memref<10240x128xf32, #tpu.memory_space<vmem_shared>> -> memref<64x128xf32, #tpu.memory_space<vmem_shared>>
      %dma_wait3A_55 = arith.constant 0 : i32
      %dma_wait3A_56 = tpu.memref_slice %arg7[%add3A_8, %dma_wait3A_55] : memref<10240x128xf32, #tpu.memory_space<vmem_shared>> -> memref<64x128xf32, #tpu.memory_space<vmem_shared>>
      tpu.wait_dma2 semaphore(%run_scoped3A : memref<!tpu.dma_semaphore, #tpu.memory_space<semaphore_mem>>) src(%arg40 : memref<64x128xf32, #tpu.memory_space<vmem>>) dst(%dma_wait3A_56 : memref<64x128xf32, #tpu.memory_space<vmem_shared>>)
      tpu.yield
    }) : () -> ()
    %add3A_9 = arith.constant 128 : i32
    %add3A_10 = arith.addi %mul3A_4, %add3A_9 : i32
    "tpu.region"() ({
      %run_scoped3A = tpu.sem_alloc : memref<!tpu.dma_semaphore, #tpu.memory_space<semaphore_mem>>
      %dma_start3A = arith.constant 0 : i32
      %dma_start3A_51 = tpu.memref_slice %arg7[%add3A_10, %dma_start3A] : memref<10240x128xf32, #tpu.memory_space<vmem_shared>> -> memref<64x128xf32, #tpu.memory_space<vmem_shared>>
      %dma_start3A_52 = arith.constant 0 : i32
      %dma_start3A_53 = tpu.memref_slice %arg7[%add3A_10, %dma_start3A_52] : memref<10240x128xf32, #tpu.memory_space<vmem_shared>> -> memref<64x128xf32, #tpu.memory_space<vmem_shared>>
      tpu.enqueue_dma source(%arg40 : memref<64x128xf32, #tpu.memory_space<vmem>>) target(%dma_start3A_53 : memref<64x128xf32, #tpu.memory_space<vmem_shared>>) target_semaphore(%run_scoped3A : memref<!tpu.dma_semaphore, #tpu.memory_space<semaphore_mem>>)
      %dma_wait3A = arith.constant 0 : i32
      %dma_wait3A_54 = tpu.memref_slice %arg7[%add3A_10, %dma_wait3A] : memref<10240x128xf32, #tpu.memory_space<vmem_shared>> -> memref<64x128xf32, #tpu.memory_space<vmem_shared>>
      %dma_wait3A_55 = arith.constant 0 : i32
      %dma_wait3A_56 = tpu.memref_slice %arg7[%add3A_10, %dma_wait3A_55] : memref<10240x128xf32, #tpu.memory_space<vmem_shared>> -> memref<64x128xf32, #tpu.memory_space<vmem_shared>>
      tpu.wait_dma2 semaphore(%run_scoped3A : memref<!tpu.dma_semaphore, #tpu.memory_space<semaphore_mem>>) src(%arg40 : memref<64x128xf32, #tpu.memory_space<vmem>>) dst(%dma_wait3A_56 : memref<64x128xf32, #tpu.memory_space<vmem_shared>>)
      tpu.yield
    }) : () -> ()
    %add3A_11 = arith.constant 192 : i32
    %add3A_12 = arith.addi %mul3A_4, %add3A_11 : i32
    "tpu.region"() ({
      %run_scoped3A = tpu.sem_alloc : memref<!tpu.dma_semaphore, #tpu.memory_space<semaphore_mem>>
      %dma_start3A = arith.constant 0 : i32
      %dma_start3A_51 = tpu.memref_slice %arg7[%add3A_12, %dma_start3A] : memref<10240x128xf32, #tpu.memory_space<vmem_shared>> -> memref<64x128xf32, #tpu.memory_space<vmem_shared>>
      %dma_start3A_52 = arith.constant 0 : i32
      %dma_start3A_53 = tpu.memref_slice %arg7[%add3A_12, %dma_start3A_52] : memref<10240x128xf32, #tpu.memory_space<vmem_shared>> -> memref<64x128xf32, #tpu.memory_space<vmem_shared>>
      tpu.enqueue_dma source(%arg40 : memref<64x128xf32, #tpu.memory_space<vmem>>) target(%dma_start3A_53 : memref<64x128xf32, #tpu.memory_space<vmem_shared>>) target_semaphore(%run_scoped3A : memref<!tpu.dma_semaphore, #tpu.memory_space<semaphore_mem>>)
      %dma_wait3A = arith.constant 0 : i32
      %dma_wait3A_54 = tpu.memref_slice %arg7[%add3A_12, %dma_wait3A] : memref<10240x128xf32, #tpu.memory_space<vmem_shared>> -> memref<64x128xf32, #tpu.memory_space<vmem_shared>>
      %dma_wait3A_55 = arith.constant 0 : i32
      %dma_wait3A_56 = tpu.memref_slice %arg7[%add3A_12, %dma_wait3A_55] : memref<10240x128xf32, #tpu.memory_space<vmem_shared>> -> memref<64x128xf32, #tpu.memory_space<vmem_shared>>
      tpu.wait_dma2 semaphore(%run_scoped3A : memref<!tpu.dma_semaphore, #tpu.memory_space<semaphore_mem>>) src(%arg40 : memref<64x128xf32, #tpu.memory_space<vmem>>) dst(%dma_wait3A_56 : memref<64x128xf32, #tpu.memory_space<vmem_shared>>)
      tpu.yield
    }) : () -> ()
    %add3A_13 = arith.constant 256 : i32
    %add3A_14 = arith.addi %mul3A_4, %add3A_13 : i32
    "tpu.region"() ({
      %run_scoped3A = tpu.sem_alloc : memref<!tpu.dma_semaphore, #tpu.memory_space<semaphore_mem>>
      %dma_start3A = arith.constant 0 : i32
      %dma_start3A_51 = tpu.memref_slice %arg7[%add3A_14, %dma_start3A] : memref<10240x128xf32, #tpu.memory_space<vmem_shared>> -> memref<64x128xf32, #tpu.memory_space<vmem_shared>>
      %dma_start3A_52 = arith.constant 0 : i32
      %dma_start3A_53 = tpu.memref_slice %arg7[%add3A_14, %dma_start3A_52] : memref<10240x128xf32, #tpu.memory_space<vmem_shared>> -> memref<64x128xf32, #tpu.memory_space<vmem_shared>>
      tpu.enqueue_dma source(%arg40 : memref<64x128xf32, #tpu.memory_space<vmem>>) target(%dma_start3A_53 : memref<64x128xf32, #tpu.memory_space<vmem_shared>>) target_semaphore(%run_scoped3A : memref<!tpu.dma_semaphore, #tpu.memory_space<semaphore_mem>>)
      %dma_wait3A = arith.constant 0 : i32
      %dma_wait3A_54 = tpu.memref_slice %arg7[%add3A_14, %dma_wait3A] : memref<10240x128xf32, #tpu.memory_space<vmem_shared>> -> memref<64x128xf32, #tpu.memory_space<vmem_shared>>
      %dma_wait3A_55 = arith.constant 0 : i32
      %dma_wait3A_56 = tpu.memref_slice %arg7[%add3A_14, %dma_wait3A_55] : memref<10240x128xf32, #tpu.memory_space<vmem_shared>> -> memref<64x128xf32, #tpu.memory_space<vmem_shared>>
      tpu.wait_dma2 semaphore(%run_scoped3A : memref<!tpu.dma_semaphore, #tpu.memory_space<semaphore_mem>>) src(%arg40 : memref<64x128xf32, #tpu.memory_space<vmem>>) dst(%dma_wait3A_56 : memref<64x128xf32, #tpu.memory_space<vmem_shared>>)
      tpu.yield
    }) : () -> ()
    %add3A_15 = arith.constant 320 : i32
    %add3A_16 = arith.addi %mul3A_4, %add3A_15 : i32
    "tpu.region"() ({
      %run_scoped3A = tpu.sem_alloc : memref<!tpu.dma_semaphore, #tpu.memory_space<semaphore_mem>>
      %dma_start3A = arith.constant 0 : i32
      %dma_start3A_51 = tpu.memref_slice %arg7[%add3A_16, %dma_start3A] : memref<10240x128xf32, #tpu.memory_space<vmem_shared>> -> memref<64x128xf32, #tpu.memory_space<vmem_shared>>
      %dma_start3A_52 = arith.constant 0 : i32
      %dma_start3A_53 = tpu.memref_slice %arg7[%add3A_16, %dma_start3A_52] : memref<10240x128xf32, #tpu.memory_space<vmem_shared>> -> memref<64x128xf32, #tpu.memory_space<vmem_shared>>
      tpu.enqueue_dma source(%arg40 : memref<64x128xf32, #tpu.memory_space<vmem>>) target(%dma_start3A_53 : memref<64x128xf32, #tpu.memory_space<vmem_shared>>) target_semaphore(%run_scoped3A : memref<!tpu.dma_semaphore, #tpu.memory_space<semaphore_mem>>)
      %dma_wait3A = arith.constant 0 : i32
      %dma_wait3A_54 = tpu.memref_slice %arg7[%add3A_16, %dma_wait3A] : memref<10240x128xf32, #tpu.memory_space<vmem_shared>> -> memref<64x128xf32, #tpu.memory_space<vmem_shared>>
      %dma_wait3A_55 = arith.constant 0 : i32
      %dma_wait3A_56 = tpu.memref_slice %arg7[%add3A_16, %dma_wait3A_55] : memref<10240x128xf32, #tpu.memory_space<vmem_shared>> -> memref<64x128xf32, #tpu.memory_space<vmem_shared>>
      tpu.wait_dma2 semaphore(%run_scoped3A : memref<!tpu.dma_semaphore, #tpu.memory_space<semaphore_mem>>) src(%arg40 : memref<64x128xf32, #tpu.memory_space<vmem>>) dst(%dma_wait3A_56 : memref<64x128xf32, #tpu.memory_space<vmem_shared>>)
      tpu.yield
    }) : () -> ()
    %add3A_17 = arith.constant 384 : i32
    %add3A_18 = arith.addi %mul3A_4, %add3A_17 : i32
    "tpu.region"() ({
      %run_scoped3A = tpu.sem_alloc : memref<!tpu.dma_semaphore, #tpu.memory_space<semaphore_mem>>
      %dma_start3A = arith.constant 0 : i32
      %dma_start3A_51 = tpu.memref_slice %arg7[%add3A_18, %dma_start3A] : memref<10240x128xf32, #tpu.memory_space<vmem_shared>> -> memref<64x128xf32, #tpu.memory_space<vmem_shared>>
      %dma_start3A_52 = arith.constant 0 : i32
      %dma_start3A_53 = tpu.memref_slice %arg7[%add3A_18, %dma_start3A_52] : memref<10240x128xf32, #tpu.memory_space<vmem_shared>> -> memref<64x128xf32, #tpu.memory_space<vmem_shared>>
      tpu.enqueue_dma source(%arg40 : memref<64x128xf32, #tpu.memory_space<vmem>>) target(%dma_start3A_53 : memref<64x128xf32, #tpu.memory_space<vmem_shared>>) target_semaphore(%run_scoped3A : memref<!tpu.dma_semaphore, #tpu.memory_space<semaphore_mem>>)
      %dma_wait3A = arith.constant 0 : i32
      %dma_wait3A_54 = tpu.memref_slice %arg7[%add3A_18, %dma_wait3A] : memref<10240x128xf32, #tpu.memory_space<vmem_shared>> -> memref<64x128xf32, #tpu.memory_space<vmem_shared>>
      %dma_wait3A_55 = arith.constant 0 : i32
      %dma_wait3A_56 = tpu.memref_slice %arg7[%add3A_18, %dma_wait3A_55] : memref<10240x128xf32, #tpu.memory_space<vmem_shared>> -> memref<64x128xf32, #tpu.memory_space<vmem_shared>>
      tpu.wait_dma2 semaphore(%run_scoped3A : memref<!tpu.dma_semaphore, #tpu.memory_space<semaphore_mem>>) src(%arg40 : memref<64x128xf32, #tpu.memory_space<vmem>>) dst(%dma_wait3A_56 : memref<64x128xf32, #tpu.memory_space<vmem_shared>>)
      tpu.yield
    }) : () -> ()
    %add3A_19 = arith.constant 448 : i32
    %add3A_20 = arith.addi %mul3A_4, %add3A_19 : i32
    "tpu.region"() ({
      %run_scoped3A = tpu.sem_alloc : memref<!tpu.dma_semaphore, #tpu.memory_space<semaphore_mem>>
      %dma_start3A = arith.constant 0 : i32
      %dma_start3A_51 = tpu.memref_slice %arg7[%add3A_20, %dma_start3A] : memref<10240x128xf32, #tpu.memory_space<vmem_shared>> -> memref<64x128xf32, #tpu.memory_space<vmem_shared>>
      %dma_start3A_52 = arith.constant 0 : i32
      %dma_start3A_53 = tpu.memref_slice %arg7[%add3A_20, %dma_start3A_52] : memref<10240x128xf32, #tpu.memory_space<vmem_shared>> -> memref<64x128xf32, #tpu.memory_space<vmem_shared>>
      tpu.enqueue_dma source(%arg40 : memref<64x128xf32, #tpu.memory_space<vmem>>) target(%dma_start3A_53 : memref<64x128xf32, #tpu.memory_space<vmem_shared>>) target_semaphore(%run_scoped3A : memref<!tpu.dma_semaphore, #tpu.memory_space<semaphore_mem>>)
      %dma_wait3A = arith.constant 0 : i32
      %dma_wait3A_54 = tpu.memref_slice %arg7[%add3A_20, %dma_wait3A] : memref<10240x128xf32, #tpu.memory_space<vmem_shared>> -> memref<64x128xf32, #tpu.memory_space<vmem_shared>>
      %dma_wait3A_55 = arith.constant 0 : i32
      %dma_wait3A_56 = tpu.memref_slice %arg7[%add3A_20, %dma_wait3A_55] : memref<10240x128xf32, #tpu.memory_space<vmem_shared>> -> memref<64x128xf32, #tpu.memory_space<vmem_shared>>
      tpu.wait_dma2 semaphore(%run_scoped3A : memref<!tpu.dma_semaphore, #tpu.memory_space<semaphore_mem>>) src(%arg40 : memref<64x128xf32, #tpu.memory_space<vmem>>) dst(%dma_wait3A_56 : memref<64x128xf32, #tpu.memory_space<vmem_shared>>)
      tpu.yield
    }) : () -> ()
    %add3A_21 = arith.constant 512 : i32
    %add3A_22 = arith.addi %mul3A_4, %add3A_21 : i32
    "tpu.region"() ({
      %run_scoped3A = tpu.sem_alloc : memref<!tpu.dma_semaphore, #tpu.memory_space<semaphore_mem>>
      %dma_start3A = arith.constant 0 : i32
      %dma_start3A_51 = tpu.memref_slice %arg7[%add3A_22, %dma_start3A] : memref<10240x128xf32, #tpu.memory_space<vmem_shared>> -> memref<64x128xf32, #tpu.memory_space<vmem_shared>>
      %dma_start3A_52 = arith.constant 0 : i32
      %dma_start3A_53 = tpu.memref_slice %arg7[%add3A_22, %dma_start3A_52] : memref<10240x128xf32, #tpu.memory_space<vmem_shared>> -> memref<64x128xf32, #tpu.memory_space<vmem_shared>>
      tpu.enqueue_dma source(%arg40 : memref<64x128xf32, #tpu.memory_space<vmem>>) target(%dma_start3A_53 : memref<64x128xf32, #tpu.memory_space<vmem_shared>>) target_semaphore(%run_scoped3A : memref<!tpu.dma_semaphore, #tpu.memory_space<semaphore_mem>>)
      %dma_wait3A = arith.constant 0 : i32
      %dma_wait3A_54 = tpu.memref_slice %arg7[%add3A_22, %dma_wait3A] : memref<10240x128xf32, #tpu.memory_space<vmem_shared>> -> memref<64x128xf32, #tpu.memory_space<vmem_shared>>
      %dma_wait3A_55 = arith.constant 0 : i32
      %dma_wait3A_56 = tpu.memref_slice %arg7[%add3A_22, %dma_wait3A_55] : memref<10240x128xf32, #tpu.memory_space<vmem_shared>> -> memref<64x128xf32, #tpu.memory_space<vmem_shared>>
      tpu.wait_dma2 semaphore(%run_scoped3A : memref<!tpu.dma_semaphore, #tpu.memory_space<semaphore_mem>>) src(%arg40 : memref<64x128xf32, #tpu.memory_space<vmem>>) dst(%dma_wait3A_56 : memref<64x128xf32, #tpu.memory_space<vmem_shared>>)
      tpu.yield
    }) : () -> ()
    %add3A_23 = arith.constant 576 : i32
    %add3A_24 = arith.addi %mul3A_4, %add3A_23 : i32
    "tpu.region"() ({
      %run_scoped3A = tpu.sem_alloc : memref<!tpu.dma_semaphore, #tpu.memory_space<semaphore_mem>>
      %dma_start3A = arith.constant 0 : i32
      %dma_start3A_51 = tpu.memref_slice %arg7[%add3A_24, %dma_start3A] : memref<10240x128xf32, #tpu.memory_space<vmem_shared>> -> memref<64x128xf32, #tpu.memory_space<vmem_shared>>
      %dma_start3A_52 = arith.constant 0 : i32
      %dma_start3A_53 = tpu.memref_slice %arg7[%add3A_24, %dma_start3A_52] : memref<10240x128xf32, #tpu.memory_space<vmem_shared>> -> memref<64x128xf32, #tpu.memory_space<vmem_shared>>
      tpu.enqueue_dma source(%arg40 : memref<64x128xf32, #tpu.memory_space<vmem>>) target(%dma_start3A_53 : memref<64x128xf32, #tpu.memory_space<vmem_shared>>) target_semaphore(%run_scoped3A : memref<!tpu.dma_semaphore, #tpu.memory_space<semaphore_mem>>)
      %dma_wait3A = arith.constant 0 : i32
      %dma_wait3A_54 = tpu.memref_slice %arg7[%add3A_24, %dma_wait3A] : memref<10240x128xf32, #tpu.memory_space<vmem_shared>> -> memref<64x128xf32, #tpu.memory_space<vmem_shared>>
      %dma_wait3A_55 = arith.constant 0 : i32
      %dma_wait3A_56 = tpu.memref_slice %arg7[%add3A_24, %dma_wait3A_55] : memref<10240x128xf32, #tpu.memory_space<vmem_shared>> -> memref<64x128xf32, #tpu.memory_space<vmem_shared>>
      tpu.wait_dma2 semaphore(%run_scoped3A : memref<!tpu.dma_semaphore, #tpu.memory_space<semaphore_mem>>) src(%arg40 : memref<64x128xf32, #tpu.memory_space<vmem>>) dst(%dma_wait3A_56 : memref<64x128xf32, #tpu.memory_space<vmem_shared>>)
      tpu.yield
    }) : () -> ()
    %barrier3A = arith.constant 0 : index
    tpu.barrier barrier_id(%barrier3A)
    %scan3A = arith.constant 0 : i32
    %scan3A_25 = arith.constant 0 : i32
    %scan3A_26 = arith.constant 16 : i32
    %scan3A_27 = arith.addi %scan3A_25, %scan3A_26 : i32
    %scan3A_28 = arith.constant 1 : i32
    scf.for %scan3A_51 = %scan3A_25 to %scan3A_27 step %scan3A_28  : i32 {
      %mul3A_52 = arith.constant 2 : i32
      %mul3A_53 = arith.muli %mul3A_52, %scan3A_51 : i32
      %mul3A_54 = arith.constant 5 : i32
      %mul3A_55 = arith.muli %mul3A_53, %mul3A_54 : i32
      %add3A_56 = arith.constant 0 : i32
      %add3A_57 = arith.addi %mul3A_55, %add3A_56 : i32
      %mul3A_58 = arith.constant 64 : i32
      %mul3A_59 = arith.muli %add3A_57, %mul3A_58 : i32
      %add3A_60 = arith.addi %mul3A_2, %mul3A_59 : i32
      %dma_start3A = tpu.memref_slice %arg3[%add3A_60] : memref<327680xi32, #tpu.memory_space<hbm>> -> memref<64xi32, #tpu.memory_space<hbm>>
      %dma_start3A_61 = tpu.memref_slice %arg3[%add3A_60] : memref<327680xi32, #tpu.memory_space<hbm>> -> memref<64xi32, #tpu.memory_space<hbm>>
      tpu.enqueue_dma source(%dma_start3A_61 : memref<64xi32, #tpu.memory_space<hbm>>) target(%arg20 : memref<64xi32, #tpu.memory_space<vmem>>) target_semaphore(%arg8 : memref<!tpu.dma_semaphore, #tpu.memory_space<semaphore_mem>>)
      %dma_start3A_62 = tpu.memref_slice %arg4[%add3A_60] : memref<327680xi32, #tpu.memory_space<hbm>> -> memref<64xi32, #tpu.memory_space<hbm>>
      %dma_start3A_63 = tpu.memref_slice %arg4[%add3A_60] : memref<327680xi32, #tpu.memory_space<hbm>> -> memref<64xi32, #tpu.memory_space<hbm>>
      tpu.enqueue_dma source(%dma_start3A_63 : memref<64xi32, #tpu.memory_space<hbm>>) target(%arg30 : memref<64xi32, #tpu.memory_space<vmem>>) target_semaphore(%arg8 : memref<!tpu.dma_semaphore, #tpu.memory_space<semaphore_mem>>)
      %add3A_64 = arith.constant 1 : i32
      %add3A_65 = arith.addi %mul3A_55, %add3A_64 : i32
      %mul3A_66 = arith.constant 64 : i32
      %mul3A_67 = arith.muli %add3A_65, %mul3A_66 : i32
      %add3A_68 = arith.addi %mul3A_2, %mul3A_67 : i32
      %dma_start3A_69 = tpu.memref_slice %arg3[%add3A_68] : memref<327680xi32, #tpu.memory_space<hbm>> -> memref<64xi32, #tpu.memory_space<hbm>>
      %dma_start3A_70 = tpu.memref_slice %arg3[%add3A_68] : memref<327680xi32, #tpu.memory_space<hbm>> -> memref<64xi32, #tpu.memory_space<hbm>>
      tpu.enqueue_dma source(%dma_start3A_70 : memref<64xi32, #tpu.memory_space<hbm>>) target(%arg21 : memref<64xi32, #tpu.memory_space<vmem>>) target_semaphore(%arg8 : memref<!tpu.dma_semaphore, #tpu.memory_space<semaphore_mem>>)
      %dma_start3A_71 = tpu.memref_slice %arg4[%add3A_68] : memref<327680xi32, #tpu.memory_space<hbm>> -> memref<64xi32, #tpu.memory_space<hbm>>
      %dma_start3A_72 = tpu.memref_slice %arg4[%add3A_68] : memref<327680xi32, #tpu.memory_space<hbm>> -> memref<64xi32, #tpu.memory_space<hbm>>
      tpu.enqueue_dma source(%dma_start3A_72 : memref<64xi32, #tpu.memory_space<hbm>>) target(%arg31 : memref<64xi32, #tpu.memory_space<vmem>>) target_semaphore(%arg8 : memref<!tpu.dma_semaphore, #tpu.memory_space<semaphore_mem>>)
      %add3A_73 = arith.constant 2 : i32
      %add3A_74 = arith.addi %mul3A_55, %add3A_73 : i32
      %mul3A_75 = arith.constant 64 : i32
      %mul3A_76 = arith.muli %add3A_74, %mul3A_75 : i32
      %add3A_77 = arith.addi %mul3A_2, %mul3A_76 : i32
      %dma_start3A_78 = tpu.memref_slice %arg3[%add3A_77] : memref<327680xi32, #tpu.memory_space<hbm>> -> memref<64xi32, #tpu.memory_space<hbm>>
      %dma_start3A_79 = tpu.memref_slice %arg3[%add3A_77] : memref<327680xi32, #tpu.memory_space<hbm>> -> memref<64xi32, #tpu.memory_space<hbm>>
      tpu.enqueue_dma source(%dma_start3A_79 : memref<64xi32, #tpu.memory_space<hbm>>) target(%arg22 : memref<64xi32, #tpu.memory_space<vmem>>) target_semaphore(%arg8 : memref<!tpu.dma_semaphore, #tpu.memory_space<semaphore_mem>>)
      %dma_start3A_80 = tpu.memref_slice %arg4[%add3A_77] : memref<327680xi32, #tpu.memory_space<hbm>> -> memref<64xi32, #tpu.memory_space<hbm>>
      %dma_start3A_81 = tpu.memref_slice %arg4[%add3A_77] : memref<327680xi32, #tpu.memory_space<hbm>> -> memref<64xi32, #tpu.memory_space<hbm>>
      tpu.enqueue_dma source(%dma_start3A_81 : memref<64xi32, #tpu.memory_space<hbm>>) target(%arg32 : memref<64xi32, #tpu.memory_space<vmem>>) target_semaphore(%arg8 : memref<!tpu.dma_semaphore, #tpu.memory_space<semaphore_mem>>)
      %add3A_82 = arith.constant 3 : i32
      %add3A_83 = arith.addi %mul3A_55, %add3A_82 : i32
      %mul3A_84 = arith.constant 64 : i32
      %mul3A_85 = arith.muli %add3A_83, %mul3A_84 : i32
      %add3A_86 = arith.addi %mul3A_2, %mul3A_85 : i32
      %dma_start3A_87 = tpu.memref_slice %arg3[%add3A_86] : memref<327680xi32, #tpu.memory_space<hbm>> -> memref<64xi32, #tpu.memory_space<hbm>>
      %dma_start3A_88 = tpu.memref_slice %arg3[%add3A_86] : memref<327680xi32, #tpu.memory_space<hbm>> -> memref<64xi32, #tpu.memory_space<hbm>>
      tpu.enqueue_dma source(%dma_start3A_88 : memref<64xi32, #tpu.memory_space<hbm>>) target(%arg23 : memref<64xi32, #tpu.memory_space<vmem>>) target_semaphore(%arg8 : memref<!tpu.dma_semaphore, #tpu.memory_space<semaphore_mem>>)
      %dma_start3A_89 = tpu.memref_slice %arg4[%add3A_86] : memref<327680xi32, #tpu.memory_space<hbm>> -> memref<64xi32, #tpu.memory_space<hbm>>
      %dma_start3A_90 = tpu.memref_slice %arg4[%add3A_86] : memref<327680xi32, #tpu.memory_space<hbm>> -> memref<64xi32, #tpu.memory_space<hbm>>
      tpu.enqueue_dma source(%dma_start3A_90 : memref<64xi32, #tpu.memory_space<hbm>>) target(%arg33 : memref<64xi32, #tpu.memory_space<vmem>>) target_semaphore(%arg8 : memref<!tpu.dma_semaphore, #tpu.memory_space<semaphore_mem>>)
      %add3A_91 = arith.constant 4 : i32
      %add3A_92 = arith.addi %mul3A_55, %add3A_91 : i32
      %mul3A_93 = arith.constant 64 : i32
      %mul3A_94 = arith.muli %add3A_92, %mul3A_93 : i32
      %add3A_95 = arith.addi %mul3A_2, %mul3A_94 : i32
      %dma_start3A_96 = tpu.memref_slice %arg3[%add3A_95] : memref<327680xi32, #tpu.memory_space<hbm>> -> memref<64xi32, #tpu.memory_space<hbm>>
      %dma_start3A_97 = tpu.memref_slice %arg3[%add3A_95] : memref<327680xi32, #tpu.memory_space<hbm>> -> memref<64xi32, #tpu.memory_space<hbm>>
      tpu.enqueue_dma source(%dma_start3A_97 : memref<64xi32, #tpu.memory_space<hbm>>) target(%arg24 : memref<64xi32, #tpu.memory_space<vmem>>) target_semaphore(%arg8 : memref<!tpu.dma_semaphore, #tpu.memory_space<semaphore_mem>>)
      %dma_start3A_98 = tpu.memref_slice %arg4[%add3A_95] : memref<327680xi32, #tpu.memory_space<hbm>> -> memref<64xi32, #tpu.memory_space<hbm>>
      %dma_start3A_99 = tpu.memref_slice %arg4[%add3A_95] : memref<327680xi32, #tpu.memory_space<hbm>> -> memref<64xi32, #tpu.memory_space<hbm>>
      tpu.enqueue_dma source(%dma_start3A_99 : memref<64xi32, #tpu.memory_space<hbm>>) target(%arg34 : memref<64xi32, #tpu.memory_space<vmem>>) target_semaphore(%arg8 : memref<!tpu.dma_semaphore, #tpu.memory_space<semaphore_mem>>)
      %add3A_100 = arith.constant 5 : i32
      %add3A_101 = arith.addi %mul3A_55, %add3A_100 : i32
      %add3A_102 = arith.constant 0 : i32
      %add3A_103 = arith.addi %add3A_101, %add3A_102 : i32
      %mul3A_104 = arith.constant 64 : i32
      %mul3A_105 = arith.muli %add3A_103, %mul3A_104 : i32
      %add3A_106 = arith.addi %mul3A_2, %mul3A_105 : i32
      %dma_start3A_107 = tpu.memref_slice %arg3[%add3A_106] : memref<327680xi32, #tpu.memory_space<hbm>> -> memref<64xi32, #tpu.memory_space<hbm>>
      %dma_start3A_108 = tpu.memref_slice %arg3[%add3A_106] : memref<327680xi32, #tpu.memory_space<hbm>> -> memref<64xi32, #tpu.memory_space<hbm>>
      tpu.enqueue_dma source(%dma_start3A_108 : memref<64xi32, #tpu.memory_space<hbm>>) target(%arg25 : memref<64xi32, #tpu.memory_space<vmem>>) target_semaphore(%arg9 : memref<!tpu.dma_semaphore, #tpu.memory_space<semaphore_mem>>)
      %dma_start3A_109 = tpu.memref_slice %arg4[%add3A_106] : memref<327680xi32, #tpu.memory_space<hbm>> -> memref<64xi32, #tpu.memory_space<hbm>>
      %dma_start3A_110 = tpu.memref_slice %arg4[%add3A_106] : memref<327680xi32, #tpu.memory_space<hbm>> -> memref<64xi32, #tpu.memory_space<hbm>>
      tpu.enqueue_dma source(%dma_start3A_110 : memref<64xi32, #tpu.memory_space<hbm>>) target(%arg35 : memref<64xi32, #tpu.memory_space<vmem>>) target_semaphore(%arg9 : memref<!tpu.dma_semaphore, #tpu.memory_space<semaphore_mem>>)
      %add3A_111 = arith.constant 1 : i32
      %add3A_112 = arith.addi %add3A_101, %add3A_111 : i32
      %mul3A_113 = arith.constant 64 : i32
      %mul3A_114 = arith.muli %add3A_112, %mul3A_113 : i32
      %add3A_115 = arith.addi %mul3A_2, %mul3A_114 : i32
      %dma_start3A_116 = tpu.memref_slice %arg3[%add3A_115] : memref<327680xi32, #tpu.memory_space<hbm>> -> memref<64xi32, #tpu.memory_space<hbm>>
      %dma_start3A_117 = tpu.memref_slice %arg3[%add3A_115] : memref<327680xi32, #tpu.memory_space<hbm>> -> memref<64xi32, #tpu.memory_space<hbm>>
      tpu.enqueue_dma source(%dma_start3A_117 : memref<64xi32, #tpu.memory_space<hbm>>) target(%arg26 : memref<64xi32, #tpu.memory_space<vmem>>) target_semaphore(%arg9 : memref<!tpu.dma_semaphore, #tpu.memory_space<semaphore_mem>>)
      %dma_start3A_118 = tpu.memref_slice %arg4[%add3A_115] : memref<327680xi32, #tpu.memory_space<hbm>> -> memref<64xi32, #tpu.memory_space<hbm>>
      %dma_start3A_119 = tpu.memref_slice %arg4[%add3A_115] : memref<327680xi32, #tpu.memory_space<hbm>> -> memref<64xi32, #tpu.memory_space<hbm>>
      tpu.enqueue_dma source(%dma_start3A_119 : memref<64xi32, #tpu.memory_space<hbm>>) target(%arg36 : memref<64xi32, #tpu.memory_space<vmem>>) target_semaphore(%arg9 : memref<!tpu.dma_semaphore, #tpu.memory_space<semaphore_mem>>)
      %add3A_120 = arith.constant 2 : i32
      %add3A_121 = arith.addi %add3A_101, %add3A_120 : i32
      %mul3A_122 = arith.constant 64 : i32
      %mul3A_123 = arith.muli %add3A_121, %mul3A_122 : i32
      %add3A_124 = arith.addi %mul3A_2, %mul3A_123 : i32
      %dma_start3A_125 = tpu.memref_slice %arg3[%add3A_124] : memref<327680xi32, #tpu.memory_space<hbm>> -> memref<64xi32, #tpu.memory_space<hbm>>
      %dma_start3A_126 = tpu.memref_slice %arg3[%add3A_124] : memref<327680xi32, #tpu.memory_space<hbm>> -> memref<64xi32, #tpu.memory_space<hbm>>
      tpu.enqueue_dma source(%dma_start3A_126 : memref<64xi32, #tpu.memory_space<hbm>>) target(%arg27 : memref<64xi32, #tpu.memory_space<vmem>>) target_semaphore(%arg9 : memref<!tpu.dma_semaphore, #tpu.memory_space<semaphore_mem>>)
      %dma_start3A_127 = tpu.memref_slice %arg4[%add3A_124] : memref<327680xi32, #tpu.memory_space<hbm>> -> memref<64xi32, #tpu.memory_space<hbm>>
      %dma_start3A_128 = tpu.memref_slice %arg4[%add3A_124] : memref<327680xi32, #tpu.memory_space<hbm>> -> memref<64xi32, #tpu.memory_space<hbm>>
      tpu.enqueue_dma source(%dma_start3A_128 : memref<64xi32, #tpu.memory_space<hbm>>) target(%arg37 : memref<64xi32, #tpu.memory_space<vmem>>) target_semaphore(%arg9 : memref<!tpu.dma_semaphore, #tpu.memory_space<semaphore_mem>>)
      %add3A_129 = arith.constant 3 : i32
      %add3A_130 = arith.addi %add3A_101, %add3A_129 : i32
      %mul3A_131 = arith.constant 64 : i32
      %mul3A_132 = arith.muli %add3A_130, %mul3A_131 : i32
      %add3A_133 = arith.addi %mul3A_2, %mul3A_132 : i32
      %dma_start3A_134 = tpu.memref_slice %arg3[%add3A_133] : memref<327680xi32, #tpu.memory_space<hbm>> -> memref<64xi32, #tpu.memory_space<hbm>>
      %dma_start3A_135 = tpu.memref_slice %arg3[%add3A_133] : memref<327680xi32, #tpu.memory_space<hbm>> -> memref<64xi32, #tpu.memory_space<hbm>>
      tpu.enqueue_dma source(%dma_start3A_135 : memref<64xi32, #tpu.memory_space<hbm>>) target(%arg28 : memref<64xi32, #tpu.memory_space<vmem>>) target_semaphore(%arg9 : memref<!tpu.dma_semaphore, #tpu.memory_space<semaphore_mem>>)
      %dma_start3A_136 = tpu.memref_slice %arg4[%add3A_133] : memref<327680xi32, #tpu.memory_space<hbm>> -> memref<64xi32, #tpu.memory_space<hbm>>
      %dma_start3A_137 = tpu.memref_slice %arg4[%add3A_133] : memref<327680xi32, #tpu.memory_space<hbm>> -> memref<64xi32, #tpu.memory_space<hbm>>
      tpu.enqueue_dma source(%dma_start3A_137 : memref<64xi32, #tpu.memory_space<hbm>>) target(%arg38 : memref<64xi32, #tpu.memory_space<vmem>>) target_semaphore(%arg9 : memref<!tpu.dma_semaphore, #tpu.memory_space<semaphore_mem>>)
      %add3A_138 = arith.constant 4 : i32
      %add3A_139 = arith.addi %add3A_101, %add3A_138 : i32
      %mul3A_140 = arith.constant 64 : i32
      %mul3A_141 = arith.muli %add3A_139, %mul3A_140 : i32
      %add3A_142 = arith.addi %mul3A_2, %mul3A_141 : i32
      %dma_start3A_143 = tpu.memref_slice %arg3[%add3A_142] : memref<327680xi32, #tpu.memory_space<hbm>> -> memref<64xi32, #tpu.memory_space<hbm>>
      %dma_start3A_144 = tpu.memref_slice %arg3[%add3A_142] : memref<327680xi32, #tpu.memory_space<hbm>> -> memref<64xi32, #tpu.memory_space<hbm>>
      tpu.enqueue_dma source(%dma_start3A_144 : memref<64xi32, #tpu.memory_space<hbm>>) target(%arg29 : memref<64xi32, #tpu.memory_space<vmem>>) target_semaphore(%arg9 : memref<!tpu.dma_semaphore, #tpu.memory_space<semaphore_mem>>)
      %dma_start3A_145 = tpu.memref_slice %arg4[%add3A_142] : memref<327680xi32, #tpu.memory_space<hbm>> -> memref<64xi32, #tpu.memory_space<hbm>>
      %dma_start3A_146 = tpu.memref_slice %arg4[%add3A_142] : memref<327680xi32, #tpu.memory_space<hbm>> -> memref<64xi32, #tpu.memory_space<hbm>>
      tpu.enqueue_dma source(%dma_start3A_146 : memref<64xi32, #tpu.memory_space<hbm>>) target(%arg39 : memref<64xi32, #tpu.memory_space<vmem>>) target_semaphore(%arg9 : memref<!tpu.dma_semaphore, #tpu.memory_space<semaphore_mem>>)
      %dma_wait3A = tpu.memref_slice %arg3[%add3A_60] : memref<327680xi32, #tpu.memory_space<hbm>> -> memref<64xi32, #tpu.memory_space<hbm>>
      %dma_wait3A_147 = tpu.memref_slice %arg3[%add3A_60] : memref<327680xi32, #tpu.memory_space<hbm>> -> memref<64xi32, #tpu.memory_space<hbm>>
      tpu.wait_dma2 semaphore(%arg8 : memref<!tpu.dma_semaphore, #tpu.memory_space<semaphore_mem>>) src(%dma_wait3A_147 : memref<64xi32, #tpu.memory_space<hbm>>) dst(%arg20 : memref<64xi32, #tpu.memory_space<vmem>>)
      %dma_wait3A_148 = tpu.memref_slice %arg4[%add3A_60] : memref<327680xi32, #tpu.memory_space<hbm>> -> memref<64xi32, #tpu.memory_space<hbm>>
      %dma_wait3A_149 = tpu.memref_slice %arg4[%add3A_60] : memref<327680xi32, #tpu.memory_space<hbm>> -> memref<64xi32, #tpu.memory_space<hbm>>
      tpu.wait_dma2 semaphore(%arg8 : memref<!tpu.dma_semaphore, #tpu.memory_space<semaphore_mem>>) src(%dma_wait3A_149 : memref<64xi32, #tpu.memory_space<hbm>>) dst(%arg30 : memref<64xi32, #tpu.memory_space<vmem>>)
      %dma_wait3A_150 = tpu.memref_slice %arg3[%add3A_68] : memref<327680xi32, #tpu.memory_space<hbm>> -> memref<64xi32, #tpu.memory_space<hbm>>
      %dma_wait3A_151 = tpu.memref_slice %arg3[%add3A_68] : memref<327680xi32, #tpu.memory_space<hbm>> -> memref<64xi32, #tpu.memory_space<hbm>>
      tpu.wait_dma2 semaphore(%arg8 : memref<!tpu.dma_semaphore, #tpu.memory_space<semaphore_mem>>) src(%dma_wait3A_151 : memref<64xi32, #tpu.memory_space<hbm>>) dst(%arg21 : memref<64xi32, #tpu.memory_space<vmem>>)
      %dma_wait3A_152 = tpu.memref_slice %arg4[%add3A_68] : memref<327680xi32, #tpu.memory_space<hbm>> -> memref<64xi32, #tpu.memory_space<hbm>>
      %dma_wait3A_153 = tpu.memref_slice %arg4[%add3A_68] : memref<327680xi32, #tpu.memory_space<hbm>> -> memref<64xi32, #tpu.memory_space<hbm>>
      tpu.wait_dma2 semaphore(%arg8 : memref<!tpu.dma_semaphore, #tpu.memory_space<semaphore_mem>>) src(%dma_wait3A_153 : memref<64xi32, #tpu.memory_space<hbm>>) dst(%arg31 : memref<64xi32, #tpu.memory_space<vmem>>)
      %dma_wait3A_154 = tpu.memref_slice %arg3[%add3A_77] : memref<327680xi32, #tpu.memory_space<hbm>> -> memref<64xi32, #tpu.memory_space<hbm>>
      %dma_wait3A_155 = tpu.memref_slice %arg3[%add3A_77] : memref<327680xi32, #tpu.memory_space<hbm>> -> memref<64xi32, #tpu.memory_space<hbm>>
      tpu.wait_dma2 semaphore(%arg8 : memref<!tpu.dma_semaphore, #tpu.memory_space<semaphore_mem>>) src(%dma_wait3A_155 : memref<64xi32, #tpu.memory_space<hbm>>) dst(%arg22 : memref<64xi32, #tpu.memory_space<vmem>>)
      %dma_wait3A_156 = tpu.memref_slice %arg4[%add3A_77] : memref<327680xi32, #tpu.memory_space<hbm>> -> memref<64xi32, #tpu.memory_space<hbm>>
      %dma_wait3A_157 = tpu.memref_slice %arg4[%add3A_77] : memref<327680xi32, #tpu.memory_space<hbm>> -> memref<64xi32, #tpu.memory_space<hbm>>
      tpu.wait_dma2 semaphore(%arg8 : memref<!tpu.dma_semaphore, #tpu.memory_space<semaphore_mem>>) src(%dma_wait3A_157 : memref<64xi32, #tpu.memory_space<hbm>>) dst(%arg32 : memref<64xi32, #tpu.memory_space<vmem>>)
      %dma_wait3A_158 = tpu.memref_slice %arg3[%add3A_86] : memref<327680xi32, #tpu.memory_space<hbm>> -> memref<64xi32, #tpu.memory_space<hbm>>
      %dma_wait3A_159 = tpu.memref_slice %arg3[%add3A_86] : memref<327680xi32, #tpu.memory_space<hbm>> -> memref<64xi32, #tpu.memory_space<hbm>>
      tpu.wait_dma2 semaphore(%arg8 : memref<!tpu.dma_semaphore, #tpu.memory_space<semaphore_mem>>) src(%dma_wait3A_159 : memref<64xi32, #tpu.memory_space<hbm>>) dst(%arg23 : memref<64xi32, #tpu.memory_space<vmem>>)
      %dma_wait3A_160 = tpu.memref_slice %arg4[%add3A_86] : memref<327680xi32, #tpu.memory_space<hbm>> -> memref<64xi32, #tpu.memory_space<hbm>>
      %dma_wait3A_161 = tpu.memref_slice %arg4[%add3A_86] : memref<327680xi32, #tpu.memory_space<hbm>> -> memref<64xi32, #tpu.memory_space<hbm>>
      tpu.wait_dma2 semaphore(%arg8 : memref<!tpu.dma_semaphore, #tpu.memory_space<semaphore_mem>>) src(%dma_wait3A_161 : memref<64xi32, #tpu.memory_space<hbm>>) dst(%arg33 : memref<64xi32, #tpu.memory_space<vmem>>)
      %dma_wait3A_162 = tpu.memref_slice %arg3[%add3A_95] : memref<327680xi32, #tpu.memory_space<hbm>> -> memref<64xi32, #tpu.memory_space<hbm>>
      %dma_wait3A_163 = tpu.memref_slice %arg3[%add3A_95] : memref<327680xi32, #tpu.memory_space<hbm>> -> memref<64xi32, #tpu.memory_space<hbm>>
      tpu.wait_dma2 semaphore(%arg8 : memref<!tpu.dma_semaphore, #tpu.memory_space<semaphore_mem>>) src(%dma_wait3A_163 : memref<64xi32, #tpu.memory_space<hbm>>) dst(%arg24 : memref<64xi32, #tpu.memory_space<vmem>>)
      %dma_wait3A_164 = tpu.memref_slice %arg4[%add3A_95] : memref<327680xi32, #tpu.memory_space<hbm>> -> memref<64xi32, #tpu.memory_space<hbm>>
      %dma_wait3A_165 = tpu.memref_slice %arg4[%add3A_95] : memref<327680xi32, #tpu.memory_space<hbm>> -> memref<64xi32, #tpu.memory_space<hbm>>
      tpu.wait_dma2 semaphore(%arg8 : memref<!tpu.dma_semaphore, #tpu.memory_space<semaphore_mem>>) src(%dma_wait3A_165 : memref<64xi32, #tpu.memory_space<hbm>>) dst(%arg34 : memref<64xi32, #tpu.memory_space<vmem>>)
      %dma_start3A_166 = arith.constant 0 : i32
      %dma_start3A_167 = arith.constant 0 : i32
      %dma_start3A_168 = tpu.memref_slice %arg2[%dma_start3A_166, %dma_start3A_167] : memref<10000x128xf32, #tpu.memory_space<hbm>> -> memref<10000x128xf32, #tpu.memory_space<hbm>>
      tpu.enqueue_indirect_dma source(%dma_start3A_168 : memref<10000x128xf32, #tpu.memory_space<hbm>>) target(%arg40 : memref<64x128xf32, #tpu.memory_space<vmem>>) offsets(%arg20 : memref<64xi32, #tpu.memory_space<vmem>>) semaphore(%arg10 : memref<!tpu.dma_semaphore, #tpu.memory_space<semaphore_mem>>)
      %dma_start3A_169 = arith.constant 0 : i32
      %dma_start3A_170 = arith.constant 0 : i32
      %dma_start3A_171 = tpu.memref_slice %arg2[%dma_start3A_169, %dma_start3A_170] : memref<10000x128xf32, #tpu.memory_space<hbm>> -> memref<10000x128xf32, #tpu.memory_space<hbm>>
      tpu.enqueue_indirect_dma source(%dma_start3A_171 : memref<10000x128xf32, #tpu.memory_space<hbm>>) target(%arg41 : memref<64x128xf32, #tpu.memory_space<vmem>>) offsets(%arg21 : memref<64xi32, #tpu.memory_space<vmem>>) semaphore(%arg11 : memref<!tpu.dma_semaphore, #tpu.memory_space<semaphore_mem>>)
      %dma_wait3A_172 = arith.constant 0 : i32
      %dma_wait3A_173 = arith.constant 0 : i32
      %dma_wait3A_174 = tpu.memref_slice %arg2[%dma_wait3A_172, %dma_wait3A_173] : memref<10000x128xf32, #tpu.memory_space<hbm>> -> memref<10000x128xf32, #tpu.memory_space<hbm>>
      tpu.wait_indirect_dma semaphore(%arg10 : memref<!tpu.dma_semaphore, #tpu.memory_space<semaphore_mem>>) src(%dma_wait3A_174 : memref<10000x128xf32, #tpu.memory_space<hbm>>) dst(%arg40 : memref<64x128xf32, #tpu.memory_space<vmem>>)
      %dma_start3A_175 = arith.constant 0 : i32
      %dma_start3A_176 = arith.constant 0 : i32
      %dma_start3A_177 = tpu.memref_slice %arg7[%dma_start3A_175, %dma_start3A_176] : memref<10240x128xf32, #tpu.memory_space<vmem_shared>> -> memref<10240x128xf32, #tpu.memory_space<vmem_shared>>
      tpu.enqueue_indirect_dma source(%arg40 : memref<64x128xf32, #tpu.memory_space<vmem>>) target(%dma_start3A_177 : memref<10240x128xf32, #tpu.memory_space<vmem_shared>>) offsets(%arg30 : memref<64xi32, #tpu.memory_space<vmem>>) semaphore(%arg15 : memref<!tpu.dma_semaphore, #tpu.memory_space<semaphore_mem>>) {add = true}
      %dma_start3A_178 = arith.constant 0 : i32
      %dma_start3A_179 = arith.constant 0 : i32
      %dma_start3A_180 = tpu.memref_slice %arg2[%dma_start3A_178, %dma_start3A_179] : memref<10000x128xf32, #tpu.memory_space<hbm>> -> memref<10000x128xf32, #tpu.memory_space<hbm>>
      tpu.enqueue_indirect_dma source(%dma_start3A_180 : memref<10000x128xf32, #tpu.memory_space<hbm>>) target(%arg42 : memref<64x128xf32, #tpu.memory_space<vmem>>) offsets(%arg22 : memref<64xi32, #tpu.memory_space<vmem>>) semaphore(%arg12 : memref<!tpu.dma_semaphore, #tpu.memory_space<semaphore_mem>>)
      %dma_wait3A_181 = arith.constant 0 : i32
      %dma_wait3A_182 = arith.constant 0 : i32
      %dma_wait3A_183 = tpu.memref_slice %arg2[%dma_wait3A_181, %dma_wait3A_182] : memref<10000x128xf32, #tpu.memory_space<hbm>> -> memref<10000x128xf32, #tpu.memory_space<hbm>>
      tpu.wait_indirect_dma semaphore(%arg11 : memref<!tpu.dma_semaphore, #tpu.memory_space<semaphore_mem>>) src(%dma_wait3A_183 : memref<10000x128xf32, #tpu.memory_space<hbm>>) dst(%arg41 : memref<64x128xf32, #tpu.memory_space<vmem>>)
      %dma_start3A_184 = arith.constant 0 : i32
      %dma_start3A_185 = arith.constant 0 : i32
      %dma_start3A_186 = tpu.memref_slice %arg7[%dma_start3A_184, %dma_start3A_185] : memref<10240x128xf32, #tpu.memory_space<vmem_shared>> -> memref<10240x128xf32, #tpu.memory_space<vmem_shared>>
      tpu.enqueue_indirect_dma source(%arg41 : memref<64x128xf32, #tpu.memory_space<vmem>>) target(%dma_start3A_186 : memref<10240x128xf32, #tpu.memory_space<vmem_shared>>) offsets(%arg31 : memref<64xi32, #tpu.memory_space<vmem>>) semaphore(%arg16 : memref<!tpu.dma_semaphore, #tpu.memory_space<semaphore_mem>>) {add = true}
      %dma_start3A_187 = arith.constant 0 : i32
      %dma_start3A_188 = arith.constant 0 : i32
      %dma_start3A_189 = tpu.memref_slice %arg2[%dma_start3A_187, %dma_start3A_188] : memref<10000x128xf32, #tpu.memory_space<hbm>> -> memref<10000x128xf32, #tpu.memory_space<hbm>>
      tpu.enqueue_indirect_dma source(%dma_start3A_189 : memref<10000x128xf32, #tpu.memory_space<hbm>>) target(%arg43 : memref<64x128xf32, #tpu.memory_space<vmem>>) offsets(%arg23 : memref<64xi32, #tpu.memory_space<vmem>>) semaphore(%arg13 : memref<!tpu.dma_semaphore, #tpu.memory_space<semaphore_mem>>)
      %dma_wait3A_190 = arith.constant 0 : i32
      %dma_wait3A_191 = arith.constant 0 : i32
      %dma_wait3A_192 = tpu.memref_slice %arg2[%dma_wait3A_190, %dma_wait3A_191] : memref<10000x128xf32, #tpu.memory_space<hbm>> -> memref<10000x128xf32, #tpu.memory_space<hbm>>
      tpu.wait_indirect_dma semaphore(%arg12 : memref<!tpu.dma_semaphore, #tpu.memory_space<semaphore_mem>>) src(%dma_wait3A_192 : memref<10000x128xf32, #tpu.memory_space<hbm>>) dst(%arg42 : memref<64x128xf32, #tpu.memory_space<vmem>>)
      %dma_start3A_193 = arith.constant 0 : i32
      %dma_start3A_194 = arith.constant 0 : i32
      %dma_start3A_195 = tpu.memref_slice %arg7[%dma_start3A_193, %dma_start3A_194] : memref<10240x128xf32, #tpu.memory_space<vmem_shared>> -> memref<10240x128xf32, #tpu.memory_space<vmem_shared>>
      tpu.enqueue_indirect_dma source(%arg42 : memref<64x128xf32, #tpu.memory_space<vmem>>) target(%dma_start3A_195 : memref<10240x128xf32, #tpu.memory_space<vmem_shared>>) offsets(%arg32 : memref<64xi32, #tpu.memory_space<vmem>>) semaphore(%arg17 : memref<!tpu.dma_semaphore, #tpu.memory_space<semaphore_mem>>) {add = true}
      %dma_start3A_196 = arith.constant 0 : i32
      %dma_start3A_197 = arith.constant 0 : i32
      %dma_start3A_198 = tpu.memref_slice %arg2[%dma_start3A_196, %dma_start3A_197] : memref<10000x128xf32, #tpu.memory_space<hbm>> -> memref<10000x128xf32, #tpu.memory_space<hbm>>
      tpu.enqueue_indirect_dma source(%dma_start3A_198 : memref<10000x128xf32, #tpu.memory_space<hbm>>) target(%arg44 : memref<64x128xf32, #tpu.memory_space<vmem>>) offsets(%arg24 : memref<64xi32, #tpu.memory_space<vmem>>) semaphore(%arg14 : memref<!tpu.dma_semaphore, #tpu.memory_space<semaphore_mem>>)
      %dma_wait3A_199 = arith.constant 0 : i32
      %dma_wait3A_200 = arith.constant 0 : i32
      %dma_wait3A_201 = tpu.memref_slice %arg2[%dma_wait3A_199, %dma_wait3A_200] : memref<10000x128xf32, #tpu.memory_space<hbm>> -> memref<10000x128xf32, #tpu.memory_space<hbm>>
      tpu.wait_indirect_dma semaphore(%arg13 : memref<!tpu.dma_semaphore, #tpu.memory_space<semaphore_mem>>) src(%dma_wait3A_201 : memref<10000x128xf32, #tpu.memory_space<hbm>>) dst(%arg43 : memref<64x128xf32, #tpu.memory_space<vmem>>)
      %dma_start3A_202 = arith.constant 0 : i32
      %dma_start3A_203 = arith.constant 0 : i32
      %dma_start3A_204 = tpu.memref_slice %arg7[%dma_start3A_202, %dma_start3A_203] : memref<10240x128xf32, #tpu.memory_space<vmem_shared>> -> memref<10240x128xf32, #tpu.memory_space<vmem_shared>>
      tpu.enqueue_indirect_dma source(%arg43 : memref<64x128xf32, #tpu.memory_space<vmem>>) target(%dma_start3A_204 : memref<10240x128xf32, #tpu.memory_space<vmem_shared>>) offsets(%arg33 : memref<64xi32, #tpu.memory_space<vmem>>) semaphore(%arg18 : memref<!tpu.dma_semaphore, #tpu.memory_space<semaphore_mem>>) {add = true}
      %dma_wait3A_205 = tpu.memref_slice %arg3[%add3A_106] : memref<327680xi32, #tpu.memory_space<hbm>> -> memref<64xi32, #tpu.memory_space<hbm>>
      %dma_wait3A_206 = tpu.memref_slice %arg3[%add3A_106] : memref<327680xi32, #tpu.memory_space<hbm>> -> memref<64xi32, #tpu.memory_space<hbm>>
      tpu.wait_dma2 semaphore(%arg9 : memref<!tpu.dma_semaphore, #tpu.memory_space<semaphore_mem>>) src(%dma_wait3A_206 : memref<64xi32, #tpu.memory_space<hbm>>) dst(%arg25 : memref<64xi32, #tpu.memory_space<vmem>>)
      %dma_wait3A_207 = tpu.memref_slice %arg4[%add3A_106] : memref<327680xi32, #tpu.memory_space<hbm>> -> memref<64xi32, #tpu.memory_space<hbm>>
      %dma_wait3A_208 = tpu.memref_slice %arg4[%add3A_106] : memref<327680xi32, #tpu.memory_space<hbm>> -> memref<64xi32, #tpu.memory_space<hbm>>
      tpu.wait_dma2 semaphore(%arg9 : memref<!tpu.dma_semaphore, #tpu.memory_space<semaphore_mem>>) src(%dma_wait3A_208 : memref<64xi32, #tpu.memory_space<hbm>>) dst(%arg35 : memref<64xi32, #tpu.memory_space<vmem>>)
      %dma_wait3A_209 = tpu.memref_slice %arg3[%add3A_115] : memref<327680xi32, #tpu.memory_space<hbm>> -> memref<64xi32, #tpu.memory_space<hbm>>
      %dma_wait3A_210 = tpu.memref_slice %arg3[%add3A_115] : memref<327680xi32, #tpu.memory_space<hbm>> -> memref<64xi32, #tpu.memory_space<hbm>>
      tpu.wait_dma2 semaphore(%arg9 : memref<!tpu.dma_semaphore, #tpu.memory_space<semaphore_mem>>) src(%dma_wait3A_210 : memref<64xi32, #tpu.memory_space<hbm>>) dst(%arg26 : memref<64xi32, #tpu.memory_space<vmem>>)
      %dma_wait3A_211 = tpu.memref_slice %arg4[%add3A_115] : memref<327680xi32, #tpu.memory_space<hbm>> -> memref<64xi32, #tpu.memory_space<hbm>>
      %dma_wait3A_212 = tpu.memref_slice %arg4[%add3A_115] : memref<327680xi32, #tpu.memory_space<hbm>> -> memref<64xi32, #tpu.memory_space<hbm>>
      tpu.wait_dma2 semaphore(%arg9 : memref<!tpu.dma_semaphore, #tpu.memory_space<semaphore_mem>>) src(%dma_wait3A_212 : memref<64xi32, #tpu.memory_space<hbm>>) dst(%arg36 : memref<64xi32, #tpu.memory_space<vmem>>)
      %dma_wait3A_213 = tpu.memref_slice %arg3[%add3A_124] : memref<327680xi32, #tpu.memory_space<hbm>> -> memref<64xi32, #tpu.memory_space<hbm>>
      %dma_wait3A_214 = tpu.memref_slice %arg3[%add3A_124] : memref<327680xi32, #tpu.memory_space<hbm>> -> memref<64xi32, #tpu.memory_space<hbm>>
      tpu.wait_dma2 semaphore(%arg9 : memref<!tpu.dma_semaphore, #tpu.memory_space<semaphore_mem>>) src(%dma_wait3A_214 : memref<64xi32, #tpu.memory_space<hbm>>) dst(%arg27 : memref<64xi32, #tpu.memory_space<vmem>>)
      %dma_wait3A_215 = tpu.memref_slice %arg4[%add3A_124] : memref<327680xi32, #tpu.memory_space<hbm>> -> memref<64xi32, #tpu.memory_space<hbm>>
      %dma_wait3A_216 = tpu.memref_slice %arg4[%add3A_124] : memref<327680xi32, #tpu.memory_space<hbm>> -> memref<64xi32, #tpu.memory_space<hbm>>
      tpu.wait_dma2 semaphore(%arg9 : memref<!tpu.dma_semaphore, #tpu.memory_space<semaphore_mem>>) src(%dma_wait3A_216 : memref<64xi32, #tpu.memory_space<hbm>>) dst(%arg37 : memref<64xi32, #tpu.memory_space<vmem>>)
      %dma_wait3A_217 = tpu.memref_slice %arg3[%add3A_133] : memref<327680xi32, #tpu.memory_space<hbm>> -> memref<64xi32, #tpu.memory_space<hbm>>
      %dma_wait3A_218 = tpu.memref_slice %arg3[%add3A_133] : memref<327680xi32, #tpu.memory_space<hbm>> -> memref<64xi32, #tpu.memory_space<hbm>>
      tpu.wait_dma2 semaphore(%arg9 : memref<!tpu.dma_semaphore, #tpu.memory_space<semaphore_mem>>) src(%dma_wait3A_218 : memref<64xi32, #tpu.memory_space<hbm>>) dst(%arg28 : memref<64xi32, #tpu.memory_space<vmem>>)
      %dma_wait3A_219 = tpu.memref_slice %arg4[%add3A_133] : memref<327680xi32, #tpu.memory_space<hbm>> -> memref<64xi32, #tpu.memory_space<hbm>>
      %dma_wait3A_220 = tpu.memref_slice %arg4[%add3A_133] : memref<327680xi32, #tpu.memory_space<hbm>> -> memref<64xi32, #tpu.memory_space<hbm>>
      tpu.wait_dma2 semaphore(%arg9 : memref<!tpu.dma_semaphore, #tpu.memory_space<semaphore_mem>>) src(%dma_wait3A_220 : memref<64xi32, #tpu.memory_space<hbm>>) dst(%arg38 : memref<64xi32, #tpu.memory_space<vmem>>)
      %dma_wait3A_221 = tpu.memref_slice %arg3[%add3A_142] : memref<327680xi32, #tpu.memory_space<hbm>> -> memref<64xi32, #tpu.memory_space<hbm>>
      %dma_wait3A_222 = tpu.memref_slice %arg3[%add3A_142] : memref<327680xi32, #tpu.memory_space<hbm>> -> memref<64xi32, #tpu.memory_space<hbm>>
      tpu.wait_dma2 semaphore(%arg9 : memref<!tpu.dma_semaphore, #tpu.memory_space<semaphore_mem>>) src(%dma_wait3A_222 : memref<64xi32, #tpu.memory_space<hbm>>) dst(%arg29 : memref<64xi32, #tpu.memory_space<vmem>>)
      %dma_wait3A_223 = tpu.memref_slice %arg4[%add3A_142] : memref<327680xi32, #tpu.memory_space<hbm>> -> memref<64xi32, #tpu.memory_space<hbm>>
      %dma_wait3A_224 = tpu.memref_slice %arg4[%add3A_142] : memref<327680xi32, #tpu.memory_space<hbm>> -> memref<64xi32, #tpu.memory_space<hbm>>
      tpu.wait_dma2 semaphore(%arg9 : memref<!tpu.dma_semaphore, #tpu.memory_space<semaphore_mem>>) src(%dma_wait3A_224 : memref<64xi32, #tpu.memory_space<hbm>>) dst(%arg39 : memref<64xi32, #tpu.memory_space<vmem>>)
      %dma_wait3A_225 = arith.constant 0 : i32
      %dma_wait3A_226 = arith.constant 0 : i32
      %dma_wait3A_227 = tpu.memref_slice %arg7[%dma_wait3A_225, %dma_wait3A_226] : memref<10240x128xf32, #tpu.memory_space<vmem_shared>> -> memref<10240x128xf32, #tpu.memory_space<vmem_shared>>
      tpu.wait_indirect_dma semaphore(%arg15 : memref<!tpu.dma_semaphore, #tpu.memory_space<semaphore_mem>>) src(%arg40 : memref<64x128xf32, #tpu.memory_space<vmem>>) dst(%dma_wait3A_227 : memref<10240x128xf32, #tpu.memory_space<vmem_shared>>)
      %dma_start3A_228 = arith.constant 0 : i32
      %dma_start3A_229 = arith.constant 0 : i32
      %dma_start3A_230 = tpu.memref_slice %arg2[%dma_start3A_228, %dma_start3A_229] : memref<10000x128xf32, #tpu.memory_space<hbm>> -> memref<10000x128xf32, #tpu.memory_space<hbm>>
      tpu.enqueue_indirect_dma source(%dma_start3A_230 : memref<10000x128xf32, #tpu.memory_space<hbm>>) target(%arg40 : memref<64x128xf32, #tpu.memory_space<vmem>>) offsets(%arg25 : memref<64xi32, #tpu.memory_space<vmem>>) semaphore(%arg10 : memref<!tpu.dma_semaphore, #tpu.memory_space<semaphore_mem>>)
      %dma_wait3A_231 = arith.constant 0 : i32
      %dma_wait3A_232 = arith.constant 0 : i32
      %dma_wait3A_233 = tpu.memref_slice %arg2[%dma_wait3A_231, %dma_wait3A_232] : memref<10000x128xf32, #tpu.memory_space<hbm>> -> memref<10000x128xf32, #tpu.memory_space<hbm>>
      tpu.wait_indirect_dma semaphore(%arg14 : memref<!tpu.dma_semaphore, #tpu.memory_space<semaphore_mem>>) src(%dma_wait3A_233 : memref<10000x128xf32, #tpu.memory_space<hbm>>) dst(%arg44 : memref<64x128xf32, #tpu.memory_space<vmem>>)
      %dma_start3A_234 = arith.constant 0 : i32
      %dma_start3A_235 = arith.constant 0 : i32
      %dma_start3A_236 = tpu.memref_slice %arg7[%dma_start3A_234, %dma_start3A_235] : memref<10240x128xf32, #tpu.memory_space<vmem_shared>> -> memref<10240x128xf32, #tpu.memory_space<vmem_shared>>
      tpu.enqueue_indirect_dma source(%arg44 : memref<64x128xf32, #tpu.memory_space<vmem>>) target(%dma_start3A_236 : memref<10240x128xf32, #tpu.memory_space<vmem_shared>>) offsets(%arg34 : memref<64xi32, #tpu.memory_space<vmem>>) semaphore(%arg19 : memref<!tpu.dma_semaphore, #tpu.memory_space<semaphore_mem>>) {add = true}
      %dma_wait3A_237 = arith.constant 0 : i32
      %dma_wait3A_238 = arith.constant 0 : i32
      %dma_wait3A_239 = tpu.memref_slice %arg7[%dma_wait3A_237, %dma_wait3A_238] : memref<10240x128xf32, #tpu.memory_space<vmem_shared>> -> memref<10240x128xf32, #tpu.memory_space<vmem_shared>>
      tpu.wait_indirect_dma semaphore(%arg16 : memref<!tpu.dma_semaphore, #tpu.memory_space<semaphore_mem>>) src(%arg41 : memref<64x128xf32, #tpu.memory_space<vmem>>) dst(%dma_wait3A_239 : memref<10240x128xf32, #tpu.memory_space<vmem_shared>>)
      %dma_start3A_240 = arith.constant 0 : i32
      %dma_start3A_241 = arith.constant 0 : i32
      %dma_start3A_242 = tpu.memref_slice %arg2[%dma_start3A_240, %dma_start3A_241] : memref<10000x128xf32, #tpu.memory_space<hbm>> -> memref<10000x128xf32, #tpu.memory_space<hbm>>
      tpu.enqueue_indirect_dma source(%dma_start3A_242 : memref<10000x128xf32, #tpu.memory_space<hbm>>) target(%arg41 : memref<64x128xf32, #tpu.memory_space<vmem>>) offsets(%arg26 : memref<64xi32, #tpu.memory_space<vmem>>) semaphore(%arg11 : memref<!tpu.dma_semaphore, #tpu.memory_space<semaphore_mem>>)
      %dma_wait3A_243 = arith.constant 0 : i32
      %dma_wait3A_244 = arith.constant 0 : i32
      %dma_wait3A_245 = tpu.memref_slice %arg2[%dma_wait3A_243, %dma_wait3A_244] : memref<10000x128xf32, #tpu.memory_space<hbm>> -> memref<10000x128xf32, #tpu.memory_space<hbm>>
      tpu.wait_indirect_dma semaphore(%arg10 : memref<!tpu.dma_semaphore, #tpu.memory_space<semaphore_mem>>) src(%dma_wait3A_245 : memref<10000x128xf32, #tpu.memory_space<hbm>>) dst(%arg40 : memref<64x128xf32, #tpu.memory_space<vmem>>)
      %dma_start3A_246 = arith.constant 0 : i32
      %dma_start3A_247 = arith.constant 0 : i32
      %dma_start3A_248 = tpu.memref_slice %arg7[%dma_start3A_246, %dma_start3A_247] : memref<10240x128xf32, #tpu.memory_space<vmem_shared>> -> memref<10240x128xf32, #tpu.memory_space<vmem_shared>>
      tpu.enqueue_indirect_dma source(%arg40 : memref<64x128xf32, #tpu.memory_space<vmem>>) target(%dma_start3A_248 : memref<10240x128xf32, #tpu.memory_space<vmem_shared>>) offsets(%arg35 : memref<64xi32, #tpu.memory_space<vmem>>) semaphore(%arg15 : memref<!tpu.dma_semaphore, #tpu.memory_space<semaphore_mem>>) {add = true}
      %dma_wait3A_249 = arith.constant 0 : i32
      %dma_wait3A_250 = arith.constant 0 : i32
      %dma_wait3A_251 = tpu.memref_slice %arg7[%dma_wait3A_249, %dma_wait3A_250] : memref<10240x128xf32, #tpu.memory_space<vmem_shared>> -> memref<10240x128xf32, #tpu.memory_space<vmem_shared>>
      tpu.wait_indirect_dma semaphore(%arg17 : memref<!tpu.dma_semaphore, #tpu.memory_space<semaphore_mem>>) src(%arg42 : memref<64x128xf32, #tpu.memory_space<vmem>>) dst(%dma_wait3A_251 : memref<10240x128xf32, #tpu.memory_space<vmem_shared>>)
      %dma_start3A_252 = arith.constant 0 : i32
      %dma_start3A_253 = arith.constant 0 : i32
      %dma_start3A_254 = tpu.memref_slice %arg2[%dma_start3A_252, %dma_start3A_253] : memref<10000x128xf32, #tpu.memory_space<hbm>> -> memref<10000x128xf32, #tpu.memory_space<hbm>>
      tpu.enqueue_indirect_dma source(%dma_start3A_254 : memref<10000x128xf32, #tpu.memory_space<hbm>>) target(%arg42 : memref<64x128xf32, #tpu.memory_space<vmem>>) offsets(%arg27 : memref<64xi32, #tpu.memory_space<vmem>>) semaphore(%arg12 : memref<!tpu.dma_semaphore, #tpu.memory_space<semaphore_mem>>)
      %dma_wait3A_255 = arith.constant 0 : i32
      %dma_wait3A_256 = arith.constant 0 : i32
      %dma_wait3A_257 = tpu.memref_slice %arg2[%dma_wait3A_255, %dma_wait3A_256] : memref<10000x128xf32, #tpu.memory_space<hbm>> -> memref<10000x128xf32, #tpu.memory_space<hbm>>
      tpu.wait_indirect_dma semaphore(%arg11 : memref<!tpu.dma_semaphore, #tpu.memory_space<semaphore_mem>>) src(%dma_wait3A_257 : memref<10000x128xf32, #tpu.memory_space<hbm>>) dst(%arg41 : memref<64x128xf32, #tpu.memory_space<vmem>>)
      %dma_start3A_258 = arith.constant 0 : i32
      %dma_start3A_259 = arith.constant 0 : i32
      %dma_start3A_260 = tpu.memref_slice %arg7[%dma_start3A_258, %dma_start3A_259] : memref<10240x128xf32, #tpu.memory_space<vmem_shared>> -> memref<10240x128xf32, #tpu.memory_space<vmem_shared>>
      tpu.enqueue_indirect_dma source(%arg41 : memref<64x128xf32, #tpu.memory_space<vmem>>) target(%dma_start3A_260 : memref<10240x128xf32, #tpu.memory_space<vmem_shared>>) offsets(%arg36 : memref<64xi32, #tpu.memory_space<vmem>>) semaphore(%arg16 : memref<!tpu.dma_semaphore, #tpu.memory_space<semaphore_mem>>) {add = true}
      %dma_wait3A_261 = arith.constant 0 : i32
      %dma_wait3A_262 = arith.constant 0 : i32
      %dma_wait3A_263 = tpu.memref_slice %arg7[%dma_wait3A_261, %dma_wait3A_262] : memref<10240x128xf32, #tpu.memory_space<vmem_shared>> -> memref<10240x128xf32, #tpu.memory_space<vmem_shared>>
      tpu.wait_indirect_dma semaphore(%arg18 : memref<!tpu.dma_semaphore, #tpu.memory_space<semaphore_mem>>) src(%arg43 : memref<64x128xf32, #tpu.memory_space<vmem>>) dst(%dma_wait3A_263 : memref<10240x128xf32, #tpu.memory_space<vmem_shared>>)
      %dma_start3A_264 = arith.constant 0 : i32
      %dma_start3A_265 = arith.constant 0 : i32
      %dma_start3A_266 = tpu.memref_slice %arg2[%dma_start3A_264, %dma_start3A_265] : memref<10000x128xf32, #tpu.memory_space<hbm>> -> memref<10000x128xf32, #tpu.memory_space<hbm>>
      tpu.enqueue_indirect_dma source(%dma_start3A_266 : memref<10000x128xf32, #tpu.memory_space<hbm>>) target(%arg43 : memref<64x128xf32, #tpu.memory_space<vmem>>) offsets(%arg28 : memref<64xi32, #tpu.memory_space<vmem>>) semaphore(%arg13 : memref<!tpu.dma_semaphore, #tpu.memory_space<semaphore_mem>>)
      %dma_wait3A_267 = arith.constant 0 : i32
      %dma_wait3A_268 = arith.constant 0 : i32
      %dma_wait3A_269 = tpu.memref_slice %arg2[%dma_wait3A_267, %dma_wait3A_268] : memref<10000x128xf32, #tpu.memory_space<hbm>> -> memref<10000x128xf32, #tpu.memory_space<hbm>>
      tpu.wait_indirect_dma semaphore(%arg12 : memref<!tpu.dma_semaphore, #tpu.memory_space<semaphore_mem>>) src(%dma_wait3A_269 : memref<10000x128xf32, #tpu.memory_space<hbm>>) dst(%arg42 : memref<64x128xf32, #tpu.memory_space<vmem>>)
      %dma_start3A_270 = arith.constant 0 : i32
      %dma_start3A_271 = arith.constant 0 : i32
      %dma_start3A_272 = tpu.memref_slice %arg7[%dma_start3A_270, %dma_start3A_271] : memref<10240x128xf32, #tpu.memory_space<vmem_shared>> -> memref<10240x128xf32, #tpu.memory_space<vmem_shared>>
      tpu.enqueue_indirect_dma source(%arg42 : memref<64x128xf32, #tpu.memory_space<vmem>>) target(%dma_start3A_272 : memref<10240x128xf32, #tpu.memory_space<vmem_shared>>) offsets(%arg37 : memref<64xi32, #tpu.memory_space<vmem>>) semaphore(%arg17 : memref<!tpu.dma_semaphore, #tpu.memory_space<semaphore_mem>>) {add = true}
      %dma_wait3A_273 = arith.constant 0 : i32
      %dma_wait3A_274 = arith.constant 0 : i32
      %dma_wait3A_275 = tpu.memref_slice %arg7[%dma_wait3A_273, %dma_wait3A_274] : memref<10240x128xf32, #tpu.memory_space<vmem_shared>> -> memref<10240x128xf32, #tpu.memory_space<vmem_shared>>
      tpu.wait_indirect_dma semaphore(%arg19 : memref<!tpu.dma_semaphore, #tpu.memory_space<semaphore_mem>>) src(%arg44 : memref<64x128xf32, #tpu.memory_space<vmem>>) dst(%dma_wait3A_275 : memref<10240x128xf32, #tpu.memory_space<vmem_shared>>)
      %dma_start3A_276 = arith.constant 0 : i32
      %dma_start3A_277 = arith.constant 0 : i32
      %dma_start3A_278 = tpu.memref_slice %arg2[%dma_start3A_276, %dma_start3A_277] : memref<10000x128xf32, #tpu.memory_space<hbm>> -> memref<10000x128xf32, #tpu.memory_space<hbm>>
      tpu.enqueue_indirect_dma source(%dma_start3A_278 : memref<10000x128xf32, #tpu.memory_space<hbm>>) target(%arg44 : memref<64x128xf32, #tpu.memory_space<vmem>>) offsets(%arg29 : memref<64xi32, #tpu.memory_space<vmem>>) semaphore(%arg14 : memref<!tpu.dma_semaphore, #tpu.memory_space<semaphore_mem>>)
      %dma_wait3A_279 = arith.constant 0 : i32
      %dma_wait3A_280 = arith.constant 0 : i32
      %dma_wait3A_281 = tpu.memref_slice %arg2[%dma_wait3A_279, %dma_wait3A_280] : memref<10000x128xf32, #tpu.memory_space<hbm>> -> memref<10000x128xf32, #tpu.memory_space<hbm>>
      tpu.wait_indirect_dma semaphore(%arg13 : memref<!tpu.dma_semaphore, #tpu.memory_space<semaphore_mem>>) src(%dma_wait3A_281 : memref<10000x128xf32, #tpu.memory_space<hbm>>) dst(%arg43 : memref<64x128xf32, #tpu.memory_space<vmem>>)
      %dma_start3A_282 = arith.constant 0 : i32
      %dma_start3A_283 = arith.constant 0 : i32
      %dma_start3A_284 = tpu.memref_slice %arg7[%dma_start3A_282, %dma_start3A_283] : memref<10240x128xf32, #tpu.memory_space<vmem_shared>> -> memref<10240x128xf32, #tpu.memory_space<vmem_shared>>
      tpu.enqueue_indirect_dma source(%arg43 : memref<64x128xf32, #tpu.memory_space<vmem>>) target(%dma_start3A_284 : memref<10240x128xf32, #tpu.memory_space<vmem_shared>>) offsets(%arg38 : memref<64xi32, #tpu.memory_space<vmem>>) semaphore(%arg18 : memref<!tpu.dma_semaphore, #tpu.memory_space<semaphore_mem>>) {add = true}
      %dma_wait3A_285 = arith.constant 0 : i32
      %dma_wait3A_286 = arith.constant 0 : i32
      %dma_wait3A_287 = tpu.memref_slice %arg2[%dma_wait3A_285, %dma_wait3A_286] : memref<10000x128xf32, #tpu.memory_space<hbm>> -> memref<10000x128xf32, #tpu.memory_space<hbm>>
      tpu.wait_indirect_dma semaphore(%arg14 : memref<!tpu.dma_semaphore, #tpu.memory_space<semaphore_mem>>) src(%dma_wait3A_287 : memref<10000x128xf32, #tpu.memory_space<hbm>>) dst(%arg44 : memref<64x128xf32, #tpu.memory_space<vmem>>)
      %dma_start3A_288 = arith.constant 0 : i32
      %dma_start3A_289 = arith.constant 0 : i32
      %dma_start3A_290 = tpu.memref_slice %arg7[%dma_start3A_288, %dma_start3A_289] : memref<10240x128xf32, #tpu.memory_space<vmem_shared>> -> memref<10240x128xf32, #tpu.memory_space<vmem_shared>>
      tpu.enqueue_indirect_dma source(%arg44 : memref<64x128xf32, #tpu.memory_space<vmem>>) target(%dma_start3A_290 : memref<10240x128xf32, #tpu.memory_space<vmem_shared>>) offsets(%arg39 : memref<64xi32, #tpu.memory_space<vmem>>) semaphore(%arg19 : memref<!tpu.dma_semaphore, #tpu.memory_space<semaphore_mem>>) {add = true}
      %dma_wait3A_291 = arith.constant 0 : i32
      %dma_wait3A_292 = arith.constant 0 : i32
      %dma_wait3A_293 = tpu.memref_slice %arg7[%dma_wait3A_291, %dma_wait3A_292] : memref<10240x128xf32, #tpu.memory_space<vmem_shared>> -> memref<10240x128xf32, #tpu.memory_space<vmem_shared>>
      tpu.wait_indirect_dma semaphore(%arg15 : memref<!tpu.dma_semaphore, #tpu.memory_space<semaphore_mem>>) src(%arg40 : memref<64x128xf32, #tpu.memory_space<vmem>>) dst(%dma_wait3A_293 : memref<10240x128xf32, #tpu.memory_space<vmem_shared>>)
      %dma_wait3A_294 = arith.constant 0 : i32
      %dma_wait3A_295 = arith.constant 0 : i32
      %dma_wait3A_296 = tpu.memref_slice %arg7[%dma_wait3A_294, %dma_wait3A_295] : memref<10240x128xf32, #tpu.memory_space<vmem_shared>> -> memref<10240x128xf32, #tpu.memory_space<vmem_shared>>
      tpu.wait_indirect_dma semaphore(%arg16 : memref<!tpu.dma_semaphore, #tpu.memory_space<semaphore_mem>>) src(%arg41 : memref<64x128xf32, #tpu.memory_space<vmem>>) dst(%dma_wait3A_296 : memref<10240x128xf32, #tpu.memory_space<vmem_shared>>)
      %dma_wait3A_297 = arith.constant 0 : i32
      %dma_wait3A_298 = arith.constant 0 : i32
      %dma_wait3A_299 = tpu.memref_slice %arg7[%dma_wait3A_297, %dma_wait3A_298] : memref<10240x128xf32, #tpu.memory_space<vmem_shared>> -> memref<10240x128xf32, #tpu.memory_space<vmem_shared>>
      tpu.wait_indirect_dma semaphore(%arg17 : memref<!tpu.dma_semaphore, #tpu.memory_space<semaphore_mem>>) src(%arg42 : memref<64x128xf32, #tpu.memory_space<vmem>>) dst(%dma_wait3A_299 : memref<10240x128xf32, #tpu.memory_space<vmem_shared>>)
      %dma_wait3A_300 = arith.constant 0 : i32
      %dma_wait3A_301 = arith.constant 0 : i32
      %dma_wait3A_302 = tpu.memref_slice %arg7[%dma_wait3A_300, %dma_wait3A_301] : memref<10240x128xf32, #tpu.memory_space<vmem_shared>> -> memref<10240x128xf32, #tpu.memory_space<vmem_shared>>
      tpu.wait_indirect_dma semaphore(%arg18 : memref<!tpu.dma_semaphore, #tpu.memory_space<semaphore_mem>>) src(%arg43 : memref<64x128xf32, #tpu.memory_space<vmem>>) dst(%dma_wait3A_302 : memref<10240x128xf32, #tpu.memory_space<vmem_shared>>)
      %dma_wait3A_303 = arith.constant 0 : i32
      %dma_wait3A_304 = arith.constant 0 : i32
      %dma_wait3A_305 = tpu.memref_slice %arg7[%dma_wait3A_303, %dma_wait3A_304] : memref<10240x128xf32, #tpu.memory_space<vmem_shared>> -> memref<10240x128xf32, #tpu.memory_space<vmem_shared>>
      tpu.wait_indirect_dma semaphore(%arg19 : memref<!tpu.dma_semaphore, #tpu.memory_space<semaphore_mem>>) src(%arg44 : memref<64x128xf32, #tpu.memory_space<vmem>>) dst(%dma_wait3A_305 : memref<10240x128xf32, #tpu.memory_space<vmem_shared>>)
    }
    %scan3A_29 = arith.constant 16 : i32
    %barrier3A_30 = arith.constant 0 : index
    tpu.barrier barrier_id(%barrier3A_30)
    %add3A_31 = arith.constant 0 : i32
    %add3A_32 = arith.addi %mul3A_4, %add3A_31 : i32
    "tpu.region"() ({
      %run_scoped3A = tpu.sem_alloc : memref<!tpu.dma_semaphore, #tpu.memory_space<semaphore_mem>>
      %dma_start3A = arith.constant 0 : i32
      %dma_start3A_51 = tpu.memref_slice %arg7[%add3A_32, %dma_start3A] : memref<10240x128xf32, #tpu.memory_space<vmem_shared>> -> memref<64x128xf32, #tpu.memory_space<vmem_shared>>
      %dma_start3A_52 = arith.constant 0 : i32
      %dma_start3A_53 = tpu.memref_slice %arg7[%add3A_32, %dma_start3A_52] : memref<10240x128xf32, #tpu.memory_space<vmem_shared>> -> memref<64x128xf32, #tpu.memory_space<vmem_shared>>
      tpu.enqueue_dma source(%dma_start3A_53 : memref<64x128xf32, #tpu.memory_space<vmem_shared>>) target(%arg40 : memref<64x128xf32, #tpu.memory_space<vmem>>) target_semaphore(%run_scoped3A : memref<!tpu.dma_semaphore, #tpu.memory_space<semaphore_mem>>)
      %dma_wait3A = arith.constant 0 : i32
      %dma_wait3A_54 = tpu.memref_slice %arg7[%add3A_32, %dma_wait3A] : memref<10240x128xf32, #tpu.memory_space<vmem_shared>> -> memref<64x128xf32, #tpu.memory_space<vmem_shared>>
      %dma_wait3A_55 = arith.constant 0 : i32
      %dma_wait3A_56 = tpu.memref_slice %arg7[%add3A_32, %dma_wait3A_55] : memref<10240x128xf32, #tpu.memory_space<vmem_shared>> -> memref<64x128xf32, #tpu.memory_space<vmem_shared>>
      tpu.wait_dma2 semaphore(%run_scoped3A : memref<!tpu.dma_semaphore, #tpu.memory_space<semaphore_mem>>) src(%dma_wait3A_56 : memref<64x128xf32, #tpu.memory_space<vmem_shared>>) dst(%arg40 : memref<64x128xf32, #tpu.memory_space<vmem>>)
      tpu.yield
    }) : () -> ()
    "tpu.region"() ({
      %run_scoped3A = tpu.sem_alloc : memref<!tpu.dma_semaphore, #tpu.memory_space<semaphore_mem>>
      %dma_start3A = arith.constant 0 : i32
      %dma_start3A_51 = tpu.memref_slice %arg6[%arg0, %add3A_32, %dma_start3A] : memref<2x10240x128xf32, #tpu.memory_space<hbm>> -> memref<1x64x128xf32, #tpu.memory_space<hbm>>
      %dma_start3A_52 = tpu.memref_squeeze %dma_start3A_51 : memref<1x64x128xf32, #tpu.memory_space<hbm>> -> memref<64x128xf32, #tpu.memory_space<hbm>>
      %dma_start3A_53 = arith.constant 0 : i32
      %dma_start3A_54 = tpu.memref_slice %arg6[%arg0, %add3A_32, %dma_start3A_53] : memref<2x10240x128xf32, #tpu.memory_space<hbm>> -> memref<1x64x128xf32, #tpu.memory_space<hbm>>
      %dma_start3A_55 = tpu.memref_squeeze %dma_start3A_54 : memref<1x64x128xf32, #tpu.memory_space<hbm>> -> memref<64x128xf32, #tpu.memory_space<hbm>>
      tpu.enqueue_dma source(%arg40 : memref<64x128xf32, #tpu.memory_space<vmem>>) target(%dma_start3A_55 : memref<64x128xf32, #tpu.memory_space<hbm>>) target_semaphore(%run_scoped3A : memref<!tpu.dma_semaphore, #tpu.memory_space<semaphore_mem>>)
      %dma_wait3A = arith.constant 0 : i32
      %dma_wait3A_56 = tpu.memref_slice %arg6[%arg0, %add3A_32, %dma_wait3A] : memref<2x10240x128xf32, #tpu.memory_space<hbm>> -> memref<1x64x128xf32, #tpu.memory_space<hbm>>
      %dma_wait3A_57 = tpu.memref_squeeze %dma_wait3A_56 : memref<1x64x128xf32, #tpu.memory_space<hbm>> -> memref<64x128xf32, #tpu.memory_space<hbm>>
      %dma_wait3A_58 = arith.constant 0 : i32
      %dma_wait3A_59 = tpu.memref_slice %arg6[%arg0, %add3A_32, %dma_wait3A_58] : memref<2x10240x128xf32, #tpu.memory_space<hbm>> -> memref<1x64x128xf32, #tpu.memory_space<hbm>>
      %dma_wait3A_60 = tpu.memref_squeeze %dma_wait3A_59 : memref<1x64x128xf32, #tpu.memory_space<hbm>> -> memref<64x128xf32, #tpu.memory_space<hbm>>
      tpu.wait_dma2 semaphore(%run_scoped3A : memref<!tpu.dma_semaphore, #tpu.memory_space<semaphore_mem>>) src(%arg40 : memref<64x128xf32, #tpu.memory_space<vmem>>) dst(%dma_wait3A_60 : memref<64x128xf32, #tpu.memory_space<hbm>>)
      tpu.yield
    }) : () -> ()
    %add3A_33 = arith.constant 64 : i32
    %add3A_34 = arith.addi %mul3A_4, %add3A_33 : i32
    "tpu.region"() ({
      %run_scoped3A = tpu.sem_alloc : memref<!tpu.dma_semaphore, #tpu.memory_space<semaphore_mem>>
      %dma_start3A = arith.constant 0 : i32
      %dma_start3A_51 = tpu.memref_slice %arg7[%add3A_34, %dma_start3A] : memref<10240x128xf32, #tpu.memory_space<vmem_shared>> -> memref<64x128xf32, #tpu.memory_space<vmem_shared>>
      %dma_start3A_52 = arith.constant 0 : i32
      %dma_start3A_53 = tpu.memref_slice %arg7[%add3A_34, %dma_start3A_52] : memref<10240x128xf32, #tpu.memory_space<vmem_shared>> -> memref<64x128xf32, #tpu.memory_space<vmem_shared>>
      tpu.enqueue_dma source(%dma_start3A_53 : memref<64x128xf32, #tpu.memory_space<vmem_shared>>) target(%arg40 : memref<64x128xf32, #tpu.memory_space<vmem>>) target_semaphore(%run_scoped3A : memref<!tpu.dma_semaphore, #tpu.memory_space<semaphore_mem>>)
      %dma_wait3A = arith.constant 0 : i32
      %dma_wait3A_54 = tpu.memref_slice %arg7[%add3A_34, %dma_wait3A] : memref<10240x128xf32, #tpu.memory_space<vmem_shared>> -> memref<64x128xf32, #tpu.memory_space<vmem_shared>>
      %dma_wait3A_55 = arith.constant 0 : i32
      %dma_wait3A_56 = tpu.memref_slice %arg7[%add3A_34, %dma_wait3A_55] : memref<10240x128xf32, #tpu.memory_space<vmem_shared>> -> memref<64x128xf32, #tpu.memory_space<vmem_shared>>
      tpu.wait_dma2 semaphore(%run_scoped3A : memref<!tpu.dma_semaphore, #tpu.memory_space<semaphore_mem>>) src(%dma_wait3A_56 : memref<64x128xf32, #tpu.memory_space<vmem_shared>>) dst(%arg40 : memref<64x128xf32, #tpu.memory_space<vmem>>)
      tpu.yield
    }) : () -> ()
    "tpu.region"() ({
      %run_scoped3A = tpu.sem_alloc : memref<!tpu.dma_semaphore, #tpu.memory_space<semaphore_mem>>
      %dma_start3A = arith.constant 0 : i32
      %dma_start3A_51 = tpu.memref_slice %arg6[%arg0, %add3A_34, %dma_start3A] : memref<2x10240x128xf32, #tpu.memory_space<hbm>> -> memref<1x64x128xf32, #tpu.memory_space<hbm>>
      %dma_start3A_52 = tpu.memref_squeeze %dma_start3A_51 : memref<1x64x128xf32, #tpu.memory_space<hbm>> -> memref<64x128xf32, #tpu.memory_space<hbm>>
      %dma_start3A_53 = arith.constant 0 : i32
      %dma_start3A_54 = tpu.memref_slice %arg6[%arg0, %add3A_34, %dma_start3A_53] : memref<2x10240x128xf32, #tpu.memory_space<hbm>> -> memref<1x64x128xf32, #tpu.memory_space<hbm>>
      %dma_start3A_55 = tpu.memref_squeeze %dma_start3A_54 : memref<1x64x128xf32, #tpu.memory_space<hbm>> -> memref<64x128xf32, #tpu.memory_space<hbm>>
      tpu.enqueue_dma source(%arg40 : memref<64x128xf32, #tpu.memory_space<vmem>>) target(%dma_start3A_55 : memref<64x128xf32, #tpu.memory_space<hbm>>) target_semaphore(%run_scoped3A : memref<!tpu.dma_semaphore, #tpu.memory_space<semaphore_mem>>)
      %dma_wait3A = arith.constant 0 : i32
      %dma_wait3A_56 = tpu.memref_slice %arg6[%arg0, %add3A_34, %dma_wait3A] : memref<2x10240x128xf32, #tpu.memory_space<hbm>> -> memref<1x64x128xf32, #tpu.memory_space<hbm>>
      %dma_wait3A_57 = tpu.memref_squeeze %dma_wait3A_56 : memref<1x64x128xf32, #tpu.memory_space<hbm>> -> memref<64x128xf32, #tpu.memory_space<hbm>>
      %dma_wait3A_58 = arith.constant 0 : i32
      %dma_wait3A_59 = tpu.memref_slice %arg6[%arg0, %add3A_34, %dma_wait3A_58] : memref<2x10240x128xf32, #tpu.memory_space<hbm>> -> memref<1x64x128xf32, #tpu.memory_space<hbm>>
      %dma_wait3A_60 = tpu.memref_squeeze %dma_wait3A_59 : memref<1x64x128xf32, #tpu.memory_space<hbm>> -> memref<64x128xf32, #tpu.memory_space<hbm>>
      tpu.wait_dma2 semaphore(%run_scoped3A : memref<!tpu.dma_semaphore, #tpu.memory_space<semaphore_mem>>) src(%arg40 : memref<64x128xf32, #tpu.memory_space<vmem>>) dst(%dma_wait3A_60 : memref<64x128xf32, #tpu.memory_space<hbm>>)
      tpu.yield
    }) : () -> ()
    %add3A_35 = arith.constant 128 : i32
    %add3A_36 = arith.addi %mul3A_4, %add3A_35 : i32
    "tpu.region"() ({
      %run_scoped3A = tpu.sem_alloc : memref<!tpu.dma_semaphore, #tpu.memory_space<semaphore_mem>>
      %dma_start3A = arith.constant 0 : i32
      %dma_start3A_51 = tpu.memref_slice %arg7[%add3A_36, %dma_start3A] : memref<10240x128xf32, #tpu.memory_space<vmem_shared>> -> memref<64x128xf32, #tpu.memory_space<vmem_shared>>
      %dma_start3A_52 = arith.constant 0 : i32
      %dma_start3A_53 = tpu.memref_slice %arg7[%add3A_36, %dma_start3A_52] : memref<10240x128xf32, #tpu.memory_space<vmem_shared>> -> memref<64x128xf32, #tpu.memory_space<vmem_shared>>
      tpu.enqueue_dma source(%dma_start3A_53 : memref<64x128xf32, #tpu.memory_space<vmem_shared>>) target(%arg40 : memref<64x128xf32, #tpu.memory_space<vmem>>) target_semaphore(%run_scoped3A : memref<!tpu.dma_semaphore, #tpu.memory_space<semaphore_mem>>)
      %dma_wait3A = arith.constant 0 : i32
      %dma_wait3A_54 = tpu.memref_slice %arg7[%add3A_36, %dma_wait3A] : memref<10240x128xf32, #tpu.memory_space<vmem_shared>> -> memref<64x128xf32, #tpu.memory_space<vmem_shared>>
      %dma_wait3A_55 = arith.constant 0 : i32
      %dma_wait3A_56 = tpu.memref_slice %arg7[%add3A_36, %dma_wait3A_55] : memref<10240x128xf32, #tpu.memory_space<vmem_shared>> -> memref<64x128xf32, #tpu.memory_space<vmem_shared>>
      tpu.wait_dma2 semaphore(%run_scoped3A : memref<!tpu.dma_semaphore, #tpu.memory_space<semaphore_mem>>) src(%dma_wait3A_56 : memref<64x128xf32, #tpu.memory_space<vmem_shared>>) dst(%arg40 : memref<64x128xf32, #tpu.memory_space<vmem>>)
      tpu.yield
    }) : () -> ()
    "tpu.region"() ({
      %run_scoped3A = tpu.sem_alloc : memref<!tpu.dma_semaphore, #tpu.memory_space<semaphore_mem>>
      %dma_start3A = arith.constant 0 : i32
      %dma_start3A_51 = tpu.memref_slice %arg6[%arg0, %add3A_36, %dma_start3A] : memref<2x10240x128xf32, #tpu.memory_space<hbm>> -> memref<1x64x128xf32, #tpu.memory_space<hbm>>
      %dma_start3A_52 = tpu.memref_squeeze %dma_start3A_51 : memref<1x64x128xf32, #tpu.memory_space<hbm>> -> memref<64x128xf32, #tpu.memory_space<hbm>>
      %dma_start3A_53 = arith.constant 0 : i32
      %dma_start3A_54 = tpu.memref_slice %arg6[%arg0, %add3A_36, %dma_start3A_53] : memref<2x10240x128xf32, #tpu.memory_space<hbm>> -> memref<1x64x128xf32, #tpu.memory_space<hbm>>
      %dma_start3A_55 = tpu.memref_squeeze %dma_start3A_54 : memref<1x64x128xf32, #tpu.memory_space<hbm>> -> memref<64x128xf32, #tpu.memory_space<hbm>>
      tpu.enqueue_dma source(%arg40 : memref<64x128xf32, #tpu.memory_space<vmem>>) target(%dma_start3A_55 : memref<64x128xf32, #tpu.memory_space<hbm>>) target_semaphore(%run_scoped3A : memref<!tpu.dma_semaphore, #tpu.memory_space<semaphore_mem>>)
      %dma_wait3A = arith.constant 0 : i32
      %dma_wait3A_56 = tpu.memref_slice %arg6[%arg0, %add3A_36, %dma_wait3A] : memref<2x10240x128xf32, #tpu.memory_space<hbm>> -> memref<1x64x128xf32, #tpu.memory_space<hbm>>
      %dma_wait3A_57 = tpu.memref_squeeze %dma_wait3A_56 : memref<1x64x128xf32, #tpu.memory_space<hbm>> -> memref<64x128xf32, #tpu.memory_space<hbm>>
      %dma_wait3A_58 = arith.constant 0 : i32
      %dma_wait3A_59 = tpu.memref_slice %arg6[%arg0, %add3A_36, %dma_wait3A_58] : memref<2x10240x128xf32, #tpu.memory_space<hbm>> -> memref<1x64x128xf32, #tpu.memory_space<hbm>>
      %dma_wait3A_60 = tpu.memref_squeeze %dma_wait3A_59 : memref<1x64x128xf32, #tpu.memory_space<hbm>> -> memref<64x128xf32, #tpu.memory_space<hbm>>
      tpu.wait_dma2 semaphore(%run_scoped3A : memref<!tpu.dma_semaphore, #tpu.memory_space<semaphore_mem>>) src(%arg40 : memref<64x128xf32, #tpu.memory_space<vmem>>) dst(%dma_wait3A_60 : memref<64x128xf32, #tpu.memory_space<hbm>>)
      tpu.yield
    }) : () -> ()
    %add3A_37 = arith.constant 192 : i32
    %add3A_38 = arith.addi %mul3A_4, %add3A_37 : i32
    "tpu.region"() ({
      %run_scoped3A = tpu.sem_alloc : memref<!tpu.dma_semaphore, #tpu.memory_space<semaphore_mem>>
      %dma_start3A = arith.constant 0 : i32
      %dma_start3A_51 = tpu.memref_slice %arg7[%add3A_38, %dma_start3A] : memref<10240x128xf32, #tpu.memory_space<vmem_shared>> -> memref<64x128xf32, #tpu.memory_space<vmem_shared>>
      %dma_start3A_52 = arith.constant 0 : i32
      %dma_start3A_53 = tpu.memref_slice %arg7[%add3A_38, %dma_start3A_52] : memref<10240x128xf32, #tpu.memory_space<vmem_shared>> -> memref<64x128xf32, #tpu.memory_space<vmem_shared>>
      tpu.enqueue_dma source(%dma_start3A_53 : memref<64x128xf32, #tpu.memory_space<vmem_shared>>) target(%arg40 : memref<64x128xf32, #tpu.memory_space<vmem>>) target_semaphore(%run_scoped3A : memref<!tpu.dma_semaphore, #tpu.memory_space<semaphore_mem>>)
      %dma_wait3A = arith.constant 0 : i32
      %dma_wait3A_54 = tpu.memref_slice %arg7[%add3A_38, %dma_wait3A] : memref<10240x128xf32, #tpu.memory_space<vmem_shared>> -> memref<64x128xf32, #tpu.memory_space<vmem_shared>>
      %dma_wait3A_55 = arith.constant 0 : i32
      %dma_wait3A_56 = tpu.memref_slice %arg7[%add3A_38, %dma_wait3A_55] : memref<10240x128xf32, #tpu.memory_space<vmem_shared>> -> memref<64x128xf32, #tpu.memory_space<vmem_shared>>
      tpu.wait_dma2 semaphore(%run_scoped3A : memref<!tpu.dma_semaphore, #tpu.memory_space<semaphore_mem>>) src(%dma_wait3A_56 : memref<64x128xf32, #tpu.memory_space<vmem_shared>>) dst(%arg40 : memref<64x128xf32, #tpu.memory_space<vmem>>)
      tpu.yield
    }) : () -> ()
    "tpu.region"() ({
      %run_scoped3A = tpu.sem_alloc : memref<!tpu.dma_semaphore, #tpu.memory_space<semaphore_mem>>
      %dma_start3A = arith.constant 0 : i32
      %dma_start3A_51 = tpu.memref_slice %arg6[%arg0, %add3A_38, %dma_start3A] : memref<2x10240x128xf32, #tpu.memory_space<hbm>> -> memref<1x64x128xf32, #tpu.memory_space<hbm>>
      %dma_start3A_52 = tpu.memref_squeeze %dma_start3A_51 : memref<1x64x128xf32, #tpu.memory_space<hbm>> -> memref<64x128xf32, #tpu.memory_space<hbm>>
      %dma_start3A_53 = arith.constant 0 : i32
      %dma_start3A_54 = tpu.memref_slice %arg6[%arg0, %add3A_38, %dma_start3A_53] : memref<2x10240x128xf32, #tpu.memory_space<hbm>> -> memref<1x64x128xf32, #tpu.memory_space<hbm>>
      %dma_start3A_55 = tpu.memref_squeeze %dma_start3A_54 : memref<1x64x128xf32, #tpu.memory_space<hbm>> -> memref<64x128xf32, #tpu.memory_space<hbm>>
      tpu.enqueue_dma source(%arg40 : memref<64x128xf32, #tpu.memory_space<vmem>>) target(%dma_start3A_55 : memref<64x128xf32, #tpu.memory_space<hbm>>) target_semaphore(%run_scoped3A : memref<!tpu.dma_semaphore, #tpu.memory_space<semaphore_mem>>)
      %dma_wait3A = arith.constant 0 : i32
      %dma_wait3A_56 = tpu.memref_slice %arg6[%arg0, %add3A_38, %dma_wait3A] : memref<2x10240x128xf32, #tpu.memory_space<hbm>> -> memref<1x64x128xf32, #tpu.memory_space<hbm>>
      %dma_wait3A_57 = tpu.memref_squeeze %dma_wait3A_56 : memref<1x64x128xf32, #tpu.memory_space<hbm>> -> memref<64x128xf32, #tpu.memory_space<hbm>>
      %dma_wait3A_58 = arith.constant 0 : i32
      %dma_wait3A_59 = tpu.memref_slice %arg6[%arg0, %add3A_38, %dma_wait3A_58] : memref<2x10240x128xf32, #tpu.memory_space<hbm>> -> memref<1x64x128xf32, #tpu.memory_space<hbm>>
      %dma_wait3A_60 = tpu.memref_squeeze %dma_wait3A_59 : memref<1x64x128xf32, #tpu.memory_space<hbm>> -> memref<64x128xf32, #tpu.memory_space<hbm>>
      tpu.wait_dma2 semaphore(%run_scoped3A : memref<!tpu.dma_semaphore, #tpu.memory_space<semaphore_mem>>) src(%arg40 : memref<64x128xf32, #tpu.memory_space<vmem>>) dst(%dma_wait3A_60 : memref<64x128xf32, #tpu.memory_space<hbm>>)
      tpu.yield
    }) : () -> ()
    %add3A_39 = arith.constant 256 : i32
    %add3A_40 = arith.addi %mul3A_4, %add3A_39 : i32
    "tpu.region"() ({
      %run_scoped3A = tpu.sem_alloc : memref<!tpu.dma_semaphore, #tpu.memory_space<semaphore_mem>>
      %dma_start3A = arith.constant 0 : i32
      %dma_start3A_51 = tpu.memref_slice %arg7[%add3A_40, %dma_start3A] : memref<10240x128xf32, #tpu.memory_space<vmem_shared>> -> memref<64x128xf32, #tpu.memory_space<vmem_shared>>
      %dma_start3A_52 = arith.constant 0 : i32
      %dma_start3A_53 = tpu.memref_slice %arg7[%add3A_40, %dma_start3A_52] : memref<10240x128xf32, #tpu.memory_space<vmem_shared>> -> memref<64x128xf32, #tpu.memory_space<vmem_shared>>
      tpu.enqueue_dma source(%dma_start3A_53 : memref<64x128xf32, #tpu.memory_space<vmem_shared>>) target(%arg40 : memref<64x128xf32, #tpu.memory_space<vmem>>) target_semaphore(%run_scoped3A : memref<!tpu.dma_semaphore, #tpu.memory_space<semaphore_mem>>)
      %dma_wait3A = arith.constant 0 : i32
      %dma_wait3A_54 = tpu.memref_slice %arg7[%add3A_40, %dma_wait3A] : memref<10240x128xf32, #tpu.memory_space<vmem_shared>> -> memref<64x128xf32, #tpu.memory_space<vmem_shared>>
      %dma_wait3A_55 = arith.constant 0 : i32
      %dma_wait3A_56 = tpu.memref_slice %arg7[%add3A_40, %dma_wait3A_55] : memref<10240x128xf32, #tpu.memory_space<vmem_shared>> -> memref<64x128xf32, #tpu.memory_space<vmem_shared>>
      tpu.wait_dma2 semaphore(%run_scoped3A : memref<!tpu.dma_semaphore, #tpu.memory_space<semaphore_mem>>) src(%dma_wait3A_56 : memref<64x128xf32, #tpu.memory_space<vmem_shared>>) dst(%arg40 : memref<64x128xf32, #tpu.memory_space<vmem>>)
      tpu.yield
    }) : () -> ()
    "tpu.region"() ({
      %run_scoped3A = tpu.sem_alloc : memref<!tpu.dma_semaphore, #tpu.memory_space<semaphore_mem>>
      %dma_start3A = arith.constant 0 : i32
      %dma_start3A_51 = tpu.memref_slice %arg6[%arg0, %add3A_40, %dma_start3A] : memref<2x10240x128xf32, #tpu.memory_space<hbm>> -> memref<1x64x128xf32, #tpu.memory_space<hbm>>
      %dma_start3A_52 = tpu.memref_squeeze %dma_start3A_51 : memref<1x64x128xf32, #tpu.memory_space<hbm>> -> memref<64x128xf32, #tpu.memory_space<hbm>>
      %dma_start3A_53 = arith.constant 0 : i32
      %dma_start3A_54 = tpu.memref_slice %arg6[%arg0, %add3A_40, %dma_start3A_53] : memref<2x10240x128xf32, #tpu.memory_space<hbm>> -> memref<1x64x128xf32, #tpu.memory_space<hbm>>
      %dma_start3A_55 = tpu.memref_squeeze %dma_start3A_54 : memref<1x64x128xf32, #tpu.memory_space<hbm>> -> memref<64x128xf32, #tpu.memory_space<hbm>>
      tpu.enqueue_dma source(%arg40 : memref<64x128xf32, #tpu.memory_space<vmem>>) target(%dma_start3A_55 : memref<64x128xf32, #tpu.memory_space<hbm>>) target_semaphore(%run_scoped3A : memref<!tpu.dma_semaphore, #tpu.memory_space<semaphore_mem>>)
      %dma_wait3A = arith.constant 0 : i32
      %dma_wait3A_56 = tpu.memref_slice %arg6[%arg0, %add3A_40, %dma_wait3A] : memref<2x10240x128xf32, #tpu.memory_space<hbm>> -> memref<1x64x128xf32, #tpu.memory_space<hbm>>
      %dma_wait3A_57 = tpu.memref_squeeze %dma_wait3A_56 : memref<1x64x128xf32, #tpu.memory_space<hbm>> -> memref<64x128xf32, #tpu.memory_space<hbm>>
      %dma_wait3A_58 = arith.constant 0 : i32
      %dma_wait3A_59 = tpu.memref_slice %arg6[%arg0, %add3A_40, %dma_wait3A_58] : memref<2x10240x128xf32, #tpu.memory_space<hbm>> -> memref<1x64x128xf32, #tpu.memory_space<hbm>>
      %dma_wait3A_60 = tpu.memref_squeeze %dma_wait3A_59 : memref<1x64x128xf32, #tpu.memory_space<hbm>> -> memref<64x128xf32, #tpu.memory_space<hbm>>
      tpu.wait_dma2 semaphore(%run_scoped3A : memref<!tpu.dma_semaphore, #tpu.memory_space<semaphore_mem>>) src(%arg40 : memref<64x128xf32, #tpu.memory_space<vmem>>) dst(%dma_wait3A_60 : memref<64x128xf32, #tpu.memory_space<hbm>>)
      tpu.yield
    }) : () -> ()
    %add3A_41 = arith.constant 320 : i32
    %add3A_42 = arith.addi %mul3A_4, %add3A_41 : i32
    "tpu.region"() ({
      %run_scoped3A = tpu.sem_alloc : memref<!tpu.dma_semaphore, #tpu.memory_space<semaphore_mem>>
      %dma_start3A = arith.constant 0 : i32
      %dma_start3A_51 = tpu.memref_slice %arg7[%add3A_42, %dma_start3A] : memref<10240x128xf32, #tpu.memory_space<vmem_shared>> -> memref<64x128xf32, #tpu.memory_space<vmem_shared>>
      %dma_start3A_52 = arith.constant 0 : i32
      %dma_start3A_53 = tpu.memref_slice %arg7[%add3A_42, %dma_start3A_52] : memref<10240x128xf32, #tpu.memory_space<vmem_shared>> -> memref<64x128xf32, #tpu.memory_space<vmem_shared>>
      tpu.enqueue_dma source(%dma_start3A_53 : memref<64x128xf32, #tpu.memory_space<vmem_shared>>) target(%arg40 : memref<64x128xf32, #tpu.memory_space<vmem>>) target_semaphore(%run_scoped3A : memref<!tpu.dma_semaphore, #tpu.memory_space<semaphore_mem>>)
      %dma_wait3A = arith.constant 0 : i32
      %dma_wait3A_54 = tpu.memref_slice %arg7[%add3A_42, %dma_wait3A] : memref<10240x128xf32, #tpu.memory_space<vmem_shared>> -> memref<64x128xf32, #tpu.memory_space<vmem_shared>>
      %dma_wait3A_55 = arith.constant 0 : i32
      %dma_wait3A_56 = tpu.memref_slice %arg7[%add3A_42, %dma_wait3A_55] : memref<10240x128xf32, #tpu.memory_space<vmem_shared>> -> memref<64x128xf32, #tpu.memory_space<vmem_shared>>
      tpu.wait_dma2 semaphore(%run_scoped3A : memref<!tpu.dma_semaphore, #tpu.memory_space<semaphore_mem>>) src(%dma_wait3A_56 : memref<64x128xf32, #tpu.memory_space<vmem_shared>>) dst(%arg40 : memref<64x128xf32, #tpu.memory_space<vmem>>)
      tpu.yield
    }) : () -> ()
    "tpu.region"() ({
      %run_scoped3A = tpu.sem_alloc : memref<!tpu.dma_semaphore, #tpu.memory_space<semaphore_mem>>
      %dma_start3A = arith.constant 0 : i32
      %dma_start3A_51 = tpu.memref_slice %arg6[%arg0, %add3A_42, %dma_start3A] : memref<2x10240x128xf32, #tpu.memory_space<hbm>> -> memref<1x64x128xf32, #tpu.memory_space<hbm>>
      %dma_start3A_52 = tpu.memref_squeeze %dma_start3A_51 : memref<1x64x128xf32, #tpu.memory_space<hbm>> -> memref<64x128xf32, #tpu.memory_space<hbm>>
      %dma_start3A_53 = arith.constant 0 : i32
      %dma_start3A_54 = tpu.memref_slice %arg6[%arg0, %add3A_42, %dma_start3A_53] : memref<2x10240x128xf32, #tpu.memory_space<hbm>> -> memref<1x64x128xf32, #tpu.memory_space<hbm>>
      %dma_start3A_55 = tpu.memref_squeeze %dma_start3A_54 : memref<1x64x128xf32, #tpu.memory_space<hbm>> -> memref<64x128xf32, #tpu.memory_space<hbm>>
      tpu.enqueue_dma source(%arg40 : memref<64x128xf32, #tpu.memory_space<vmem>>) target(%dma_start3A_55 : memref<64x128xf32, #tpu.memory_space<hbm>>) target_semaphore(%run_scoped3A : memref<!tpu.dma_semaphore, #tpu.memory_space<semaphore_mem>>)
      %dma_wait3A = arith.constant 0 : i32
      %dma_wait3A_56 = tpu.memref_slice %arg6[%arg0, %add3A_42, %dma_wait3A] : memref<2x10240x128xf32, #tpu.memory_space<hbm>> -> memref<1x64x128xf32, #tpu.memory_space<hbm>>
      %dma_wait3A_57 = tpu.memref_squeeze %dma_wait3A_56 : memref<1x64x128xf32, #tpu.memory_space<hbm>> -> memref<64x128xf32, #tpu.memory_space<hbm>>
      %dma_wait3A_58 = arith.constant 0 : i32
      %dma_wait3A_59 = tpu.memref_slice %arg6[%arg0, %add3A_42, %dma_wait3A_58] : memref<2x10240x128xf32, #tpu.memory_space<hbm>> -> memref<1x64x128xf32, #tpu.memory_space<hbm>>
      %dma_wait3A_60 = tpu.memref_squeeze %dma_wait3A_59 : memref<1x64x128xf32, #tpu.memory_space<hbm>> -> memref<64x128xf32, #tpu.memory_space<hbm>>
      tpu.wait_dma2 semaphore(%run_scoped3A : memref<!tpu.dma_semaphore, #tpu.memory_space<semaphore_mem>>) src(%arg40 : memref<64x128xf32, #tpu.memory_space<vmem>>) dst(%dma_wait3A_60 : memref<64x128xf32, #tpu.memory_space<hbm>>)
      tpu.yield
    }) : () -> ()
    %add3A_43 = arith.constant 384 : i32
    %add3A_44 = arith.addi %mul3A_4, %add3A_43 : i32
    "tpu.region"() ({
      %run_scoped3A = tpu.sem_alloc : memref<!tpu.dma_semaphore, #tpu.memory_space<semaphore_mem>>
      %dma_start3A = arith.constant 0 : i32
      %dma_start3A_51 = tpu.memref_slice %arg7[%add3A_44, %dma_start3A] : memref<10240x128xf32, #tpu.memory_space<vmem_shared>> -> memref<64x128xf32, #tpu.memory_space<vmem_shared>>
      %dma_start3A_52 = arith.constant 0 : i32
      %dma_start3A_53 = tpu.memref_slice %arg7[%add3A_44, %dma_start3A_52] : memref<10240x128xf32, #tpu.memory_space<vmem_shared>> -> memref<64x128xf32, #tpu.memory_space<vmem_shared>>
      tpu.enqueue_dma source(%dma_start3A_53 : memref<64x128xf32, #tpu.memory_space<vmem_shared>>) target(%arg40 : memref<64x128xf32, #tpu.memory_space<vmem>>) target_semaphore(%run_scoped3A : memref<!tpu.dma_semaphore, #tpu.memory_space<semaphore_mem>>)
      %dma_wait3A = arith.constant 0 : i32
      %dma_wait3A_54 = tpu.memref_slice %arg7[%add3A_44, %dma_wait3A] : memref<10240x128xf32, #tpu.memory_space<vmem_shared>> -> memref<64x128xf32, #tpu.memory_space<vmem_shared>>
      %dma_wait3A_55 = arith.constant 0 : i32
      %dma_wait3A_56 = tpu.memref_slice %arg7[%add3A_44, %dma_wait3A_55] : memref<10240x128xf32, #tpu.memory_space<vmem_shared>> -> memref<64x128xf32, #tpu.memory_space<vmem_shared>>
      tpu.wait_dma2 semaphore(%run_scoped3A : memref<!tpu.dma_semaphore, #tpu.memory_space<semaphore_mem>>) src(%dma_wait3A_56 : memref<64x128xf32, #tpu.memory_space<vmem_shared>>) dst(%arg40 : memref<64x128xf32, #tpu.memory_space<vmem>>)
      tpu.yield
    }) : () -> ()
    "tpu.region"() ({
      %run_scoped3A = tpu.sem_alloc : memref<!tpu.dma_semaphore, #tpu.memory_space<semaphore_mem>>
      %dma_start3A = arith.constant 0 : i32
      %dma_start3A_51 = tpu.memref_slice %arg6[%arg0, %add3A_44, %dma_start3A] : memref<2x10240x128xf32, #tpu.memory_space<hbm>> -> memref<1x64x128xf32, #tpu.memory_space<hbm>>
      %dma_start3A_52 = tpu.memref_squeeze %dma_start3A_51 : memref<1x64x128xf32, #tpu.memory_space<hbm>> -> memref<64x128xf32, #tpu.memory_space<hbm>>
      %dma_start3A_53 = arith.constant 0 : i32
      %dma_start3A_54 = tpu.memref_slice %arg6[%arg0, %add3A_44, %dma_start3A_53] : memref<2x10240x128xf32, #tpu.memory_space<hbm>> -> memref<1x64x128xf32, #tpu.memory_space<hbm>>
      %dma_start3A_55 = tpu.memref_squeeze %dma_start3A_54 : memref<1x64x128xf32, #tpu.memory_space<hbm>> -> memref<64x128xf32, #tpu.memory_space<hbm>>
      tpu.enqueue_dma source(%arg40 : memref<64x128xf32, #tpu.memory_space<vmem>>) target(%dma_start3A_55 : memref<64x128xf32, #tpu.memory_space<hbm>>) target_semaphore(%run_scoped3A : memref<!tpu.dma_semaphore, #tpu.memory_space<semaphore_mem>>)
      %dma_wait3A = arith.constant 0 : i32
      %dma_wait3A_56 = tpu.memref_slice %arg6[%arg0, %add3A_44, %dma_wait3A] : memref<2x10240x128xf32, #tpu.memory_space<hbm>> -> memref<1x64x128xf32, #tpu.memory_space<hbm>>
      %dma_wait3A_57 = tpu.memref_squeeze %dma_wait3A_56 : memref<1x64x128xf32, #tpu.memory_space<hbm>> -> memref<64x128xf32, #tpu.memory_space<hbm>>
      %dma_wait3A_58 = arith.constant 0 : i32
      %dma_wait3A_59 = tpu.memref_slice %arg6[%arg0, %add3A_44, %dma_wait3A_58] : memref<2x10240x128xf32, #tpu.memory_space<hbm>> -> memref<1x64x128xf32, #tpu.memory_space<hbm>>
      %dma_wait3A_60 = tpu.memref_squeeze %dma_wait3A_59 : memref<1x64x128xf32, #tpu.memory_space<hbm>> -> memref<64x128xf32, #tpu.memory_space<hbm>>
      tpu.wait_dma2 semaphore(%run_scoped3A : memref<!tpu.dma_semaphore, #tpu.memory_space<semaphore_mem>>) src(%arg40 : memref<64x128xf32, #tpu.memory_space<vmem>>) dst(%dma_wait3A_60 : memref<64x128xf32, #tpu.memory_space<hbm>>)
      tpu.yield
    }) : () -> ()
    %add3A_45 = arith.constant 448 : i32
    %add3A_46 = arith.addi %mul3A_4, %add3A_45 : i32
    "tpu.region"() ({
      %run_scoped3A = tpu.sem_alloc : memref<!tpu.dma_semaphore, #tpu.memory_space<semaphore_mem>>
      %dma_start3A = arith.constant 0 : i32
      %dma_start3A_51 = tpu.memref_slice %arg7[%add3A_46, %dma_start3A] : memref<10240x128xf32, #tpu.memory_space<vmem_shared>> -> memref<64x128xf32, #tpu.memory_space<vmem_shared>>
      %dma_start3A_52 = arith.constant 0 : i32
      %dma_start3A_53 = tpu.memref_slice %arg7[%add3A_46, %dma_start3A_52] : memref<10240x128xf32, #tpu.memory_space<vmem_shared>> -> memref<64x128xf32, #tpu.memory_space<vmem_shared>>
      tpu.enqueue_dma source(%dma_start3A_53 : memref<64x128xf32, #tpu.memory_space<vmem_shared>>) target(%arg40 : memref<64x128xf32, #tpu.memory_space<vmem>>) target_semaphore(%run_scoped3A : memref<!tpu.dma_semaphore, #tpu.memory_space<semaphore_mem>>)
      %dma_wait3A = arith.constant 0 : i32
      %dma_wait3A_54 = tpu.memref_slice %arg7[%add3A_46, %dma_wait3A] : memref<10240x128xf32, #tpu.memory_space<vmem_shared>> -> memref<64x128xf32, #tpu.memory_space<vmem_shared>>
      %dma_wait3A_55 = arith.constant 0 : i32
      %dma_wait3A_56 = tpu.memref_slice %arg7[%add3A_46, %dma_wait3A_55] : memref<10240x128xf32, #tpu.memory_space<vmem_shared>> -> memref<64x128xf32, #tpu.memory_space<vmem_shared>>
      tpu.wait_dma2 semaphore(%run_scoped3A : memref<!tpu.dma_semaphore, #tpu.memory_space<semaphore_mem>>) src(%dma_wait3A_56 : memref<64x128xf32, #tpu.memory_space<vmem_shared>>) dst(%arg40 : memref<64x128xf32, #tpu.memory_space<vmem>>)
      tpu.yield
    }) : () -> ()
    "tpu.region"() ({
      %run_scoped3A = tpu.sem_alloc : memref<!tpu.dma_semaphore, #tpu.memory_space<semaphore_mem>>
      %dma_start3A = arith.constant 0 : i32
      %dma_start3A_51 = tpu.memref_slice %arg6[%arg0, %add3A_46, %dma_start3A] : memref<2x10240x128xf32, #tpu.memory_space<hbm>> -> memref<1x64x128xf32, #tpu.memory_space<hbm>>
      %dma_start3A_52 = tpu.memref_squeeze %dma_start3A_51 : memref<1x64x128xf32, #tpu.memory_space<hbm>> -> memref<64x128xf32, #tpu.memory_space<hbm>>
      %dma_start3A_53 = arith.constant 0 : i32
      %dma_start3A_54 = tpu.memref_slice %arg6[%arg0, %add3A_46, %dma_start3A_53] : memref<2x10240x128xf32, #tpu.memory_space<hbm>> -> memref<1x64x128xf32, #tpu.memory_space<hbm>>
      %dma_start3A_55 = tpu.memref_squeeze %dma_start3A_54 : memref<1x64x128xf32, #tpu.memory_space<hbm>> -> memref<64x128xf32, #tpu.memory_space<hbm>>
      tpu.enqueue_dma source(%arg40 : memref<64x128xf32, #tpu.memory_space<vmem>>) target(%dma_start3A_55 : memref<64x128xf32, #tpu.memory_space<hbm>>) target_semaphore(%run_scoped3A : memref<!tpu.dma_semaphore, #tpu.memory_space<semaphore_mem>>)
      %dma_wait3A = arith.constant 0 : i32
      %dma_wait3A_56 = tpu.memref_slice %arg6[%arg0, %add3A_46, %dma_wait3A] : memref<2x10240x128xf32, #tpu.memory_space<hbm>> -> memref<1x64x128xf32, #tpu.memory_space<hbm>>
      %dma_wait3A_57 = tpu.memref_squeeze %dma_wait3A_56 : memref<1x64x128xf32, #tpu.memory_space<hbm>> -> memref<64x128xf32, #tpu.memory_space<hbm>>
      %dma_wait3A_58 = arith.constant 0 : i32
      %dma_wait3A_59 = tpu.memref_slice %arg6[%arg0, %add3A_46, %dma_wait3A_58] : memref<2x10240x128xf32, #tpu.memory_space<hbm>> -> memref<1x64x128xf32, #tpu.memory_space<hbm>>
      %dma_wait3A_60 = tpu.memref_squeeze %dma_wait3A_59 : memref<1x64x128xf32, #tpu.memory_space<hbm>> -> memref<64x128xf32, #tpu.memory_space<hbm>>
      tpu.wait_dma2 semaphore(%run_scoped3A : memref<!tpu.dma_semaphore, #tpu.memory_space<semaphore_mem>>) src(%arg40 : memref<64x128xf32, #tpu.memory_space<vmem>>) dst(%dma_wait3A_60 : memref<64x128xf32, #tpu.memory_space<hbm>>)
      tpu.yield
    }) : () -> ()
    %add3A_47 = arith.constant 512 : i32
    %add3A_48 = arith.addi %mul3A_4, %add3A_47 : i32
    "tpu.region"() ({
      %run_scoped3A = tpu.sem_alloc : memref<!tpu.dma_semaphore, #tpu.memory_space<semaphore_mem>>
      %dma_start3A = arith.constant 0 : i32
      %dma_start3A_51 = tpu.memref_slice %arg7[%add3A_48, %dma_start3A] : memref<10240x128xf32, #tpu.memory_space<vmem_shared>> -> memref<64x128xf32, #tpu.memory_space<vmem_shared>>
      %dma_start3A_52 = arith.constant 0 : i32
      %dma_start3A_53 = tpu.memref_slice %arg7[%add3A_48, %dma_start3A_52] : memref<10240x128xf32, #tpu.memory_space<vmem_shared>> -> memref<64x128xf32, #tpu.memory_space<vmem_shared>>
      tpu.enqueue_dma source(%dma_start3A_53 : memref<64x128xf32, #tpu.memory_space<vmem_shared>>) target(%arg40 : memref<64x128xf32, #tpu.memory_space<vmem>>) target_semaphore(%run_scoped3A : memref<!tpu.dma_semaphore, #tpu.memory_space<semaphore_mem>>)
      %dma_wait3A = arith.constant 0 : i32
      %dma_wait3A_54 = tpu.memref_slice %arg7[%add3A_48, %dma_wait3A] : memref<10240x128xf32, #tpu.memory_space<vmem_shared>> -> memref<64x128xf32, #tpu.memory_space<vmem_shared>>
      %dma_wait3A_55 = arith.constant 0 : i32
      %dma_wait3A_56 = tpu.memref_slice %arg7[%add3A_48, %dma_wait3A_55] : memref<10240x128xf32, #tpu.memory_space<vmem_shared>> -> memref<64x128xf32, #tpu.memory_space<vmem_shared>>
      tpu.wait_dma2 semaphore(%run_scoped3A : memref<!tpu.dma_semaphore, #tpu.memory_space<semaphore_mem>>) src(%dma_wait3A_56 : memref<64x128xf32, #tpu.memory_space<vmem_shared>>) dst(%arg40 : memref<64x128xf32, #tpu.memory_space<vmem>>)
      tpu.yield
    }) : () -> ()
    "tpu.region"() ({
      %run_scoped3A = tpu.sem_alloc : memref<!tpu.dma_semaphore, #tpu.memory_space<semaphore_mem>>
      %dma_start3A = arith.constant 0 : i32
      %dma_start3A_51 = tpu.memref_slice %arg6[%arg0, %add3A_48, %dma_start3A] : memref<2x10240x128xf32, #tpu.memory_space<hbm>> -> memref<1x64x128xf32, #tpu.memory_space<hbm>>
      %dma_start3A_52 = tpu.memref_squeeze %dma_start3A_51 : memref<1x64x128xf32, #tpu.memory_space<hbm>> -> memref<64x128xf32, #tpu.memory_space<hbm>>
      %dma_start3A_53 = arith.constant 0 : i32
      %dma_start3A_54 = tpu.memref_slice %arg6[%arg0, %add3A_48, %dma_start3A_53] : memref<2x10240x128xf32, #tpu.memory_space<hbm>> -> memref<1x64x128xf32, #tpu.memory_space<hbm>>
      %dma_start3A_55 = tpu.memref_squeeze %dma_start3A_54 : memref<1x64x128xf32, #tpu.memory_space<hbm>> -> memref<64x128xf32, #tpu.memory_space<hbm>>
      tpu.enqueue_dma source(%arg40 : memref<64x128xf32, #tpu.memory_space<vmem>>) target(%dma_start3A_55 : memref<64x128xf32, #tpu.memory_space<hbm>>) target_semaphore(%run_scoped3A : memref<!tpu.dma_semaphore, #tpu.memory_space<semaphore_mem>>)
      %dma_wait3A = arith.constant 0 : i32
      %dma_wait3A_56 = tpu.memref_slice %arg6[%arg0, %add3A_48, %dma_wait3A] : memref<2x10240x128xf32, #tpu.memory_space<hbm>> -> memref<1x64x128xf32, #tpu.memory_space<hbm>>
      %dma_wait3A_57 = tpu.memref_squeeze %dma_wait3A_56 : memref<1x64x128xf32, #tpu.memory_space<hbm>> -> memref<64x128xf32, #tpu.memory_space<hbm>>
      %dma_wait3A_58 = arith.constant 0 : i32
      %dma_wait3A_59 = tpu.memref_slice %arg6[%arg0, %add3A_48, %dma_wait3A_58] : memref<2x10240x128xf32, #tpu.memory_space<hbm>> -> memref<1x64x128xf32, #tpu.memory_space<hbm>>
      %dma_wait3A_60 = tpu.memref_squeeze %dma_wait3A_59 : memref<1x64x128xf32, #tpu.memory_space<hbm>> -> memref<64x128xf32, #tpu.memory_space<hbm>>
      tpu.wait_dma2 semaphore(%run_scoped3A : memref<!tpu.dma_semaphore, #tpu.memory_space<semaphore_mem>>) src(%arg40 : memref<64x128xf32, #tpu.memory_space<vmem>>) dst(%dma_wait3A_60 : memref<64x128xf32, #tpu.memory_space<hbm>>)
      tpu.yield
    }) : () -> ()
    %add3A_49 = arith.constant 576 : i32
    %add3A_50 = arith.addi %mul3A_4, %add3A_49 : i32
    "tpu.region"() ({
      %run_scoped3A = tpu.sem_alloc : memref<!tpu.dma_semaphore, #tpu.memory_space<semaphore_mem>>
      %dma_start3A = arith.constant 0 : i32
      %dma_start3A_51 = tpu.memref_slice %arg7[%add3A_50, %dma_start3A] : memref<10240x128xf32, #tpu.memory_space<vmem_shared>> -> memref<64x128xf32, #tpu.memory_space<vmem_shared>>
      %dma_start3A_52 = arith.constant 0 : i32
      %dma_start3A_53 = tpu.memref_slice %arg7[%add3A_50, %dma_start3A_52] : memref<10240x128xf32, #tpu.memory_space<vmem_shared>> -> memref<64x128xf32, #tpu.memory_space<vmem_shared>>
      tpu.enqueue_dma source(%dma_start3A_53 : memref<64x128xf32, #tpu.memory_space<vmem_shared>>) target(%arg40 : memref<64x128xf32, #tpu.memory_space<vmem>>) target_semaphore(%run_scoped3A : memref<!tpu.dma_semaphore, #tpu.memory_space<semaphore_mem>>)
      %dma_wait3A = arith.constant 0 : i32
      %dma_wait3A_54 = tpu.memref_slice %arg7[%add3A_50, %dma_wait3A] : memref<10240x128xf32, #tpu.memory_space<vmem_shared>> -> memref<64x128xf32, #tpu.memory_space<vmem_shared>>
      %dma_wait3A_55 = arith.constant 0 : i32
      %dma_wait3A_56 = tpu.memref_slice %arg7[%add3A_50, %dma_wait3A_55] : memref<10240x128xf32, #tpu.memory_space<vmem_shared>> -> memref<64x128xf32, #tpu.memory_space<vmem_shared>>
      tpu.wait_dma2 semaphore(%run_scoped3A : memref<!tpu.dma_semaphore, #tpu.memory_space<semaphore_mem>>) src(%dma_wait3A_56 : memref<64x128xf32, #tpu.memory_space<vmem_shared>>) dst(%arg40 : memref<64x128xf32, #tpu.memory_space<vmem>>)
      tpu.yield
    }) : () -> ()
    "tpu.region"() ({
      %run_scoped3A = tpu.sem_alloc : memref<!tpu.dma_semaphore, #tpu.memory_space<semaphore_mem>>
      %dma_start3A = arith.constant 0 : i32
      %dma_start3A_51 = tpu.memref_slice %arg6[%arg0, %add3A_50, %dma_start3A] : memref<2x10240x128xf32, #tpu.memory_space<hbm>> -> memref<1x64x128xf32, #tpu.memory_space<hbm>>
      %dma_start3A_52 = tpu.memref_squeeze %dma_start3A_51 : memref<1x64x128xf32, #tpu.memory_space<hbm>> -> memref<64x128xf32, #tpu.memory_space<hbm>>
      %dma_start3A_53 = arith.constant 0 : i32
      %dma_start3A_54 = tpu.memref_slice %arg6[%arg0, %add3A_50, %dma_start3A_53] : memref<2x10240x128xf32, #tpu.memory_space<hbm>> -> memref<1x64x128xf32, #tpu.memory_space<hbm>>
      %dma_start3A_55 = tpu.memref_squeeze %dma_start3A_54 : memref<1x64x128xf32, #tpu.memory_space<hbm>> -> memref<64x128xf32, #tpu.memory_space<hbm>>
      tpu.enqueue_dma source(%arg40 : memref<64x128xf32, #tpu.memory_space<vmem>>) target(%dma_start3A_55 : memref<64x128xf32, #tpu.memory_space<hbm>>) target_semaphore(%run_scoped3A : memref<!tpu.dma_semaphore, #tpu.memory_space<semaphore_mem>>)
      %dma_wait3A = arith.constant 0 : i32
      %dma_wait3A_56 = tpu.memref_slice %arg6[%arg0, %add3A_50, %dma_wait3A] : memref<2x10240x128xf32, #tpu.memory_space<hbm>> -> memref<1x64x128xf32, #tpu.memory_space<hbm>>
      %dma_wait3A_57 = tpu.memref_squeeze %dma_wait3A_56 : memref<1x64x128xf32, #tpu.memory_space<hbm>> -> memref<64x128xf32, #tpu.memory_space<hbm>>
      %dma_wait3A_58 = arith.constant 0 : i32
      %dma_wait3A_59 = tpu.memref_slice %arg6[%arg0, %add3A_50, %dma_wait3A_58] : memref<2x10240x128xf32, #tpu.memory_space<hbm>> -> memref<1x64x128xf32, #tpu.memory_space<hbm>>
      %dma_wait3A_60 = tpu.memref_squeeze %dma_wait3A_59 : memref<1x64x128xf32, #tpu.memory_space<hbm>> -> memref<64x128xf32, #tpu.memory_space<hbm>>
      tpu.wait_dma2 semaphore(%run_scoped3A : memref<!tpu.dma_semaphore, #tpu.memory_space<semaphore_mem>>) src(%arg40 : memref<64x128xf32, #tpu.memory_space<vmem>>) dst(%dma_wait3A_60 : memref<64x128xf32, #tpu.memory_space<hbm>>)
      tpu.yield
    }) : () -> ()
    return
  }
}

module attributes {stable_mosaic.version = 14 : i64} {
  func.func @body(%arg0: i32, %arg1: memref<2000x128xf32, #tpu.memory_space<vmem>>, %arg2: memref<2000x1xf32, #tpu.memory_space<vmem>>, %arg3: memref<2000x1xf32, #tpu.memory_space<vmem>>, %arg4: memref<128x128xf32, #tpu.memory_space<vmem>>, %arg5: memref<2000x128xf32, #tpu.memory_space<vmem>>) attributes {dimension_semantics = [#tpu.dimension_semantics<arbitrary>], iteration_bounds = array<i64: 5>, scalar_prefetch = 0 : i64, scratch_operands = 0 : i64, tpu.core_type = #tpu.core_type<tc>, window_params = [{transform_indices = @transform_0, window_bounds = array<i64: 2000, 128>}, {transform_indices = @transform_1, window_bounds = array<i64: 2000, 1>}, {transform_indices = @transform_2, window_bounds = array<i64: 2000, 1>}, {pipeline_mode = #tpu.pipeline_mode<synchronous>, transform_indices = @transform_3, window_bounds = array<i64: 128, 128>}, {transform_indices = @transform_4, window_bounds = array<i64: 2000, 128>}]} {
    %get3A = arith.constant 0 : index
    %get3A_0 = arith.constant 0 : index
    %get3A_1 = vector.load %arg1[%get3A, %get3A_0] : memref<2000x128xf32, #tpu.memory_space<vmem>>, vector<2000x128xf32>
    %get3A_2 = arith.constant 0 : index
    %get3A_3 = arith.constant 0 : index
    %get3A_4 = vector.load %arg2[%get3A_2, %get3A_3] : memref<2000x1xf32, #tpu.memory_space<vmem>>, vector<2000x1xf32>
    %get3A_5 = arith.constant 0 : index
    %get3A_6 = arith.constant 0 : index
    %get3A_7 = vector.load %arg3[%get3A_5, %get3A_6] : memref<2000x1xf32, #tpu.memory_space<vmem>>, vector<2000x1xf32>
    %add3A = arith.addf %get3A_4, %get3A_7 : vector<2000x1xf32>
    %max3A = arith.constant 1.000000e+00 : f32
    %max3A_8 = vector.broadcast %max3A : f32 to vector<2000x1xf32>
    %max3A_9 = arith.maximumf %add3A, %max3A_8 : vector<2000x1xf32>
    %rsqrt3A = math.rsqrt %max3A_9 : vector<2000x1xf32>
    %mul3A = vector.broadcast %rsqrt3A : vector<2000x1xf32> to vector<2000x128xf32>
    %mul3A_10 = arith.mulf %get3A_1, %mul3A : vector<2000x128xf32>
    %get3A_11 = arith.constant 0 : index
    %get3A_12 = arith.constant 0 : index
    %get3A_13 = vector.load %arg4[%get3A_11, %get3A_12] : memref<128x128xf32, #tpu.memory_space<vmem>>, vector<128x128xf32>
    %dot_general3A = arith.constant dense<0.000000e+00> : vector<2000x128xf32>
    %dot_general3A_14 = tpu.matmul %mul3A_10, %get3A_13, %dot_general3A {dimension_numbers = #tpu.dot_dimension_numbers<[1], [0], [0], [1], [0, 0, 1, 1], [], []>, precision = #tpu.contract_precision<fp32>, transpose_lhs_hint = false} : vector<2000x128xf32>, vector<128x128xf32>, vector<2000x128xf32> -> vector<2000x128xf32>
    %swap3A = arith.constant 0 : index
    %swap3A_15 = arith.constant 0 : index
    %swap3A_16 = vector.load %arg5[%swap3A, %swap3A_15] : memref<2000x128xf32, #tpu.memory_space<vmem>>, vector<2000x128xf32>
    tpu.vector_store %arg5[%swap3A, %swap3A_15], %dot_general3A_14 {strides = array<i32>} : memref<2000x128xf32, #tpu.memory_space<vmem>>, vector<2000x128xf32>,
    return
  }
  func.func @transform_0(%arg0: i32) -> (i32, i32) {
    %c0_i32 = arith.constant 0 : i32
    %c0_i32_0 = arith.constant 0 : i32
    return %arg0, %c0_i32 : i32, i32
  }
  func.func @transform_1(%arg0: i32) -> (i32, i32) {
    %c0_i32 = arith.constant 0 : i32
    %c0_i32_0 = arith.constant 0 : i32
    return %arg0, %c0_i32 : i32, i32
  }
  func.func @transform_2(%arg0: i32) -> (i32, i32) {
    %c0_i32 = arith.constant 0 : i32
    %c0_i32_0 = arith.constant 0 : i32
    return %arg0, %c0_i32 : i32, i32
  }
  func.func @transform_3(%arg0: i32) -> (i32, i32) {
    %c0_i32 = arith.constant 0 : i32
    %c0_i32_0 = arith.constant 0 : i32
    %c0_i32_1 = arith.constant 0 : i32
    return %c0_i32, %c0_i32_0 : i32, i32
  }
  func.func @transform_4(%arg0: i32) -> (i32, i32) {
    %c0_i32 = arith.constant 0 : i32
    %c0_i32_0 = arith.constant 0 : i32
    return %arg0, %c0_i32 : i32, i32
  }
}

module attributes {stable_mosaic.version = 14 : i64} {
  func.func @body(%arg0: i32, %arg1: memref<1x2000x128xf32, #tpu.memory_space<vmem>>, %arg2: memref<1x2000x128xf32, #tpu.memory_space<vmem>>, %arg3: memref<2000x1xf32, #tpu.memory_space<vmem>>, %arg4: memref<2000x1xf32, #tpu.memory_space<vmem>>, %arg5: memref<2000x1xf32, #tpu.memory_space<vmem>>, %arg6: memref<2000x1xf32, #tpu.memory_space<vmem>>, %arg7: memref<1x128xf32, #tpu.memory_space<vmem>>, %arg8: memref<128x128xf32, #tpu.memory_space<vmem>>, %arg9: memref<2000x128xf32, #tpu.memory_space<vmem>>) attributes {dimension_semantics = [#tpu.dimension_semantics<arbitrary>], iteration_bounds = array<i64: 5>, scalar_prefetch = 0 : i64, scratch_operands = 0 : i64, tpu.core_type = #tpu.core_type<tc>, window_params = [{transform_indices = @transform_0, window_bounds = array<i64: 1, 2000, 128>}, {transform_indices = @transform_1, window_bounds = array<i64: 1, 2000, 128>}, {transform_indices = @transform_2, window_bounds = array<i64: 2000, 1>}, {transform_indices = @transform_3, window_bounds = array<i64: 2000, 1>}, {transform_indices = @transform_4, window_bounds = array<i64: 2000, 1>}, {transform_indices = @transform_5, window_bounds = array<i64: 2000, 1>}, {pipeline_mode = #tpu.pipeline_mode<synchronous>, transform_indices = @transform_6, window_bounds = array<i64: 1, 128>}, {pipeline_mode = #tpu.pipeline_mode<synchronous>, transform_indices = @transform_7, window_bounds = array<i64: 128, 128>}, {transform_indices = @transform_8, window_bounds = array<i64: 2000, 128>}]} {
    %get3A = arith.constant 0 : index
    %get3A_0 = arith.constant 0 : index
    %get3A_1 = arith.constant 0 : index
    %get3A_2 = vector.load %arg1[%get3A, %get3A_0, %get3A_1] : memref<1x2000x128xf32, #tpu.memory_space<vmem>>, vector<1x2000x128xf32>
    %get3A_3 = vector.shape_cast %get3A_2 : vector<1x2000x128xf32> to vector<2000x128xf32>
    %get3A_4 = arith.constant 0 : index
    %get3A_5 = arith.constant 0 : index
    %get3A_6 = arith.constant 0 : index
    %get3A_7 = vector.load %arg2[%get3A_4, %get3A_5, %get3A_6] : memref<1x2000x128xf32, #tpu.memory_space<vmem>>, vector<1x2000x128xf32>
    %get3A_8 = vector.shape_cast %get3A_7 : vector<1x2000x128xf32> to vector<2000x128xf32>
    %add3A = arith.addf %get3A_3, %get3A_8 : vector<2000x128xf32>
    %get3A_9 = arith.constant 0 : index
    %get3A_10 = arith.constant 0 : index
    %get3A_11 = vector.load %arg3[%get3A_9, %get3A_10] : memref<2000x1xf32, #tpu.memory_space<vmem>>, vector<2000x1xf32>
    %get3A_12 = arith.constant 0 : index
    %get3A_13 = arith.constant 0 : index
    %get3A_14 = vector.load %arg4[%get3A_12, %get3A_13] : memref<2000x1xf32, #tpu.memory_space<vmem>>, vector<2000x1xf32>
    %add3A_15 = arith.addf %get3A_11, %get3A_14 : vector<2000x1xf32>
    %max3A = arith.constant 1.000000e+00 : f32
    %max3A_16 = vector.broadcast %max3A : f32 to vector<2000x1xf32>
    %max3A_17 = arith.maximumf %add3A_15, %max3A_16 : vector<2000x1xf32>
    %rsqrt3A = math.rsqrt %max3A_17 : vector<2000x1xf32>
    %mul3A = vector.broadcast %rsqrt3A : vector<2000x1xf32> to vector<2000x128xf32>
    %mul3A_18 = arith.mulf %add3A, %mul3A : vector<2000x128xf32>
    %get3A_19 = arith.constant 0 : index
    %get3A_20 = arith.constant 0 : index
    %get3A_21 = vector.load %arg7[%get3A_19, %get3A_20] : memref<1x128xf32, #tpu.memory_space<vmem>>, vector<1x128xf32>
    %add3A_22 = vector.broadcast %get3A_21 : vector<1x128xf32> to vector<2000x128xf32>
    %add3A_23 = arith.addf %mul3A_18, %add3A_22 : vector<2000x128xf32>
    %get3A_24 = arith.constant 0 : index
    %get3A_25 = arith.constant 0 : index
    %get3A_26 = vector.load %arg5[%get3A_24, %get3A_25] : memref<2000x1xf32, #tpu.memory_space<vmem>>, vector<2000x1xf32>
    %get3A_27 = arith.constant 0 : index
    %get3A_28 = arith.constant 0 : index
    %get3A_29 = vector.load %arg6[%get3A_27, %get3A_28] : memref<2000x1xf32, #tpu.memory_space<vmem>>, vector<2000x1xf32>
    %add3A_30 = arith.addf %get3A_26, %get3A_29 : vector<2000x1xf32>
    %max3A_31 = arith.constant 1.000000e+00 : f32
    %max3A_32 = vector.broadcast %max3A_31 : f32 to vector<2000x1xf32>
    %max3A_33 = arith.maximumf %add3A_30, %max3A_32 : vector<2000x1xf32>
    %rsqrt3A_34 = math.rsqrt %max3A_33 : vector<2000x1xf32>
    %mul3A_35 = vector.broadcast %rsqrt3A_34 : vector<2000x1xf32> to vector<2000x128xf32>
    %mul3A_36 = arith.mulf %add3A_23, %mul3A_35 : vector<2000x128xf32>
    %get3A_37 = arith.constant 0 : index
    %get3A_38 = arith.constant 0 : index
    %get3A_39 = vector.load %arg8[%get3A_37, %get3A_38] : memref<128x128xf32, #tpu.memory_space<vmem>>, vector<128x128xf32>
    %dot_general3A = arith.constant dense<0.000000e+00> : vector<2000x128xf32>
    %dot_general3A_40 = tpu.matmul %mul3A_36, %get3A_39, %dot_general3A {dimension_numbers = #tpu.dot_dimension_numbers<[1], [0], [0], [1], [0, 0, 1, 1], [], []>, precision = #tpu.contract_precision<fp32>, transpose_lhs_hint = false} : vector<2000x128xf32>, vector<128x128xf32>, vector<2000x128xf32> -> vector<2000x128xf32>
    %swap3A = arith.constant 0 : index
    %swap3A_41 = arith.constant 0 : index
    %swap3A_42 = vector.load %arg9[%swap3A, %swap3A_41] : memref<2000x128xf32, #tpu.memory_space<vmem>>, vector<2000x128xf32>
    tpu.vector_store %arg9[%swap3A, %swap3A_41], %dot_general3A_40 {strides = array<i32>} : memref<2000x128xf32, #tpu.memory_space<vmem>>, vector<2000x128xf32>,
    return
  }
  func.func @transform_0(%arg0: i32) -> (i32, i32, i32) {
    %c0_i32 = arith.constant 0 : i32
    %c0_i32_0 = arith.constant 0 : i32
    %c0_i32_1 = arith.constant 0 : i32
    return %c0_i32, %arg0, %c0_i32_0 : i32, i32, i32
  }
  func.func @transform_1(%arg0: i32) -> (i32, i32, i32) {
    %c1_i32 = arith.constant 1 : i32
    %c0_i32 = arith.constant 0 : i32
    %c0_i32_0 = arith.constant 0 : i32
    return %c1_i32, %arg0, %c0_i32 : i32, i32, i32
  }
  func.func @transform_2(%arg0: i32) -> (i32, i32) {
    %c0_i32 = arith.constant 0 : i32
    %c0_i32_0 = arith.constant 0 : i32
    return %arg0, %c0_i32 : i32, i32
  }
  func.func @transform_3(%arg0: i32) -> (i32, i32) {
    %c0_i32 = arith.constant 0 : i32
    %c0_i32_0 = arith.constant 0 : i32
    return %arg0, %c0_i32 : i32, i32
  }
  func.func @transform_4(%arg0: i32) -> (i32, i32) {
    %c0_i32 = arith.constant 0 : i32
    %c0_i32_0 = arith.constant 0 : i32
    return %arg0, %c0_i32 : i32, i32
  }
  func.func @transform_5(%arg0: i32) -> (i32, i32) {
    %c0_i32 = arith.constant 0 : i32
    %c0_i32_0 = arith.constant 0 : i32
    return %arg0, %c0_i32 : i32, i32
  }
  func.func @transform_6(%arg0: i32) -> (i32, i32) {
    %c0_i32 = arith.constant 0 : i32
    %c0_i32_0 = arith.constant 0 : i32
    %c0_i32_1 = arith.constant 0 : i32
    return %c0_i32, %c0_i32_0 : i32, i32
  }
  func.func @transform_7(%arg0: i32) -> (i32, i32) {
    %c0_i32 = arith.constant 0 : i32
    %c0_i32_0 = arith.constant 0 : i32
    %c0_i32_1 = arith.constant 0 : i32
    return %c0_i32, %c0_i32_0 : i32, i32
  }
  func.func @transform_8(%arg0: i32) -> (i32, i32) {
    %c0_i32 = arith.constant 0 : i32
    %c0_i32_0 = arith.constant 0 : i32
    return %arg0, %c0_i32 : i32, i32
  }
}

module attributes {stable_mosaic.version = 14 : i64} {
  func.func @body(%arg0: i32, %arg1: memref<1x2000x128xf32, #tpu.memory_space<vmem>>, %arg2: memref<1x2000x128xf32, #tpu.memory_space<vmem>>, %arg3: memref<2000x1xf32, #tpu.memory_space<vmem>>, %arg4: memref<2000x1xf32, #tpu.memory_space<vmem>>, %arg5: memref<1x128xf32, #tpu.memory_space<vmem>>, %arg6: memref<128x256xf32, #tpu.memory_space<vmem>>, %arg7: memref<1x256xf32, #tpu.memory_space<vmem>>, %arg8: memref<256x128xf32, #tpu.memory_space<vmem>>, %arg9: memref<1x128xf32, #tpu.memory_space<vmem>>, %arg10: memref<2000x128xf32, #tpu.memory_space<vmem>>) attributes {dimension_semantics = [#tpu.dimension_semantics<arbitrary>], iteration_bounds = array<i64: 5>, scalar_prefetch = 0 : i64, scratch_operands = 0 : i64, tpu.core_type = #tpu.core_type<tc>, window_params = [{transform_indices = @transform_0, window_bounds = array<i64: 1, 2000, 128>}, {transform_indices = @transform_1, window_bounds = array<i64: 1, 2000, 128>}, {transform_indices = @transform_2, window_bounds = array<i64: 2000, 1>}, {transform_indices = @transform_3, window_bounds = array<i64: 2000, 1>}, {pipeline_mode = #tpu.pipeline_mode<synchronous>, transform_indices = @transform_4, window_bounds = array<i64: 1, 128>}, {pipeline_mode = #tpu.pipeline_mode<synchronous>, transform_indices = @transform_5, window_bounds = array<i64: 128, 256>}, {pipeline_mode = #tpu.pipeline_mode<synchronous>, transform_indices = @transform_6, window_bounds = array<i64: 1, 256>}, {pipeline_mode = #tpu.pipeline_mode<synchronous>, transform_indices = @transform_7, window_bounds = array<i64: 256, 128>}, {pipeline_mode = #tpu.pipeline_mode<synchronous>, transform_indices = @transform_8, window_bounds = array<i64: 1, 128>}, {transform_indices = @transform_9, window_bounds = array<i64: 2000, 128>}]} {
    %get3A = arith.constant 0 : index
    %get3A_0 = arith.constant 0 : index
    %get3A_1 = arith.constant 0 : index
    %get3A_2 = vector.load %arg1[%get3A, %get3A_0, %get3A_1] : memref<1x2000x128xf32, #tpu.memory_space<vmem>>, vector<1x2000x128xf32>
    %get3A_3 = vector.shape_cast %get3A_2 : vector<1x2000x128xf32> to vector<2000x128xf32>
    %get3A_4 = arith.constant 0 : index
    %get3A_5 = arith.constant 0 : index
    %get3A_6 = arith.constant 0 : index
    %get3A_7 = vector.load %arg2[%get3A_4, %get3A_5, %get3A_6] : memref<1x2000x128xf32, #tpu.memory_space<vmem>>, vector<1x2000x128xf32>
    %get3A_8 = vector.shape_cast %get3A_7 : vector<1x2000x128xf32> to vector<2000x128xf32>
    %add3A = arith.addf %get3A_3, %get3A_8 : vector<2000x128xf32>
    %get3A_9 = arith.constant 0 : index
    %get3A_10 = arith.constant 0 : index
    %get3A_11 = vector.load %arg3[%get3A_9, %get3A_10] : memref<2000x1xf32, #tpu.memory_space<vmem>>, vector<2000x1xf32>
    %get3A_12 = arith.constant 0 : index
    %get3A_13 = arith.constant 0 : index
    %get3A_14 = vector.load %arg4[%get3A_12, %get3A_13] : memref<2000x1xf32, #tpu.memory_space<vmem>>, vector<2000x1xf32>
    %add3A_15 = arith.addf %get3A_11, %get3A_14 : vector<2000x1xf32>
    %max3A = arith.constant 1.000000e+00 : f32
    %max3A_16 = vector.broadcast %max3A : f32 to vector<2000x1xf32>
    %max3A_17 = arith.maximumf %add3A_15, %max3A_16 : vector<2000x1xf32>
    %rsqrt3A = math.rsqrt %max3A_17 : vector<2000x1xf32>
    %mul3A = vector.broadcast %rsqrt3A : vector<2000x1xf32> to vector<2000x128xf32>
    %mul3A_18 = arith.mulf %add3A, %mul3A : vector<2000x128xf32>
    %get3A_19 = arith.constant 0 : index
    %get3A_20 = arith.constant 0 : index
    %get3A_21 = vector.load %arg5[%get3A_19, %get3A_20] : memref<1x128xf32, #tpu.memory_space<vmem>>, vector<1x128xf32>
    %add3A_22 = vector.broadcast %get3A_21 : vector<1x128xf32> to vector<2000x128xf32>
    %add3A_23 = arith.addf %mul3A_18, %add3A_22 : vector<2000x128xf32>
    %get3A_24 = arith.constant 0 : index
    %get3A_25 = arith.constant 0 : index
    %get3A_26 = vector.load %arg6[%get3A_24, %get3A_25] : memref<128x256xf32, #tpu.memory_space<vmem>>, vector<128x256xf32>
    %dot_general3A = arith.constant dense<0.000000e+00> : vector<2000x256xf32>
    %dot_general3A_27 = tpu.matmul %add3A_23, %get3A_26, %dot_general3A {dimension_numbers = #tpu.dot_dimension_numbers<[1], [0], [0], [1], [0, 0, 1, 1], [], []>, precision = #tpu.contract_precision<fp32>, transpose_lhs_hint = false} : vector<2000x128xf32>, vector<128x256xf32>, vector<2000x256xf32> -> vector<2000x256xf32>
    %get3A_28 = arith.constant 0 : index
    %get3A_29 = arith.constant 0 : index
    %get3A_30 = vector.load %arg7[%get3A_28, %get3A_29] : memref<1x256xf32, #tpu.memory_space<vmem>>, vector<1x256xf32>
    %add3A_31 = vector.broadcast %get3A_30 : vector<1x256xf32> to vector<2000x256xf32>
    %add3A_32 = arith.addf %dot_general3A_27, %add3A_31 : vector<2000x256xf32>
    %max3A_33 = arith.constant 0.000000e+00 : f32
    %max3A_34 = vector.broadcast %max3A_33 : f32 to vector<2000x256xf32>
    %max3A_35 = arith.maximumf %add3A_32, %max3A_34 : vector<2000x256xf32>
    %get3A_36 = arith.constant 0 : index
    %get3A_37 = arith.constant 0 : index
    %get3A_38 = vector.load %arg8[%get3A_36, %get3A_37] : memref<256x128xf32, #tpu.memory_space<vmem>>, vector<256x128xf32>
    %dot_general3A_39 = arith.constant dense<0.000000e+00> : vector<2000x128xf32>
    %dot_general3A_40 = tpu.matmul %max3A_35, %get3A_38, %dot_general3A_39 {dimension_numbers = #tpu.dot_dimension_numbers<[1], [0], [0], [1], [0, 0, 1, 1], [], []>, precision = #tpu.contract_precision<fp32>, transpose_lhs_hint = false} : vector<2000x256xf32>, vector<256x128xf32>, vector<2000x128xf32> -> vector<2000x128xf32>
    %get3A_41 = arith.constant 0 : index
    %get3A_42 = arith.constant 0 : index
    %get3A_43 = vector.load %arg9[%get3A_41, %get3A_42] : memref<1x128xf32, #tpu.memory_space<vmem>>, vector<1x128xf32>
    %add3A_44 = vector.broadcast %get3A_43 : vector<1x128xf32> to vector<2000x128xf32>
    %add3A_45 = arith.addf %dot_general3A_40, %add3A_44 : vector<2000x128xf32>
    %mul3A_46 = arith.mulf %add3A_45, %add3A_45 : vector<2000x128xf32>
    %reduce_sum3A = arith.constant dense<0.000000e+00> : vector<2000xf32>
    %reduce_sum3A_47 = vector.multi_reduction <add>, %mul3A_46, %reduce_sum3A [1] : vector<2000x128xf32> to vector<2000xf32>
    %broadcast_in_dim3A = vector.shape_cast %reduce_sum3A_47 : vector<2000xf32> to vector<2000x1xf32>
    %sqrt3A = math.sqrt %broadcast_in_dim3A : vector<2000x1xf32>
    %div3A = vector.broadcast %sqrt3A : vector<2000x1xf32> to vector<2000x128xf32>
    %div3A_48 = arith.divf %add3A_45, %div3A : vector<2000x128xf32>
    %abs3A = math.absf %div3A_48 : vector<2000x128xf32>
    %max3A_49 = arith.constant 9.99999997E-7 : f32
    %max3A_50 = vector.broadcast %max3A_49 : f32 to vector<2000x128xf32>
    %max3A_51 = arith.maximumf %abs3A, %max3A_50 : vector<2000x128xf32>
    %swap3A = arith.constant 0 : index
    %swap3A_52 = arith.constant 0 : index
    %swap3A_53 = vector.load %arg10[%swap3A, %swap3A_52] : memref<2000x128xf32, #tpu.memory_space<vmem>>, vector<2000x128xf32>
    tpu.vector_store %arg10[%swap3A, %swap3A_52], %max3A_51 {strides = array<i32>} : memref<2000x128xf32, #tpu.memory_space<vmem>>, vector<2000x128xf32>,
    return
  }
  func.func @transform_0(%arg0: i32) -> (i32, i32, i32) {
    %c0_i32 = arith.constant 0 : i32
    %c0_i32_0 = arith.constant 0 : i32
    %c0_i32_1 = arith.constant 0 : i32
    return %c0_i32, %arg0, %c0_i32_0 : i32, i32, i32
  }
  func.func @transform_1(%arg0: i32) -> (i32, i32, i32) {
    %c1_i32 = arith.constant 1 : i32
    %c0_i32 = arith.constant 0 : i32
    %c0_i32_0 = arith.constant 0 : i32
    return %c1_i32, %arg0, %c0_i32 : i32, i32, i32
  }
  func.func @transform_2(%arg0: i32) -> (i32, i32) {
    %c0_i32 = arith.constant 0 : i32
    %c0_i32_0 = arith.constant 0 : i32
    return %arg0, %c0_i32 : i32, i32
  }
  func.func @transform_3(%arg0: i32) -> (i32, i32) {
    %c0_i32 = arith.constant 0 : i32
    %c0_i32_0 = arith.constant 0 : i32
    return %arg0, %c0_i32 : i32, i32
  }
  func.func @transform_4(%arg0: i32) -> (i32, i32) {
    %c0_i32 = arith.constant 0 : i32
    %c0_i32_0 = arith.constant 0 : i32
    %c0_i32_1 = arith.constant 0 : i32
    return %c0_i32, %c0_i32_0 : i32, i32
  }
  func.func @transform_5(%arg0: i32) -> (i32, i32) {
    %c0_i32 = arith.constant 0 : i32
    %c0_i32_0 = arith.constant 0 : i32
    %c0_i32_1 = arith.constant 0 : i32
    return %c0_i32, %c0_i32_0 : i32, i32
  }
  func.func @transform_6(%arg0: i32) -> (i32, i32) {
    %c0_i32 = arith.constant 0 : i32
    %c0_i32_0 = arith.constant 0 : i32
    %c0_i32_1 = arith.constant 0 : i32
    return %c0_i32, %c0_i32_0 : i32, i32
  }
  func.func @transform_7(%arg0: i32) -> (i32, i32) {
    %c0_i32 = arith.constant 0 : i32
    %c0_i32_0 = arith.constant 0 : i32
    %c0_i32_1 = arith.constant 0 : i32
    return %c0_i32, %c0_i32_0 : i32, i32
  }
  func.func @transform_8(%arg0: i32) -> (i32, i32) {
    %c0_i32 = arith.constant 0 : i32
    %c0_i32_0 = arith.constant 0 : i32
    %c0_i32_1 = arith.constant 0 : i32
    return %c0_i32, %c0_i32_0 : i32, i32
  }
  func.func @transform_9(%arg0: i32) -> (i32, i32) {
    %c0_i32 = arith.constant 0 : i32
    %c0_i32_0 = arith.constant 0 : i32
    return %arg0, %c0_i32 : i32, i32
  }
}

</mosaic_0001>

<sc_bundles>
// kernel: kernel.11.cloned.1.call-start
scs
__scs_entry_jumppad:
0x0: {  	(pc) =	sbr.rel $0x88, $3  }
0x1: {  	(tag) =	ssettag $0x0;
	lr =	simm.s32 $0x1  }
0x2: {  	[smem:$0x3F97] =	sst lr;
	_ =	strace $0xD0000000  }
0x3: {  	_ = 	snop  }
0x4: {  	_ = 	snop  }
0x5: {  	_ = 	snop  }
0x6: {  	_ = 	snop  }
0x7: {  	_ = 	snop  }
__scs_overlays_trampoline_lowered:
0x8: {  	[smem:$0x3FA6] =	sst s0  }
0x9: {  	[smem:$0x3FA7] =	sst s1  }
0xa: {  	[smem:$0x3FA8] =	sst s2  }
0xb: {  	[smem:$0x3FA9] =	sst s3  }
0xc: {  	[smem:$0x3FAA] =	sst s4  }
0xd: {  	[smem:$0x3FAB] =	sst s5  }
0xe: {  	[smem:$0x3FAC] =	sst s6  }
0xf: {  	[smem:$0x3FAD] =	sst s7  }
0x10: {  	[smem:$0x3FAE] =	sst s8  }
0x11: {  	[smem:$0x3FAF] =	sst s9;
	s0 =	simm.s32 @!p0 $0x0  }
0x12: {  	s1 =	sld [smem:$0x3F95];
	s0 =	simm.s32 @p0 $0x1  }
0x13: {  	[smem:$0x3FB0] =	sst s0;
	s0 =	simm.s32 @!p1 $0x0  }
0x14: {  	s2 =	sld [smem:$0x3F94];
	s0 =	simm.s32 @p1 $0x1  }
0x15: {  	[smem:$0x3FB1] =	sst s0;
	s0 =	simm.s32 @!p2 $0x0  }
0x16: {  	s3 =	sld [smem:$0x3FDB];
	s0 =	simm.s32 @p2 $0x1  }
0x17: {  	s4 =	simm.s32 $0x1BF5;
	[smem:$0x3FB3] =	sst s0  }
0x18: {  	s0 =	sld [smem:$0x3F96];
	_ =	swait.ge [sflag:s4], $0x0  }
0x19: {  	s7 =	sld [smem:$0x3F97]  }
0x1a: {  	s8 =	sadd.s32 $0xFFFFE003, lr  }
0x1b: {  	s9 =	sadd.s32 $0xFFFFFEF7, lr;
	s5 =	simm.s32 $0xFFFFFFFF;
	p2 =	slt.u32 s8, $0xFFFFF086  }
0x1c: {  	p1 =	slt.u32 s9, $0xF7A;
	s5 =	simm.s32 @!p2 $0x0  }
0x1d: {  	s5 =	simm.s32 @p1 $0x1;
	p0 =	seq.s32 s7, s2  }
0x1e: {  	s7 =	smul.u32 @!p0 $0xF7A, s2;
	p2 =	seq.s32 @!p0 s5, $0x0  }
0x1f: {  	s9 =	smul.u32 $0xF7A, s1;
	s8 =	simm.s32 @!p0 $0x1BF5;
	p2 =	por !p2, p0  }
0x20: {  	[sflag:s8] =	ssyncset.s32 @!p0 $0xFFFFF086;
	s6 =	sadd.s32 @!p0 s3, s7;
	s7 =	simm.s32 @!p0 $0x108  }
0x21: {  	s3 =	sadd.s32 s3, s9;
	s6 =	sadd.s32 @!p0 $0x88, s6;
	s7 =	simm.s32 @p2 $0x1082  }
0x22: {  	[simem:s7], [sflag:s8] =	dma.local @!p0 [hbm:s6], $0xF7A  }
0x23: {  	s9 =	sor.u32 $0xD0000000, s2;
	s6 =	simm.s32 $0x108;
	_ =	swait.ge @!p0 [sflag:s8], $0x0  }
0x24: {  	s3 =	sadd.s32 $0x88, s3;
	s6 =	simm.s32 @!p1 $0x1082;
	[sflag:s4] =	ssyncset.s32 $0xFFFFF086  }
0x25: {  	[simem:s6], [sflag:s4] =	dma.local [hbm:s3], $0xF7A  }
0x26: {  	[smem:$0x3F97] =	sst s1;
	(tag) =	ssettag s2;
	_ =	strace s9  }
0x27: {  	s1 =	sld [smem:$0x3FA7]  }
0x28: {  	s2 =	sld [smem:$0x3FA8]  }
0x29: {  	s4 =	sld [smem:$0x3FAA]  }
0x2a: {  	p0 =	seq.s32 s5, $0x0;
	s5 =	sld [smem:$0x3FAB]  }
0x2b: {  	s6 =	sld [smem:$0x3FAC]  }
0x2c: {  	s7 =	sld [smem:$0x3FAD]  }
0x2d: {  	s3 =	simm.s32 $0x108;
	s8 =	sld [smem:$0x3FAE]  }
0x2e: {  	s3 =	simm.s32 @!p0 $0x1082;
	s9 =	sld [smem:$0x3FAF]  }
0x2f: {  	lr =	sadd.s32 s0, s3;
	s0 =	sld [smem:$0x3FA6]  }
0x30: {  	s3 =	sld [smem:$0x3FA9]  }
0x31: {  	[smem:$0x3FB2] =	sst s10  }
0x32: {  	s10 =	sld [smem:$0x3FB0];
	_ =	sdelay $0x3  }
0x33: {  	p0 =	seq.s32 s10, $0x1;
	s10 =	sld [smem:$0x3FB2];
	_ =	sdelay $0x3  }
0x34: {  	[smem:$0x3FB2] =	sst s10  }
0x35: {  	s10 =	sld [smem:$0x3FB1];
	_ =	sdelay $0x3  }
0x36: {  	p1 =	seq.s32 s10, $0x1;
	s10 =	sld [smem:$0x3FB2];
	_ =	sdelay $0x3  }
0x37: {  	[smem:$0x3FB2] =	sst s10  }
0x38: {  	s10 =	sld [smem:$0x3FB3]  }
0x39: {  	_ = 	snop;
	(pc) =	sbr.ind lr, $3  }
0x3a: {  	_ = 	snop  }
0x3b: {  	_ = 	snop  }
0x3c: {  	p2 =	seq.s32 s10, $0x1;
	s10 =	sld [smem:$0x3FB2]  }
0x3d: {  	_ =	shalt  }
0x3e: {  	_ =	shalt  }
0x3f: {  	_ =	shalt  }
0x40: {  	_ =	shalt  }
0x41: {  	_ =	shalt  }
0x42: {  	_ =	shalt  }
0x43: {  	_ =	shalt  }
0x44: {  	_ =	shalt  }
0x45: {  	_ =	shalt  }
0x46: {  	_ =	shalt  }
0x47: {  	_ =	shalt  }
0x48: {  	_ =	shalt  }
0x49: {  	_ =	shalt  }
0x4a: {  	_ =	shalt  }
0x4b: {  	_ =	shalt  }
0x4c: {  	_ =	shalt  }
0x4d: {  	_ =	shalt  }
0x4e: {  	_ =	shalt  }
0x4f: {  	_ =	shalt  }
0x50: {  	_ =	shalt  }
0x51: {  	_ =	shalt  }
0x52: {  	_ =	shalt  }
0x53: {  	_ =	shalt  }
0x54: {  	_ =	shalt  }
0x55: {  	_ =	shalt  }
0x56: {  	_ =	shalt  }
0x57: {  	_ =	shalt  }
0x58: {  	_ =	shalt  }
0x59: {  	_ =	shalt  }
0x5a: {  	_ =	shalt  }
0x5b: {  	_ =	shalt  }
0x5c: {  	_ =	shalt  }
0x5d: {  	_ =	shalt  }
0x5e: {  	_ =	shalt  }
0x5f: {  	_ =	shalt  }
0x60: {  	_ =	shalt  }
0x61: {  	_ =	shalt  }
0x62: {  	_ =	shalt  }
0x63: {  	_ =	shalt  }
0x64: {  	_ =	shalt  }
0x65: {  	_ =	shalt  }
0x66: {  	_ =	shalt  }
0x67: {  	_ =	shalt  }
0x68: {  	_ =	shalt  }
0x69: {  	_ =	shalt  }
0x6a: {  	_ =	shalt  }
0x6b: {  	_ =	shalt  }
0x6c: {  	_ =	shalt  }
0x6d: {  	_ =	shalt  }
0x6e: {  	_ =	shalt  }
0x6f: {  	_ =	shalt  }
0x70: {  	_ =	shalt  }
0x71: {  	_ =	shalt  }
0x72: {  	_ =	shalt  }
0x73: {  	_ =	shalt  }
0x74: {  	_ =	shalt  }
0x75: {  	_ =	shalt  }
0x76: {  	_ =	shalt  }
0x77: {  	_ =	shalt  }
0x78: {  	_ =	shalt  }
0x79: {  	_ =	shalt  }
0x7a: {  	_ =	shalt  }
0x7b: {  	_ =	shalt  }
0x7c: {  	_ =	shalt  }
0x7d: {  	_ =	shalt  }
0x7e: {  	_ =	shalt  }
0x7f: {  	_ =	shalt  }
0x80: {  	_ =	shalt  }
0x81: {  	_ =	shalt  }
0x82: {  	_ =	shalt  }
0x83: {  	_ =	shalt  }
0x84: {  	_ =	shalt  }
0x85: {  	_ =	shalt  }
0x86: {  	_ =	shalt  }
0x87: {  	_ =	shalt  }
.Lfunc_end0:
.L_simem_size_0:
called_computation.1_lowered:
.L_overlay_start_0:
0x88: {  	s2 =	sld [smem:$0x3FD9]  }
0x89: {  	s3 =	sld [smem:$0x3FFE];
	_ =	sdelay $0x1  }
0x8a: {  	s1 =	srdreg.scid  }
0x8b: {  	s0 =	sand.u32 $0x1, s1  }
0x8c: {  	s17 =	sshll.u32 s0, $0xA;
	s2 =	sadd.s32 s3, s2  }
0x8d: {  	s2 =	sadd.s32 s2, s17  }
0x8e: {  	[smem:$0x3FBE] =	sst s2  }
0x8f: {  	_ = 	snop  }
0x90: {  	s2 =	sld [smem:$0x3FD0];
	(tm) =	ssettm $0x1  }
0x91: {  	s18 =	sld [smem:$0x3FFB];
	_ =	sdelay $0x3  }
0x92: {  	_ =	strace s18  }
0x93: {  	s3 =	sld [smem:$0x3FFC];
	_ =	sdelay $0x3  }
0x94: {  	_ =	strace s3  }
0x95: {  	s3 =	sld [smem:$0x3FFD];
	_ =	sdelay $0x3  }
0x96: {  	_ =	strace s3  }
0x97: {  	_ =	strace $0x8FFFFFFF  }
0x98: {  	s19 =	sld [smem:$0x3FDB];
	_ =	sdelay $0x1  }
0x99: {  	s4 =	simm.s32 $_scs_section_size  }
0x9a: {  	s5 =	simm.s32 $_size__tile_overlayer_lowered;
	s6 =	simm.s32 $_tile_overlayer_lowered  }
0x9b: {  	s22 =	simm.s32 $0x1BFF;
	s21 =	sshll.u32 s6, $0x1;
	s3 =	sadd.s32 s4, s19  }
0x9c: {  	s7 =	simm.s32 $0x0;
	s20 =	sshll.u32 s5, $0x1;
	s5 =	sadd.s32 s21, s3  }
0x9d: {  	[timem:s7], [sflag:s22] =	dma.local [hbm:s5], s20  }
0x9e: {  	_ =	swait.ge [sflag:s22], s20  }
0x9f: {  	s4 =	ssub.s32 $0x0, s20;
	[sflag:s22] =	ssyncset.done $0x0  }
0xa0: {  	[sflag:s22] =	ssyncadd.s32 s4;
	_ =	sdelay $0x1  }
0xa1: {  	s23 =	simm.s32 $0x1B8B  }
0xa2: {  	_ =	swait.ge [sflag:s23], $0x1  }
0xa3: {  	[sflag:s23] =	ssyncset.done $0x0  }
0xa4: {  	s25 =	simm.s32 $0x1B8E;
	s24 =	sld [smem:$0x3FFE];
	[sflag:s23] =	ssyncadd.s32 $0xFFFFFFFF  }
0xa5: {  	s26 =	simm.s32 $execute0_lowered;
	[smem:$0x3FD2] =	sst s25  }
0xa6: {  	s5 =	sshll.u32 s26, $0x1;
	_ =	strace $0x80000049;
	[dreg:$0x1] =	wrdreg $0xFFFFFFFF  }
0xa7: {  	s28 =	simm.s32 $_size_execute0_lowered;
	s3 =	sadd.s32 s3, s5;
	[dreg:$0x0] =	wrdreg $0x0  }
0xa8: {  	s5 =	sshll.u32 s28, $0x1;
	[dreg:$0x2] =	wrdreg s3  }
0xa9: {  	[dreg:$0x3] =	wrdreg s5  }
0xaa: {  	[dreg:$0x4] =	wrdreg $0xC0  }
0xab: {  	_ =	task [dreg:s7], $0x5FFFF  }
0xac: {  	[dreg:$0x1] =	wrdreg $0xFFFFFFFF  }
0xad: {  	[dreg:$0x0] =	wrdreg $0x60  }
0xae: {  	[dreg:$0x2] =	wrdreg s2  }
0xaf: {  	[dreg:$0x3] =	wrdreg s24  }
0xb0: {  	[dreg:$0x4] =	wrdreg $0x0  }
0xb1: {  	[dreg:$0x5] =	wrdreg $0x9  }
0xb2: {  	_ =	task.clear_ibuf [dreg:s7], $0x6FFFF;
	_ =	strace $0x90000049  }
0xb3: {  	s29 =	simm.s32 $0x9;
	_ =	strace $0x8000004B  }
0xb4: {  	_ =	swait.ge [sflag:s29], $0x1  }
0xb5: {  	[sflag:s29] =	ssyncadd.s32 $0xFFFFFFFF  }
0xb6: {  	_ =	strace $0x9000004B  }
0xb7: {  	_ =	sfence  }
0xb8: {  	s30 =	sld [smem:$0x0];
	_ =	sdelay $0x2  }
0xb9: {  	s31 =	sshll.u32 s1, $0xD;
	s1 =	sshrl.u32 s1, $0x2  }
0xba: {  	s3 =	sand.u32 $0x4000, s31;
	s1 =	sadd.s32 s1, s30  }
0xbb: {  	s0 =	sor.u32 s3, s0;
	s1 =	sshll.u32 s1, $0x11  }
0xbc: {  	s0 =	sor.u32 s1, s0  }
0xbd: {  	s0 =	sadd.s32 $0x8F2B, s0  }
0xbe: {  	[sflag:s0] =	ssyncadd.remote.s32 $0x1  }
0xbf: {  	_ =	sfence.sel $0xFFFF  }
0xc0: {  	[dreg:$0x0] =	wrdreg $0xFFFFFFFF;
	(pc) =	sbr.abs _section_cstart, $3  }
0xc1: {  	[dreg:$0x1] =	wrdreg $0xFFFFFFFF  }
0xc2: {  	_ =	task.clear_ibuf [dreg:s7], $0x2FFFF;
	_ =	strace $0x9FFFFFFF  }
0xc3: {  	(tm) =	ssettm $0x7FFFFFFF  }
tec
execute0_lowered:
.L_overlay_start_1:
0x0: {  	(tag) =	ssettag $0x1  }
0x1: {  	s1 =	rddreg [dreg:$0x0]  }
0x2: {  	s0 =	rddreg [dreg:$0x1]  }
0x3: {  	s2 =	rddreg [dreg:$0x2];
	s3 =	simm.s32 $0x0;
	s4 =	srdreg.scid  }
0x4: {  	s23 =	stileid.u32;
	[smem:$0x7FF] =	sst s3  }
0x5: {  	s5 =	sadd.s32 $0x2A00, s0;
	s10 =	sand.u32 $0x1, s4;
	s16 =	smul.u32 $0x14000, s23  }
0x6: {  	s9 =	sadd.s32 $0xCA00, s0;
	s14 =	sadd.s32 $0x3E000, s0;
	s15 =	smul.u32 $0x5000, s23  }
0x7: {  	s0 =	sadd.s32 $0x3DC00, s0;
	_ =	strace $0x8000004A;
	s17 =	smul.u32 $0x140000, s10  }
0x8: {  	s4 =	ssub.s32 $0x2, s10;
	s18 =	smul.u32 $0x2800, s10;
	[smem:$0x7F2] =	sst s0  }
0x9: {  	s6 =	sshrl.u32 s4, $0x1;
	s7 =	sadd.s32 $0x4000, s16;
	s8 =	sadd.s32 $0x6000, s16  }
0xa: {  	s10 =	sadd.s32 $0x8000, s16;
	s11 =	sadd.s32 $0xA000, s16;
	s12 =	sadd.s32 $0xC000, s16  }
0xb: {  	s13 =	sadd.s32 $0xE000, s16;
	s4 =	ssub.s32 s4, s6;
	s6 =	sor.u32 $0x2000, s16  }
0xc: {  	s19 =	sadd.s32 s16, s17;
	s18 =	sadd.s32 s18, s15;
	s15 =	sadd.s32 $0x10000, s16  }
0xd: {  	s16 =	sadd.s32 $0x12000, s16;
	s19 =	sshrl.u32 s19, $0x3;
	s20 =	sor.u32 $0x240, s18  }
0xe: {  	s22 =	sor.u32 $0x200, s18;
	s19 =	sadd.s32 s14, s19;
	s26 =	sshrl.u32 s20, $0x3  }
0xf: {  	s30 =	sor.u32 $0x1C0, s18;
	[dreg:$0x18] =	wrdreg s19;
	s21 =	sadd.s32 s26, s9  }
0x10: {  	s28 =	sshrl.u32 s22, $0x3;
	s19 =	sadd.s32 s26, s5;
	[dreg:$0x4] =	wrdreg s21  }
0x11: {  	s22 =	sshrl.u32 s30, $0x3;
	s29 =	sadd.s32 s28, s9;
	[dreg:$0x5] =	wrdreg s19  }
0x12: {  	s25 =	sor.u32 $0x180, s18;
	s24 =	sadd.s32 s22, s9;
	[dreg:$0x6] =	wrdreg s29  }
0x13: {  	s30 =	sor.u32 $0x140, s18;
	s26 =	sadd.s32 s22, s5;
	[dreg:$0x8] =	wrdreg s24  }
0x14: {  	s22 =	sshrl.u32 s30, $0x3;
	s21 =	sadd.s32 s28, s5;
	[dreg:$0x9] =	wrdreg s26  }
0x15: {  	s20 =	sadd.s32 s17, s6;
	s24 =	sadd.s32 s22, s9;
	[dreg:$0x7] =	wrdreg s21  }
0x16: {  	s20 =	sshrl.u32 s20, $0x3;
	s26 =	sadd.s32 s22, s5;
	[dreg:$0xc] =	wrdreg s24  }
0x17: {  	s28 =	sshrl.u32 s25, $0x3;
	s20 =	sadd.s32 s14, s20;
	[dreg:$0xd] =	wrdreg s26  }
0x18: {  	s25 =	sor.u32 $0x100, s18;
	s29 =	sadd.s32 s28, s9;
	[dreg:$0x19] =	wrdreg s20  }
0x19: {  	s21 =	sadd.s32 s28, s5;
	s28 =	sshrl.u32 s25, $0x3;
	[dreg:$0xa] =	wrdreg s29  }
0x1a: {  	s30 =	sor.u32 $0xC0, s18;
	[dreg:$0xb] =	wrdreg s21;
	s29 =	sadd.s32 s28, s9  }
0x1b: {  	s25 =	sshrl.u32 s30, $0x3;
	s24 =	sadd.s32 s28, s5;
	[dreg:$0xe] =	wrdreg s29  }
0x1c: {  	s26 =	sadd.s32 s25, s9;
	s28 =	sor.u32 $0x80, s18;
	[dreg:$0xf] =	wrdreg s24  }
0x1d: {  	[dreg:$0x10] =	wrdreg s26;
	s29 =	sadd.s32 s25, s5;
	s30 =	sshrl.u32 s28, $0x3  }
0x1e: {  	s24 =	sor.u32 $0x40, s18;
	s25 =	sadd.s32 s17, s7;
	s28 =	sadd.s32 s17, s8  }
0x1f: {  	s18 =	sshrl.u32 s18, $0x3;
	s7 =	sadd.s32 s7, s2;
	[dreg:$0x11] =	wrdreg s29  }
0x20: {  	s22 =	sadd.s32 s30, s9;
	s21 =	sadd.s32 s30, s5;
	[smem:$0x7F6] =	sst s7  }
0x21: {  	s19 =	sshrl.u32 s24, $0x3;
	s20 =	sshrl.u32 s25, $0x3;
	[dreg:$0x12] =	wrdreg s22  }
0x22: {  	s29 =	sadd.s32 s17, s10;
	[dreg:$0x13] =	wrdreg s21;
	s20 =	sadd.s32 s14, s20  }
0x23: {  	s30 =	sadd.s32 s17, s11;
	s26 =	sadd.s32 s19, s9;
	[dreg:$0x1a] =	wrdreg s20  }
0x24: {  	s24 =	sadd.s32 s17, s15;
	s19 =	sadd.s32 s19, s5;
	[dreg:$0x14] =	wrdreg s26  }
0x25: {  	s21 =	sadd.s32 s17, s12;
	s9 =	sadd.s32 s18, s9;
	[dreg:$0x15] =	wrdreg s19  }
0x26: {  	s22 =	sadd.s32 s17, s13;
	s5 =	sadd.s32 s18, s5;
	[dreg:$0x16] =	wrdreg s9  }
0x27: {  	s17 =	sadd.s32 s17, s16;
	[dreg:$0x17] =	wrdreg s5;
	s5 =	sadd.s32 s8, s2  }
0x28: {  	s20 =	sshrl.u32 s28, $0x3;
	s8 =	sadd.s32 s11, s2;
	[smem:$0x7F7] =	sst s5  }
0x29: {  	s19 =	sshrl.u32 s29, $0x3;
	s20 =	sadd.s32 s14, s20;
	[smem:$0x7F9] =	sst s8  }
0x2a: {  	s28 =	smul.u32 $0x50000, s23;
	s19 =	sadd.s32 s14, s19;
	[dreg:$0x1b] =	wrdreg s20  }
0x2b: {  	[dreg:$0x1c] =	wrdreg s19;
	s20 =	sshrl.u32 s30, $0x3;
	s30 =	smax.u32 s4, $0x1  }
0x2c: {  	s29 =	sshrl.u32 s28, $0x2;
	s19 =	sadd.s32 s14, s20;
	[smem:$0x7F3] =	sst s30  }
0x2d: {  	s20 =	sshrl.u32 s22, $0x3;
	s9 =	sadd.s32 s29, s2;
	[dreg:$0x1d] =	wrdreg s19  }
0x2e: {  	s19 =	sshrl.u32 s21, $0x3;
	s25 =	sadd.s32 s14, s20;
	[smem:$0x7F4] =	sst s9  }
0x2f: {  	s26 =	sshrl.u32 s24, $0x3;
	s19 =	sadd.s32 s14, s19;
	[dreg:$0x1f] =	wrdreg s25  }
0x30: {  	s17 =	sshrl.u32 s17, $0x3;
	[dreg:$0x1e] =	wrdreg s19;
	s19 =	sadd.s32 s14, s26  }
0x31: {  	s14 =	sadd.s32 s14, s17;
	[smem:$0x7F0] =	sst s19  }
0x32: {  	s17 =	sadd.s32 s6, s2;
	[smem:$0x7F1] =	sst s14  }
0x33: {  	s6 =	sadd.s32 s10, s2;
	[smem:$0x7F5] =	sst s17  }
0x34: {  	s31 =	simm.s32 $0x14200;
	s26 =	sadd.s32 s12, s2;
	[smem:$0x7F8] =	sst s6  }
0x35: {  	s0 =	simm.s32 $0x0;
	s12 =	sadd.s32 s13, s2;
	[smem:$0x7FA] =	sst s26  }
0x36: {  	s4 =	simm.s32 $0x2;
	s13 =	sadd.s32 s15, s2;
	[smem:$0x7FB] =	sst s12  }
0x37: {  	s20 =	simm.s32 $0x1;
	s15 =	sadd.s32 s16, s2;
	[smem:$0x7FC] =	sst s13  }
0x38: {  	s21 =	simm.s32 $0x40;
	s10 =	simm.s32 $0xC;
	[smem:$0x7FD] =	sst s15  }
.LBB2_1:
0x39: {  	s11 =	sld [smem:$0x7F2];
	_ =	sdelay $0x1  }
0x3a: {  	[smem:$0x7EF] =	sst s0;
	s14 =	simm.s32 $0xD;
	s19 =	simm.s32 $0x14A00  }
0x3b: {  	[tilespmem:s19], [sflag:$0xD] =	stream.linear.gather [hbm4b:s11+s3], $0x2000, $0x38;
	[tilespmem:$0x1EA00] =	vst v63  }
0x3c: {  	_ =	swait.ge [sflag:s14], $0x2000  }
0x3d: {  	[sflag:s14] =	ssyncset.done $0x0  }
0x3e: {  	[sflag:s14] =	ssyncadd.s32 $0xFFFFE000  }
0x3f: {  	[spmem:s9] =	stream.linear.scatter [tilespmem:s19], [sflag:$0xD], $0x2000, $0x38;
	[tilespmem:$0x1EA00] =	vst v63  }
0x40: {  	_ =	swait.ge [sflag:s14], $0x2000  }
0x41: {  	[sflag:s14] =	ssyncset.done $0x0  }
0x42: {  	[sflag:s14] =	ssyncadd.s32 $0xFFFFE000  }
0x43: {  	[spmem:s17] =	stream.linear.scatter [tilespmem:s19], [sflag:$0xD], $0x2000, $0x38;
	[tilespmem:$0x1EA00] =	vst v63  }
0x44: {  	_ =	swait.ge [sflag:s14], $0x2000  }
0x45: {  	[sflag:s14] =	ssyncset.done $0x0  }
0x46: {  	[sflag:s14] =	ssyncadd.s32 $0xFFFFE000  }
0x47: {  	[spmem:s7] =	stream.linear.scatter [tilespmem:s19], [sflag:$0xD], $0x2000, $0x38;
	[tilespmem:$0x1EA00] =	vst v63  }
0x48: {  	_ =	swait.ge [sflag:s14], $0x2000  }
0x49: {  	[sflag:s14] =	ssyncset.done $0x0  }
0x4a: {  	[sflag:s14] =	ssyncadd.s32 $0xFFFFE000  }
0x4b: {  	[spmem:s5] =	stream.linear.scatter [tilespmem:s19], [sflag:$0xD], $0x2000, $0x38;
	[tilespmem:$0x1EA00] =	vst v63  }
0x4c: {  	_ =	swait.ge [sflag:s14], $0x2000  }
0x4d: {  	[sflag:s14] =	ssyncset.done $0x0  }
0x4e: {  	[sflag:s14] =	ssyncadd.s32 $0xFFFFE000  }
0x4f: {  	[spmem:s6] =	stream.linear.scatter [tilespmem:s19], [sflag:$0xD], $0x2000, $0x38;
	[tilespmem:$0x1EA00] =	vst v63  }
0x50: {  	_ =	swait.ge [sflag:s14], $0x2000  }
0x51: {  	[sflag:s14] =	ssyncset.done $0x0  }
0x52: {  	[sflag:s14] =	ssyncadd.s32 $0xFFFFE000  }
0x53: {  	[spmem:s8] =	stream.linear.scatter [tilespmem:s19], [sflag:$0xD], $0x2000, $0x38;
	[tilespmem:$0x1EA00] =	vst v63  }
0x54: {  	_ =	swait.ge [sflag:s14], $0x2000  }
0x55: {  	[sflag:s14] =	ssyncset.done $0x0  }
0x56: {  	[sflag:s14] =	ssyncadd.s32 $0xFFFFE000  }
0x57: {  	[spmem:s26] =	stream.linear.scatter [tilespmem:s19], [sflag:$0xD], $0x2000, $0x38;
	[tilespmem:$0x1EA00] =	vst v63  }
0x58: {  	_ =	swait.ge [sflag:s14], $0x2000  }
0x59: {  	[sflag:s14] =	ssyncset.done $0x0  }
0x5a: {  	[sflag:s14] =	ssyncadd.s32 $0xFFFFE000  }
0x5b: {  	[spmem:s12] =	stream.linear.scatter [tilespmem:s19], [sflag:$0xD], $0x2000, $0x38;
	[tilespmem:$0x1EA00] =	vst v63  }
0x5c: {  	_ =	swait.ge [sflag:s14], $0x2000  }
0x5d: {  	[sflag:s14] =	ssyncset.done $0x0  }
0x5e: {  	[sflag:s14] =	ssyncadd.s32 $0xFFFFE000  }
0x5f: {  	[spmem:s13] =	stream.linear.scatter [tilespmem:s19], [sflag:$0xD], $0x2000, $0x38;
	[tilespmem:$0x1EA00] =	vst v63  }
0x60: {  	_ =	swait.ge [sflag:s14], $0x2000  }
0x61: {  	[sflag:s14] =	ssyncset.done $0x0  }
0x62: {  	[sflag:s14] =	ssyncadd.s32 $0xFFFFE000  }
0x63: {  	[spmem:s15] =	stream.linear.scatter [tilespmem:s19], [sflag:$0xD], $0x2000, $0x38;
	[tilespmem:$0x1EA00] =	vst v63  }
0x64: {  	_ =	swait.ge [sflag:s14], $0x2000  }
0x65: {  	[sflag:s14] =	ssyncset.done $0x0  }
0x66: {  	[sflag:s14] =	ssyncadd.s32 $0xFFFFE000  }
0x67: {  	[bflag:$0x0] =	sbarrier.arrive $0xFFFF  }
0x68: {  	s18 =	rddreg [dreg:$0x17]  }
0x69: {  	s14 =	simm.s32 $0x14000;
	s22 =	rddreg [dreg:$0x16];
	s11 =	sadd.s32 $0x0, s18  }
0x6a: {  	[tilespmem:s14], [sflag:$0x1] =	stream.linear.gather [hbm4b:s11+s3], $0x40, $0x38;
	[tilespmem:$0x1EA00] =	vst v63  }
0x6b: {  	s15 =	simm.s32 $0x14500;
	s23 =	rddreg [dreg:$0x15];
	s24 =	sadd.s32 $0x0, s22  }
0x6c: {  	[tilespmem:s15], [sflag:$0x1] =	stream.linear.gather [hbm4b:s24+s3], $0x40, $0x38;
	[tilespmem:$0x1EA00] =	vst v63  }
0x6d: {  	s16 =	simm.s32 $0x14080;
	s25 =	rddreg [dreg:$0x14];
	s26 =	sadd.s32 $0x0, s23  }
0x6e: {  	[tilespmem:s16], [sflag:$0x1] =	stream.linear.gather [hbm4b:s26+s3], $0x40, $0x38;
	[tilespmem:$0x1EA00] =	vst v63  }
0x6f: {  	s17 =	simm.s32 $0x14580;
	s28 =	rddreg [dreg:$0x13];
	s29 =	sadd.s32 $0x0, s25  }
0x70: {  	[tilespmem:s17], [sflag:$0x1] =	stream.linear.gather [hbm4b:s29+s3], $0x40, $0x38;
	[tilespmem:$0x1EA00] =	vst v63  }
0x71: {  	s30 =	rddreg [dreg:$0x12];
	s0 =	sadd.s32 $0x0, s28;
	s18 =	simm.s32 $0x14100  }
0x72: {  	[tilespmem:s18], [sflag:$0x1] =	stream.linear.gather [hbm4b:s0+s3], $0x40, $0x38;
	[tilespmem:$0x1EA00] =	vst v63  }
0x73: {  	s5 =	rddreg [dreg:$0x11];
	s6 =	sadd.s32 $0x0, s30;
	s22 =	simm.s32 $0x14600  }
0x74: {  	[tilespmem:s22], [sflag:$0x1] =	stream.linear.gather [hbm4b:s6+s3], $0x40, $0x38;
	[tilespmem:$0x1EA00] =	vst v63  }
0x75: {  	s7 =	rddreg [dreg:$0x10];
	s8 =	sadd.s32 $0x0, s5;
	s24 =	simm.s32 $0x14180  }
0x76: {  	[tilespmem:s24], [sflag:$0x1] =	stream.linear.gather [hbm4b:s8+s3], $0x40, $0x38;
	[tilespmem:$0x1EA00] =	vst v63  }
0x77: {  	s9 =	rddreg [dreg:$0xf];
	s23 =	sadd.s32 $0x0, s7;
	s26 =	simm.s32 $0x14680  }
0x78: {  	[tilespmem:s26], [sflag:$0x1] =	stream.linear.gather [hbm4b:s23+s3], $0x40, $0x38;
	[tilespmem:$0x1EA00] =	vst v63  }
0x79: {  	s25 =	rddreg [dreg:$0xe];
	s28 =	simm.s32 $0x14200;
	s29 =	sadd.s32 $0x0, s9  }
0x7a: {  	[tilespmem:s28], [sflag:$0x1] =	stream.linear.gather [hbm4b:s29+s3], $0x40, $0x38;
	[tilespmem:$0x1EA00] =	vst v63  }
0x7b: {  	s30 =	rddreg [dreg:$0xd];
	s0 =	sadd.s32 $0x0, s25;
	s23 =	simm.s32 $0x14700  }
0x7c: {  	[tilespmem:s23], [sflag:$0x1] =	stream.linear.gather [hbm4b:s0+s3], $0x40, $0x38;
	[tilespmem:$0x1EA00] =	vst v63  }
0x7d: {  	s5 =	rddreg [dreg:$0xc];
	s25 =	simm.s32 $0x14280;
	s6 =	sadd.s32 $0x0, s30  }
0x7e: {  	[tilespmem:s25], [sflag:$0x2] =	stream.linear.gather [hbm4b:s6+s3], $0x40, $0x38;
	[tilespmem:$0x1EA00] =	vst v63  }
0x7f: {  	s7 =	rddreg [dreg:$0xb];
	s8 =	sadd.s32 $0x0, s5;
	s29 =	simm.s32 $0x14780  }
0x80: {  	[tilespmem:s29], [sflag:$0x2] =	stream.linear.gather [hbm4b:s8+s3], $0x40, $0x38;
	[tilespmem:$0x1EA00] =	vst v63  }
0x81: {  	s13 =	sadd.s32 $0x0, s7;
	s9 =	rddreg [dreg:$0xa];
	s0 =	simm.s32 $0x14300  }
0x82: {  	[tilespmem:s0], [sflag:$0x2] =	stream.linear.gather [hbm4b:s13+s3], $0x40, $0x38;
	[tilespmem:$0x1EA00] =	vst v63  }
0x83: {  	s30 =	rddreg [dreg:$0x9];
	s5 =	simm.s32 $0x14800;
	s6 =	sadd.s32 $0x0, s9  }
0x84: {  	[tilespmem:s5], [sflag:$0x2] =	stream.linear.gather [hbm4b:s6+s3], $0x40, $0x38;
	[tilespmem:$0x1EA00] =	vst v63  }
0x85: {  	s7 =	rddreg [dreg:$0x8];
	s8 =	sadd.s32 $0x0, s30;
	s6 =	simm.s32 $0x14380  }
0x86: {  	[tilespmem:s6], [sflag:$0x2] =	stream.linear.gather [hbm4b:s8+s3], $0x40, $0x38;
	[tilespmem:$0x1EA00] =	vst v63  }
0x87: {  	s12 =	sadd.s32 $0x0, s7;
	s7 =	simm.s32 $0x14880;
	s9 =	rddreg [dreg:$0x7]  }
0x88: {  	[tilespmem:s7], [sflag:$0x2] =	stream.linear.gather [hbm4b:s12+s3], $0x40, $0x38;
	[tilespmem:$0x1EA00] =	vst v63  }
0x89: {  	s9 =	sadd.s32 $0x0, s9;
	s30 =	rddreg [dreg:$0x6];
	s8 =	simm.s32 $0x14400  }
0x8a: {  	[tilespmem:s8], [sflag:$0x2] =	stream.linear.gather [hbm4b:s9+s3], $0x40, $0x38;
	[tilespmem:$0x1EA00] =	vst v63  }
0x8b: {  	s30 =	sadd.s32 $0x0, s30;
	s13 =	rddreg [dreg:$0x5];
	s9 =	simm.s32 $0x14900  }
0x8c: {  	[tilespmem:s9], [sflag:$0x2] =	stream.linear.gather [hbm4b:s30+s3], $0x40, $0x38;
	[tilespmem:$0x1EA00] =	vst v63  }
0x8d: {  	s12 =	rddreg [dreg:$0x4];
	s30 =	sadd.s32 $0x0, s13;
	s13 =	simm.s32 $0x14480  }
0x8e: {  	[tilespmem:s13], [sflag:$0x2] =	stream.linear.gather [hbm4b:s30+s3], $0x40, $0x38;
	[tilespmem:$0x1EA00] =	vst v63  }
0x8f: {  	s30 =	sadd.s32 $0x0, s12;
	s12 =	simm.s32 $0x14980  }
0x90: {  	[tilespmem:s12], [sflag:$0x2] =	stream.linear.gather [hbm4b:s30+s3], $0x40, $0x38;
	[tilespmem:$0x1EA00] =	vst v63  }
0x91: {  	_ =	swait.ge [sflag:s20], $0x40  }
0x92: {  	[sflag:s20] =	ssyncset.done $0x0  }
0x93: {  	[sflag:s20] =	ssyncadd.s32 $0xFFFFFFC0  }
0x94: {  	_ =	swait.ge [sflag:s20], $0x40  }
0x95: {  	[sflag:s20] =	ssyncset.done $0x0  }
0x96: {  	[sflag:s20] =	ssyncadd.s32 $0xFFFFFFC0  }
0x97: {  	_ =	swait.ge [sflag:s20], $0x40  }
0x98: {  	[sflag:s20] =	ssyncset.done $0x0  }
0x99: {  	[sflag:s20] =	ssyncadd.s32 $0xFFFFFFC0  }
0x9a: {  	_ =	swait.ge [sflag:s20], $0x40  }
0x9b: {  	[sflag:s20] =	ssyncset.done $0x0  }
0x9c: {  	[sflag:s20] =	ssyncadd.s32 $0xFFFFFFC0  }
0x9d: {  	_ =	swait.ge [sflag:s20], $0x40  }
0x9e: {  	[sflag:s20] =	ssyncset.done $0x0  }
0x9f: {  	[sflag:s20] =	ssyncadd.s32 $0xFFFFFFC0  }
0xa0: {  	_ =	swait.ge [sflag:s20], $0x40  }
0xa1: {  	[sflag:s20] =	ssyncset.done $0x0  }
0xa2: {  	[sflag:s20] =	ssyncadd.s32 $0xFFFFFFC0  }
0xa3: {  	_ =	swait.ge [sflag:s20], $0x40  }
0xa4: {  	[sflag:s20] =	ssyncset.done $0x0  }
0xa5: {  	[sflag:s20] =	ssyncadd.s32 $0xFFFFFFC0  }
0xa6: {  	_ =	swait.ge [sflag:s20], $0x40  }
0xa7: {  	[sflag:s20] =	ssyncset.done $0x0  }
0xa8: {  	[sflag:s20] =	ssyncadd.s32 $0xFFFFFFC0  }
0xa9: {  	_ =	swait.ge [sflag:s20], $0x40  }
0xaa: {  	[sflag:s20] =	ssyncset.done $0x0  }
0xab: {  	[sflag:s20] =	ssyncadd.s32 $0xFFFFFFC0  }
0xac: {  	_ =	swait.ge [sflag:s20], $0x40  }
0xad: {  	[sflag:s20] =	ssyncset.done $0x0  }
0xae: {  	[sflag:s20] =	ssyncadd.s32 $0xFFFFFFC0  }
0xaf: {  	[tilespmem:s19], [sflag:$0x3] =	stream.indirect.gather [hbm4b:s1+s21], $0x80, s14, s21, $0xb8;
	[tilespmem:$0x1EA00] =	vst v63  }
0xb0: {  	s11 =	simm.s32 $0x16A00  }
0xb1: {  	[tilespmem:s11], [sflag:$0x4] =	stream.indirect.gather [hbm4b:s1+s21], $0x80, s16, s21, $0xb8;
	[tilespmem:$0x1EA00] =	vst v63  }
0xb2: {  	s16 =	simm.s32 $0x3  }
0xb3: {  	_ =	swait.ge [sflag:s16], $0x2000  }
0xb4: {  	[sflag:s16] =	ssyncset.done $0x0  }
0xb5: {  	[sflag:s16] =	ssyncadd.s32 $0xFFFFE000  }
0xb6: {  	[spmem:s2] =	stream.indirect.scatter.add.f32 [tilespmem:s19], [sflag:$0x8], $0x80, s15, s21, $0xb8;
	[tilespmem:$0x1EA00] =	vst v63  }
0xb7: {  	s30 =	simm.s32 $0x4;
	s15 =	simm.s32 $0x18A00  }
0xb8: {  	[tilespmem:s15], [sflag:$0x5] =	stream.indirect.gather [hbm4b:s1+s21], $0x80, s18, s21, $0xb8;
	[tilespmem:$0x1EA00] =	vst v63  }
0xb9: {  	_ =	swait.ge [sflag:s30], $0x2000  }
0xba: {  	[sflag:s30] =	ssyncset.done $0x0  }
0xbb: {  	[sflag:s30] =	ssyncadd.s32 $0xFFFFE000  }
0xbc: {  	[spmem:s2] =	stream.indirect.scatter.add.f32 [tilespmem:s11], [sflag:$0x9], $0x80, s17, s21, $0xb8;
	[tilespmem:$0x1EA00] =	vst v63  }
0xbd: {  	s18 =	simm.s32 $0x5;
	s17 =	simm.s32 $0x1AA00  }
0xbe: {  	[tilespmem:s17], [sflag:$0x6] =	stream.indirect.gather [hbm4b:s1+s21], $0x80, s24, s21, $0xb8;
	[tilespmem:$0x1EA00] =	vst v63  }
0xbf: {  	_ =	swait.ge [sflag:s18], $0x2000  }
0xc0: {  	[sflag:s18] =	ssyncset.done $0x0  }
0xc1: {  	[sflag:s18] =	ssyncadd.s32 $0xFFFFE000  }
0xc2: {  	[spmem:s2] =	stream.indirect.scatter.add.f32 [tilespmem:s15], [sflag:$0xA], $0x80, s22, s21, $0xb8;
	[tilespmem:$0x1EA00] =	vst v63  }
0xc3: {  	s24 =	simm.s32 $0x6;
	s22 =	simm.s32 $0x1CA00  }
0xc4: {  	[tilespmem:s22], [sflag:$0x7] =	stream.indirect.gather [hbm4b:s1+s21], $0x80, s28, s21, $0xb8;
	[tilespmem:$0x1EA00] =	vst v63  }
0xc5: {  	_ =	swait.ge [sflag:s24], $0x2000  }
0xc6: {  	[sflag:s24] =	ssyncset.done $0x0  }
0xc7: {  	[sflag:s24] =	ssyncadd.s32 $0xFFFFE000  }
0xc8: {  	[spmem:s2] =	stream.indirect.scatter.add.f32 [tilespmem:s17], [sflag:$0xB], $0x80, s26, s21, $0xb8;
	[tilespmem:$0x1EA00] =	vst v63  }
0xc9: {  	_ =	swait.ge [sflag:s4], $0x40  }
0xca: {  	[sflag:s4] =	ssyncset.done $0x0  }
0xcb: {  	[sflag:s4] =	ssyncadd.s32 $0xFFFFFFC0  }
0xcc: {  	_ =	swait.ge [sflag:s4], $0x40  }
0xcd: {  	[sflag:s4] =	ssyncset.done $0x0  }
0xce: {  	[sflag:s4] =	ssyncadd.s32 $0xFFFFFFC0  }
0xcf: {  	_ =	swait.ge [sflag:s4], $0x40  }
0xd0: {  	[sflag:s4] =	ssyncset.done $0x0  }
0xd1: {  	[sflag:s4] =	ssyncadd.s32 $0xFFFFFFC0  }
0xd2: {  	_ =	swait.ge [sflag:s4], $0x40  }
0xd3: {  	[sflag:s4] =	ssyncset.done $0x0  }
0xd4: {  	[sflag:s4] =	ssyncadd.s32 $0xFFFFFFC0  }
0xd5: {  	_ =	swait.ge [sflag:s4], $0x40  }
0xd6: {  	[sflag:s4] =	ssyncset.done $0x0  }
0xd7: {  	[sflag:s4] =	ssyncadd.s32 $0xFFFFFFC0  }
0xd8: {  	_ =	swait.ge [sflag:s4], $0x40  }
0xd9: {  	[sflag:s4] =	ssyncset.done $0x0  }
0xda: {  	[sflag:s4] =	ssyncadd.s32 $0xFFFFFFC0  }
0xdb: {  	_ =	swait.ge [sflag:s4], $0x40  }
0xdc: {  	[sflag:s4] =	ssyncset.done $0x0  }
0xdd: {  	[sflag:s4] =	ssyncadd.s32 $0xFFFFFFC0  }
0xde: {  	_ =	swait.ge [sflag:s4], $0x40  }
0xdf: {  	[sflag:s4] =	ssyncset.done $0x0  }
0xe0: {  	[sflag:s4] =	ssyncadd.s32 $0xFFFFFFC0  }
0xe1: {  	_ =	swait.ge [sflag:s4], $0x40  }
0xe2: {  	[sflag:s4] =	ssyncset.done $0x0  }
0xe3: {  	[sflag:s4] =	ssyncadd.s32 $0xFFFFFFC0  }
0xe4: {  	_ =	swait.ge [sflag:s4], $0x40  }
0xe5: {  	[sflag:s4] =	ssyncset.done $0x0  }
0xe6: {  	s26 =	simm.s32 $0x8;
	[sflag:s4] =	ssyncadd.s32 $0xFFFFFFC0  }
0xe7: {  	_ =	swait.ge [sflag:s26], $0x2000  }
0xe8: {  	[sflag:s26] =	ssyncset.done $0x0  }
0xe9: {  	[sflag:s26] =	ssyncadd.s32 $0xFFFFE000  }
0xea: {  	[tilespmem:s19], [sflag:$0x3] =	stream.indirect.gather [hbm4b:s1+s21], $0x80, s25, s21, $0xb8;
	[tilespmem:$0x1EA00] =	vst v63  }
0xeb: {  	s25 =	simm.s32 $0x7  }
0xec: {  	_ =	swait.ge [sflag:s25], $0x2000  }
0xed: {  	[sflag:s25] =	ssyncset.done $0x0  }
0xee: {  	s28 =	simm.s32 $0x9;
	[sflag:s25] =	ssyncadd.s32 $0xFFFFE000  }
0xef: {  	[spmem:s2] =	stream.indirect.scatter.add.f32 [tilespmem:s22], [sflag:$0xC], $0x80, s23, s21, $0xb8;
	[tilespmem:$0x1EA00] =	vst v63  }
0xf0: {  	_ =	swait.ge [sflag:s28], $0x2000  }
0xf1: {  	[sflag:s28] =	ssyncset.done $0x0  }
0xf2: {  	[sflag:s28] =	ssyncadd.s32 $0xFFFFE000  }
0xf3: {  	[tilespmem:s11], [sflag:$0x4] =	stream.indirect.gather [hbm4b:s1+s21], $0x80, s0, s21, $0xb8;
	[tilespmem:$0x1EA00] =	vst v63  }
0xf4: {  	_ =	swait.ge [sflag:s16], $0x2000  }
0xf5: {  	[sflag:s16] =	ssyncset.done $0x0  }
0xf6: {  	[sflag:s16] =	ssyncadd.s32 $0xFFFFE000  }
0xf7: {  	[spmem:s2] =	stream.indirect.scatter.add.f32 [tilespmem:s19], [sflag:$0x8], $0x80, s29, s21, $0xb8;
	[tilespmem:$0x1EA00] =	vst v63  }
0xf8: {  	s29 =	simm.s32 $0xA  }
0xf9: {  	_ =	swait.ge [sflag:s29], $0x2000  }
0xfa: {  	[sflag:s29] =	ssyncset.done $0x0  }
0xfb: {  	[sflag:s29] =	ssyncadd.s32 $0xFFFFE000  }
0xfc: {  	[tilespmem:s15], [sflag:$0x5] =	stream.indirect.gather [hbm4b:s1+s21], $0x80, s6, s21, $0xb8;
	[tilespmem:$0x1EA00] =	vst v63  }
0xfd: {  	_ =	swait.ge [sflag:s30], $0x2000  }
0xfe: {  	[sflag:s30] =	ssyncset.done $0x0  }
0xff: {  	[sflag:s30] =	ssyncadd.s32 $0xFFFFE000;
	s30 =	simm.s32 $0xB  }
0x100: {  	[spmem:s2] =	stream.indirect.scatter.add.f32 [tilespmem:s11], [sflag:$0x9], $0x80, s5, s21, $0xb8;
	[tilespmem:$0x1EA00] =	vst v63  }
0x101: {  	_ =	swait.ge [sflag:s30], $0x2000  }
0x102: {  	[sflag:s30] =	ssyncset.done $0x0  }
0x103: {  	[sflag:s30] =	ssyncadd.s32 $0xFFFFE000  }
0x104: {  	[tilespmem:s17], [sflag:$0x6] =	stream.indirect.gather [hbm4b:s1+s21], $0x80, s8, s21, $0xb8;
	[tilespmem:$0x1EA00] =	vst v63  }
0x105: {  	_ =	swait.ge [sflag:s18], $0x2000  }
0x106: {  	[sflag:s18] =	ssyncset.done $0x0  }
0x107: {  	[sflag:s18] =	ssyncadd.s32 $0xFFFFE000  }
0x108: {  	[spmem:s2] =	stream.indirect.scatter.add.f32 [tilespmem:s15], [sflag:$0xA], $0x80, s7, s21, $0xb8;
	[tilespmem:$0x1EA00] =	vst v63  }
0x109: {  	_ =	swait.ge [sflag:s10], $0x2000  }
0x10a: {  	[sflag:s10] =	ssyncset.done $0x0  }
0x10b: {  	[sflag:s10] =	ssyncadd.s32 $0xFFFFE000  }
0x10c: {  	[tilespmem:s22], [sflag:$0x7] =	stream.indirect.gather [hbm4b:s1+s21], $0x80, s13, s21, $0xb8;
	[tilespmem:$0x1EA00] =	vst v63  }
0x10d: {  	_ =	swait.ge [sflag:s24], $0x2000  }
0x10e: {  	[sflag:s24] =	ssyncset.done $0x0  }
0x10f: {  	[sflag:s24] =	ssyncadd.s32 $0xFFFFE000  }
0x110: {  	[spmem:s2] =	stream.indirect.scatter.add.f32 [tilespmem:s17], [sflag:$0xB], $0x80, s9, s21, $0xb8;
	[tilespmem:$0x1EA00] =	vst v63  }
0x111: {  	_ =	swait.ge [sflag:s25], $0x2000  }
0x112: {  	[sflag:s25] =	ssyncset.done $0x0  }
0x113: {  	[sflag:s25] =	ssyncadd.s32 $0xFFFFE000  }
0x114: {  	[spmem:s2] =	stream.indirect.scatter.add.f32 [tilespmem:s22], [sflag:$0xC], $0x80, s12, s21, $0xb8;
	[tilespmem:$0x1EA00] =	vst v63  }
0x115: {  	_ =	swait.ge [sflag:s26], $0x2000  }
0x116: {  	[sflag:s26] =	ssyncset.done $0x0  }
0x117: {  	[sflag:s26] =	ssyncadd.s32 $0xFFFFE000  }
0x118: {  	_ =	swait.ge [sflag:s28], $0x2000  }
0x119: {  	[sflag:s28] =	ssyncset.done $0x0  }
0x11a: {  	[sflag:s28] =	ssyncadd.s32 $0xFFFFE000  }
0x11b: {  	_ =	swait.ge [sflag:s29], $0x2000  }
0x11c: {  	[sflag:s29] =	ssyncset.done $0x0  }
0x11d: {  	[sflag:s29] =	ssyncadd.s32 $0xFFFFE000  }
0x11e: {  	_ =	swait.ge [sflag:s30], $0x2000  }
0x11f: {  	[sflag:s30] =	ssyncset.done $0x0  }
0x120: {  	[sflag:s30] =	ssyncadd.s32 $0xFFFFE000  }
0x121: {  	s11 =	simm.s32 $0x50;
	_ =	swait.ge [sflag:s10], $0x2000  }
0x122: {  	s12 =	simm.s32 $0xA0;
	s14 =	rddreg [dreg:$0x17];
	[sflag:s10] =	ssyncset.done $0x0  }
.LBB2_2:
0x123: {  	[sflag:s10] =	ssyncadd.s32 $0xFFFFE000  }
0x124: {  	s15 =	rddreg [dreg:$0x16];
	s14 =	sadd.s32 s11, s14;
	s16 =	simm.s32 $0x14000  }
0x125: {  	[tilespmem:s16], [sflag:$0x1] =	stream.linear.gather [hbm4b:s14+s3], $0x40, $0x38;
	[tilespmem:$0x1EA00] =	vst v63  }
0x126: {  	s26 =	rddreg [dreg:$0x15];
	s17 =	simm.s32 $0x14500;
	s6 =	sadd.s32 s11, s15  }
0x127: {  	[tilespmem:s17], [sflag:$0x1] =	stream.linear.gather [hbm4b:s6+s3], $0x40, $0x38;
	[tilespmem:$0x1EA00] =	vst v63  }
0x128: {  	s7 =	rddreg [dreg:$0x14];
	s18 =	simm.s32 $0x14080;
	s8 =	sadd.s32 s11, s26  }
0x129: {  	[tilespmem:s18], [sflag:$0x1] =	stream.linear.gather [hbm4b:s8+s3], $0x40, $0x38;
	[tilespmem:$0x1EA00] =	vst v63  }
0x12a: {  	s9 =	rddreg [dreg:$0x13];
	s19 =	simm.s32 $0x14580;
	s22 =	sadd.s32 s11, s7  }
0x12b: {  	[tilespmem:s19], [sflag:$0x1] =	stream.linear.gather [hbm4b:s22+s3], $0x40, $0x38;
	[tilespmem:$0x1EA00] =	vst v63  }
0x12c: {  	s23 =	rddreg [dreg:$0x12];
	s28 =	simm.s32 $0x14100;
	s24 =	sadd.s32 s11, s9  }
0x12d: {  	[tilespmem:s28], [sflag:$0x1] =	stream.linear.gather [hbm4b:s24+s3], $0x40, $0x38;
	[tilespmem:$0x1EA00] =	vst v63  }
0x12e: {  	s25 =	rddreg [dreg:$0x11];
	s29 =	sadd.s32 s11, s23;
	s22 =	simm.s32 $0x14600  }
0x12f: {  	[tilespmem:s22], [sflag:$0x1] =	stream.linear.gather [hbm4b:s29+s3], $0x40, $0x38;
	[tilespmem:$0x1EA00] =	vst v63  }
0x130: {  	s30 =	rddreg [dreg:$0x10];
	s0 =	sadd.s32 s11, s25;
	s24 =	simm.s32 $0x14180  }
0x131: {  	[tilespmem:s24], [sflag:$0x1] =	stream.linear.gather [hbm4b:s0+s3], $0x40, $0x38;
	[tilespmem:$0x1EA00] =	vst v63  }
0x132: {  	s5 =	rddreg [dreg:$0xf];
	s6 =	sadd.s32 s11, s30;
	s29 =	simm.s32 $0x14680  }
0x133: {  	[tilespmem:s29], [sflag:$0x1] =	stream.linear.gather [hbm4b:s6+s3], $0x40, $0x38;
	[tilespmem:$0x1EA00] =	vst v63  }
0x134: {  	s7 =	rddreg [dreg:$0xe];
	s8 =	sadd.s32 s11, s5  }
0x135: {  	[tilespmem:s31], [sflag:$0x1] =	stream.linear.gather [hbm4b:s8+s3], $0x40, $0x38;
	[tilespmem:$0x1EA00] =	vst v63  }
0x136: {  	s9 =	rddreg [dreg:$0xd];
	s23 =	simm.s32 $0x14700;
	s25 =	sadd.s32 s11, s7  }
0x137: {  	[tilespmem:s23], [sflag:$0x1] =	stream.linear.gather [hbm4b:s25+s3], $0x40, $0x38;
	[tilespmem:$0x1EA00] =	vst v63  }
0x138: {  	s30 =	rddreg [dreg:$0xc];
	s0 =	sadd.s32 s11, s9;
	s25 =	simm.s32 $0x14280  }
0x139: {  	[tilespmem:s25], [sflag:$0x2] =	stream.linear.gather [hbm4b:s0+s3], $0x40, $0x38;
	[tilespmem:$0x1EA00] =	vst v63  }
0x13a: {  	s5 =	rddreg [dreg:$0xb];
	s6 =	sadd.s32 s11, s30;
	s30 =	simm.s32 $0x14780  }
0x13b: {  	[tilespmem:s30], [sflag:$0x2] =	stream.linear.gather [hbm4b:s6+s3], $0x40, $0x38;
	[tilespmem:$0x1EA00] =	vst v63  }
0x13c: {  	s7 =	rddreg [dreg:$0xa];
	s8 =	sadd.s32 s11, s5;
	s0 =	simm.s32 $0x14300  }
0x13d: {  	[tilespmem:s0], [sflag:$0x2] =	stream.linear.gather [hbm4b:s8+s3], $0x40, $0x38;
	[tilespmem:$0x1EA00] =	vst v63  }
0x13e: {  	s9 =	rddreg [dreg:$0x9];
	s5 =	simm.s32 $0x14800;
	s6 =	sadd.s32 s11, s7  }
0x13f: {  	[tilespmem:s5], [sflag:$0x2] =	stream.linear.gather [hbm4b:s6+s3], $0x40, $0x38;
	[tilespmem:$0x1EA00] =	vst v63  }
0x140: {  	s7 =	rddreg [dreg:$0x8];
	s8 =	sadd.s32 s11, s9;
	s6 =	simm.s32 $0x14380  }
0x141: {  	[tilespmem:s6], [sflag:$0x2] =	stream.linear.gather [hbm4b:s8+s3], $0x40, $0x38;
	[tilespmem:$0x1EA00] =	vst v63  }
0x142: {  	s9 =	rddreg [dreg:$0x7];
	s8 =	sadd.s32 s11, s7;
	s7 =	simm.s32 $0x14880  }
0x143: {  	[tilespmem:s7], [sflag:$0x2] =	stream.linear.gather [hbm4b:s8+s3], $0x40, $0x38;
	[tilespmem:$0x1EA00] =	vst v63  }
0x144: {  	s15 =	rddreg [dreg:$0x6];
	s9 =	sadd.s32 s11, s9;
	s8 =	simm.s32 $0x14400  }
0x145: {  	[tilespmem:s8], [sflag:$0x2] =	stream.linear.gather [hbm4b:s9+s3], $0x40, $0x38;
	[tilespmem:$0x1EA00] =	vst v63  }
0x146: {  	s26 =	rddreg [dreg:$0x5];
	s14 =	sadd.s32 s11, s15;
	s9 =	simm.s32 $0x14900  }
0x147: {  	[tilespmem:s9], [sflag:$0x2] =	stream.linear.gather [hbm4b:s14+s3], $0x40, $0x38;
	[tilespmem:$0x1EA00] =	vst v63  }
0x148: {  	s15 =	rddreg [dreg:$0x4];
	s14 =	sadd.s32 s11, s26;
	s26 =	simm.s32 $0x14480  }
0x149: {  	[tilespmem:s26], [sflag:$0x2] =	stream.linear.gather [hbm4b:s14+s3], $0x40, $0x38;
	[tilespmem:$0x1EA00] =	vst v63  }
0x14a: {  	s14 =	sadd.s32 s11, s15;
	s15 =	simm.s32 $0x14980  }
0x14b: {  	[tilespmem:s15], [sflag:$0x2] =	stream.linear.gather [hbm4b:s14+s3], $0x40, $0x38;
	[tilespmem:$0x1EA00] =	vst v63  }
0x14c: {  	_ =	swait.ge [sflag:s20], $0x40  }
0x14d: {  	[sflag:s20] =	ssyncset.done $0x0  }
0x14e: {  	[sflag:s20] =	ssyncadd.s32 $0xFFFFFFC0  }
0x14f: {  	_ =	swait.ge [sflag:s20], $0x40  }
0x150: {  	[sflag:s20] =	ssyncset.done $0x0  }
0x151: {  	[sflag:s20] =	ssyncadd.s32 $0xFFFFFFC0  }
0x152: {  	_ =	swait.ge [sflag:s20], $0x40  }
0x153: {  	[sflag:s20] =	ssyncset.done $0x0  }
0x154: {  	[sflag:s20] =	ssyncadd.s32 $0xFFFFFFC0  }
0x155: {  	_ =	swait.ge [sflag:s20], $0x40  }
0x156: {  	[sflag:s20] =	ssyncset.done $0x0  }
0x157: {  	[sflag:s20] =	ssyncadd.s32 $0xFFFFFFC0  }
0x158: {  	_ =	swait.ge [sflag:s20], $0x40  }
0x159: {  	[sflag:s20] =	ssyncset.done $0x0  }
0x15a: {  	[sflag:s20] =	ssyncadd.s32 $0xFFFFFFC0  }
0x15b: {  	_ =	swait.ge [sflag:s20], $0x40  }
0x15c: {  	[sflag:s20] =	ssyncset.done $0x0  }
0x15d: {  	[sflag:s20] =	ssyncadd.s32 $0xFFFFFFC0  }
0x15e: {  	_ =	swait.ge [sflag:s20], $0x40  }
0x15f: {  	[sflag:s20] =	ssyncset.done $0x0  }
0x160: {  	[sflag:s20] =	ssyncadd.s32 $0xFFFFFFC0  }
0x161: {  	_ =	swait.ge [sflag:s20], $0x40  }
0x162: {  	[sflag:s20] =	ssyncset.done $0x0  }
0x163: {  	[sflag:s20] =	ssyncadd.s32 $0xFFFFFFC0  }
0x164: {  	_ =	swait.ge [sflag:s20], $0x40  }
0x165: {  	[sflag:s20] =	ssyncset.done $0x0  }
0x166: {  	[sflag:s20] =	ssyncadd.s32 $0xFFFFFFC0  }
0x167: {  	_ =	swait.ge [sflag:s20], $0x40  }
0x168: {  	s13 =	smov.u32 s12;
	[sflag:s20] =	ssyncset.done $0x0  }
0x169: {  	s11 =	smov.u32 s13;
	s13 =	simm.s32 $0x14A00;
	[sflag:s20] =	ssyncadd.s32 $0xFFFFFFC0  }
0x16a: {  	[tilespmem:s13], [sflag:$0x3] =	stream.indirect.gather [hbm4b:s1+s21], $0x80, s16, s21, $0xb8;
	[tilespmem:$0x1EA00] =	vst v63  }
0x16b: {  	s14 =	simm.s32 $0x16A00;
	s16 =	simm.s32 $0x3  }
0x16c: {  	[tilespmem:s14], [sflag:$0x4] =	stream.indirect.gather [hbm4b:s1+s21], $0x80, s18, s21, $0xb8;
	[tilespmem:$0x1EA00] =	vst v63  }
0x16d: {  	_ =	swait.ge [sflag:s16], $0x2000  }
0x16e: {  	[sflag:s16] =	ssyncset.done $0x0  }
0x16f: {  	[sflag:s16] =	ssyncadd.s32 $0xFFFFE000  }
0x170: {  	[spmem:s2] =	stream.indirect.scatter.add.f32 [tilespmem:s13], [sflag:$0x8], $0x80, s17, s21, $0xb8;
	[tilespmem:$0x1EA00] =	vst v63  }
0x171: {  	s18 =	simm.s32 $0x4;
	s17 =	simm.s32 $0x18A00  }
0x172: {  	[tilespmem:s17], [sflag:$0x5] =	stream.indirect.gather [hbm4b:s1+s21], $0x80, s28, s21, $0xb8;
	[tilespmem:$0x1EA00] =	vst v63  }
0x173: {  	_ =	swait.ge [sflag:s18], $0x2000  }
0x174: {  	[sflag:s18] =	ssyncset.done $0x0  }
0x175: {  	[sflag:s18] =	ssyncadd.s32 $0xFFFFE000  }
0x176: {  	[spmem:s2] =	stream.indirect.scatter.add.f32 [tilespmem:s14], [sflag:$0x9], $0x80, s19, s21, $0xb8;
	[tilespmem:$0x1EA00] =	vst v63  }
0x177: {  	s19 =	simm.s32 $0x1AA00  }
0x178: {  	[tilespmem:s19], [sflag:$0x6] =	stream.indirect.gather [hbm4b:s1+s21], $0x80, s24, s21, $0xb8;
	[tilespmem:$0x1EA00] =	vst v63  }
0x179: {  	s24 =	simm.s32 $0x5  }
0x17a: {  	_ =	swait.ge [sflag:s24], $0x2000  }
0x17b: {  	[sflag:s24] =	ssyncset.done $0x0  }
0x17c: {  	[sflag:s24] =	ssyncadd.s32 $0xFFFFE000  }
0x17d: {  	[spmem:s2] =	stream.indirect.scatter.add.f32 [tilespmem:s17], [sflag:$0xA], $0x80, s22, s21, $0xb8;
	[tilespmem:$0x1EA00] =	vst v63  }
0x17e: {  	s28 =	simm.s32 $0x6;
	s22 =	simm.s32 $0x1CA00  }
0x17f: {  	[tilespmem:s22], [sflag:$0x7] =	stream.indirect.gather [hbm4b:s1+s21], $0x80, s31, s21, $0xb8;
	[tilespmem:$0x1EA00] =	vst v63  }
0x180: {  	_ =	swait.ge [sflag:s28], $0x2000  }
0x181: {  	[sflag:s28] =	ssyncset.done $0x0  }
0x182: {  	[sflag:s28] =	ssyncadd.s32 $0xFFFFE000  }
0x183: {  	[spmem:s2] =	stream.indirect.scatter.add.f32 [tilespmem:s19], [sflag:$0xB], $0x80, s29, s21, $0xb8;
	[tilespmem:$0x1EA00] =	vst v63  }
0x184: {  	_ =	swait.ge [sflag:s4], $0x40  }
0x185: {  	[sflag:s4] =	ssyncset.done $0x0  }
0x186: {  	[sflag:s4] =	ssyncadd.s32 $0xFFFFFFC0  }
0x187: {  	_ =	swait.ge [sflag:s4], $0x40  }
0x188: {  	[sflag:s4] =	ssyncset.done $0x0  }
0x189: {  	[sflag:s4] =	ssyncadd.s32 $0xFFFFFFC0  }
0x18a: {  	_ =	swait.ge [sflag:s4], $0x40  }
0x18b: {  	[sflag:s4] =	ssyncset.done $0x0  }
0x18c: {  	[sflag:s4] =	ssyncadd.s32 $0xFFFFFFC0  }
0x18d: {  	_ =	swait.ge [sflag:s4], $0x40  }
0x18e: {  	[sflag:s4] =	ssyncset.done $0x0  }
0x18f: {  	[sflag:s4] =	ssyncadd.s32 $0xFFFFFFC0  }
0x190: {  	_ =	swait.ge [sflag:s4], $0x40  }
0x191: {  	[sflag:s4] =	ssyncset.done $0x0  }
0x192: {  	[sflag:s4] =	ssyncadd.s32 $0xFFFFFFC0  }
0x193: {  	_ =	swait.ge [sflag:s4], $0x40  }
0x194: {  	[sflag:s4] =	ssyncset.done $0x0  }
0x195: {  	[sflag:s4] =	ssyncadd.s32 $0xFFFFFFC0  }
0x196: {  	_ =	swait.ge [sflag:s4], $0x40  }
0x197: {  	[sflag:s4] =	ssyncset.done $0x0  }
0x198: {  	[sflag:s4] =	ssyncadd.s32 $0xFFFFFFC0  }
0x199: {  	_ =	swait.ge [sflag:s4], $0x40  }
0x19a: {  	[sflag:s4] =	ssyncset.done $0x0  }
0x19b: {  	[sflag:s4] =	ssyncadd.s32 $0xFFFFFFC0  }
0x19c: {  	_ =	swait.ge [sflag:s4], $0x40  }
0x19d: {  	[sflag:s4] =	ssyncset.done $0x0  }
0x19e: {  	[sflag:s4] =	ssyncadd.s32 $0xFFFFFFC0  }
0x19f: {  	_ =	swait.ge [sflag:s4], $0x40  }
0x1a0: {  	[sflag:s4] =	ssyncset.done $0x0  }
0x1a1: {  	s29 =	simm.s32 $0x8;
	[sflag:s4] =	ssyncadd.s32 $0xFFFFFFC0  }
0x1a2: {  	_ =	swait.ge [sflag:s29], $0x2000  }
0x1a3: {  	[sflag:s29] =	ssyncset.done $0x0  }
0x1a4: {  	[sflag:s29] =	ssyncadd.s32 $0xFFFFE000  }
0x1a5: {  	[tilespmem:s13], [sflag:$0x3] =	stream.indirect.gather [hbm4b:s1+s21], $0x80, s25, s21, $0xb8;
	[tilespmem:$0x1EA00] =	vst v63  }
0x1a6: {  	s25 =	simm.s32 $0x7  }
0x1a7: {  	_ =	swait.ge [sflag:s25], $0x2000  }
0x1a8: {  	[sflag:s25] =	ssyncset.done $0x0  }
0x1a9: {  	[sflag:s25] =	ssyncadd.s32 $0xFFFFE000  }
0x1aa: {  	[spmem:s2] =	stream.indirect.scatter.add.f32 [tilespmem:s22], [sflag:$0xC], $0x80, s23, s21, $0xb8;
	[tilespmem:$0x1EA00] =	vst v63  }
0x1ab: {  	s23 =	simm.s32 $0x9  }
0x1ac: {  	_ =	swait.ge [sflag:s23], $0x2000  }
0x1ad: {  	[sflag:s23] =	ssyncset.done $0x0  }
0x1ae: {  	[sflag:s23] =	ssyncadd.s32 $0xFFFFE000  }
0x1af: {  	[tilespmem:s14], [sflag:$0x4] =	stream.indirect.gather [hbm4b:s1+s21], $0x80, s0, s21, $0xb8;
	[tilespmem:$0x1EA00] =	vst v63  }
0x1b0: {  	_ =	swait.ge [sflag:s16], $0x2000  }
0x1b1: {  	[sflag:s16] =	ssyncset.done $0x0  }
0x1b2: {  	[sflag:s16] =	ssyncadd.s32 $0xFFFFE000;
	s16 =	simm.s32 $0xA  }
0x1b3: {  	[spmem:s2] =	stream.indirect.scatter.add.f32 [tilespmem:s13], [sflag:$0x8], $0x80, s30, s21, $0xb8;
	[tilespmem:$0x1EA00] =	vst v63  }
0x1b4: {  	_ =	swait.ge [sflag:s16], $0x2000  }
0x1b5: {  	[sflag:s16] =	ssyncset.done $0x0  }
0x1b6: {  	[sflag:s16] =	ssyncadd.s32 $0xFFFFE000  }
0x1b7: {  	[tilespmem:s17], [sflag:$0x5] =	stream.indirect.gather [hbm4b:s1+s21], $0x80, s6, s21, $0xb8;
	[tilespmem:$0x1EA00] =	vst v63  }
0x1b8: {  	_ =	swait.ge [sflag:s18], $0x2000  }
0x1b9: {  	[sflag:s18] =	ssyncset.done $0x0  }
0x1ba: {  	s30 =	simm.s32 $0xB;
	[sflag:s18] =	ssyncadd.s32 $0xFFFFE000  }
0x1bb: {  	[spmem:s2] =	stream.indirect.scatter.add.f32 [tilespmem:s14], [sflag:$0x9], $0x80, s5, s21, $0xb8;
	[tilespmem:$0x1EA00] =	vst v63  }
0x1bc: {  	_ =	swait.ge [sflag:s30], $0x2000  }
0x1bd: {  	[sflag:s30] =	ssyncset.done $0x0  }
0x1be: {  	[sflag:s30] =	ssyncadd.s32 $0xFFFFE000  }
0x1bf: {  	[tilespmem:s19], [sflag:$0x6] =	stream.indirect.gather [hbm4b:s1+s21], $0x80, s8, s21, $0xb8;
	[tilespmem:$0x1EA00] =	vst v63  }
0x1c0: {  	_ =	swait.ge [sflag:s24], $0x2000  }
0x1c1: {  	[sflag:s24] =	ssyncset.done $0x0  }
0x1c2: {  	[sflag:s24] =	ssyncadd.s32 $0xFFFFE000  }
0x1c3: {  	[spmem:s2] =	stream.indirect.scatter.add.f32 [tilespmem:s17], [sflag:$0xA], $0x80, s7, s21, $0xb8;
	[tilespmem:$0x1EA00] =	vst v63  }
0x1c4: {  	_ =	swait.ge [sflag:s10], $0x2000  }
0x1c5: {  	[sflag:s10] =	ssyncset.done $0x0  }
0x1c6: {  	[sflag:s10] =	ssyncadd.s32 $0xFFFFE000  }
0x1c7: {  	[tilespmem:s22], [sflag:$0x7] =	stream.indirect.gather [hbm4b:s1+s21], $0x80, s26, s21, $0xb8;
	[tilespmem:$0x1EA00] =	vst v63  }
0x1c8: {  	_ =	swait.ge [sflag:s28], $0x2000  }
0x1c9: {  	[sflag:s28] =	ssyncset.done $0x0  }
0x1ca: {  	[sflag:s28] =	ssyncadd.s32 $0xFFFFE000  }
0x1cb: {  	[spmem:s2] =	stream.indirect.scatter.add.f32 [tilespmem:s19], [sflag:$0xB], $0x80, s9, s21, $0xb8;
	[tilespmem:$0x1EA00] =	vst v63  }
0x1cc: {  	_ =	swait.ge [sflag:s25], $0x2000  }
0x1cd: {  	[sflag:s25] =	ssyncset.done $0x0  }
0x1ce: {  	[sflag:s25] =	ssyncadd.s32 $0xFFFFE000  }
0x1cf: {  	[spmem:s2] =	stream.indirect.scatter.add.f32 [tilespmem:s22], [sflag:$0xC], $0x80, s15, s21, $0xb8;
	[tilespmem:$0x1EA00] =	vst v63  }
0x1d0: {  	_ =	swait.ge [sflag:s29], $0x2000  }
0x1d1: {  	[sflag:s29] =	ssyncset.done $0x0  }
0x1d2: {  	[sflag:s29] =	ssyncadd.s32 $0xFFFFE000  }
0x1d3: {  	_ =	swait.ge [sflag:s23], $0x2000  }
0x1d4: {  	[sflag:s23] =	ssyncset.done $0x0  }
0x1d5: {  	[sflag:s23] =	ssyncadd.s32 $0xFFFFE000  }
0x1d6: {  	_ =	swait.ge [sflag:s16], $0x2000  }
0x1d7: {  	[sflag:s16] =	ssyncset.done $0x0  }
0x1d8: {  	p0 =	sne.s32 s12, $0x4B0;
	[sflag:s16] =	ssyncadd.s32 $0xFFFFE000  }
.Ltmp0:
0x1d9: {  	_ =	swait.ge [sflag:s30], $0x2000;
	(pc) =	sbr.rel @p0 .LBB2_2-.Ltmp0, $4  }
0x1da: {  	[sflag:s30] =	ssyncset.done $0x0  }
0x1db: {  	[sflag:s30] =	ssyncadd.s32 $0xFFFFE000  }
0x1dc: {  	_ =	swait.ge [sflag:s10], $0x2000  }
0x1dd: {  	s12 =	sadd.s32 $0x50, s12;
	s14 =	rddreg [dreg:$0x17];
	[sflag:s10] =	ssyncset.done $0x0  }
0x1de: {  	s12 =	rddreg [dreg:$0x16]  }
0x1df: {  	[sflag:s10] =	ssyncadd.s32 $0xFFFFE000;
	s13 =	sadd.s32 s11, s14;
	s14 =	simm.s32 $0x14000  }
0x1e0: {  	[tilespmem:s14], [sflag:$0x1] =	stream.linear.gather [hbm4b:s13+s3], $0x40, $0x38;
	[tilespmem:$0x1EA00] =	vst v63  }
0x1e1: {  	s19 =	rddreg [dreg:$0x15];
	s15 =	simm.s32 $0x14500;
	s12 =	sadd.s32 s11, s12  }
0x1e2: {  	[tilespmem:s15], [sflag:$0x1] =	stream.linear.gather [hbm4b:s12+s3], $0x40, $0x38;
	[tilespmem:$0x1EA00] =	vst v63  }
0x1e3: {  	s22 =	rddreg [dreg:$0x14];
	s16 =	simm.s32 $0x14080;
	s13 =	sadd.s32 s11, s19  }
0x1e4: {  	[tilespmem:s16], [sflag:$0x1] =	stream.linear.gather [hbm4b:s13+s3], $0x40, $0x38;
	[tilespmem:$0x1EA00] =	vst v63  }
0x1e5: {  	s23 =	rddreg [dreg:$0x13];
	s17 =	simm.s32 $0x14580;
	s12 =	sadd.s32 s11, s22  }
0x1e6: {  	[tilespmem:s17], [sflag:$0x1] =	stream.linear.gather [hbm4b:s12+s3], $0x40, $0x38;
	[tilespmem:$0x1EA00] =	vst v63  }
0x1e7: {  	s24 =	rddreg [dreg:$0x12];
	s18 =	simm.s32 $0x14100;
	s13 =	sadd.s32 s11, s23  }
0x1e8: {  	[tilespmem:s18], [sflag:$0x1] =	stream.linear.gather [hbm4b:s13+s3], $0x40, $0x38;
	[tilespmem:$0x1EA00] =	vst v63  }
0x1e9: {  	s25 =	rddreg [dreg:$0x11];
	s22 =	simm.s32 $0x14600;
	s12 =	sadd.s32 s11, s24  }
0x1ea: {  	[tilespmem:s22], [sflag:$0x1] =	stream.linear.gather [hbm4b:s12+s3], $0x40, $0x38;
	[tilespmem:$0x1EA00] =	vst v63  }
0x1eb: {  	s26 =	rddreg [dreg:$0x10];
	s24 =	simm.s32 $0x14180;
	s13 =	sadd.s32 s11, s25  }
0x1ec: {  	[tilespmem:s24], [sflag:$0x1] =	stream.linear.gather [hbm4b:s13+s3], $0x40, $0x38;
	[tilespmem:$0x1EA00] =	vst v63  }
0x1ed: {  	s28 =	rddreg [dreg:$0xf];
	s12 =	sadd.s32 s11, s26;
	s26 =	simm.s32 $0x14680  }
0x1ee: {  	[tilespmem:s26], [sflag:$0x1] =	stream.linear.gather [hbm4b:s12+s3], $0x40, $0x38;
	[tilespmem:$0x1EA00] =	vst v63  }
0x1ef: {  	s29 =	rddreg [dreg:$0xe];
	s13 =	sadd.s32 s11, s28;
	s28 =	simm.s32 $0x14200  }
0x1f0: {  	[tilespmem:s28], [sflag:$0x1] =	stream.linear.gather [hbm4b:s13+s3], $0x40, $0x38;
	[tilespmem:$0x1EA00] =	vst v63  }
0x1f1: {  	s30 =	rddreg [dreg:$0xd];
	s23 =	simm.s32 $0x14700;
	s12 =	sadd.s32 s11, s29  }
0x1f2: {  	[tilespmem:s23], [sflag:$0x1] =	stream.linear.gather [hbm4b:s12+s3], $0x40, $0x38;
	[tilespmem:$0x1EA00] =	vst v63  }
0x1f3: {  	s0 =	rddreg [dreg:$0xc];
	s25 =	simm.s32 $0x14280;
	s13 =	sadd.s32 s11, s30  }
0x1f4: {  	[tilespmem:s25], [sflag:$0x2] =	stream.linear.gather [hbm4b:s13+s3], $0x40, $0x38;
	[tilespmem:$0x1EA00] =	vst v63  }
0x1f5: {  	s5 =	rddreg [dreg:$0xb];
	s29 =	simm.s32 $0x14780;
	s12 =	sadd.s32 s11, s0  }
0x1f6: {  	[tilespmem:s29], [sflag:$0x2] =	stream.linear.gather [hbm4b:s12+s3], $0x40, $0x38;
	[tilespmem:$0x1EA00] =	vst v63  }
0x1f7: {  	s6 =	rddreg [dreg:$0xa];
	s0 =	simm.s32 $0x14300;
	s13 =	sadd.s32 s11, s5  }
0x1f8: {  	[tilespmem:s0], [sflag:$0x2] =	stream.linear.gather [hbm4b:s13+s3], $0x40, $0x38;
	[tilespmem:$0x1EA00] =	vst v63  }
0x1f9: {  	s7 =	rddreg [dreg:$0x9];
	s5 =	simm.s32 $0x14800;
	s12 =	sadd.s32 s11, s6  }
0x1fa: {  	[tilespmem:s5], [sflag:$0x2] =	stream.linear.gather [hbm4b:s12+s3], $0x40, $0x38;
	[tilespmem:$0x1EA00] =	vst v63  }
0x1fb: {  	s8 =	rddreg [dreg:$0x8];
	s6 =	simm.s32 $0x14380;
	s13 =	sadd.s32 s11, s7  }
0x1fc: {  	[tilespmem:s6], [sflag:$0x2] =	stream.linear.gather [hbm4b:s13+s3], $0x40, $0x38;
	[tilespmem:$0x1EA00] =	vst v63  }
0x1fd: {  	s9 =	rddreg [dreg:$0x7];
	s7 =	simm.s32 $0x14880;
	s12 =	sadd.s32 s11, s8  }
0x1fe: {  	[tilespmem:s7], [sflag:$0x2] =	stream.linear.gather [hbm4b:s12+s3], $0x40, $0x38;
	[tilespmem:$0x1EA00] =	vst v63  }
0x1ff: {  	s19 =	rddreg [dreg:$0x6];
	s8 =	simm.s32 $0x14400;
	s13 =	sadd.s32 s11, s9  }
0x200: {  	[tilespmem:s8], [sflag:$0x2] =	stream.linear.gather [hbm4b:s13+s3], $0x40, $0x38;
	[tilespmem:$0x1EA00] =	vst v63  }
0x201: {  	s30 =	rddreg [dreg:$0x5];
	s9 =	simm.s32 $0x14900;
	s12 =	sadd.s32 s11, s19  }
0x202: {  	[tilespmem:s9], [sflag:$0x2] =	stream.linear.gather [hbm4b:s12+s3], $0x40, $0x38;
	[tilespmem:$0x1EA00] =	vst v63  }
0x203: {  	s19 =	rddreg [dreg:$0x4];
	s13 =	sadd.s32 s11, s30;
	s30 =	simm.s32 $0x14480  }
0x204: {  	[tilespmem:s30], [sflag:$0x2] =	stream.linear.gather [hbm4b:s13+s3], $0x40, $0x38;
	[tilespmem:$0x1EA00] =	vst v63  }
0x205: {  	s19 =	sadd.s32 s11, s19;
	s12 =	simm.s32 $0x14980  }
0x206: {  	[tilespmem:s12], [sflag:$0x2] =	stream.linear.gather [hbm4b:s19+s3], $0x40, $0x38;
	[tilespmem:$0x1EA00] =	vst v63  }
0x207: {  	_ =	swait.ge [sflag:s20], $0x40  }
0x208: {  	[sflag:s20] =	ssyncset.done $0x0  }
0x209: {  	[sflag:s20] =	ssyncadd.s32 $0xFFFFFFC0  }
0x20a: {  	_ =	swait.ge [sflag:s20], $0x40  }
0x20b: {  	[sflag:s20] =	ssyncset.done $0x0  }
0x20c: {  	[sflag:s20] =	ssyncadd.s32 $0xFFFFFFC0  }
0x20d: {  	_ =	swait.ge [sflag:s20], $0x40  }
0x20e: {  	[sflag:s20] =	ssyncset.done $0x0  }
0x20f: {  	[sflag:s20] =	ssyncadd.s32 $0xFFFFFFC0  }
0x210: {  	_ =	swait.ge [sflag:s20], $0x40  }
0x211: {  	[sflag:s20] =	ssyncset.done $0x0  }
0x212: {  	[sflag:s20] =	ssyncadd.s32 $0xFFFFFFC0  }
0x213: {  	_ =	swait.ge [sflag:s20], $0x40  }
0x214: {  	[sflag:s20] =	ssyncset.done $0x0  }
0x215: {  	[sflag:s20] =	ssyncadd.s32 $0xFFFFFFC0  }
0x216: {  	_ =	swait.ge [sflag:s20], $0x40  }
0x217: {  	[sflag:s20] =	ssyncset.done $0x0  }
0x218: {  	[sflag:s20] =	ssyncadd.s32 $0xFFFFFFC0  }
0x219: {  	_ =	swait.ge [sflag:s20], $0x40  }
0x21a: {  	[sflag:s20] =	ssyncset.done $0x0  }
0x21b: {  	[sflag:s20] =	ssyncadd.s32 $0xFFFFFFC0  }
0x21c: {  	_ =	swait.ge [sflag:s20], $0x40  }
0x21d: {  	[sflag:s20] =	ssyncset.done $0x0  }
0x21e: {  	[sflag:s20] =	ssyncadd.s32 $0xFFFFFFC0  }
0x21f: {  	_ =	swait.ge [sflag:s20], $0x40  }
0x220: {  	[sflag:s20] =	ssyncset.done $0x0  }
0x221: {  	[sflag:s20] =	ssyncadd.s32 $0xFFFFFFC0  }
0x222: {  	_ =	swait.ge [sflag:s20], $0x40  }
0x223: {  	[sflag:s20] =	ssyncset.done $0x0  }
0x224: {  	s19 =	simm.s32 $0x14A00;
	[sflag:s20] =	ssyncadd.s32 $0xFFFFFFC0  }
0x225: {  	[tilespmem:s19], [sflag:$0x3] =	stream.indirect.gather [hbm4b:s1+s21], $0x80, s14, s21, $0xb8;
	[tilespmem:$0x1EA00] =	vst v63  }
0x226: {  	s11 =	simm.s32 $0x16A00;
	s13 =	simm.s32 $0x3  }
0x227: {  	[tilespmem:s11], [sflag:$0x4] =	stream.indirect.gather [hbm4b:s1+s21], $0x80, s16, s21, $0xb8;
	[tilespmem:$0x1EA00] =	vst v63  }
0x228: {  	_ =	swait.ge [sflag:s13], $0x2000  }
0x229: {  	[sflag:s13] =	ssyncset.done $0x0  }
0x22a: {  	[sflag:s13] =	ssyncadd.s32 $0xFFFFE000  }
0x22b: {  	[spmem:s2] =	stream.indirect.scatter.add.f32 [tilespmem:s19], [sflag:$0x8], $0x80, s15, s21, $0xb8;
	[tilespmem:$0x1EA00] =	vst v63  }
0x22c: {  	s14 =	simm.s32 $0x18A00;
	s15 =	simm.s32 $0x4  }
0x22d: {  	[tilespmem:s14], [sflag:$0x5] =	stream.indirect.gather [hbm4b:s1+s21], $0x80, s18, s21, $0xb8;
	[tilespmem:$0x1EA00] =	vst v63  }
0x22e: {  	_ =	swait.ge [sflag:s15], $0x2000  }
0x22f: {  	[sflag:s15] =	ssyncset.done $0x0  }
0x230: {  	[sflag:s15] =	ssyncadd.s32 $0xFFFFE000  }
0x231: {  	[spmem:s2] =	stream.indirect.scatter.add.f32 [tilespmem:s11], [sflag:$0x9], $0x80, s17, s21, $0xb8;
	[tilespmem:$0x1EA00] =	vst v63  }
0x232: {  	s16 =	simm.s32 $0x1AA00;
	s17 =	simm.s32 $0x5  }
0x233: {  	[tilespmem:s16], [sflag:$0x6] =	stream.indirect.gather [hbm4b:s1+s21], $0x80, s24, s21, $0xb8;
	[tilespmem:$0x1EA00] =	vst v63  }
0x234: {  	_ =	swait.ge [sflag:s17], $0x2000  }
0x235: {  	[sflag:s17] =	ssyncset.done $0x0  }
0x236: {  	[sflag:s17] =	ssyncadd.s32 $0xFFFFE000  }
0x237: {  	[spmem:s2] =	stream.indirect.scatter.add.f32 [tilespmem:s14], [sflag:$0xA], $0x80, s22, s21, $0xb8;
	[tilespmem:$0x1EA00] =	vst v63  }
0x238: {  	s18 =	simm.s32 $0x1CA00;
	s22 =	simm.s32 $0x6  }
0x239: {  	[tilespmem:s18], [sflag:$0x7] =	stream.indirect.gather [hbm4b:s1+s21], $0x80, s28, s21, $0xb8;
	[tilespmem:$0x1EA00] =	vst v63  }
0x23a: {  	_ =	swait.ge [sflag:s22], $0x2000  }
0x23b: {  	[sflag:s22] =	ssyncset.done $0x0  }
0x23c: {  	[sflag:s22] =	ssyncadd.s32 $0xFFFFE000  }
0x23d: {  	[spmem:s2] =	stream.indirect.scatter.add.f32 [tilespmem:s16], [sflag:$0xB], $0x80, s26, s21, $0xb8;
	[tilespmem:$0x1EA00] =	vst v63  }
0x23e: {  	_ =	swait.ge [sflag:s4], $0x40  }
0x23f: {  	[sflag:s4] =	ssyncset.done $0x0  }
0x240: {  	[sflag:s4] =	ssyncadd.s32 $0xFFFFFFC0  }
0x241: {  	_ =	swait.ge [sflag:s4], $0x40  }
0x242: {  	[sflag:s4] =	ssyncset.done $0x0  }
0x243: {  	[sflag:s4] =	ssyncadd.s32 $0xFFFFFFC0  }
0x244: {  	_ =	swait.ge [sflag:s4], $0x40  }
0x245: {  	[sflag:s4] =	ssyncset.done $0x0  }
0x246: {  	[sflag:s4] =	ssyncadd.s32 $0xFFFFFFC0  }
0x247: {  	_ =	swait.ge [sflag:s4], $0x40  }
0x248: {  	[sflag:s4] =	ssyncset.done $0x0  }
0x249: {  	[sflag:s4] =	ssyncadd.s32 $0xFFFFFFC0  }
0x24a: {  	_ =	swait.ge [sflag:s4], $0x40  }
0x24b: {  	[sflag:s4] =	ssyncset.done $0x0  }
0x24c: {  	[sflag:s4] =	ssyncadd.s32 $0xFFFFFFC0  }
0x24d: {  	_ =	swait.ge [sflag:s4], $0x40  }
0x24e: {  	[sflag:s4] =	ssyncset.done $0x0  }
0x24f: {  	[sflag:s4] =	ssyncadd.s32 $0xFFFFFFC0  }
0x250: {  	_ =	swait.ge [sflag:s4], $0x40  }
0x251: {  	[sflag:s4] =	ssyncset.done $0x0  }
0x252: {  	[sflag:s4] =	ssyncadd.s32 $0xFFFFFFC0  }
0x253: {  	_ =	swait.ge [sflag:s4], $0x40  }
0x254: {  	[sflag:s4] =	ssyncset.done $0x0  }
0x255: {  	[sflag:s4] =	ssyncadd.s32 $0xFFFFFFC0  }
0x256: {  	_ =	swait.ge [sflag:s4], $0x40  }
0x257: {  	[sflag:s4] =	ssyncset.done $0x0  }
0x258: {  	[sflag:s4] =	ssyncadd.s32 $0xFFFFFFC0  }
0x259: {  	_ =	swait.ge [sflag:s4], $0x40  }
0x25a: {  	[sflag:s4] =	ssyncset.done $0x0  }
0x25b: {  	s24 =	simm.s32 $0x8;
	[sflag:s4] =	ssyncadd.s32 $0xFFFFFFC0  }
0x25c: {  	_ =	swait.ge [sflag:s24], $0x2000  }
0x25d: {  	[sflag:s24] =	ssyncset.done $0x0  }
0x25e: {  	[sflag:s24] =	ssyncadd.s32 $0xFFFFE000  }
0x25f: {  	[tilespmem:s19], [sflag:$0x3] =	stream.indirect.gather [hbm4b:s1+s21], $0x80, s25, s21, $0xb8;
	[tilespmem:$0x1EA00] =	vst v63  }
0x260: {  	s25 =	simm.s32 $0x7  }
0x261: {  	_ =	swait.ge [sflag:s25], $0x2000  }
0x262: {  	[sflag:s25] =	ssyncset.done $0x0  }
0x263: {  	s26 =	simm.s32 $0x9;
	[sflag:s25] =	ssyncadd.s32 $0xFFFFE000  }
0x264: {  	[spmem:s2] =	stream.indirect.scatter.add.f32 [tilespmem:s18], [sflag:$0xC], $0x80, s23, s21, $0xb8;
	[tilespmem:$0x1EA00] =	vst v63  }
0x265: {  	_ =	swait.ge [sflag:s26], $0x2000  }
0x266: {  	[sflag:s26] =	ssyncset.done $0x0  }
0x267: {  	[sflag:s26] =	ssyncadd.s32 $0xFFFFE000  }
0x268: {  	[tilespmem:s11], [sflag:$0x4] =	stream.indirect.gather [hbm4b:s1+s21], $0x80, s0, s21, $0xb8;
	[tilespmem:$0x1EA00] =	vst v63  }
0x269: {  	_ =	swait.ge [sflag:s13], $0x2000  }
0x26a: {  	[sflag:s13] =	ssyncset.done $0x0  }
0x26b: {  	s28 =	simm.s32 $0xA;
	[sflag:s13] =	ssyncadd.s32 $0xFFFFE000  }
0x26c: {  	[spmem:s2] =	stream.indirect.scatter.add.f32 [tilespmem:s19], [sflag:$0x8], $0x80, s29, s21, $0xb8;
	[tilespmem:$0x1EA00] =	vst v63  }
0x26d: {  	_ =	swait.ge [sflag:s28], $0x2000  }
0x26e: {  	[sflag:s28] =	ssyncset.done $0x0  }
0x26f: {  	[sflag:s28] =	ssyncadd.s32 $0xFFFFE000  }
0x270: {  	[tilespmem:s14], [sflag:$0x5] =	stream.indirect.gather [hbm4b:s1+s21], $0x80, s6, s21, $0xb8;
	[tilespmem:$0x1EA00] =	vst v63  }
0x271: {  	_ =	swait.ge [sflag:s15], $0x2000  }
0x272: {  	[sflag:s15] =	ssyncset.done $0x0  }
0x273: {  	s29 =	simm.s32 $0xB;
	[sflag:s15] =	ssyncadd.s32 $0xFFFFE000  }
0x274: {  	[spmem:s2] =	stream.indirect.scatter.add.f32 [tilespmem:s11], [sflag:$0x9], $0x80, s5, s21, $0xb8;
	[tilespmem:$0x1EA00] =	vst v63  }
0x275: {  	_ =	swait.ge [sflag:s29], $0x2000  }
0x276: {  	[sflag:s29] =	ssyncset.done $0x0  }
0x277: {  	[sflag:s29] =	ssyncadd.s32 $0xFFFFE000  }
0x278: {  	[tilespmem:s16], [sflag:$0x6] =	stream.indirect.gather [hbm4b:s1+s21], $0x80, s8, s21, $0xb8;
	[tilespmem:$0x1EA00] =	vst v63  }
0x279: {  	_ =	swait.ge [sflag:s17], $0x2000  }
0x27a: {  	[sflag:s17] =	ssyncset.done $0x0  }
0x27b: {  	[sflag:s17] =	ssyncadd.s32 $0xFFFFE000  }
0x27c: {  	[spmem:s2] =	stream.indirect.scatter.add.f32 [tilespmem:s14], [sflag:$0xA], $0x80, s7, s21, $0xb8;
	[tilespmem:$0x1EA00] =	vst v63  }
0x27d: {  	_ =	swait.ge [sflag:s10], $0x2000  }
0x27e: {  	[sflag:s10] =	ssyncset.done $0x0  }
0x27f: {  	[sflag:s10] =	ssyncadd.s32 $0xFFFFE000  }
0x280: {  	[tilespmem:s18], [sflag:$0x7] =	stream.indirect.gather [hbm4b:s1+s21], $0x80, s30, s21, $0xb8;
	[tilespmem:$0x1EA00] =	vst v63  }
0x281: {  	_ =	swait.ge [sflag:s22], $0x2000  }
0x282: {  	[sflag:s22] =	ssyncset.done $0x0  }
0x283: {  	[sflag:s22] =	ssyncadd.s32 $0xFFFFE000  }
0x284: {  	[spmem:s2] =	stream.indirect.scatter.add.f32 [tilespmem:s16], [sflag:$0xB], $0x80, s9, s21, $0xb8;
	[tilespmem:$0x1EA00] =	vst v63  }
0x285: {  	_ =	swait.ge [sflag:s25], $0x2000  }
0x286: {  	[sflag:s25] =	ssyncset.done $0x0  }
0x287: {  	[sflag:s25] =	ssyncadd.s32 $0xFFFFE000  }
0x288: {  	[spmem:s2] =	stream.indirect.scatter.add.f32 [tilespmem:s18], [sflag:$0xC], $0x80, s12, s21, $0xb8;
	[tilespmem:$0x1EA00] =	vst v63  }
0x289: {  	_ =	swait.ge [sflag:s24], $0x2000  }
0x28a: {  	[sflag:s24] =	ssyncset.done $0x0  }
0x28b: {  	[sflag:s24] =	ssyncadd.s32 $0xFFFFE000  }
0x28c: {  	_ =	swait.ge [sflag:s26], $0x2000  }
0x28d: {  	[sflag:s26] =	ssyncset.done $0x0  }
0x28e: {  	[sflag:s26] =	ssyncadd.s32 $0xFFFFE000  }
0x28f: {  	_ =	swait.ge [sflag:s28], $0x2000  }
0x290: {  	[sflag:s28] =	ssyncset.done $0x0  }
0x291: {  	[sflag:s28] =	ssyncadd.s32 $0xFFFFE000  }
0x292: {  	_ =	swait.ge [sflag:s29], $0x2000  }
0x293: {  	[sflag:s29] =	ssyncset.done $0x0  }
0x294: {  	[sflag:s29] =	ssyncadd.s32 $0xFFFFE000  }
0x295: {  	_ =	swait.ge [sflag:s10], $0x2000  }
0x296: {  	[sflag:s10] =	ssyncset.done $0x0  }
0x297: {  	[sflag:s10] =	ssyncadd.s32 $0xFFFFE000  }
0x298: {  	[bflag:$0x0] =	sbarrier.arrive $0xFFFF  }
0x299: {  	s9 =	sld [smem:$0x7F4];
	_ =	sdelay $0x1  }
0x29a: {  	s30 =	simm.s32 $0xD  }
0x29b: {  	[tilespmem:s19], [sflag:$0xD] =	stream.linear.gather [spmem:s9], $0x2000, $0x38;
	[tilespmem:$0x1EA00] =	vst v63  }
0x29c: {  	_ =	swait.ge [sflag:s30], $0x2000  }
0x29d: {  	[sflag:s30] =	ssyncset.done $0x0  }
0x29e: {  	s8 =	rddreg [dreg:$0x18];
	[sflag:s30] =	ssyncadd.s32 $0xFFFFE000  }
0x29f: {  	[hbm4b:s8+s3] =	stream.linear.scatter [tilespmem:s19], [sflag:$0xD], $0x2000, $0x38;
	[tilespmem:$0x1EA00] =	vst v63  }
0x2a0: {  	_ =	swait.ge [sflag:s30], $0x2000  }
0x2a1: {  	s17 =	sld [smem:$0x7F5]  }
0x2a2: {  	[sflag:s30] =	ssyncset.done $0x0  }
0x2a3: {  	[sflag:s30] =	ssyncadd.s32 $0xFFFFE000  }
0x2a4: {  	[tilespmem:s19], [sflag:$0xD] =	stream.linear.gather [spmem:s17], $0x2000, $0x38;
	[tilespmem:$0x1EA00] =	vst v63  }
0x2a5: {  	_ =	swait.ge [sflag:s30], $0x2000  }
0x2a6: {  	[sflag:s30] =	ssyncset.done $0x0  }
0x2a7: {  	s12 =	rddreg [dreg:$0x19];
	[sflag:s30] =	ssyncadd.s32 $0xFFFFE000  }
0x2a8: {  	[hbm4b:s12+s3] =	stream.linear.scatter [tilespmem:s19], [sflag:$0xD], $0x2000, $0x38;
	[tilespmem:$0x1EA00] =	vst v63  }
0x2a9: {  	_ =	swait.ge [sflag:s30], $0x2000  }
0x2aa: {  	s7 =	sld [smem:$0x7F6]  }
0x2ab: {  	[sflag:s30] =	ssyncset.done $0x0  }
0x2ac: {  	[sflag:s30] =	ssyncadd.s32 $0xFFFFE000  }
0x2ad: {  	[tilespmem:s19], [sflag:$0xD] =	stream.linear.gather [spmem:s7], $0x2000, $0x38;
	[tilespmem:$0x1EA00] =	vst v63  }
0x2ae: {  	_ =	swait.ge [sflag:s30], $0x2000  }
0x2af: {  	[sflag:s30] =	ssyncset.done $0x0  }
0x2b0: {  	s13 =	rddreg [dreg:$0x1a];
	[sflag:s30] =	ssyncadd.s32 $0xFFFFE000  }
0x2b1: {  	[hbm4b:s13+s3] =	stream.linear.scatter [tilespmem:s19], [sflag:$0xD], $0x2000, $0x38;
	[tilespmem:$0x1EA00] =	vst v63  }
0x2b2: {  	_ =	swait.ge [sflag:s30], $0x2000  }
0x2b3: {  	s5 =	sld [smem:$0x7F7]  }
0x2b4: {  	[sflag:s30] =	ssyncset.done $0x0  }
0x2b5: {  	[sflag:s30] =	ssyncadd.s32 $0xFFFFE000  }
0x2b6: {  	[tilespmem:s19], [sflag:$0xD] =	stream.linear.gather [spmem:s5], $0x2000, $0x38;
	[tilespmem:$0x1EA00] =	vst v63  }
0x2b7: {  	_ =	swait.ge [sflag:s30], $0x2000  }
0x2b8: {  	[sflag:s30] =	ssyncset.done $0x0  }
0x2b9: {  	s15 =	rddreg [dreg:$0x1b];
	[sflag:s30] =	ssyncadd.s32 $0xFFFFE000  }
0x2ba: {  	[hbm4b:s15+s3] =	stream.linear.scatter [tilespmem:s19], [sflag:$0xD], $0x2000, $0x38;
	[tilespmem:$0x1EA00] =	vst v63  }
0x2bb: {  	_ =	swait.ge [sflag:s30], $0x2000  }
0x2bc: {  	s6 =	sld [smem:$0x7F8]  }
0x2bd: {  	[sflag:s30] =	ssyncset.done $0x0  }
0x2be: {  	[sflag:s30] =	ssyncadd.s32 $0xFFFFE000  }
0x2bf: {  	[tilespmem:s19], [sflag:$0xD] =	stream.linear.gather [spmem:s6], $0x2000, $0x38;
	[tilespmem:$0x1EA00] =	vst v63  }
0x2c0: {  	_ =	swait.ge [sflag:s30], $0x2000  }
0x2c1: {  	[sflag:s30] =	ssyncset.done $0x0  }
0x2c2: {  	s16 =	rddreg [dreg:$0x1c];
	[sflag:s30] =	ssyncadd.s32 $0xFFFFE000  }
0x2c3: {  	[hbm4b:s16+s3] =	stream.linear.scatter [tilespmem:s19], [sflag:$0xD], $0x2000, $0x38;
	[tilespmem:$0x1EA00] =	vst v63  }
0x2c4: {  	_ =	swait.ge [sflag:s30], $0x2000  }
0x2c5: {  	s8 =	sld [smem:$0x7F9]  }
0x2c6: {  	[sflag:s30] =	ssyncset.done $0x0  }
0x2c7: {  	[sflag:s30] =	ssyncadd.s32 $0xFFFFE000  }
0x2c8: {  	[tilespmem:s19], [sflag:$0xD] =	stream.linear.gather [spmem:s8], $0x2000, $0x38;
	[tilespmem:$0x1EA00] =	vst v63  }
0x2c9: {  	_ =	swait.ge [sflag:s30], $0x2000  }
0x2ca: {  	[sflag:s30] =	ssyncset.done $0x0  }
0x2cb: {  	s18 =	rddreg [dreg:$0x1d];
	[sflag:s30] =	ssyncadd.s32 $0xFFFFE000  }
0x2cc: {  	[hbm4b:s18+s3] =	stream.linear.scatter [tilespmem:s19], [sflag:$0xD], $0x2000, $0x38;
	[tilespmem:$0x1EA00] =	vst v63  }
0x2cd: {  	_ =	swait.ge [sflag:s30], $0x2000  }
0x2ce: {  	s26 =	sld [smem:$0x7FA]  }
0x2cf: {  	[sflag:s30] =	ssyncset.done $0x0  }
0x2d0: {  	[sflag:s30] =	ssyncadd.s32 $0xFFFFE000  }
0x2d1: {  	[tilespmem:s19], [sflag:$0xD] =	stream.linear.gather [spmem:s26], $0x2000, $0x38;
	[tilespmem:$0x1EA00] =	vst v63  }
0x2d2: {  	_ =	swait.ge [sflag:s30], $0x2000  }
0x2d3: {  	[sflag:s30] =	ssyncset.done $0x0  }
0x2d4: {  	s22 =	rddreg [dreg:$0x1e];
	[sflag:s30] =	ssyncadd.s32 $0xFFFFE000  }
0x2d5: {  	[hbm4b:s22+s3] =	stream.linear.scatter [tilespmem:s19], [sflag:$0xD], $0x2000, $0x38;
	[tilespmem:$0x1EA00] =	vst v63  }
0x2d6: {  	_ =	swait.ge [sflag:s30], $0x2000  }
0x2d7: {  	s12 =	sld [smem:$0x7FB]  }
0x2d8: {  	[sflag:s30] =	ssyncset.done $0x0  }
0x2d9: {  	[sflag:s30] =	ssyncadd.s32 $0xFFFFE000  }
0x2da: {  	[tilespmem:s19], [sflag:$0xD] =	stream.linear.gather [spmem:s12], $0x2000, $0x38;
	[tilespmem:$0x1EA00] =	vst v63  }
0x2db: {  	_ =	swait.ge [sflag:s30], $0x2000  }
0x2dc: {  	[sflag:s30] =	ssyncset.done $0x0  }
0x2dd: {  	s23 =	rddreg [dreg:$0x1f];
	[sflag:s30] =	ssyncadd.s32 $0xFFFFE000  }
0x2de: {  	[hbm4b:s23+s3] =	stream.linear.scatter [tilespmem:s19], [sflag:$0xD], $0x2000, $0x38;
	[tilespmem:$0x1EA00] =	vst v63  }
0x2df: {  	_ =	swait.ge [sflag:s30], $0x2000  }
0x2e0: {  	s13 =	sld [smem:$0x7FC]  }
0x2e1: {  	[sflag:s30] =	ssyncset.done $0x0  }
0x2e2: {  	[sflag:s30] =	ssyncadd.s32 $0xFFFFE000  }
0x2e3: {  	[tilespmem:s19], [sflag:$0xD] =	stream.linear.gather [spmem:s13], $0x2000, $0x38;
	[tilespmem:$0x1EA00] =	vst v63  }
0x2e4: {  	_ =	swait.ge [sflag:s30], $0x2000  }
0x2e5: {  	s24 =	sld [smem:$0x7F0]  }
0x2e6: {  	[sflag:s30] =	ssyncset.done $0x0  }
0x2e7: {  	[sflag:s30] =	ssyncadd.s32 $0xFFFFE000  }
0x2e8: {  	[hbm4b:s24+s3] =	stream.linear.scatter [tilespmem:s19], [sflag:$0xD], $0x2000, $0x38;
	[tilespmem:$0x1EA00] =	vst v63  }
0x2e9: {  	_ =	swait.ge [sflag:s30], $0x2000  }
0x2ea: {  	s15 =	sld [smem:$0x7FD]  }
0x2eb: {  	[sflag:s30] =	ssyncset.done $0x0  }
0x2ec: {  	[sflag:s30] =	ssyncadd.s32 $0xFFFFE000  }
0x2ed: {  	[tilespmem:s19], [sflag:$0xD] =	stream.linear.gather [spmem:s15], $0x2000, $0x38;
	[tilespmem:$0x1EA00] =	vst v63  }
0x2ee: {  	_ =	swait.ge [sflag:s30], $0x2000  }
0x2ef: {  	s25 =	sld [smem:$0x7F1]  }
0x2f0: {  	[sflag:s30] =	ssyncset.done $0x0  }
0x2f1: {  	[sflag:s30] =	ssyncadd.s32 $0xFFFFE000  }
0x2f2: {  	[hbm4b:s25+s3] =	stream.linear.scatter [tilespmem:s19], [sflag:$0xD], $0x2000, $0x38;
	[tilespmem:$0x1EA00] =	vst v63  }
0x2f3: {  	_ =	swait.ge [sflag:s30], $0x2000  }
0x2f4: {  	s28 =	sld [smem:$0x7EF]  }
0x2f5: {  	s29 =	sld [smem:$0x7F3];
	_ =	sdelay $0x1  }
0x2f6: {  	s0 =	sadd.s32 $0x1, s28  }
0x2f7: {  	p0 =	sne.s32 s0, s29  }
.Ltmp1:
0x2f8: {  	_ = 	snop;
	(pc) =	sbr.rel @p0 .LBB2_1-.Ltmp1, $3  }
0x2f9: {  	_ =	sdelay $0x1  }
0x2fa: {  	[sflag:s30] =	ssyncset.done $0x0;
	s30 =	simm.s32 $0xD  }
0x2fb: {  	[sflag:s30] =	ssyncadd.s32 $0xFFFFE000  }
0x2fc: {  	_ =	sfence.sel $0x180000  }
0x2fd: {  	[bflag:$0x0] =	sbarrier.arrive $0xFFFF  }
0x2fe: {  	_ =	strace $0x9000004A  }
0x2ff: {  	s0 =	stileid.u32;
	[bflag:$0x2] =	sbarrier.arrive $0xFFFF  }
0x300: {  	p0 =	sne.s32 s0, $0x0;
	s0 =	rddreg [dreg:$0x3]  }
0x301: {  	s0 =	sadd.s32 @!p0 $0x100000, s0  }
0x302: {  	[sflag:s0] =	ssyncadd.tile.s32 @!p0 $0x1;
	_ =	shalt  }
.Lfunc_end2:
_tile_overlayer_lowered:
.L_overlay_start_2:
0x303: {  	(tag) =	ssettag $0x2  }
0x304: {  	s0 =	rddreg [dreg:$0x0];
	s2 =	stileid.u32  }
0x305: {  	s1 =	rddreg [dreg:$0x1];
	p0 =	sne.s32 s2, $0x0  }
0x306: {  	s3 =	rddreg [dreg:$0x2];
	[bflag:$0x3] =	sbarrier.arrive $0xFFFF;
	s2 =	simm.s32 @!p0 $0x1C0D  }
0x307: {  	[timem:s3], [sflag:s2] =	dma.local @!p0 [hbm:s0], s1  }
0x308: {  	s0 =	simm.s32 @!p0 $0xD  }
0x309: {  	_ =	swait.ge @!p0 [sflag:s0], s1  }
0x30a: {  	s1 =	ssub.s32 @!p0 $0x0, s1;
	[sflag:s0] =	ssyncset.done @!p0 $0x0  }
0x30b: {  	[sflag:s0] =	ssyncadd.s32 @!p0 s1  }
0x30c: {  	[bflag:$0x3] =	sbarrier.arrive $0xFFFF  }
0x30d: {  	_ =	shalt  }

// kernel: kernel.14.cloned.1.call-start
scs
__scs_entry_jumppad:
0x0: {  	(pc) =	sbr.rel $0x88, $3  }
0x1: {  	(tag) =	ssettag $0x0;
	lr =	simm.s32 $0x1  }
0x2: {  	[smem:$0x3F97] =	sst lr;
	_ =	strace $0xD0000000  }
0x3: {  	_ = 	snop  }
0x4: {  	_ = 	snop  }
0x5: {  	_ = 	snop  }
0x6: {  	_ = 	snop  }
0x7: {  	_ = 	snop  }
__scs_overlays_trampoline_lowered:
0x8: {  	[smem:$0x3FA6] =	sst s0  }
0x9: {  	[smem:$0x3FA7] =	sst s1  }
0xa: {  	[smem:$0x3FA8] =	sst s2  }
0xb: {  	[smem:$0x3FA9] =	sst s3  }
0xc: {  	[smem:$0x3FAA] =	sst s4  }
0xd: {  	[smem:$0x3FAB] =	sst s5  }
0xe: {  	[smem:$0x3FAC] =	sst s6  }
0xf: {  	[smem:$0x3FAD] =	sst s7  }
0x10: {  	[smem:$0x3FAE] =	sst s8  }
0x11: {  	[smem:$0x3FAF] =	sst s9;
	s0 =	simm.s32 @!p0 $0x0  }
0x12: {  	s1 =	sld [smem:$0x3F95];
	s0 =	simm.s32 @p0 $0x1  }
0x13: {  	[smem:$0x3FB0] =	sst s0;
	s0 =	simm.s32 @!p1 $0x0  }
0x14: {  	s2 =	sld [smem:$0x3F94];
	s0 =	simm.s32 @p1 $0x1  }
0x15: {  	[smem:$0x3FB1] =	sst s0;
	s0 =	simm.s32 @!p2 $0x0  }
0x16: {  	s3 =	sld [smem:$0x3FDB];
	s0 =	simm.s32 @p2 $0x1  }
0x17: {  	s4 =	simm.s32 $0x1BF5;
	[smem:$0x3FB3] =	sst s0  }
0x18: {  	s0 =	sld [smem:$0x3F96];
	_ =	swait.ge [sflag:s4], $0x0  }
0x19: {  	s7 =	sld [smem:$0x3F97]  }
0x1a: {  	s8 =	sadd.s32 $0xFFFFE003, lr  }
0x1b: {  	s9 =	sadd.s32 $0xFFFFFEF7, lr;
	s5 =	simm.s32 $0xFFFFFFFF;
	p2 =	slt.u32 s8, $0xFFFFF086  }
0x1c: {  	p1 =	slt.u32 s9, $0xF7A;
	s5 =	simm.s32 @!p2 $0x0  }
0x1d: {  	s5 =	simm.s32 @p1 $0x1;
	p0 =	seq.s32 s7, s2  }
0x1e: {  	s7 =	smul.u32 @!p0 $0xF7A, s2;
	p2 =	seq.s32 @!p0 s5, $0x0  }
0x1f: {  	s9 =	smul.u32 $0xF7A, s1;
	s8 =	simm.s32 @!p0 $0x1BF5;
	p2 =	por !p2, p0  }
0x20: {  	[sflag:s8] =	ssyncset.s32 @!p0 $0xFFFFF086;
	s6 =	sadd.s32 @!p0 s3, s7;
	s7 =	simm.s32 @!p0 $0x108  }
0x21: {  	s3 =	sadd.s32 s3, s9;
	s6 =	sadd.s32 @!p0 $0x88, s6;
	s7 =	simm.s32 @p2 $0x1082  }
0x22: {  	[simem:s7], [sflag:s8] =	dma.local @!p0 [hbm:s6], $0xF7A  }
0x23: {  	s9 =	sor.u32 $0xD0000000, s2;
	s6 =	simm.s32 $0x108;
	_ =	swait.ge @!p0 [sflag:s8], $0x0  }
0x24: {  	s3 =	sadd.s32 $0x88, s3;
	s6 =	simm.s32 @!p1 $0x1082;
	[sflag:s4] =	ssyncset.s32 $0xFFFFF086  }
0x25: {  	[simem:s6], [sflag:s4] =	dma.local [hbm:s3], $0xF7A  }
0x26: {  	[smem:$0x3F97] =	sst s1;
	(tag) =	ssettag s2;
	_ =	strace s9  }
0x27: {  	s1 =	sld [smem:$0x3FA7]  }
0x28: {  	s2 =	sld [smem:$0x3FA8]  }
0x29: {  	s4 =	sld [smem:$0x3FAA]  }
0x2a: {  	p0 =	seq.s32 s5, $0x0;
	s5 =	sld [smem:$0x3FAB]  }
0x2b: {  	s6 =	sld [smem:$0x3FAC]  }
0x2c: {  	s7 =	sld [smem:$0x3FAD]  }
0x2d: {  	s3 =	simm.s32 $0x108;
	s8 =	sld [smem:$0x3FAE]  }
0x2e: {  	s3 =	simm.s32 @!p0 $0x1082;
	s9 =	sld [smem:$0x3FAF]  }
0x2f: {  	lr =	sadd.s32 s0, s3;
	s0 =	sld [smem:$0x3FA6]  }
0x30: {  	s3 =	sld [smem:$0x3FA9]  }
0x31: {  	[smem:$0x3FB2] =	sst s10  }
0x32: {  	s10 =	sld [smem:$0x3FB0];
	_ =	sdelay $0x3  }
0x33: {  	p0 =	seq.s32 s10, $0x1;
	s10 =	sld [smem:$0x3FB2];
	_ =	sdelay $0x3  }
0x34: {  	[smem:$0x3FB2] =	sst s10  }
0x35: {  	s10 =	sld [smem:$0x3FB1];
	_ =	sdelay $0x3  }
0x36: {  	p1 =	seq.s32 s10, $0x1;
	s10 =	sld [smem:$0x3FB2];
	_ =	sdelay $0x3  }
0x37: {  	[smem:$0x3FB2] =	sst s10  }
0x38: {  	s10 =	sld [smem:$0x3FB3]  }
0x39: {  	_ = 	snop;
	(pc) =	sbr.ind lr, $3  }
0x3a: {  	_ = 	snop  }
0x3b: {  	_ = 	snop  }
0x3c: {  	p2 =	seq.s32 s10, $0x1;
	s10 =	sld [smem:$0x3FB2]  }
0x3d: {  	_ =	shalt  }
0x3e: {  	_ =	shalt  }
0x3f: {  	_ =	shalt  }
0x40: {  	_ =	shalt  }
0x41: {  	_ =	shalt  }
0x42: {  	_ =	shalt  }
0x43: {  	_ =	shalt  }
0x44: {  	_ =	shalt  }
0x45: {  	_ =	shalt  }
0x46: {  	_ =	shalt  }
0x47: {  	_ =	shalt  }
0x48: {  	_ =	shalt  }
0x49: {  	_ =	shalt  }
0x4a: {  	_ =	shalt  }
0x4b: {  	_ =	shalt  }
0x4c: {  	_ =	shalt  }
0x4d: {  	_ =	shalt  }
0x4e: {  	_ =	shalt  }
0x4f: {  	_ =	shalt  }
0x50: {  	_ =	shalt  }
0x51: {  	_ =	shalt  }
0x52: {  	_ =	shalt  }
0x53: {  	_ =	shalt  }
0x54: {  	_ =	shalt  }
0x55: {  	_ =	shalt  }
0x56: {  	_ =	shalt  }
0x57: {  	_ =	shalt  }
0x58: {  	_ =	shalt  }
0x59: {  	_ =	shalt  }
0x5a: {  	_ =	shalt  }
0x5b: {  	_ =	shalt  }
0x5c: {  	_ =	shalt  }
0x5d: {  	_ =	shalt  }
0x5e: {  	_ =	shalt  }
0x5f: {  	_ =	shalt  }
0x60: {  	_ =	shalt  }
0x61: {  	_ =	shalt  }
0x62: {  	_ =	shalt  }
0x63: {  	_ =	shalt  }
0x64: {  	_ =	shalt  }
0x65: {  	_ =	shalt  }
0x66: {  	_ =	shalt  }
0x67: {  	_ =	shalt  }
0x68: {  	_ =	shalt  }
0x69: {  	_ =	shalt  }
0x6a: {  	_ =	shalt  }
0x6b: {  	_ =	shalt  }
0x6c: {  	_ =	shalt  }
0x6d: {  	_ =	shalt  }
0x6e: {  	_ =	shalt  }
0x6f: {  	_ =	shalt  }
0x70: {  	_ =	shalt  }
0x71: {  	_ =	shalt  }
0x72: {  	_ =	shalt  }
0x73: {  	_ =	shalt  }
0x74: {  	_ =	shalt  }
0x75: {  	_ =	shalt  }
0x76: {  	_ =	shalt  }
0x77: {  	_ =	shalt  }
0x78: {  	_ =	shalt  }
0x79: {  	_ =	shalt  }
0x7a: {  	_ =	shalt  }
0x7b: {  	_ =	shalt  }
0x7c: {  	_ =	shalt  }
0x7d: {  	_ =	shalt  }
0x7e: {  	_ =	shalt  }
0x7f: {  	_ =	shalt  }
0x80: {  	_ =	shalt  }
0x81: {  	_ =	shalt  }
0x82: {  	_ =	shalt  }
0x83: {  	_ =	shalt  }
0x84: {  	_ =	shalt  }
0x85: {  	_ =	shalt  }
0x86: {  	_ =	shalt  }
0x87: {  	_ =	shalt  }
.Lfunc_end0:
.L_simem_size_0:
called_computation.2_lowered:
.L_overlay_start_0:
0x88: {  	s2 =	sld [smem:$0x3FD9]  }
0x89: {  	s3 =	sld [smem:$0x3FFE];
	_ =	sdelay $0x1  }
0x8a: {  	s1 =	srdreg.scid  }
0x8b: {  	s0 =	sand.u32 $0x1, s1  }
0x8c: {  	s17 =	sshll.u32 s0, $0xA;
	s2 =	sadd.s32 s3, s2  }
0x8d: {  	s2 =	sadd.s32 s2, s17  }
0x8e: {  	[smem:$0x3FBE] =	sst s2  }
0x8f: {  	_ = 	snop  }
0x90: {  	s2 =	sld [smem:$0x3FD0];
	(tm) =	ssettm $0x1  }
0x91: {  	s18 =	sld [smem:$0x3FFB];
	_ =	sdelay $0x3  }
0x92: {  	_ =	strace s18  }
0x93: {  	s3 =	sld [smem:$0x3FFC];
	_ =	sdelay $0x3  }
0x94: {  	_ =	strace s3  }
0x95: {  	s3 =	sld [smem:$0x3FFD];
	_ =	sdelay $0x3  }
0x96: {  	_ =	strace s3  }
0x97: {  	_ =	strace $0x8FFFFFFF  }
0x98: {  	s19 =	sld [smem:$0x3FDB];
	_ =	sdelay $0x1  }
0x99: {  	s4 =	simm.s32 $_scs_section_size  }
0x9a: {  	s5 =	simm.s32 $_size__tile_overlayer_lowered;
	s6 =	simm.s32 $_tile_overlayer_lowered  }
0x9b: {  	s22 =	simm.s32 $0x1BFF;
	s21 =	sshll.u32 s6, $0x1;
	s3 =	sadd.s32 s4, s19  }
0x9c: {  	s7 =	simm.s32 $0x0;
	s20 =	sshll.u32 s5, $0x1;
	s5 =	sadd.s32 s21, s3  }
0x9d: {  	[timem:s7], [sflag:s22] =	dma.local [hbm:s5], s20  }
0x9e: {  	_ =	swait.ge [sflag:s22], s20  }
0x9f: {  	s4 =	ssub.s32 $0x0, s20;
	[sflag:s22] =	ssyncset.done $0x0  }
0xa0: {  	[sflag:s22] =	ssyncadd.s32 s4;
	_ =	sdelay $0x1  }
0xa1: {  	s23 =	simm.s32 $0x1B8B  }
0xa2: {  	_ =	swait.ge [sflag:s23], $0x1  }
0xa3: {  	[sflag:s23] =	ssyncset.done $0x0  }
0xa4: {  	s25 =	simm.s32 $0x1B8E;
	s24 =	sld [smem:$0x3FFE];
	[sflag:s23] =	ssyncadd.s32 $0xFFFFFFFF  }
0xa5: {  	s26 =	simm.s32 $execute0_lowered;
	[smem:$0x3FD2] =	sst s25  }
0xa6: {  	s5 =	sshll.u32 s26, $0x1;
	_ =	strace $0x8000004C;
	[dreg:$0x1] =	wrdreg $0xFFFFFFFF  }
0xa7: {  	s28 =	simm.s32 $_size_execute0_lowered;
	s3 =	sadd.s32 s3, s5;
	[dreg:$0x0] =	wrdreg $0x0  }
0xa8: {  	s5 =	sshll.u32 s28, $0x1;
	[dreg:$0x2] =	wrdreg s3  }
0xa9: {  	[dreg:$0x3] =	wrdreg s5  }
0xaa: {  	[dreg:$0x4] =	wrdreg $0xC0  }
0xab: {  	_ =	task [dreg:s7], $0x5FFFF  }
0xac: {  	[dreg:$0x1] =	wrdreg $0xFFFFFFFF  }
0xad: {  	[dreg:$0x0] =	wrdreg $0x60  }
0xae: {  	[dreg:$0x2] =	wrdreg s2  }
0xaf: {  	[dreg:$0x3] =	wrdreg s24  }
0xb0: {  	[dreg:$0x4] =	wrdreg $0x0  }
0xb1: {  	[dreg:$0x5] =	wrdreg $0x9  }
0xb2: {  	_ =	task.clear_ibuf [dreg:s7], $0x6FFFF;
	_ =	strace $0x9000004C  }
0xb3: {  	s29 =	simm.s32 $0x9;
	_ =	strace $0x8000004E  }
0xb4: {  	_ =	swait.ge [sflag:s29], $0x1  }
0xb5: {  	[sflag:s29] =	ssyncadd.s32 $0xFFFFFFFF  }
0xb6: {  	_ =	strace $0x9000004E  }
0xb7: {  	_ =	sfence  }
0xb8: {  	s30 =	sld [smem:$0x0];
	_ =	sdelay $0x2  }
0xb9: {  	s31 =	sshll.u32 s1, $0xD;
	s1 =	sshrl.u32 s1, $0x2  }
0xba: {  	s3 =	sand.u32 $0x4000, s31;
	s1 =	sadd.s32 s1, s30  }
0xbb: {  	s0 =	sor.u32 s3, s0;
	s1 =	sshll.u32 s1, $0x11  }
0xbc: {  	s0 =	sor.u32 s1, s0  }
0xbd: {  	s0 =	sadd.s32 $0x8F2B, s0  }
0xbe: {  	[sflag:s0] =	ssyncadd.remote.s32 $0x1  }
0xbf: {  	_ =	sfence.sel $0xFFFF  }
0xc0: {  	[dreg:$0x0] =	wrdreg $0xFFFFFFFF;
	(pc) =	sbr.abs _section_cstart, $3  }
0xc1: {  	[dreg:$0x1] =	wrdreg $0xFFFFFFFF  }
0xc2: {  	_ =	task.clear_ibuf [dreg:s7], $0x2FFFF;
	_ =	strace $0x9FFFFFFF  }
0xc3: {  	(tm) =	ssettm $0x7FFFFFFF  }
tec
execute0_lowered:
.L_overlay_start_1:
0x0: {  	(tag) =	ssettag $0x1  }
0x1: {  	s1 =	rddreg [dreg:$0x0]  }
0x2: {  	s0 =	rddreg [dreg:$0x1]  }
0x3: {  	s2 =	rddreg [dreg:$0x2];
	s3 =	simm.s32 $0x0;
	s4 =	srdreg.scid  }
0x4: {  	s23 =	stileid.u32;
	[smem:$0x7FF] =	sst s3  }
0x5: {  	s5 =	sadd.s32 $0x2A00, s0;
	s10 =	sand.u32 $0x1, s4;
	s16 =	smul.u32 $0x14000, s23  }
0x6: {  	s9 =	sadd.s32 $0xCA00, s0;
	s14 =	sadd.s32 $0x3E000, s0;
	s15 =	smul.u32 $0x5000, s23  }
0x7: {  	s0 =	sadd.s32 $0x3DC00, s0;
	_ =	strace $0x8000004D;
	s17 =	smul.u32 $0x140000, s10  }
0x8: {  	s4 =	ssub.s32 $0x2, s10;
	s18 =	smul.u32 $0x2800, s10;
	[smem:$0x7F2] =	sst s0  }
0x9: {  	s6 =	sshrl.u32 s4, $0x1;
	s7 =	sadd.s32 $0x4000, s16;
	s8 =	sadd.s32 $0x6000, s16  }
0xa: {  	s10 =	sadd.s32 $0x8000, s16;
	s11 =	sadd.s32 $0xA000, s16;
	s12 =	sadd.s32 $0xC000, s16  }
0xb: {  	s13 =	sadd.s32 $0xE000, s16;
	s4 =	ssub.s32 s4, s6;
	s6 =	sor.u32 $0x2000, s16  }
0xc: {  	s19 =	sadd.s32 s16, s17;
	s18 =	sadd.s32 s18, s15;
	s15 =	sadd.s32 $0x10000, s16  }
0xd: {  	s16 =	sadd.s32 $0x12000, s16;
	s19 =	sshrl.u32 s19, $0x3;
	s20 =	sor.u32 $0x240, s18  }
0xe: {  	s22 =	sor.u32 $0x200, s18;
	s19 =	sadd.s32 s14, s19;
	s26 =	sshrl.u32 s20, $0x3  }
0xf: {  	s30 =	sor.u32 $0x1C0, s18;
	[dreg:$0x18] =	wrdreg s19;
	s21 =	sadd.s32 s26, s9  }
0x10: {  	s28 =	sshrl.u32 s22, $0x3;
	s19 =	sadd.s32 s26, s5;
	[dreg:$0x4] =	wrdreg s21  }
0x11: {  	s22 =	sshrl.u32 s30, $0x3;
	s29 =	sadd.s32 s28, s9;
	[dreg:$0x5] =	wrdreg s19  }
0x12: {  	s25 =	sor.u32 $0x180, s18;
	s24 =	sadd.s32 s22, s9;
	[dreg:$0x6] =	wrdreg s29  }
0x13: {  	s30 =	sor.u32 $0x140, s18;
	s26 =	sadd.s32 s22, s5;
	[dreg:$0x8] =	wrdreg s24  }
0x14: {  	s22 =	sshrl.u32 s30, $0x3;
	s21 =	sadd.s32 s28, s5;
	[dreg:$0x9] =	wrdreg s26  }
0x15: {  	s20 =	sadd.s32 s17, s6;
	s24 =	sadd.s32 s22, s9;
	[dreg:$0x7] =	wrdreg s21  }
0x16: {  	s20 =	sshrl.u32 s20, $0x3;
	s26 =	sadd.s32 s22, s5;
	[dreg:$0xc] =	wrdreg s24  }
0x17: {  	s28 =	sshrl.u32 s25, $0x3;
	s20 =	sadd.s32 s14, s20;
	[dreg:$0xd] =	wrdreg s26  }
0x18: {  	s25 =	sor.u32 $0x100, s18;
	s29 =	sadd.s32 s28, s9;
	[dreg:$0x19] =	wrdreg s20  }
0x19: {  	s21 =	sadd.s32 s28, s5;
	s28 =	sshrl.u32 s25, $0x3;
	[dreg:$0xa] =	wrdreg s29  }
0x1a: {  	s30 =	sor.u32 $0xC0, s18;
	[dreg:$0xb] =	wrdreg s21;
	s29 =	sadd.s32 s28, s9  }
0x1b: {  	s25 =	sshrl.u32 s30, $0x3;
	s24 =	sadd.s32 s28, s5;
	[dreg:$0xe] =	wrdreg s29  }
0x1c: {  	s26 =	sadd.s32 s25, s9;
	s28 =	sor.u32 $0x80, s18;
	[dreg:$0xf] =	wrdreg s24  }
0x1d: {  	[dreg:$0x10] =	wrdreg s26;
	s29 =	sadd.s32 s25, s5;
	s30 =	sshrl.u32 s28, $0x3  }
0x1e: {  	s24 =	sor.u32 $0x40, s18;
	s25 =	sadd.s32 s17, s7;
	s28 =	sadd.s32 s17, s8  }
0x1f: {  	s18 =	sshrl.u32 s18, $0x3;
	s7 =	sadd.s32 s7, s2;
	[dreg:$0x11] =	wrdreg s29  }
0x20: {  	s22 =	sadd.s32 s30, s9;
	s21 =	sadd.s32 s30, s5;
	[smem:$0x7F6] =	sst s7  }
0x21: {  	s19 =	sshrl.u32 s24, $0x3;
	s20 =	sshrl.u32 s25, $0x3;
	[dreg:$0x12] =	wrdreg s22  }
0x22: {  	s29 =	sadd.s32 s17, s10;
	[dreg:$0x13] =	wrdreg s21;
	s20 =	sadd.s32 s14, s20  }
0x23: {  	s30 =	sadd.s32 s17, s11;
	s26 =	sadd.s32 s19, s9;
	[dreg:$0x1a] =	wrdreg s20  }
0x24: {  	s24 =	sadd.s32 s17, s15;
	s19 =	sadd.s32 s19, s5;
	[dreg:$0x14] =	wrdreg s26  }
0x25: {  	s21 =	sadd.s32 s17, s12;
	s9 =	sadd.s32 s18, s9;
	[dreg:$0x15] =	wrdreg s19  }
0x26: {  	s22 =	sadd.s32 s17, s13;
	s5 =	sadd.s32 s18, s5;
	[dreg:$0x16] =	wrdreg s9  }
0x27: {  	s17 =	sadd.s32 s17, s16;
	[dreg:$0x17] =	wrdreg s5;
	s5 =	sadd.s32 s8, s2  }
0x28: {  	s20 =	sshrl.u32 s28, $0x3;
	s8 =	sadd.s32 s11, s2;
	[smem:$0x7F7] =	sst s5  }
0x29: {  	s19 =	sshrl.u32 s29, $0x3;
	s20 =	sadd.s32 s14, s20;
	[smem:$0x7F9] =	sst s8  }
0x2a: {  	s28 =	smul.u32 $0x50000, s23;
	s19 =	sadd.s32 s14, s19;
	[dreg:$0x1b] =	wrdreg s20  }
0x2b: {  	[dreg:$0x1c] =	wrdreg s19;
	s20 =	sshrl.u32 s30, $0x3;
	s30 =	smax.u32 s4, $0x1  }
0x2c: {  	s29 =	sshrl.u32 s28, $0x2;
	s19 =	sadd.s32 s14, s20;
	[smem:$0x7F3] =	sst s30  }
0x2d: {  	s20 =	sshrl.u32 s22, $0x3;
	s9 =	sadd.s32 s29, s2;
	[dreg:$0x1d] =	wrdreg s19  }
0x2e: {  	s19 =	sshrl.u32 s21, $0x3;
	s25 =	sadd.s32 s14, s20;
	[smem:$0x7F4] =	sst s9  }
0x2f: {  	s26 =	sshrl.u32 s24, $0x3;
	s19 =	sadd.s32 s14, s19;
	[dreg:$0x1f] =	wrdreg s25  }
0x30: {  	s17 =	sshrl.u32 s17, $0x3;
	[dreg:$0x1e] =	wrdreg s19;
	s19 =	sadd.s32 s14, s26  }
0x31: {  	s14 =	sadd.s32 s14, s17;
	[smem:$0x7F0] =	sst s19  }
0x32: {  	s17 =	sadd.s32 s6, s2;
	[smem:$0x7F1] =	sst s14  }
0x33: {  	s6 =	sadd.s32 s10, s2;
	[smem:$0x7F5] =	sst s17  }
0x34: {  	s31 =	simm.s32 $0x14200;
	s26 =	sadd.s32 s12, s2;
	[smem:$0x7F8] =	sst s6  }
0x35: {  	s0 =	simm.s32 $0x0;
	s12 =	sadd.s32 s13, s2;
	[smem:$0x7FA] =	sst s26  }
0x36: {  	s4 =	simm.s32 $0x2;
	s13 =	sadd.s32 s15, s2;
	[smem:$0x7FB] =	sst s12  }
0x37: {  	s20 =	simm.s32 $0x1;
	s15 =	sadd.s32 s16, s2;
	[smem:$0x7FC] =	sst s13  }
0x38: {  	s21 =	simm.s32 $0x40;
	s10 =	simm.s32 $0xC;
	[smem:$0x7FD] =	sst s15  }
.LBB2_1:
0x39: {  	s11 =	sld [smem:$0x7F2];
	_ =	sdelay $0x1  }
0x3a: {  	[smem:$0x7EF] =	sst s0;
	s14 =	simm.s32 $0xD;
	s19 =	simm.s32 $0x14A00  }
0x3b: {  	[tilespmem:s19], [sflag:$0xD] =	stream.linear.gather [hbm4b:s11+s3], $0x2000, $0x38;
	[tilespmem:$0x1EA00] =	vst v63  }
0x3c: {  	_ =	swait.ge [sflag:s14], $0x2000  }
0x3d: {  	[sflag:s14] =	ssyncset.done $0x0  }
0x3e: {  	[sflag:s14] =	ssyncadd.s32 $0xFFFFE000  }
0x3f: {  	[spmem:s9] =	stream.linear.scatter [tilespmem:s19], [sflag:$0xD], $0x2000, $0x38;
	[tilespmem:$0x1EA00] =	vst v63  }
0x40: {  	_ =	swait.ge [sflag:s14], $0x2000  }
0x41: {  	[sflag:s14] =	ssyncset.done $0x0  }
0x42: {  	[sflag:s14] =	ssyncadd.s32 $0xFFFFE000  }
0x43: {  	[spmem:s17] =	stream.linear.scatter [tilespmem:s19], [sflag:$0xD], $0x2000, $0x38;
	[tilespmem:$0x1EA00] =	vst v63  }
0x44: {  	_ =	swait.ge [sflag:s14], $0x2000  }
0x45: {  	[sflag:s14] =	ssyncset.done $0x0  }
0x46: {  	[sflag:s14] =	ssyncadd.s32 $0xFFFFE000  }
0x47: {  	[spmem:s7] =	stream.linear.scatter [tilespmem:s19], [sflag:$0xD], $0x2000, $0x38;
	[tilespmem:$0x1EA00] =	vst v63  }
0x48: {  	_ =	swait.ge [sflag:s14], $0x2000  }
0x49: {  	[sflag:s14] =	ssyncset.done $0x0  }
0x4a: {  	[sflag:s14] =	ssyncadd.s32 $0xFFFFE000  }
0x4b: {  	[spmem:s5] =	stream.linear.scatter [tilespmem:s19], [sflag:$0xD], $0x2000, $0x38;
	[tilespmem:$0x1EA00] =	vst v63  }
0x4c: {  	_ =	swait.ge [sflag:s14], $0x2000  }
0x4d: {  	[sflag:s14] =	ssyncset.done $0x0  }
0x4e: {  	[sflag:s14] =	ssyncadd.s32 $0xFFFFE000  }
0x4f: {  	[spmem:s6] =	stream.linear.scatter [tilespmem:s19], [sflag:$0xD], $0x2000, $0x38;
	[tilespmem:$0x1EA00] =	vst v63  }
0x50: {  	_ =	swait.ge [sflag:s14], $0x2000  }
0x51: {  	[sflag:s14] =	ssyncset.done $0x0  }
0x52: {  	[sflag:s14] =	ssyncadd.s32 $0xFFFFE000  }
0x53: {  	[spmem:s8] =	stream.linear.scatter [tilespmem:s19], [sflag:$0xD], $0x2000, $0x38;
	[tilespmem:$0x1EA00] =	vst v63  }
0x54: {  	_ =	swait.ge [sflag:s14], $0x2000  }
0x55: {  	[sflag:s14] =	ssyncset.done $0x0  }
0x56: {  	[sflag:s14] =	ssyncadd.s32 $0xFFFFE000  }
0x57: {  	[spmem:s26] =	stream.linear.scatter [tilespmem:s19], [sflag:$0xD], $0x2000, $0x38;
	[tilespmem:$0x1EA00] =	vst v63  }
0x58: {  	_ =	swait.ge [sflag:s14], $0x2000  }
0x59: {  	[sflag:s14] =	ssyncset.done $0x0  }
0x5a: {  	[sflag:s14] =	ssyncadd.s32 $0xFFFFE000  }
0x5b: {  	[spmem:s12] =	stream.linear.scatter [tilespmem:s19], [sflag:$0xD], $0x2000, $0x38;
	[tilespmem:$0x1EA00] =	vst v63  }
0x5c: {  	_ =	swait.ge [sflag:s14], $0x2000  }
0x5d: {  	[sflag:s14] =	ssyncset.done $0x0  }
0x5e: {  	[sflag:s14] =	ssyncadd.s32 $0xFFFFE000  }
0x5f: {  	[spmem:s13] =	stream.linear.scatter [tilespmem:s19], [sflag:$0xD], $0x2000, $0x38;
	[tilespmem:$0x1EA00] =	vst v63  }
0x60: {  	_ =	swait.ge [sflag:s14], $0x2000  }
0x61: {  	[sflag:s14] =	ssyncset.done $0x0  }
0x62: {  	[sflag:s14] =	ssyncadd.s32 $0xFFFFE000  }
0x63: {  	[spmem:s15] =	stream.linear.scatter [tilespmem:s19], [sflag:$0xD], $0x2000, $0x38;
	[tilespmem:$0x1EA00] =	vst v63  }
0x64: {  	_ =	swait.ge [sflag:s14], $0x2000  }
0x65: {  	[sflag:s14] =	ssyncset.done $0x0  }
0x66: {  	[sflag:s14] =	ssyncadd.s32 $0xFFFFE000  }
0x67: {  	[bflag:$0x0] =	sbarrier.arrive $0xFFFF  }
0x68: {  	s18 =	rddreg [dreg:$0x17]  }
0x69: {  	s14 =	simm.s32 $0x14000;
	s22 =	rddreg [dreg:$0x16];
	s11 =	sadd.s32 $0x0, s18  }
0x6a: {  	[tilespmem:s14], [sflag:$0x1] =	stream.linear.gather [hbm4b:s11+s3], $0x40, $0x38;
	[tilespmem:$0x1EA00] =	vst v63  }
0x6b: {  	s15 =	simm.s32 $0x14500;
	s23 =	rddreg [dreg:$0x15];
	s24 =	sadd.s32 $0x0, s22  }
0x6c: {  	[tilespmem:s15], [sflag:$0x1] =	stream.linear.gather [hbm4b:s24+s3], $0x40, $0x38;
	[tilespmem:$0x1EA00] =	vst v63  }
0x6d: {  	s16 =	simm.s32 $0x14080;
	s25 =	rddreg [dreg:$0x14];
	s26 =	sadd.s32 $0x0, s23  }
0x6e: {  	[tilespmem:s16], [sflag:$0x1] =	stream.linear.gather [hbm4b:s26+s3], $0x40, $0x38;
	[tilespmem:$0x1EA00] =	vst v63  }
0x6f: {  	s17 =	simm.s32 $0x14580;
	s28 =	rddreg [dreg:$0x13];
	s29 =	sadd.s32 $0x0, s25  }
0x70: {  	[tilespmem:s17], [sflag:$0x1] =	stream.linear.gather [hbm4b:s29+s3], $0x40, $0x38;
	[tilespmem:$0x1EA00] =	vst v63  }
0x71: {  	s30 =	rddreg [dreg:$0x12];
	s0 =	sadd.s32 $0x0, s28;
	s18 =	simm.s32 $0x14100  }
0x72: {  	[tilespmem:s18], [sflag:$0x1] =	stream.linear.gather [hbm4b:s0+s3], $0x40, $0x38;
	[tilespmem:$0x1EA00] =	vst v63  }
0x73: {  	s5 =	rddreg [dreg:$0x11];
	s6 =	sadd.s32 $0x0, s30;
	s22 =	simm.s32 $0x14600  }
0x74: {  	[tilespmem:s22], [sflag:$0x1] =	stream.linear.gather [hbm4b:s6+s3], $0x40, $0x38;
	[tilespmem:$0x1EA00] =	vst v63  }
0x75: {  	s7 =	rddreg [dreg:$0x10];
	s8 =	sadd.s32 $0x0, s5;
	s24 =	simm.s32 $0x14180  }
0x76: {  	[tilespmem:s24], [sflag:$0x1] =	stream.linear.gather [hbm4b:s8+s3], $0x40, $0x38;
	[tilespmem:$0x1EA00] =	vst v63  }
0x77: {  	s9 =	rddreg [dreg:$0xf];
	s23 =	sadd.s32 $0x0, s7;
	s26 =	simm.s32 $0x14680  }
0x78: {  	[tilespmem:s26], [sflag:$0x1] =	stream.linear.gather [hbm4b:s23+s3], $0x40, $0x38;
	[tilespmem:$0x1EA00] =	vst v63  }
0x79: {  	s25 =	rddreg [dreg:$0xe];
	s28 =	simm.s32 $0x14200;
	s29 =	sadd.s32 $0x0, s9  }
0x7a: {  	[tilespmem:s28], [sflag:$0x1] =	stream.linear.gather [hbm4b:s29+s3], $0x40, $0x38;
	[tilespmem:$0x1EA00] =	vst v63  }
0x7b: {  	s30 =	rddreg [dreg:$0xd];
	s0 =	sadd.s32 $0x0, s25;
	s23 =	simm.s32 $0x14700  }
0x7c: {  	[tilespmem:s23], [sflag:$0x1] =	stream.linear.gather [hbm4b:s0+s3], $0x40, $0x38;
	[tilespmem:$0x1EA00] =	vst v63  }
0x7d: {  	s5 =	rddreg [dreg:$0xc];
	s25 =	simm.s32 $0x14280;
	s6 =	sadd.s32 $0x0, s30  }
0x7e: {  	[tilespmem:s25], [sflag:$0x2] =	stream.linear.gather [hbm4b:s6+s3], $0x40, $0x38;
	[tilespmem:$0x1EA00] =	vst v63  }
0x7f: {  	s7 =	rddreg [dreg:$0xb];
	s8 =	sadd.s32 $0x0, s5;
	s29 =	simm.s32 $0x14780  }
0x80: {  	[tilespmem:s29], [sflag:$0x2] =	stream.linear.gather [hbm4b:s8+s3], $0x40, $0x38;
	[tilespmem:$0x1EA00] =	vst v63  }
0x81: {  	s13 =	sadd.s32 $0x0, s7;
	s9 =	rddreg [dreg:$0xa];
	s0 =	simm.s32 $0x14300  }
0x82: {  	[tilespmem:s0], [sflag:$0x2] =	stream.linear.gather [hbm4b:s13+s3], $0x40, $0x38;
	[tilespmem:$0x1EA00] =	vst v63  }
0x83: {  	s30 =	rddreg [dreg:$0x9];
	s5 =	simm.s32 $0x14800;
	s6 =	sadd.s32 $0x0, s9  }
0x84: {  	[tilespmem:s5], [sflag:$0x2] =	stream.linear.gather [hbm4b:s6+s3], $0x40, $0x38;
	[tilespmem:$0x1EA00] =	vst v63  }
0x85: {  	s7 =	rddreg [dreg:$0x8];
	s8 =	sadd.s32 $0x0, s30;
	s6 =	simm.s32 $0x14380  }
0x86: {  	[tilespmem:s6], [sflag:$0x2] =	stream.linear.gather [hbm4b:s8+s3], $0x40, $0x38;
	[tilespmem:$0x1EA00] =	vst v63  }
0x87: {  	s12 =	sadd.s32 $0x0, s7;
	s7 =	simm.s32 $0x14880;
	s9 =	rddreg [dreg:$0x7]  }
0x88: {  	[tilespmem:s7], [sflag:$0x2] =	stream.linear.gather [hbm4b:s12+s3], $0x40, $0x38;
	[tilespmem:$0x1EA00] =	vst v63  }
0x89: {  	s9 =	sadd.s32 $0x0, s9;
	s30 =	rddreg [dreg:$0x6];
	s8 =	simm.s32 $0x14400  }
0x8a: {  	[tilespmem:s8], [sflag:$0x2] =	stream.linear.gather [hbm4b:s9+s3], $0x40, $0x38;
	[tilespmem:$0x1EA00] =	vst v63  }
0x8b: {  	s30 =	sadd.s32 $0x0, s30;
	s13 =	rddreg [dreg:$0x5];
	s9 =	simm.s32 $0x14900  }
0x8c: {  	[tilespmem:s9], [sflag:$0x2] =	stream.linear.gather [hbm4b:s30+s3], $0x40, $0x38;
	[tilespmem:$0x1EA00] =	vst v63  }
0x8d: {  	s12 =	rddreg [dreg:$0x4];
	s30 =	sadd.s32 $0x0, s13;
	s13 =	simm.s32 $0x14480  }
0x8e: {  	[tilespmem:s13], [sflag:$0x2] =	stream.linear.gather [hbm4b:s30+s3], $0x40, $0x38;
	[tilespmem:$0x1EA00] =	vst v63  }
0x8f: {  	s30 =	sadd.s32 $0x0, s12;
	s12 =	simm.s32 $0x14980  }
0x90: {  	[tilespmem:s12], [sflag:$0x2] =	stream.linear.gather [hbm4b:s30+s3], $0x40, $0x38;
	[tilespmem:$0x1EA00] =	vst v63  }
0x91: {  	_ =	swait.ge [sflag:s20], $0x40  }
0x92: {  	[sflag:s20] =	ssyncset.done $0x0  }
0x93: {  	[sflag:s20] =	ssyncadd.s32 $0xFFFFFFC0  }
0x94: {  	_ =	swait.ge [sflag:s20], $0x40  }
0x95: {  	[sflag:s20] =	ssyncset.done $0x0  }
0x96: {  	[sflag:s20] =	ssyncadd.s32 $0xFFFFFFC0  }
0x97: {  	_ =	swait.ge [sflag:s20], $0x40  }
0x98: {  	[sflag:s20] =	ssyncset.done $0x0  }
0x99: {  	[sflag:s20] =	ssyncadd.s32 $0xFFFFFFC0  }
0x9a: {  	_ =	swait.ge [sflag:s20], $0x40  }
0x9b: {  	[sflag:s20] =	ssyncset.done $0x0  }
0x9c: {  	[sflag:s20] =	ssyncadd.s32 $0xFFFFFFC0  }
0x9d: {  	_ =	swait.ge [sflag:s20], $0x40  }
0x9e: {  	[sflag:s20] =	ssyncset.done $0x0  }
0x9f: {  	[sflag:s20] =	ssyncadd.s32 $0xFFFFFFC0  }
0xa0: {  	_ =	swait.ge [sflag:s20], $0x40  }
0xa1: {  	[sflag:s20] =	ssyncset.done $0x0  }
0xa2: {  	[sflag:s20] =	ssyncadd.s32 $0xFFFFFFC0  }
0xa3: {  	_ =	swait.ge [sflag:s20], $0x40  }
0xa4: {  	[sflag:s20] =	ssyncset.done $0x0  }
0xa5: {  	[sflag:s20] =	ssyncadd.s32 $0xFFFFFFC0  }
0xa6: {  	_ =	swait.ge [sflag:s20], $0x40  }
0xa7: {  	[sflag:s20] =	ssyncset.done $0x0  }
0xa8: {  	[sflag:s20] =	ssyncadd.s32 $0xFFFFFFC0  }
0xa9: {  	_ =	swait.ge [sflag:s20], $0x40  }
0xaa: {  	[sflag:s20] =	ssyncset.done $0x0  }
0xab: {  	[sflag:s20] =	ssyncadd.s32 $0xFFFFFFC0  }
0xac: {  	_ =	swait.ge [sflag:s20], $0x40  }
0xad: {  	[sflag:s20] =	ssyncset.done $0x0  }
0xae: {  	[sflag:s20] =	ssyncadd.s32 $0xFFFFFFC0  }
0xaf: {  	[tilespmem:s19], [sflag:$0x3] =	stream.indirect.gather [hbm4b:s1+s21], $0x80, s14, s21, $0xb8;
	[tilespmem:$0x1EA00] =	vst v63  }
0xb0: {  	s11 =	simm.s32 $0x16A00  }
0xb1: {  	[tilespmem:s11], [sflag:$0x4] =	stream.indirect.gather [hbm4b:s1+s21], $0x80, s16, s21, $0xb8;
	[tilespmem:$0x1EA00] =	vst v63  }
0xb2: {  	s16 =	simm.s32 $0x3  }
0xb3: {  	_ =	swait.ge [sflag:s16], $0x2000  }
0xb4: {  	[sflag:s16] =	ssyncset.done $0x0  }
0xb5: {  	[sflag:s16] =	ssyncadd.s32 $0xFFFFE000  }
0xb6: {  	[spmem:s2] =	stream.indirect.scatter.add.f32 [tilespmem:s19], [sflag:$0x8], $0x80, s15, s21, $0xb8;
	[tilespmem:$0x1EA00] =	vst v63  }
0xb7: {  	s30 =	simm.s32 $0x4;
	s15 =	simm.s32 $0x18A00  }
0xb8: {  	[tilespmem:s15], [sflag:$0x5] =	stream.indirect.gather [hbm4b:s1+s21], $0x80, s18, s21, $0xb8;
	[tilespmem:$0x1EA00] =	vst v63  }
0xb9: {  	_ =	swait.ge [sflag:s30], $0x2000  }
0xba: {  	[sflag:s30] =	ssyncset.done $0x0  }
0xbb: {  	[sflag:s30] =	ssyncadd.s32 $0xFFFFE000  }
0xbc: {  	[spmem:s2] =	stream.indirect.scatter.add.f32 [tilespmem:s11], [sflag:$0x9], $0x80, s17, s21, $0xb8;
	[tilespmem:$0x1EA00] =	vst v63  }
0xbd: {  	s18 =	simm.s32 $0x5;
	s17 =	simm.s32 $0x1AA00  }
0xbe: {  	[tilespmem:s17], [sflag:$0x6] =	stream.indirect.gather [hbm4b:s1+s21], $0x80, s24, s21, $0xb8;
	[tilespmem:$0x1EA00] =	vst v63  }
0xbf: {  	_ =	swait.ge [sflag:s18], $0x2000  }
0xc0: {  	[sflag:s18] =	ssyncset.done $0x0  }
0xc1: {  	[sflag:s18] =	ssyncadd.s32 $0xFFFFE000  }
0xc2: {  	[spmem:s2] =	stream.indirect.scatter.add.f32 [tilespmem:s15], [sflag:$0xA], $0x80, s22, s21, $0xb8;
	[tilespmem:$0x1EA00] =	vst v63  }
0xc3: {  	s24 =	simm.s32 $0x6;
	s22 =	simm.s32 $0x1CA00  }
0xc4: {  	[tilespmem:s22], [sflag:$0x7] =	stream.indirect.gather [hbm4b:s1+s21], $0x80, s28, s21, $0xb8;
	[tilespmem:$0x1EA00] =	vst v63  }
0xc5: {  	_ =	swait.ge [sflag:s24], $0x2000  }
0xc6: {  	[sflag:s24] =	ssyncset.done $0x0  }
0xc7: {  	[sflag:s24] =	ssyncadd.s32 $0xFFFFE000  }
0xc8: {  	[spmem:s2] =	stream.indirect.scatter.add.f32 [tilespmem:s17], [sflag:$0xB], $0x80, s26, s21, $0xb8;
	[tilespmem:$0x1EA00] =	vst v63  }
0xc9: {  	_ =	swait.ge [sflag:s4], $0x40  }
0xca: {  	[sflag:s4] =	ssyncset.done $0x0  }
0xcb: {  	[sflag:s4] =	ssyncadd.s32 $0xFFFFFFC0  }
0xcc: {  	_ =	swait.ge [sflag:s4], $0x40  }
0xcd: {  	[sflag:s4] =	ssyncset.done $0x0  }
0xce: {  	[sflag:s4] =	ssyncadd.s32 $0xFFFFFFC0  }
0xcf: {  	_ =	swait.ge [sflag:s4], $0x40  }
0xd0: {  	[sflag:s4] =	ssyncset.done $0x0  }
0xd1: {  	[sflag:s4] =	ssyncadd.s32 $0xFFFFFFC0  }
0xd2: {  	_ =	swait.ge [sflag:s4], $0x40  }
0xd3: {  	[sflag:s4] =	ssyncset.done $0x0  }
0xd4: {  	[sflag:s4] =	ssyncadd.s32 $0xFFFFFFC0  }
0xd5: {  	_ =	swait.ge [sflag:s4], $0x40  }
0xd6: {  	[sflag:s4] =	ssyncset.done $0x0  }
0xd7: {  	[sflag:s4] =	ssyncadd.s32 $0xFFFFFFC0  }
0xd8: {  	_ =	swait.ge [sflag:s4], $0x40  }
0xd9: {  	[sflag:s4] =	ssyncset.done $0x0  }
0xda: {  	[sflag:s4] =	ssyncadd.s32 $0xFFFFFFC0  }
0xdb: {  	_ =	swait.ge [sflag:s4], $0x40  }
0xdc: {  	[sflag:s4] =	ssyncset.done $0x0  }
0xdd: {  	[sflag:s4] =	ssyncadd.s32 $0xFFFFFFC0  }
0xde: {  	_ =	swait.ge [sflag:s4], $0x40  }
0xdf: {  	[sflag:s4] =	ssyncset.done $0x0  }
0xe0: {  	[sflag:s4] =	ssyncadd.s32 $0xFFFFFFC0  }
0xe1: {  	_ =	swait.ge [sflag:s4], $0x40  }
0xe2: {  	[sflag:s4] =	ssyncset.done $0x0  }
0xe3: {  	[sflag:s4] =	ssyncadd.s32 $0xFFFFFFC0  }
0xe4: {  	_ =	swait.ge [sflag:s4], $0x40  }
0xe5: {  	[sflag:s4] =	ssyncset.done $0x0  }
0xe6: {  	s26 =	simm.s32 $0x8;
	[sflag:s4] =	ssyncadd.s32 $0xFFFFFFC0  }
0xe7: {  	_ =	swait.ge [sflag:s26], $0x2000  }
0xe8: {  	[sflag:s26] =	ssyncset.done $0x0  }
0xe9: {  	[sflag:s26] =	ssyncadd.s32 $0xFFFFE000  }
0xea: {  	[tilespmem:s19], [sflag:$0x3] =	stream.indirect.gather [hbm4b:s1+s21], $0x80, s25, s21, $0xb8;
	[tilespmem:$0x1EA00] =	vst v63  }
0xeb: {  	s25 =	simm.s32 $0x7  }
0xec: {  	_ =	swait.ge [sflag:s25], $0x2000  }
0xed: {  	[sflag:s25] =	ssyncset.done $0x0  }
0xee: {  	s28 =	simm.s32 $0x9;
	[sflag:s25] =	ssyncadd.s32 $0xFFFFE000  }
0xef: {  	[spmem:s2] =	stream.indirect.scatter.add.f32 [tilespmem:s22], [sflag:$0xC], $0x80, s23, s21, $0xb8;
	[tilespmem:$0x1EA00] =	vst v63  }
0xf0: {  	_ =	swait.ge [sflag:s28], $0x2000  }
0xf1: {  	[sflag:s28] =	ssyncset.done $0x0  }
0xf2: {  	[sflag:s28] =	ssyncadd.s32 $0xFFFFE000  }
0xf3: {  	[tilespmem:s11], [sflag:$0x4] =	stream.indirect.gather [hbm4b:s1+s21], $0x80, s0, s21, $0xb8;
	[tilespmem:$0x1EA00] =	vst v63  }
0xf4: {  	_ =	swait.ge [sflag:s16], $0x2000  }
0xf5: {  	[sflag:s16] =	ssyncset.done $0x0  }
0xf6: {  	[sflag:s16] =	ssyncadd.s32 $0xFFFFE000  }
0xf7: {  	[spmem:s2] =	stream.indirect.scatter.add.f32 [tilespmem:s19], [sflag:$0x8], $0x80, s29, s21, $0xb8;
	[tilespmem:$0x1EA00] =	vst v63  }
0xf8: {  	s29 =	simm.s32 $0xA  }
0xf9: {  	_ =	swait.ge [sflag:s29], $0x2000  }
0xfa: {  	[sflag:s29] =	ssyncset.done $0x0  }
0xfb: {  	[sflag:s29] =	ssyncadd.s32 $0xFFFFE000  }
0xfc: {  	[tilespmem:s15], [sflag:$0x5] =	stream.indirect.gather [hbm4b:s1+s21], $0x80, s6, s21, $0xb8;
	[tilespmem:$0x1EA00] =	vst v63  }
0xfd: {  	_ =	swait.ge [sflag:s30], $0x2000  }
0xfe: {  	[sflag:s30] =	ssyncset.done $0x0  }
0xff: {  	[sflag:s30] =	ssyncadd.s32 $0xFFFFE000;
	s30 =	simm.s32 $0xB  }
0x100: {  	[spmem:s2] =	stream.indirect.scatter.add.f32 [tilespmem:s11], [sflag:$0x9], $0x80, s5, s21, $0xb8;
	[tilespmem:$0x1EA00] =	vst v63  }
0x101: {  	_ =	swait.ge [sflag:s30], $0x2000  }
0x102: {  	[sflag:s30] =	ssyncset.done $0x0  }
0x103: {  	[sflag:s30] =	ssyncadd.s32 $0xFFFFE000  }
0x104: {  	[tilespmem:s17], [sflag:$0x6] =	stream.indirect.gather [hbm4b:s1+s21], $0x80, s8, s21, $0xb8;
	[tilespmem:$0x1EA00] =	vst v63  }
0x105: {  	_ =	swait.ge [sflag:s18], $0x2000  }
0x106: {  	[sflag:s18] =	ssyncset.done $0x0  }
0x107: {  	[sflag:s18] =	ssyncadd.s32 $0xFFFFE000  }
0x108: {  	[spmem:s2] =	stream.indirect.scatter.add.f32 [tilespmem:s15], [sflag:$0xA], $0x80, s7, s21, $0xb8;
	[tilespmem:$0x1EA00] =	vst v63  }
0x109: {  	_ =	swait.ge [sflag:s10], $0x2000  }
0x10a: {  	[sflag:s10] =	ssyncset.done $0x0  }
0x10b: {  	[sflag:s10] =	ssyncadd.s32 $0xFFFFE000  }
0x10c: {  	[tilespmem:s22], [sflag:$0x7] =	stream.indirect.gather [hbm4b:s1+s21], $0x80, s13, s21, $0xb8;
	[tilespmem:$0x1EA00] =	vst v63  }
0x10d: {  	_ =	swait.ge [sflag:s24], $0x2000  }
0x10e: {  	[sflag:s24] =	ssyncset.done $0x0  }
0x10f: {  	[sflag:s24] =	ssyncadd.s32 $0xFFFFE000  }
0x110: {  	[spmem:s2] =	stream.indirect.scatter.add.f32 [tilespmem:s17], [sflag:$0xB], $0x80, s9, s21, $0xb8;
	[tilespmem:$0x1EA00] =	vst v63  }
0x111: {  	_ =	swait.ge [sflag:s25], $0x2000  }
0x112: {  	[sflag:s25] =	ssyncset.done $0x0  }
0x113: {  	[sflag:s25] =	ssyncadd.s32 $0xFFFFE000  }
0x114: {  	[spmem:s2] =	stream.indirect.scatter.add.f32 [tilespmem:s22], [sflag:$0xC], $0x80, s12, s21, $0xb8;
	[tilespmem:$0x1EA00] =	vst v63  }
0x115: {  	_ =	swait.ge [sflag:s26], $0x2000  }
0x116: {  	[sflag:s26] =	ssyncset.done $0x0  }
0x117: {  	[sflag:s26] =	ssyncadd.s32 $0xFFFFE000  }
0x118: {  	_ =	swait.ge [sflag:s28], $0x2000  }
0x119: {  	[sflag:s28] =	ssyncset.done $0x0  }
0x11a: {  	[sflag:s28] =	ssyncadd.s32 $0xFFFFE000  }
0x11b: {  	_ =	swait.ge [sflag:s29], $0x2000  }
0x11c: {  	[sflag:s29] =	ssyncset.done $0x0  }
0x11d: {  	[sflag:s29] =	ssyncadd.s32 $0xFFFFE000  }
0x11e: {  	_ =	swait.ge [sflag:s30], $0x2000  }
0x11f: {  	[sflag:s30] =	ssyncset.done $0x0  }
0x120: {  	[sflag:s30] =	ssyncadd.s32 $0xFFFFE000  }
0x121: {  	s11 =	simm.s32 $0x50;
	_ =	swait.ge [sflag:s10], $0x2000  }
0x122: {  	s12 =	simm.s32 $0xA0;
	s14 =	rddreg [dreg:$0x17];
	[sflag:s10] =	ssyncset.done $0x0  }
.LBB2_2:
0x123: {  	[sflag:s10] =	ssyncadd.s32 $0xFFFFE000  }
0x124: {  	s15 =	rddreg [dreg:$0x16];
	s14 =	sadd.s32 s11, s14;
	s16 =	simm.s32 $0x14000  }
0x125: {  	[tilespmem:s16], [sflag:$0x1] =	stream.linear.gather [hbm4b:s14+s3], $0x40, $0x38;
	[tilespmem:$0x1EA00] =	vst v63  }
0x126: {  	s26 =	rddreg [dreg:$0x15];
	s17 =	simm.s32 $0x14500;
	s6 =	sadd.s32 s11, s15  }
0x127: {  	[tilespmem:s17], [sflag:$0x1] =	stream.linear.gather [hbm4b:s6+s3], $0x40, $0x38;
	[tilespmem:$0x1EA00] =	vst v63  }
0x128: {  	s7 =	rddreg [dreg:$0x14];
	s18 =	simm.s32 $0x14080;
	s8 =	sadd.s32 s11, s26  }
0x129: {  	[tilespmem:s18], [sflag:$0x1] =	stream.linear.gather [hbm4b:s8+s3], $0x40, $0x38;
	[tilespmem:$0x1EA00] =	vst v63  }
0x12a: {  	s9 =	rddreg [dreg:$0x13];
	s19 =	simm.s32 $0x14580;
	s22 =	sadd.s32 s11, s7  }
0x12b: {  	[tilespmem:s19], [sflag:$0x1] =	stream.linear.gather [hbm4b:s22+s3], $0x40, $0x38;
	[tilespmem:$0x1EA00] =	vst v63  }
0x12c: {  	s23 =	rddreg [dreg:$0x12];
	s28 =	simm.s32 $0x14100;
	s24 =	sadd.s32 s11, s9  }
0x12d: {  	[tilespmem:s28], [sflag:$0x1] =	stream.linear.gather [hbm4b:s24+s3], $0x40, $0x38;
	[tilespmem:$0x1EA00] =	vst v63  }
0x12e: {  	s25 =	rddreg [dreg:$0x11];
	s29 =	sadd.s32 s11, s23;
	s22 =	simm.s32 $0x14600  }
0x12f: {  	[tilespmem:s22], [sflag:$0x1] =	stream.linear.gather [hbm4b:s29+s3], $0x40, $0x38;
	[tilespmem:$0x1EA00] =	vst v63  }
0x130: {  	s30 =	rddreg [dreg:$0x10];
	s0 =	sadd.s32 s11, s25;
	s24 =	simm.s32 $0x14180  }
0x131: {  	[tilespmem:s24], [sflag:$0x1] =	stream.linear.gather [hbm4b:s0+s3], $0x40, $0x38;
	[tilespmem:$0x1EA00] =	vst v63  }
0x132: {  	s5 =	rddreg [dreg:$0xf];
	s6 =	sadd.s32 s11, s30;
	s29 =	simm.s32 $0x14680  }
0x133: {  	[tilespmem:s29], [sflag:$0x1] =	stream.linear.gather [hbm4b:s6+s3], $0x40, $0x38;
	[tilespmem:$0x1EA00] =	vst v63  }
0x134: {  	s7 =	rddreg [dreg:$0xe];
	s8 =	sadd.s32 s11, s5  }
0x135: {  	[tilespmem:s31], [sflag:$0x1] =	stream.linear.gather [hbm4b:s8+s3], $0x40, $0x38;
	[tilespmem:$0x1EA00] =	vst v63  }
0x136: {  	s9 =	rddreg [dreg:$0xd];
	s23 =	simm.s32 $0x14700;
	s25 =	sadd.s32 s11, s7  }
0x137: {  	[tilespmem:s23], [sflag:$0x1] =	stream.linear.gather [hbm4b:s25+s3], $0x40, $0x38;
	[tilespmem:$0x1EA00] =	vst v63  }
0x138: {  	s30 =	rddreg [dreg:$0xc];
	s0 =	sadd.s32 s11, s9;
	s25 =	simm.s32 $0x14280  }
0x139: {  	[tilespmem:s25], [sflag:$0x2] =	stream.linear.gather [hbm4b:s0+s3], $0x40, $0x38;
	[tilespmem:$0x1EA00] =	vst v63  }
0x13a: {  	s5 =	rddreg [dreg:$0xb];
	s6 =	sadd.s32 s11, s30;
	s30 =	simm.s32 $0x14780  }
0x13b: {  	[tilespmem:s30], [sflag:$0x2] =	stream.linear.gather [hbm4b:s6+s3], $0x40, $0x38;
	[tilespmem:$0x1EA00] =	vst v63  }
0x13c: {  	s7 =	rddreg [dreg:$0xa];
	s8 =	sadd.s32 s11, s5;
	s0 =	simm.s32 $0x14300  }
0x13d: {  	[tilespmem:s0], [sflag:$0x2] =	stream.linear.gather [hbm4b:s8+s3], $0x40, $0x38;
	[tilespmem:$0x1EA00] =	vst v63  }
0x13e: {  	s9 =	rddreg [dreg:$0x9];
	s5 =	simm.s32 $0x14800;
	s6 =	sadd.s32 s11, s7  }
0x13f: {  	[tilespmem:s5], [sflag:$0x2] =	stream.linear.gather [hbm4b:s6+s3], $0x40, $0x38;
	[tilespmem:$0x1EA00] =	vst v63  }
0x140: {  	s7 =	rddreg [dreg:$0x8];
	s8 =	sadd.s32 s11, s9;
	s6 =	simm.s32 $0x14380  }
0x141: {  	[tilespmem:s6], [sflag:$0x2] =	stream.linear.gather [hbm4b:s8+s3], $0x40, $0x38;
	[tilespmem:$0x1EA00] =	vst v63  }
0x142: {  	s9 =	rddreg [dreg:$0x7];
	s8 =	sadd.s32 s11, s7;
	s7 =	simm.s32 $0x14880  }
0x143: {  	[tilespmem:s7], [sflag:$0x2] =	stream.linear.gather [hbm4b:s8+s3], $0x40, $0x38;
	[tilespmem:$0x1EA00] =	vst v63  }
0x144: {  	s15 =	rddreg [dreg:$0x6];
	s9 =	sadd.s32 s11, s9;
	s8 =	simm.s32 $0x14400  }
0x145: {  	[tilespmem:s8], [sflag:$0x2] =	stream.linear.gather [hbm4b:s9+s3], $0x40, $0x38;
	[tilespmem:$0x1EA00] =	vst v63  }
0x146: {  	s26 =	rddreg [dreg:$0x5];
	s14 =	sadd.s32 s11, s15;
	s9 =	simm.s32 $0x14900  }
0x147: {  	[tilespmem:s9], [sflag:$0x2] =	stream.linear.gather [hbm4b:s14+s3], $0x40, $0x38;
	[tilespmem:$0x1EA00] =	vst v63  }
0x148: {  	s15 =	rddreg [dreg:$0x4];
	s14 =	sadd.s32 s11, s26;
	s26 =	simm.s32 $0x14480  }
0x149: {  	[tilespmem:s26], [sflag:$0x2] =	stream.linear.gather [hbm4b:s14+s3], $0x40, $0x38;
	[tilespmem:$0x1EA00] =	vst v63  }
0x14a: {  	s14 =	sadd.s32 s11, s15;
	s15 =	simm.s32 $0x14980  }
0x14b: {  	[tilespmem:s15], [sflag:$0x2] =	stream.linear.gather [hbm4b:s14+s3], $0x40, $0x38;
	[tilespmem:$0x1EA00] =	vst v63  }
0x14c: {  	_ =	swait.ge [sflag:s20], $0x40  }
0x14d: {  	[sflag:s20] =	ssyncset.done $0x0  }
0x14e: {  	[sflag:s20] =	ssyncadd.s32 $0xFFFFFFC0  }
0x14f: {  	_ =	swait.ge [sflag:s20], $0x40  }
0x150: {  	[sflag:s20] =	ssyncset.done $0x0  }
0x151: {  	[sflag:s20] =	ssyncadd.s32 $0xFFFFFFC0  }
0x152: {  	_ =	swait.ge [sflag:s20], $0x40  }
0x153: {  	[sflag:s20] =	ssyncset.done $0x0  }
0x154: {  	[sflag:s20] =	ssyncadd.s32 $0xFFFFFFC0  }
0x155: {  	_ =	swait.ge [sflag:s20], $0x40  }
0x156: {  	[sflag:s20] =	ssyncset.done $0x0  }
0x157: {  	[sflag:s20] =	ssyncadd.s32 $0xFFFFFFC0  }
0x158: {  	_ =	swait.ge [sflag:s20], $0x40  }
0x159: {  	[sflag:s20] =	ssyncset.done $0x0  }
0x15a: {  	[sflag:s20] =	ssyncadd.s32 $0xFFFFFFC0  }
0x15b: {  	_ =	swait.ge [sflag:s20], $0x40  }
0x15c: {  	[sflag:s20] =	ssyncset.done $0x0  }
0x15d: {  	[sflag:s20] =	ssyncadd.s32 $0xFFFFFFC0  }
0x15e: {  	_ =	swait.ge [sflag:s20], $0x40  }
0x15f: {  	[sflag:s20] =	ssyncset.done $0x0  }
0x160: {  	[sflag:s20] =	ssyncadd.s32 $0xFFFFFFC0  }
0x161: {  	_ =	swait.ge [sflag:s20], $0x40  }
0x162: {  	[sflag:s20] =	ssyncset.done $0x0  }
0x163: {  	[sflag:s20] =	ssyncadd.s32 $0xFFFFFFC0  }
0x164: {  	_ =	swait.ge [sflag:s20], $0x40  }
0x165: {  	[sflag:s20] =	ssyncset.done $0x0  }
0x166: {  	[sflag:s20] =	ssyncadd.s32 $0xFFFFFFC0  }
0x167: {  	_ =	swait.ge [sflag:s20], $0x40  }
0x168: {  	s13 =	smov.u32 s12;
	[sflag:s20] =	ssyncset.done $0x0  }
0x169: {  	s11 =	smov.u32 s13;
	s13 =	simm.s32 $0x14A00;
	[sflag:s20] =	ssyncadd.s32 $0xFFFFFFC0  }
0x16a: {  	[tilespmem:s13], [sflag:$0x3] =	stream.indirect.gather [hbm4b:s1+s21], $0x80, s16, s21, $0xb8;
	[tilespmem:$0x1EA00] =	vst v63  }
0x16b: {  	s14 =	simm.s32 $0x16A00;
	s16 =	simm.s32 $0x3  }
0x16c: {  	[tilespmem:s14], [sflag:$0x4] =	stream.indirect.gather [hbm4b:s1+s21], $0x80, s18, s21, $0xb8;
	[tilespmem:$0x1EA00] =	vst v63  }
0x16d: {  	_ =	swait.ge [sflag:s16], $0x2000  }
0x16e: {  	[sflag:s16] =	ssyncset.done $0x0  }
0x16f: {  	[sflag:s16] =	ssyncadd.s32 $0xFFFFE000  }
0x170: {  	[spmem:s2] =	stream.indirect.scatter.add.f32 [tilespmem:s13], [sflag:$0x8], $0x80, s17, s21, $0xb8;
	[tilespmem:$0x1EA00] =	vst v63  }
0x171: {  	s18 =	simm.s32 $0x4;
	s17 =	simm.s32 $0x18A00  }
0x172: {  	[tilespmem:s17], [sflag:$0x5] =	stream.indirect.gather [hbm4b:s1+s21], $0x80, s28, s21, $0xb8;
	[tilespmem:$0x1EA00] =	vst v63  }
0x173: {  	_ =	swait.ge [sflag:s18], $0x2000  }
0x174: {  	[sflag:s18] =	ssyncset.done $0x0  }
0x175: {  	[sflag:s18] =	ssyncadd.s32 $0xFFFFE000  }
0x176: {  	[spmem:s2] =	stream.indirect.scatter.add.f32 [tilespmem:s14], [sflag:$0x9], $0x80, s19, s21, $0xb8;
	[tilespmem:$0x1EA00] =	vst v63  }
0x177: {  	s19 =	simm.s32 $0x1AA00  }
0x178: {  	[tilespmem:s19], [sflag:$0x6] =	stream.indirect.gather [hbm4b:s1+s21], $0x80, s24, s21, $0xb8;
	[tilespmem:$0x1EA00] =	vst v63  }
0x179: {  	s24 =	simm.s32 $0x5  }
0x17a: {  	_ =	swait.ge [sflag:s24], $0x2000  }
0x17b: {  	[sflag:s24] =	ssyncset.done $0x0  }
0x17c: {  	[sflag:s24] =	ssyncadd.s32 $0xFFFFE000  }
0x17d: {  	[spmem:s2] =	stream.indirect.scatter.add.f32 [tilespmem:s17], [sflag:$0xA], $0x80, s22, s21, $0xb8;
	[tilespmem:$0x1EA00] =	vst v63  }
0x17e: {  	s28 =	simm.s32 $0x6;
	s22 =	simm.s32 $0x1CA00  }
0x17f: {  	[tilespmem:s22], [sflag:$0x7] =	stream.indirect.gather [hbm4b:s1+s21], $0x80, s31, s21, $0xb8;
	[tilespmem:$0x1EA00] =	vst v63  }
0x180: {  	_ =	swait.ge [sflag:s28], $0x2000  }
0x181: {  	[sflag:s28] =	ssyncset.done $0x0  }
0x182: {  	[sflag:s28] =	ssyncadd.s32 $0xFFFFE000  }
0x183: {  	[spmem:s2] =	stream.indirect.scatter.add.f32 [tilespmem:s19], [sflag:$0xB], $0x80, s29, s21, $0xb8;
	[tilespmem:$0x1EA00] =	vst v63  }
0x184: {  	_ =	swait.ge [sflag:s4], $0x40  }
0x185: {  	[sflag:s4] =	ssyncset.done $0x0  }
0x186: {  	[sflag:s4] =	ssyncadd.s32 $0xFFFFFFC0  }
0x187: {  	_ =	swait.ge [sflag:s4], $0x40  }
0x188: {  	[sflag:s4] =	ssyncset.done $0x0  }
0x189: {  	[sflag:s4] =	ssyncadd.s32 $0xFFFFFFC0  }
0x18a: {  	_ =	swait.ge [sflag:s4], $0x40  }
0x18b: {  	[sflag:s4] =	ssyncset.done $0x0  }
0x18c: {  	[sflag:s4] =	ssyncadd.s32 $0xFFFFFFC0  }
0x18d: {  	_ =	swait.ge [sflag:s4], $0x40  }
0x18e: {  	[sflag:s4] =	ssyncset.done $0x0  }
0x18f: {  	[sflag:s4] =	ssyncadd.s32 $0xFFFFFFC0  }
0x190: {  	_ =	swait.ge [sflag:s4], $0x40  }
0x191: {  	[sflag:s4] =	ssyncset.done $0x0  }
0x192: {  	[sflag:s4] =	ssyncadd.s32 $0xFFFFFFC0  }
0x193: {  	_ =	swait.ge [sflag:s4], $0x40  }
0x194: {  	[sflag:s4] =	ssyncset.done $0x0  }
0x195: {  	[sflag:s4] =	ssyncadd.s32 $0xFFFFFFC0  }
0x196: {  	_ =	swait.ge [sflag:s4], $0x40  }
0x197: {  	[sflag:s4] =	ssyncset.done $0x0  }
0x198: {  	[sflag:s4] =	ssyncadd.s32 $0xFFFFFFC0  }
0x199: {  	_ =	swait.ge [sflag:s4], $0x40  }
0x19a: {  	[sflag:s4] =	ssyncset.done $0x0  }
0x19b: {  	[sflag:s4] =	ssyncadd.s32 $0xFFFFFFC0  }
0x19c: {  	_ =	swait.ge [sflag:s4], $0x40  }
0x19d: {  	[sflag:s4] =	ssyncset.done $0x0  }
0x19e: {  	[sflag:s4] =	ssyncadd.s32 $0xFFFFFFC0  }
0x19f: {  	_ =	swait.ge [sflag:s4], $0x40  }
0x1a0: {  	[sflag:s4] =	ssyncset.done $0x0  }
0x1a1: {  	s29 =	simm.s32 $0x8;
	[sflag:s4] =	ssyncadd.s32 $0xFFFFFFC0  }
0x1a2: {  	_ =	swait.ge [sflag:s29], $0x2000  }
0x1a3: {  	[sflag:s29] =	ssyncset.done $0x0  }
0x1a4: {  	[sflag:s29] =	ssyncadd.s32 $0xFFFFE000  }
0x1a5: {  	[tilespmem:s13], [sflag:$0x3] =	stream.indirect.gather [hbm4b:s1+s21], $0x80, s25, s21, $0xb8;
	[tilespmem:$0x1EA00] =	vst v63  }
0x1a6: {  	s25 =	simm.s32 $0x7  }
0x1a7: {  	_ =	swait.ge [sflag:s25], $0x2000  }
0x1a8: {  	[sflag:s25] =	ssyncset.done $0x0  }
0x1a9: {  	[sflag:s25] =	ssyncadd.s32 $0xFFFFE000  }
0x1aa: {  	[spmem:s2] =	stream.indirect.scatter.add.f32 [tilespmem:s22], [sflag:$0xC], $0x80, s23, s21, $0xb8;
	[tilespmem:$0x1EA00] =	vst v63  }
0x1ab: {  	s23 =	simm.s32 $0x9  }
0x1ac: {  	_ =	swait.ge [sflag:s23], $0x2000  }
0x1ad: {  	[sflag:s23] =	ssyncset.done $0x0  }
0x1ae: {  	[sflag:s23] =	ssyncadd.s32 $0xFFFFE000  }
0x1af: {  	[tilespmem:s14], [sflag:$0x4] =	stream.indirect.gather [hbm4b:s1+s21], $0x80, s0, s21, $0xb8;
	[tilespmem:$0x1EA00] =	vst v63  }
0x1b0: {  	_ =	swait.ge [sflag:s16], $0x2000  }
0x1b1: {  	[sflag:s16] =	ssyncset.done $0x0  }
0x1b2: {  	[sflag:s16] =	ssyncadd.s32 $0xFFFFE000;
	s16 =	simm.s32 $0xA  }
0x1b3: {  	[spmem:s2] =	stream.indirect.scatter.add.f32 [tilespmem:s13], [sflag:$0x8], $0x80, s30, s21, $0xb8;
	[tilespmem:$0x1EA00] =	vst v63  }
0x1b4: {  	_ =	swait.ge [sflag:s16], $0x2000  }
0x1b5: {  	[sflag:s16] =	ssyncset.done $0x0  }
0x1b6: {  	[sflag:s16] =	ssyncadd.s32 $0xFFFFE000  }
0x1b7: {  	[tilespmem:s17], [sflag:$0x5] =	stream.indirect.gather [hbm4b:s1+s21], $0x80, s6, s21, $0xb8;
	[tilespmem:$0x1EA00] =	vst v63  }
0x1b8: {  	_ =	swait.ge [sflag:s18], $0x2000  }
0x1b9: {  	[sflag:s18] =	ssyncset.done $0x0  }
0x1ba: {  	s30 =	simm.s32 $0xB;
	[sflag:s18] =	ssyncadd.s32 $0xFFFFE000  }
0x1bb: {  	[spmem:s2] =	stream.indirect.scatter.add.f32 [tilespmem:s14], [sflag:$0x9], $0x80, s5, s21, $0xb8;
	[tilespmem:$0x1EA00] =	vst v63  }
0x1bc: {  	_ =	swait.ge [sflag:s30], $0x2000  }
0x1bd: {  	[sflag:s30] =	ssyncset.done $0x0  }
0x1be: {  	[sflag:s30] =	ssyncadd.s32 $0xFFFFE000  }
0x1bf: {  	[tilespmem:s19], [sflag:$0x6] =	stream.indirect.gather [hbm4b:s1+s21], $0x80, s8, s21, $0xb8;
	[tilespmem:$0x1EA00] =	vst v63  }
0x1c0: {  	_ =	swait.ge [sflag:s24], $0x2000  }
0x1c1: {  	[sflag:s24] =	ssyncset.done $0x0  }
0x1c2: {  	[sflag:s24] =	ssyncadd.s32 $0xFFFFE000  }
0x1c3: {  	[spmem:s2] =	stream.indirect.scatter.add.f32 [tilespmem:s17], [sflag:$0xA], $0x80, s7, s21, $0xb8;
	[tilespmem:$0x1EA00] =	vst v63  }
0x1c4: {  	_ =	swait.ge [sflag:s10], $0x2000  }
0x1c5: {  	[sflag:s10] =	ssyncset.done $0x0  }
0x1c6: {  	[sflag:s10] =	ssyncadd.s32 $0xFFFFE000  }
0x1c7: {  	[tilespmem:s22], [sflag:$0x7] =	stream.indirect.gather [hbm4b:s1+s21], $0x80, s26, s21, $0xb8;
	[tilespmem:$0x1EA00] =	vst v63  }
0x1c8: {  	_ =	swait.ge [sflag:s28], $0x2000  }
0x1c9: {  	[sflag:s28] =	ssyncset.done $0x0  }
0x1ca: {  	[sflag:s28] =	ssyncadd.s32 $0xFFFFE000  }
0x1cb: {  	[spmem:s2] =	stream.indirect.scatter.add.f32 [tilespmem:s19], [sflag:$0xB], $0x80, s9, s21, $0xb8;
	[tilespmem:$0x1EA00] =	vst v63  }
0x1cc: {  	_ =	swait.ge [sflag:s25], $0x2000  }
0x1cd: {  	[sflag:s25] =	ssyncset.done $0x0  }
0x1ce: {  	[sflag:s25] =	ssyncadd.s32 $0xFFFFE000  }
0x1cf: {  	[spmem:s2] =	stream.indirect.scatter.add.f32 [tilespmem:s22], [sflag:$0xC], $0x80, s15, s21, $0xb8;
	[tilespmem:$0x1EA00] =	vst v63  }
0x1d0: {  	_ =	swait.ge [sflag:s29], $0x2000  }
0x1d1: {  	[sflag:s29] =	ssyncset.done $0x0  }
0x1d2: {  	[sflag:s29] =	ssyncadd.s32 $0xFFFFE000  }
0x1d3: {  	_ =	swait.ge [sflag:s23], $0x2000  }
0x1d4: {  	[sflag:s23] =	ssyncset.done $0x0  }
0x1d5: {  	[sflag:s23] =	ssyncadd.s32 $0xFFFFE000  }
0x1d6: {  	_ =	swait.ge [sflag:s16], $0x2000  }
0x1d7: {  	[sflag:s16] =	ssyncset.done $0x0  }
0x1d8: {  	p0 =	sne.s32 s12, $0x4B0;
	[sflag:s16] =	ssyncadd.s32 $0xFFFFE000  }
.Ltmp0:
0x1d9: {  	_ =	swait.ge [sflag:s30], $0x2000;
	(pc) =	sbr.rel @p0 .LBB2_2-.Ltmp0, $4  }
0x1da: {  	[sflag:s30] =	ssyncset.done $0x0  }
0x1db: {  	[sflag:s30] =	ssyncadd.s32 $0xFFFFE000  }
0x1dc: {  	_ =	swait.ge [sflag:s10], $0x2000  }
0x1dd: {  	s12 =	sadd.s32 $0x50, s12;
	s14 =	rddreg [dreg:$0x17];
	[sflag:s10] =	ssyncset.done $0x0  }
0x1de: {  	s12 =	rddreg [dreg:$0x16]  }
0x1df: {  	[sflag:s10] =	ssyncadd.s32 $0xFFFFE000;
	s13 =	sadd.s32 s11, s14;
	s14 =	simm.s32 $0x14000  }
0x1e0: {  	[tilespmem:s14], [sflag:$0x1] =	stream.linear.gather [hbm4b:s13+s3], $0x40, $0x38;
	[tilespmem:$0x1EA00] =	vst v63  }
0x1e1: {  	s19 =	rddreg [dreg:$0x15];
	s15 =	simm.s32 $0x14500;
	s12 =	sadd.s32 s11, s12  }
0x1e2: {  	[tilespmem:s15], [sflag:$0x1] =	stream.linear.gather [hbm4b:s12+s3], $0x40, $0x38;
	[tilespmem:$0x1EA00] =	vst v63  }
0x1e3: {  	s22 =	rddreg [dreg:$0x14];
	s16 =	simm.s32 $0x14080;
	s13 =	sadd.s32 s11, s19  }
0x1e4: {  	[tilespmem:s16], [sflag:$0x1] =	stream.linear.gather [hbm4b:s13+s3], $0x40, $0x38;
	[tilespmem:$0x1EA00] =	vst v63  }
0x1e5: {  	s23 =	rddreg [dreg:$0x13];
	s17 =	simm.s32 $0x14580;
	s12 =	sadd.s32 s11, s22  }
0x1e6: {  	[tilespmem:s17], [sflag:$0x1] =	stream.linear.gather [hbm4b:s12+s3], $0x40, $0x38;
	[tilespmem:$0x1EA00] =	vst v63  }
0x1e7: {  	s24 =	rddreg [dreg:$0x12];
	s18 =	simm.s32 $0x14100;
	s13 =	sadd.s32 s11, s23  }
0x1e8: {  	[tilespmem:s18], [sflag:$0x1] =	stream.linear.gather [hbm4b:s13+s3], $0x40, $0x38;
	[tilespmem:$0x1EA00] =	vst v63  }
0x1e9: {  	s25 =	rddreg [dreg:$0x11];
	s22 =	simm.s32 $0x14600;
	s12 =	sadd.s32 s11, s24  }
0x1ea: {  	[tilespmem:s22], [sflag:$0x1] =	stream.linear.gather [hbm4b:s12+s3], $0x40, $0x38;
	[tilespmem:$0x1EA00] =	vst v63  }
0x1eb: {  	s26 =	rddreg [dreg:$0x10];
	s24 =	simm.s32 $0x14180;
	s13 =	sadd.s32 s11, s25  }
0x1ec: {  	[tilespmem:s24], [sflag:$0x1] =	stream.linear.gather [hbm4b:s13+s3], $0x40, $0x38;
	[tilespmem:$0x1EA00] =	vst v63  }
0x1ed: {  	s28 =	rddreg [dreg:$0xf];
	s12 =	sadd.s32 s11, s26;
	s26 =	simm.s32 $0x14680  }
0x1ee: {  	[tilespmem:s26], [sflag:$0x1] =	stream.linear.gather [hbm4b:s12+s3], $0x40, $0x38;
	[tilespmem:$0x1EA00] =	vst v63  }
0x1ef: {  	s29 =	rddreg [dreg:$0xe];
	s13 =	sadd.s32 s11, s28;
	s28 =	simm.s32 $0x14200  }
0x1f0: {  	[tilespmem:s28], [sflag:$0x1] =	stream.linear.gather [hbm4b:s13+s3], $0x40, $0x38;
	[tilespmem:$0x1EA00] =	vst v63  }
0x1f1: {  	s30 =	rddreg [dreg:$0xd];
	s23 =	simm.s32 $0x14700;
	s12 =	sadd.s32 s11, s29  }
0x1f2: {  	[tilespmem:s23], [sflag:$0x1] =	stream.linear.gather [hbm4b:s12+s3], $0x40, $0x38;
	[tilespmem:$0x1EA00] =	vst v63  }
0x1f3: {  	s0 =	rddreg [dreg:$0xc];
	s25 =	simm.s32 $0x14280;
	s13 =	sadd.s32 s11, s30  }
0x1f4: {  	[tilespmem:s25], [sflag:$0x2] =	stream.linear.gather [hbm4b:s13+s3], $0x40, $0x38;
	[tilespmem:$0x1EA00] =	vst v63  }
0x1f5: {  	s5 =	rddreg [dreg:$0xb];
	s29 =	simm.s32 $0x14780;
	s12 =	sadd.s32 s11, s0  }
0x1f6: {  	[tilespmem:s29], [sflag:$0x2] =	stream.linear.gather [hbm4b:s12+s3], $0x40, $0x38;
	[tilespmem:$0x1EA00] =	vst v63  }
0x1f7: {  	s6 =	rddreg [dreg:$0xa];
	s0 =	simm.s32 $0x14300;
	s13 =	sadd.s32 s11, s5  }
0x1f8: {  	[tilespmem:s0], [sflag:$0x2] =	stream.linear.gather [hbm4b:s13+s3], $0x40, $0x38;
	[tilespmem:$0x1EA00] =	vst v63  }
0x1f9: {  	s7 =	rddreg [dreg:$0x9];
	s5 =	simm.s32 $0x14800;
	s12 =	sadd.s32 s11, s6  }
0x1fa: {  	[tilespmem:s5], [sflag:$0x2] =	stream.linear.gather [hbm4b:s12+s3], $0x40, $0x38;
	[tilespmem:$0x1EA00] =	vst v63  }
0x1fb: {  	s8 =	rddreg [dreg:$0x8];
	s6 =	simm.s32 $0x14380;
	s13 =	sadd.s32 s11, s7  }
0x1fc: {  	[tilespmem:s6], [sflag:$0x2] =	stream.linear.gather [hbm4b:s13+s3], $0x40, $0x38;
	[tilespmem:$0x1EA00] =	vst v63  }
0x1fd: {  	s9 =	rddreg [dreg:$0x7];
	s7 =	simm.s32 $0x14880;
	s12 =	sadd.s32 s11, s8  }
0x1fe: {  	[tilespmem:s7], [sflag:$0x2] =	stream.linear.gather [hbm4b:s12+s3], $0x40, $0x38;
	[tilespmem:$0x1EA00] =	vst v63  }
0x1ff: {  	s19 =	rddreg [dreg:$0x6];
	s8 =	simm.s32 $0x14400;
	s13 =	sadd.s32 s11, s9  }
0x200: {  	[tilespmem:s8], [sflag:$0x2] =	stream.linear.gather [hbm4b:s13+s3], $0x40, $0x38;
	[tilespmem:$0x1EA00] =	vst v63  }
0x201: {  	s30 =	rddreg [dreg:$0x5];
	s9 =	simm.s32 $0x14900;
	s12 =	sadd.s32 s11, s19  }
0x202: {  	[tilespmem:s9], [sflag:$0x2] =	stream.linear.gather [hbm4b:s12+s3], $0x40, $0x38;
	[tilespmem:$0x1EA00] =	vst v63  }
0x203: {  	s19 =	rddreg [dreg:$0x4];
	s13 =	sadd.s32 s11, s30;
	s30 =	simm.s32 $0x14480  }
0x204: {  	[tilespmem:s30], [sflag:$0x2] =	stream.linear.gather [hbm4b:s13+s3], $0x40, $0x38;
	[tilespmem:$0x1EA00] =	vst v63  }
0x205: {  	s19 =	sadd.s32 s11, s19;
	s12 =	simm.s32 $0x14980  }
0x206: {  	[tilespmem:s12], [sflag:$0x2] =	stream.linear.gather [hbm4b:s19+s3], $0x40, $0x38;
	[tilespmem:$0x1EA00] =	vst v63  }
0x207: {  	_ =	swait.ge [sflag:s20], $0x40  }
0x208: {  	[sflag:s20] =	ssyncset.done $0x0  }
0x209: {  	[sflag:s20] =	ssyncadd.s32 $0xFFFFFFC0  }
0x20a: {  	_ =	swait.ge [sflag:s20], $0x40  }
0x20b: {  	[sflag:s20] =	ssyncset.done $0x0  }
0x20c: {  	[sflag:s20] =	ssyncadd.s32 $0xFFFFFFC0  }
0x20d: {  	_ =	swait.ge [sflag:s20], $0x40  }
0x20e: {  	[sflag:s20] =	ssyncset.done $0x0  }
0x20f: {  	[sflag:s20] =	ssyncadd.s32 $0xFFFFFFC0  }
0x210: {  	_ =	swait.ge [sflag:s20], $0x40  }
0x211: {  	[sflag:s20] =	ssyncset.done $0x0  }
0x212: {  	[sflag:s20] =	ssyncadd.s32 $0xFFFFFFC0  }
0x213: {  	_ =	swait.ge [sflag:s20], $0x40  }
0x214: {  	[sflag:s20] =	ssyncset.done $0x0  }
0x215: {  	[sflag:s20] =	ssyncadd.s32 $0xFFFFFFC0  }
0x216: {  	_ =	swait.ge [sflag:s20], $0x40  }
0x217: {  	[sflag:s20] =	ssyncset.done $0x0  }
0x218: {  	[sflag:s20] =	ssyncadd.s32 $0xFFFFFFC0  }
0x219: {  	_ =	swait.ge [sflag:s20], $0x40  }
0x21a: {  	[sflag:s20] =	ssyncset.done $0x0  }
0x21b: {  	[sflag:s20] =	ssyncadd.s32 $0xFFFFFFC0  }
0x21c: {  	_ =	swait.ge [sflag:s20], $0x40  }
0x21d: {  	[sflag:s20] =	ssyncset.done $0x0  }
0x21e: {  	[sflag:s20] =	ssyncadd.s32 $0xFFFFFFC0  }
0x21f: {  	_ =	swait.ge [sflag:s20], $0x40  }
0x220: {  	[sflag:s20] =	ssyncset.done $0x0  }
0x221: {  	[sflag:s20] =	ssyncadd.s32 $0xFFFFFFC0  }
0x222: {  	_ =	swait.ge [sflag:s20], $0x40  }
0x223: {  	[sflag:s20] =	ssyncset.done $0x0  }
0x224: {  	s19 =	simm.s32 $0x14A00;
	[sflag:s20] =	ssyncadd.s32 $0xFFFFFFC0  }
0x225: {  	[tilespmem:s19], [sflag:$0x3] =	stream.indirect.gather [hbm4b:s1+s21], $0x80, s14, s21, $0xb8;
	[tilespmem:$0x1EA00] =	vst v63  }
0x226: {  	s11 =	simm.s32 $0x16A00;
	s13 =	simm.s32 $0x3  }
0x227: {  	[tilespmem:s11], [sflag:$0x4] =	stream.indirect.gather [hbm4b:s1+s21], $0x80, s16, s21, $0xb8;
	[tilespmem:$0x1EA00] =	vst v63  }
0x228: {  	_ =	swait.ge [sflag:s13], $0x2000  }
0x229: {  	[sflag:s13] =	ssyncset.done $0x0  }
0x22a: {  	[sflag:s13] =	ssyncadd.s32 $0xFFFFE000  }
0x22b: {  	[spmem:s2] =	stream.indirect.scatter.add.f32 [tilespmem:s19], [sflag:$0x8], $0x80, s15, s21, $0xb8;
	[tilespmem:$0x1EA00] =	vst v63  }
0x22c: {  	s14 =	simm.s32 $0x18A00;
	s15 =	simm.s32 $0x4  }
0x22d: {  	[tilespmem:s14], [sflag:$0x5] =	stream.indirect.gather [hbm4b:s1+s21], $0x80, s18, s21, $0xb8;
	[tilespmem:$0x1EA00] =	vst v63  }
0x22e: {  	_ =	swait.ge [sflag:s15], $0x2000  }
0x22f: {  	[sflag:s15] =	ssyncset.done $0x0  }
0x230: {  	[sflag:s15] =	ssyncadd.s32 $0xFFFFE000  }
0x231: {  	[spmem:s2] =	stream.indirect.scatter.add.f32 [tilespmem:s11], [sflag:$0x9], $0x80, s17, s21, $0xb8;
	[tilespmem:$0x1EA00] =	vst v63  }
0x232: {  	s16 =	simm.s32 $0x1AA00;
	s17 =	simm.s32 $0x5  }
0x233: {  	[tilespmem:s16], [sflag:$0x6] =	stream.indirect.gather [hbm4b:s1+s21], $0x80, s24, s21, $0xb8;
	[tilespmem:$0x1EA00] =	vst v63  }
0x234: {  	_ =	swait.ge [sflag:s17], $0x2000  }
0x235: {  	[sflag:s17] =	ssyncset.done $0x0  }
0x236: {  	[sflag:s17] =	ssyncadd.s32 $0xFFFFE000  }
0x237: {  	[spmem:s2] =	stream.indirect.scatter.add.f32 [tilespmem:s14], [sflag:$0xA], $0x80, s22, s21, $0xb8;
	[tilespmem:$0x1EA00] =	vst v63  }
0x238: {  	s18 =	simm.s32 $0x1CA00;
	s22 =	simm.s32 $0x6  }
0x239: {  	[tilespmem:s18], [sflag:$0x7] =	stream.indirect.gather [hbm4b:s1+s21], $0x80, s28, s21, $0xb8;
	[tilespmem:$0x1EA00] =	vst v63  }
0x23a: {  	_ =	swait.ge [sflag:s22], $0x2000  }
0x23b: {  	[sflag:s22] =	ssyncset.done $0x0  }
0x23c: {  	[sflag:s22] =	ssyncadd.s32 $0xFFFFE000  }
0x23d: {  	[spmem:s2] =	stream.indirect.scatter.add.f32 [tilespmem:s16], [sflag:$0xB], $0x80, s26, s21, $0xb8;
	[tilespmem:$0x1EA00] =	vst v63  }
0x23e: {  	_ =	swait.ge [sflag:s4], $0x40  }
0x23f: {  	[sflag:s4] =	ssyncset.done $0x0  }
0x240: {  	[sflag:s4] =	ssyncadd.s32 $0xFFFFFFC0  }
0x241: {  	_ =	swait.ge [sflag:s4], $0x40  }
0x242: {  	[sflag:s4] =	ssyncset.done $0x0  }
0x243: {  	[sflag:s4] =	ssyncadd.s32 $0xFFFFFFC0  }
0x244: {  	_ =	swait.ge [sflag:s4], $0x40  }
0x245: {  	[sflag:s4] =	ssyncset.done $0x0  }
0x246: {  	[sflag:s4] =	ssyncadd.s32 $0xFFFFFFC0  }
0x247: {  	_ =	swait.ge [sflag:s4], $0x40  }
0x248: {  	[sflag:s4] =	ssyncset.done $0x0  }
0x249: {  	[sflag:s4] =	ssyncadd.s32 $0xFFFFFFC0  }
0x24a: {  	_ =	swait.ge [sflag:s4], $0x40  }
0x24b: {  	[sflag:s4] =	ssyncset.done $0x0  }
0x24c: {  	[sflag:s4] =	ssyncadd.s32 $0xFFFFFFC0  }
0x24d: {  	_ =	swait.ge [sflag:s4], $0x40  }
0x24e: {  	[sflag:s4] =	ssyncset.done $0x0  }
0x24f: {  	[sflag:s4] =	ssyncadd.s32 $0xFFFFFFC0  }
0x250: {  	_ =	swait.ge [sflag:s4], $0x40  }
0x251: {  	[sflag:s4] =	ssyncset.done $0x0  }
0x252: {  	[sflag:s4] =	ssyncadd.s32 $0xFFFFFFC0  }
0x253: {  	_ =	swait.ge [sflag:s4], $0x40  }
0x254: {  	[sflag:s4] =	ssyncset.done $0x0  }
0x255: {  	[sflag:s4] =	ssyncadd.s32 $0xFFFFFFC0  }
0x256: {  	_ =	swait.ge [sflag:s4], $0x40  }
0x257: {  	[sflag:s4] =	ssyncset.done $0x0  }
0x258: {  	[sflag:s4] =	ssyncadd.s32 $0xFFFFFFC0  }
0x259: {  	_ =	swait.ge [sflag:s4], $0x40  }
0x25a: {  	[sflag:s4] =	ssyncset.done $0x0  }
0x25b: {  	s24 =	simm.s32 $0x8;
	[sflag:s4] =	ssyncadd.s32 $0xFFFFFFC0  }
0x25c: {  	_ =	swait.ge [sflag:s24], $0x2000  }
0x25d: {  	[sflag:s24] =	ssyncset.done $0x0  }
0x25e: {  	[sflag:s24] =	ssyncadd.s32 $0xFFFFE000  }
0x25f: {  	[tilespmem:s19], [sflag:$0x3] =	stream.indirect.gather [hbm4b:s1+s21], $0x80, s25, s21, $0xb8;
	[tilespmem:$0x1EA00] =	vst v63  }
0x260: {  	s25 =	simm.s32 $0x7  }
0x261: {  	_ =	swait.ge [sflag:s25], $0x2000  }
0x262: {  	[sflag:s25] =	ssyncset.done $0x0  }
0x263: {  	s26 =	simm.s32 $0x9;
	[sflag:s25] =	ssyncadd.s32 $0xFFFFE000  }
0x264: {  	[spmem:s2] =	stream.indirect.scatter.add.f32 [tilespmem:s18], [sflag:$0xC], $0x80, s23, s21, $0xb8;
	[tilespmem:$0x1EA00] =	vst v63  }
0x265: {  	_ =	swait.ge [sflag:s26], $0x2000  }
0x266: {  	[sflag:s26] =	ssyncset.done $0x0  }
0x267: {  	[sflag:s26] =	ssyncadd.s32 $0xFFFFE000  }
0x268: {  	[tilespmem:s11], [sflag:$0x4] =	stream.indirect.gather [hbm4b:s1+s21], $0x80, s0, s21, $0xb8;
	[tilespmem:$0x1EA00] =	vst v63  }
0x269: {  	_ =	swait.ge [sflag:s13], $0x2000  }
0x26a: {  	[sflag:s13] =	ssyncset.done $0x0  }
0x26b: {  	s28 =	simm.s32 $0xA;
	[sflag:s13] =	ssyncadd.s32 $0xFFFFE000  }
0x26c: {  	[spmem:s2] =	stream.indirect.scatter.add.f32 [tilespmem:s19], [sflag:$0x8], $0x80, s29, s21, $0xb8;
	[tilespmem:$0x1EA00] =	vst v63  }
0x26d: {  	_ =	swait.ge [sflag:s28], $0x2000  }
0x26e: {  	[sflag:s28] =	ssyncset.done $0x0  }
0x26f: {  	[sflag:s28] =	ssyncadd.s32 $0xFFFFE000  }
0x270: {  	[tilespmem:s14], [sflag:$0x5] =	stream.indirect.gather [hbm4b:s1+s21], $0x80, s6, s21, $0xb8;
	[tilespmem:$0x1EA00] =	vst v63  }
0x271: {  	_ =	swait.ge [sflag:s15], $0x2000  }
0x272: {  	[sflag:s15] =	ssyncset.done $0x0  }
0x273: {  	s29 =	simm.s32 $0xB;
	[sflag:s15] =	ssyncadd.s32 $0xFFFFE000  }
0x274: {  	[spmem:s2] =	stream.indirect.scatter.add.f32 [tilespmem:s11], [sflag:$0x9], $0x80, s5, s21, $0xb8;
	[tilespmem:$0x1EA00] =	vst v63  }
0x275: {  	_ =	swait.ge [sflag:s29], $0x2000  }
0x276: {  	[sflag:s29] =	ssyncset.done $0x0  }
0x277: {  	[sflag:s29] =	ssyncadd.s32 $0xFFFFE000  }
0x278: {  	[tilespmem:s16], [sflag:$0x6] =	stream.indirect.gather [hbm4b:s1+s21], $0x80, s8, s21, $0xb8;
	[tilespmem:$0x1EA00] =	vst v63  }
0x279: {  	_ =	swait.ge [sflag:s17], $0x2000  }
0x27a: {  	[sflag:s17] =	ssyncset.done $0x0  }
0x27b: {  	[sflag:s17] =	ssyncadd.s32 $0xFFFFE000  }
0x27c: {  	[spmem:s2] =	stream.indirect.scatter.add.f32 [tilespmem:s14], [sflag:$0xA], $0x80, s7, s21, $0xb8;
	[tilespmem:$0x1EA00] =	vst v63  }
0x27d: {  	_ =	swait.ge [sflag:s10], $0x2000  }
0x27e: {  	[sflag:s10] =	ssyncset.done $0x0  }
0x27f: {  	[sflag:s10] =	ssyncadd.s32 $0xFFFFE000  }
0x280: {  	[tilespmem:s18], [sflag:$0x7] =	stream.indirect.gather [hbm4b:s1+s21], $0x80, s30, s21, $0xb8;
	[tilespmem:$0x1EA00] =	vst v63  }
0x281: {  	_ =	swait.ge [sflag:s22], $0x2000  }
0x282: {  	[sflag:s22] =	ssyncset.done $0x0  }
0x283: {  	[sflag:s22] =	ssyncadd.s32 $0xFFFFE000  }
0x284: {  	[spmem:s2] =	stream.indirect.scatter.add.f32 [tilespmem:s16], [sflag:$0xB], $0x80, s9, s21, $0xb8;
	[tilespmem:$0x1EA00] =	vst v63  }
0x285: {  	_ =	swait.ge [sflag:s25], $0x2000  }
0x286: {  	[sflag:s25] =	ssyncset.done $0x0  }
0x287: {  	[sflag:s25] =	ssyncadd.s32 $0xFFFFE000  }
0x288: {  	[spmem:s2] =	stream.indirect.scatter.add.f32 [tilespmem:s18], [sflag:$0xC], $0x80, s12, s21, $0xb8;
	[tilespmem:$0x1EA00] =	vst v63  }
0x289: {  	_ =	swait.ge [sflag:s24], $0x2000  }
0x28a: {  	[sflag:s24] =	ssyncset.done $0x0  }
0x28b: {  	[sflag:s24] =	ssyncadd.s32 $0xFFFFE000  }
0x28c: {  	_ =	swait.ge [sflag:s26], $0x2000  }
0x28d: {  	[sflag:s26] =	ssyncset.done $0x0  }
0x28e: {  	[sflag:s26] =	ssyncadd.s32 $0xFFFFE000  }
0x28f: {  	_ =	swait.ge [sflag:s28], $0x2000  }
0x290: {  	[sflag:s28] =	ssyncset.done $0x0  }
0x291: {  	[sflag:s28] =	ssyncadd.s32 $0xFFFFE000  }
0x292: {  	_ =	swait.ge [sflag:s29], $0x2000  }
0x293: {  	[sflag:s29] =	ssyncset.done $0x0  }
0x294: {  	[sflag:s29] =	ssyncadd.s32 $0xFFFFE000  }
0x295: {  	_ =	swait.ge [sflag:s10], $0x2000  }
0x296: {  	[sflag:s10] =	ssyncset.done $0x0  }
0x297: {  	[sflag:s10] =	ssyncadd.s32 $0xFFFFE000  }
0x298: {  	[bflag:$0x0] =	sbarrier.arrive $0xFFFF  }
0x299: {  	s9 =	sld [smem:$0x7F4];
	_ =	sdelay $0x1  }
0x29a: {  	s30 =	simm.s32 $0xD  }
0x29b: {  	[tilespmem:s19], [sflag:$0xD] =	stream.linear.gather [spmem:s9], $0x2000, $0x38;
	[tilespmem:$0x1EA00] =	vst v63  }
0x29c: {  	_ =	swait.ge [sflag:s30], $0x2000  }
0x29d: {  	[sflag:s30] =	ssyncset.done $0x0  }
0x29e: {  	s8 =	rddreg [dreg:$0x18];
	[sflag:s30] =	ssyncadd.s32 $0xFFFFE000  }
0x29f: {  	[hbm4b:s8+s3] =	stream.linear.scatter [tilespmem:s19], [sflag:$0xD], $0x2000, $0x38;
	[tilespmem:$0x1EA00] =	vst v63  }
0x2a0: {  	_ =	swait.ge [sflag:s30], $0x2000  }
0x2a1: {  	s17 =	sld [smem:$0x7F5]  }
0x2a2: {  	[sflag:s30] =	ssyncset.done $0x0  }
0x2a3: {  	[sflag:s30] =	ssyncadd.s32 $0xFFFFE000  }
0x2a4: {  	[tilespmem:s19], [sflag:$0xD] =	stream.linear.gather [spmem:s17], $0x2000, $0x38;
	[tilespmem:$0x1EA00] =	vst v63  }
0x2a5: {  	_ =	swait.ge [sflag:s30], $0x2000  }
0x2a6: {  	[sflag:s30] =	ssyncset.done $0x0  }
0x2a7: {  	s12 =	rddreg [dreg:$0x19];
	[sflag:s30] =	ssyncadd.s32 $0xFFFFE000  }
0x2a8: {  	[hbm4b:s12+s3] =	stream.linear.scatter [tilespmem:s19], [sflag:$0xD], $0x2000, $0x38;
	[tilespmem:$0x1EA00] =	vst v63  }
0x2a9: {  	_ =	swait.ge [sflag:s30], $0x2000  }
0x2aa: {  	s7 =	sld [smem:$0x7F6]  }
0x2ab: {  	[sflag:s30] =	ssyncset.done $0x0  }
0x2ac: {  	[sflag:s30] =	ssyncadd.s32 $0xFFFFE000  }
0x2ad: {  	[tilespmem:s19], [sflag:$0xD] =	stream.linear.gather [spmem:s7], $0x2000, $0x38;
	[tilespmem:$0x1EA00] =	vst v63  }
0x2ae: {  	_ =	swait.ge [sflag:s30], $0x2000  }
0x2af: {  	[sflag:s30] =	ssyncset.done $0x0  }
0x2b0: {  	s13 =	rddreg [dreg:$0x1a];
	[sflag:s30] =	ssyncadd.s32 $0xFFFFE000  }
0x2b1: {  	[hbm4b:s13+s3] =	stream.linear.scatter [tilespmem:s19], [sflag:$0xD], $0x2000, $0x38;
	[tilespmem:$0x1EA00] =	vst v63  }
0x2b2: {  	_ =	swait.ge [sflag:s30], $0x2000  }
0x2b3: {  	s5 =	sld [smem:$0x7F7]  }
0x2b4: {  	[sflag:s30] =	ssyncset.done $0x0  }
0x2b5: {  	[sflag:s30] =	ssyncadd.s32 $0xFFFFE000  }
0x2b6: {  	[tilespmem:s19], [sflag:$0xD] =	stream.linear.gather [spmem:s5], $0x2000, $0x38;
	[tilespmem:$0x1EA00] =	vst v63  }
0x2b7: {  	_ =	swait.ge [sflag:s30], $0x2000  }
0x2b8: {  	[sflag:s30] =	ssyncset.done $0x0  }
0x2b9: {  	s15 =	rddreg [dreg:$0x1b];
	[sflag:s30] =	ssyncadd.s32 $0xFFFFE000  }
0x2ba: {  	[hbm4b:s15+s3] =	stream.linear.scatter [tilespmem:s19], [sflag:$0xD], $0x2000, $0x38;
	[tilespmem:$0x1EA00] =	vst v63  }
0x2bb: {  	_ =	swait.ge [sflag:s30], $0x2000  }
0x2bc: {  	s6 =	sld [smem:$0x7F8]  }
0x2bd: {  	[sflag:s30] =	ssyncset.done $0x0  }
0x2be: {  	[sflag:s30] =	ssyncadd.s32 $0xFFFFE000  }
0x2bf: {  	[tilespmem:s19], [sflag:$0xD] =	stream.linear.gather [spmem:s6], $0x2000, $0x38;
	[tilespmem:$0x1EA00] =	vst v63  }
0x2c0: {  	_ =	swait.ge [sflag:s30], $0x2000  }
0x2c1: {  	[sflag:s30] =	ssyncset.done $0x0  }
0x2c2: {  	s16 =	rddreg [dreg:$0x1c];
	[sflag:s30] =	ssyncadd.s32 $0xFFFFE000  }
0x2c3: {  	[hbm4b:s16+s3] =	stream.linear.scatter [tilespmem:s19], [sflag:$0xD], $0x2000, $0x38;
	[tilespmem:$0x1EA00] =	vst v63  }
0x2c4: {  	_ =	swait.ge [sflag:s30], $0x2000  }
0x2c5: {  	s8 =	sld [smem:$0x7F9]  }
0x2c6: {  	[sflag:s30] =	ssyncset.done $0x0  }
0x2c7: {  	[sflag:s30] =	ssyncadd.s32 $0xFFFFE000  }
0x2c8: {  	[tilespmem:s19], [sflag:$0xD] =	stream.linear.gather [spmem:s8], $0x2000, $0x38;
	[tilespmem:$0x1EA00] =	vst v63  }
0x2c9: {  	_ =	swait.ge [sflag:s30], $0x2000  }
0x2ca: {  	[sflag:s30] =	ssyncset.done $0x0  }
0x2cb: {  	s18 =	rddreg [dreg:$0x1d];
	[sflag:s30] =	ssyncadd.s32 $0xFFFFE000  }
0x2cc: {  	[hbm4b:s18+s3] =	stream.linear.scatter [tilespmem:s19], [sflag:$0xD], $0x2000, $0x38;
	[tilespmem:$0x1EA00] =	vst v63  }
0x2cd: {  	_ =	swait.ge [sflag:s30], $0x2000  }
0x2ce: {  	s26 =	sld [smem:$0x7FA]  }
0x2cf: {  	[sflag:s30] =	ssyncset.done $0x0  }
0x2d0: {  	[sflag:s30] =	ssyncadd.s32 $0xFFFFE000  }
0x2d1: {  	[tilespmem:s19], [sflag:$0xD] =	stream.linear.gather [spmem:s26], $0x2000, $0x38;
	[tilespmem:$0x1EA00] =	vst v63  }
0x2d2: {  	_ =	swait.ge [sflag:s30], $0x2000  }
0x2d3: {  	[sflag:s30] =	ssyncset.done $0x0  }
0x2d4: {  	s22 =	rddreg [dreg:$0x1e];
	[sflag:s30] =	ssyncadd.s32 $0xFFFFE000  }
0x2d5: {  	[hbm4b:s22+s3] =	stream.linear.scatter [tilespmem:s19], [sflag:$0xD], $0x2000, $0x38;
	[tilespmem:$0x1EA00] =	vst v63  }
0x2d6: {  	_ =	swait.ge [sflag:s30], $0x2000  }
0x2d7: {  	s12 =	sld [smem:$0x7FB]  }
0x2d8: {  	[sflag:s30] =	ssyncset.done $0x0  }
0x2d9: {  	[sflag:s30] =	ssyncadd.s32 $0xFFFFE000  }
0x2da: {  	[tilespmem:s19], [sflag:$0xD] =	stream.linear.gather [spmem:s12], $0x2000, $0x38;
	[tilespmem:$0x1EA00] =	vst v63  }
0x2db: {  	_ =	swait.ge [sflag:s30], $0x2000  }
0x2dc: {  	[sflag:s30] =	ssyncset.done $0x0  }
0x2dd: {  	s23 =	rddreg [dreg:$0x1f];
	[sflag:s30] =	ssyncadd.s32 $0xFFFFE000  }
0x2de: {  	[hbm4b:s23+s3] =	stream.linear.scatter [tilespmem:s19], [sflag:$0xD], $0x2000, $0x38;
	[tilespmem:$0x1EA00] =	vst v63  }
0x2df: {  	_ =	swait.ge [sflag:s30], $0x2000  }
0x2e0: {  	s13 =	sld [smem:$0x7FC]  }
0x2e1: {  	[sflag:s30] =	ssyncset.done $0x0  }
0x2e2: {  	[sflag:s30] =	ssyncadd.s32 $0xFFFFE000  }
0x2e3: {  	[tilespmem:s19], [sflag:$0xD] =	stream.linear.gather [spmem:s13], $0x2000, $0x38;
	[tilespmem:$0x1EA00] =	vst v63  }
0x2e4: {  	_ =	swait.ge [sflag:s30], $0x2000  }
0x2e5: {  	s24 =	sld [smem:$0x7F0]  }
0x2e6: {  	[sflag:s30] =	ssyncset.done $0x0  }
0x2e7: {  	[sflag:s30] =	ssyncadd.s32 $0xFFFFE000  }
0x2e8: {  	[hbm4b:s24+s3] =	stream.linear.scatter [tilespmem:s19], [sflag:$0xD], $0x2000, $0x38;
	[tilespmem:$0x1EA00] =	vst v63  }
0x2e9: {  	_ =	swait.ge [sflag:s30], $0x2000  }
0x2ea: {  	s15 =	sld [smem:$0x7FD]  }
0x2eb: {  	[sflag:s30] =	ssyncset.done $0x0  }
0x2ec: {  	[sflag:s30] =	ssyncadd.s32 $0xFFFFE000  }
0x2ed: {  	[tilespmem:s19], [sflag:$0xD] =	stream.linear.gather [spmem:s15], $0x2000, $0x38;
	[tilespmem:$0x1EA00] =	vst v63  }
0x2ee: {  	_ =	swait.ge [sflag:s30], $0x2000  }
0x2ef: {  	s25 =	sld [smem:$0x7F1]  }
0x2f0: {  	[sflag:s30] =	ssyncset.done $0x0  }
0x2f1: {  	[sflag:s30] =	ssyncadd.s32 $0xFFFFE000  }
0x2f2: {  	[hbm4b:s25+s3] =	stream.linear.scatter [tilespmem:s19], [sflag:$0xD], $0x2000, $0x38;
	[tilespmem:$0x1EA00] =	vst v63  }
0x2f3: {  	_ =	swait.ge [sflag:s30], $0x2000  }
0x2f4: {  	s28 =	sld [smem:$0x7EF]  }
0x2f5: {  	s29 =	sld [smem:$0x7F3];
	_ =	sdelay $0x1  }
0x2f6: {  	s0 =	sadd.s32 $0x1, s28  }
0x2f7: {  	p0 =	sne.s32 s0, s29  }
.Ltmp1:
0x2f8: {  	_ = 	snop;
	(pc) =	sbr.rel @p0 .LBB2_1-.Ltmp1, $3  }
0x2f9: {  	_ =	sdelay $0x1  }
0x2fa: {  	[sflag:s30] =	ssyncset.done $0x0;
	s30 =	simm.s32 $0xD  }
0x2fb: {  	[sflag:s30] =	ssyncadd.s32 $0xFFFFE000  }
0x2fc: {  	_ =	sfence.sel $0x180000  }
0x2fd: {  	[bflag:$0x0] =	sbarrier.arrive $0xFFFF  }
0x2fe: {  	_ =	strace $0x9000004D  }
0x2ff: {  	s0 =	stileid.u32;
	[bflag:$0x2] =	sbarrier.arrive $0xFFFF  }
0x300: {  	p0 =	sne.s32 s0, $0x0;
	s0 =	rddreg [dreg:$0x3]  }
0x301: {  	s0 =	sadd.s32 @!p0 $0x100000, s0  }
0x302: {  	[sflag:s0] =	ssyncadd.tile.s32 @!p0 $0x1;
	_ =	shalt  }
.Lfunc_end2:
_tile_overlayer_lowered:
.L_overlay_start_2:
0x303: {  	(tag) =	ssettag $0x2  }
0x304: {  	s0 =	rddreg [dreg:$0x0];
	s2 =	stileid.u32  }
0x305: {  	s1 =	rddreg [dreg:$0x1];
	p0 =	sne.s32 s2, $0x0  }
0x306: {  	s3 =	rddreg [dreg:$0x2];
	[bflag:$0x3] =	sbarrier.arrive $0xFFFF;
	s2 =	simm.s32 @!p0 $0x1C0D  }
0x307: {  	[timem:s3], [sflag:s2] =	dma.local @!p0 [hbm:s0], s1  }
0x308: {  	s0 =	simm.s32 @!p0 $0xD  }
0x309: {  	_ =	swait.ge @!p0 [sflag:s0], s1  }
0x30a: {  	s1 =	ssub.s32 @!p0 $0x0, s1;
	[sflag:s0] =	ssyncset.done @!p0 $0x0  }
0x30b: {  	[sflag:s0] =	ssyncadd.s32 @!p0 s1  }
0x30c: {  	[bflag:$0x3] =	sbarrier.arrive $0xFFFF  }
0x30d: {  	_ =	shalt  }

// kernel: kernel.8.cloned.1.call-start
scs
__scs_entry_jumppad:
0x0: {  	(pc) =	sbr.rel $0x88, $3  }
0x1: {  	(tag) =	ssettag $0x0;
	lr =	simm.s32 $0x1  }
0x2: {  	[smem:$0x3F97] =	sst lr;
	_ =	strace $0xD0000000  }
0x3: {  	_ = 	snop  }
0x4: {  	_ = 	snop  }
0x5: {  	_ = 	snop  }
0x6: {  	_ = 	snop  }
0x7: {  	_ = 	snop  }
__scs_overlays_trampoline_lowered:
0x8: {  	[smem:$0x3FA6] =	sst s0  }
0x9: {  	[smem:$0x3FA7] =	sst s1  }
0xa: {  	[smem:$0x3FA8] =	sst s2  }
0xb: {  	[smem:$0x3FA9] =	sst s3  }
0xc: {  	[smem:$0x3FAA] =	sst s4  }
0xd: {  	[smem:$0x3FAB] =	sst s5  }
0xe: {  	[smem:$0x3FAC] =	sst s6  }
0xf: {  	[smem:$0x3FAD] =	sst s7  }
0x10: {  	[smem:$0x3FAE] =	sst s8  }
0x11: {  	[smem:$0x3FAF] =	sst s9;
	s0 =	simm.s32 @!p0 $0x0  }
0x12: {  	s1 =	sld [smem:$0x3F95];
	s0 =	simm.s32 @p0 $0x1  }
0x13: {  	[smem:$0x3FB0] =	sst s0;
	s0 =	simm.s32 @!p1 $0x0  }
0x14: {  	s2 =	sld [smem:$0x3F94];
	s0 =	simm.s32 @p1 $0x1  }
0x15: {  	[smem:$0x3FB1] =	sst s0;
	s0 =	simm.s32 @!p2 $0x0  }
0x16: {  	s3 =	sld [smem:$0x3FDB];
	s0 =	simm.s32 @p2 $0x1  }
0x17: {  	s4 =	simm.s32 $0x1BF5;
	[smem:$0x3FB3] =	sst s0  }
0x18: {  	s0 =	sld [smem:$0x3F96];
	_ =	swait.ge [sflag:s4], $0x0  }
0x19: {  	s7 =	sld [smem:$0x3F97]  }
0x1a: {  	s8 =	sadd.s32 $0xFFFFE003, lr  }
0x1b: {  	s9 =	sadd.s32 $0xFFFFFEF7, lr;
	s5 =	simm.s32 $0xFFFFFFFF;
	p2 =	slt.u32 s8, $0xFFFFF086  }
0x1c: {  	p1 =	slt.u32 s9, $0xF7A;
	s5 =	simm.s32 @!p2 $0x0  }
0x1d: {  	s5 =	simm.s32 @p1 $0x1;
	p0 =	seq.s32 s7, s2  }
0x1e: {  	s7 =	smul.u32 @!p0 $0xF7A, s2;
	p2 =	seq.s32 @!p0 s5, $0x0  }
0x1f: {  	s9 =	smul.u32 $0xF7A, s1;
	s8 =	simm.s32 @!p0 $0x1BF5;
	p2 =	por !p2, p0  }
0x20: {  	[sflag:s8] =	ssyncset.s32 @!p0 $0xFFFFF086;
	s6 =	sadd.s32 @!p0 s3, s7;
	s7 =	simm.s32 @!p0 $0x108  }
0x21: {  	s3 =	sadd.s32 s3, s9;
	s6 =	sadd.s32 @!p0 $0x88, s6;
	s7 =	simm.s32 @p2 $0x1082  }
0x22: {  	[simem:s7], [sflag:s8] =	dma.local @!p0 [hbm:s6], $0xF7A  }
0x23: {  	s9 =	sor.u32 $0xD0000000, s2;
	s6 =	simm.s32 $0x108;
	_ =	swait.ge @!p0 [sflag:s8], $0x0  }
0x24: {  	s3 =	sadd.s32 $0x88, s3;
	s6 =	simm.s32 @!p1 $0x1082;
	[sflag:s4] =	ssyncset.s32 $0xFFFFF086  }
0x25: {  	[simem:s6], [sflag:s4] =	dma.local [hbm:s3], $0xF7A  }
0x26: {  	[smem:$0x3F97] =	sst s1;
	(tag) =	ssettag s2;
	_ =	strace s9  }
0x27: {  	s1 =	sld [smem:$0x3FA7]  }
0x28: {  	s2 =	sld [smem:$0x3FA8]  }
0x29: {  	s4 =	sld [smem:$0x3FAA]  }
0x2a: {  	p0 =	seq.s32 s5, $0x0;
	s5 =	sld [smem:$0x3FAB]  }
0x2b: {  	s6 =	sld [smem:$0x3FAC]  }
0x2c: {  	s7 =	sld [smem:$0x3FAD]  }
0x2d: {  	s3 =	simm.s32 $0x108;
	s8 =	sld [smem:$0x3FAE]  }
0x2e: {  	s3 =	simm.s32 @!p0 $0x1082;
	s9 =	sld [smem:$0x3FAF]  }
0x2f: {  	lr =	sadd.s32 s0, s3;
	s0 =	sld [smem:$0x3FA6]  }
0x30: {  	s3 =	sld [smem:$0x3FA9]  }
0x31: {  	[smem:$0x3FB2] =	sst s10  }
0x32: {  	s10 =	sld [smem:$0x3FB0];
	_ =	sdelay $0x3  }
0x33: {  	p0 =	seq.s32 s10, $0x1;
	s10 =	sld [smem:$0x3FB2];
	_ =	sdelay $0x3  }
0x34: {  	[smem:$0x3FB2] =	sst s10  }
0x35: {  	s10 =	sld [smem:$0x3FB1];
	_ =	sdelay $0x3  }
0x36: {  	p1 =	seq.s32 s10, $0x1;
	s10 =	sld [smem:$0x3FB2];
	_ =	sdelay $0x3  }
0x37: {  	[smem:$0x3FB2] =	sst s10  }
0x38: {  	s10 =	sld [smem:$0x3FB3]  }
0x39: {  	_ = 	snop;
	(pc) =	sbr.ind lr, $3  }
0x3a: {  	_ = 	snop  }
0x3b: {  	_ = 	snop  }
0x3c: {  	p2 =	seq.s32 s10, $0x1;
	s10 =	sld [smem:$0x3FB2]  }
0x3d: {  	_ =	shalt  }
0x3e: {  	_ =	shalt  }
0x3f: {  	_ =	shalt  }
0x40: {  	_ =	shalt  }
0x41: {  	_ =	shalt  }
0x42: {  	_ =	shalt  }
0x43: {  	_ =	shalt  }
0x44: {  	_ =	shalt  }
0x45: {  	_ =	shalt  }
0x46: {  	_ =	shalt  }
0x47: {  	_ =	shalt  }
0x48: {  	_ =	shalt  }
0x49: {  	_ =	shalt  }
0x4a: {  	_ =	shalt  }
0x4b: {  	_ =	shalt  }
0x4c: {  	_ =	shalt  }
0x4d: {  	_ =	shalt  }
0x4e: {  	_ =	shalt  }
0x4f: {  	_ =	shalt  }
0x50: {  	_ =	shalt  }
0x51: {  	_ =	shalt  }
0x52: {  	_ =	shalt  }
0x53: {  	_ =	shalt  }
0x54: {  	_ =	shalt  }
0x55: {  	_ =	shalt  }
0x56: {  	_ =	shalt  }
0x57: {  	_ =	shalt  }
0x58: {  	_ =	shalt  }
0x59: {  	_ =	shalt  }
0x5a: {  	_ =	shalt  }
0x5b: {  	_ =	shalt  }
0x5c: {  	_ =	shalt  }
0x5d: {  	_ =	shalt  }
0x5e: {  	_ =	shalt  }
0x5f: {  	_ =	shalt  }
0x60: {  	_ =	shalt  }
0x61: {  	_ =	shalt  }
0x62: {  	_ =	shalt  }
0x63: {  	_ =	shalt  }
0x64: {  	_ =	shalt  }
0x65: {  	_ =	shalt  }
0x66: {  	_ =	shalt  }
0x67: {  	_ =	shalt  }
0x68: {  	_ =	shalt  }
0x69: {  	_ =	shalt  }
0x6a: {  	_ =	shalt  }
0x6b: {  	_ =	shalt  }
0x6c: {  	_ =	shalt  }
0x6d: {  	_ =	shalt  }
0x6e: {  	_ =	shalt  }
0x6f: {  	_ =	shalt  }
0x70: {  	_ =	shalt  }
0x71: {  	_ =	shalt  }
0x72: {  	_ =	shalt  }
0x73: {  	_ =	shalt  }
0x74: {  	_ =	shalt  }
0x75: {  	_ =	shalt  }
0x76: {  	_ =	shalt  }
0x77: {  	_ =	shalt  }
0x78: {  	_ =	shalt  }
0x79: {  	_ =	shalt  }
0x7a: {  	_ =	shalt  }
0x7b: {  	_ =	shalt  }
0x7c: {  	_ =	shalt  }
0x7d: {  	_ =	shalt  }
0x7e: {  	_ =	shalt  }
0x7f: {  	_ =	shalt  }
0x80: {  	_ =	shalt  }
0x81: {  	_ =	shalt  }
0x82: {  	_ =	shalt  }
0x83: {  	_ =	shalt  }
0x84: {  	_ =	shalt  }
0x85: {  	_ =	shalt  }
0x86: {  	_ =	shalt  }
0x87: {  	_ =	shalt  }
.Lfunc_end0:
.L_simem_size_0:
called_computation_lowered:
.L_overlay_start_0:
0x88: {  	s2 =	sld [smem:$0x3FD9]  }
0x89: {  	s3 =	sld [smem:$0x3FFE];
	_ =	sdelay $0x1  }
0x8a: {  	s1 =	srdreg.scid  }
0x8b: {  	s0 =	sand.u32 $0x1, s1  }
0x8c: {  	s17 =	sshll.u32 s0, $0xA;
	s2 =	sadd.s32 s3, s2  }
0x8d: {  	s2 =	sadd.s32 s2, s17  }
0x8e: {  	[smem:$0x3FBE] =	sst s2  }
0x8f: {  	_ = 	snop  }
0x90: {  	s2 =	sld [smem:$0x3FD0];
	(tm) =	ssettm $0x1  }
0x91: {  	s18 =	sld [smem:$0x3FFB];
	_ =	sdelay $0x3  }
0x92: {  	_ =	strace s18  }
0x93: {  	s3 =	sld [smem:$0x3FFC];
	_ =	sdelay $0x3  }
0x94: {  	_ =	strace s3  }
0x95: {  	s3 =	sld [smem:$0x3FFD];
	_ =	sdelay $0x3  }
0x96: {  	_ =	strace s3  }
0x97: {  	_ =	strace $0x8FFFFFFF  }
0x98: {  	s19 =	sld [smem:$0x3FDB];
	_ =	sdelay $0x1  }
0x99: {  	s4 =	simm.s32 $_scs_section_size  }
0x9a: {  	s5 =	simm.s32 $_size__tile_overlayer_lowered;
	s6 =	simm.s32 $_tile_overlayer_lowered  }
0x9b: {  	s22 =	simm.s32 $0x1BFF;
	s21 =	sshll.u32 s6, $0x1;
	s3 =	sadd.s32 s4, s19  }
0x9c: {  	s7 =	simm.s32 $0x0;
	s20 =	sshll.u32 s5, $0x1;
	s5 =	sadd.s32 s21, s3  }
0x9d: {  	[timem:s7], [sflag:s22] =	dma.local [hbm:s5], s20  }
0x9e: {  	_ =	swait.ge [sflag:s22], s20  }
0x9f: {  	s4 =	ssub.s32 $0x0, s20;
	[sflag:s22] =	ssyncset.done $0x0  }
0xa0: {  	[sflag:s22] =	ssyncadd.s32 s4;
	_ =	sdelay $0x1  }
0xa1: {  	s23 =	simm.s32 $0x1B8B  }
0xa2: {  	_ =	swait.ge [sflag:s23], $0x1  }
0xa3: {  	[sflag:s23] =	ssyncset.done $0x0  }
0xa4: {  	s25 =	simm.s32 $0x1B8E;
	s24 =	sld [smem:$0x3FFE];
	[sflag:s23] =	ssyncadd.s32 $0xFFFFFFFF  }
0xa5: {  	s26 =	simm.s32 $execute0_lowered;
	[smem:$0x3FD2] =	sst s25  }
0xa6: {  	s5 =	sshll.u32 s26, $0x1;
	_ =	strace $0x80000046;
	[dreg:$0x1] =	wrdreg $0xFFFFFFFF  }
0xa7: {  	s28 =	simm.s32 $_size_execute0_lowered;
	s3 =	sadd.s32 s3, s5;
	[dreg:$0x0] =	wrdreg $0x0  }
0xa8: {  	s5 =	sshll.u32 s28, $0x1;
	[dreg:$0x2] =	wrdreg s3  }
0xa9: {  	[dreg:$0x3] =	wrdreg s5  }
0xaa: {  	[dreg:$0x4] =	wrdreg $0xC0  }
0xab: {  	_ =	task [dreg:s7], $0x5FFFF  }
0xac: {  	[dreg:$0x1] =	wrdreg $0xFFFFFFFF  }
0xad: {  	[dreg:$0x0] =	wrdreg $0x60  }
0xae: {  	[dreg:$0x2] =	wrdreg s2  }
0xaf: {  	[dreg:$0x3] =	wrdreg s24  }
0xb0: {  	[dreg:$0x4] =	wrdreg $0x3000  }
0xb1: {  	[dreg:$0x5] =	wrdreg $0x5800  }
0xb2: {  	[dreg:$0x6] =	wrdreg $0x9  }
0xb3: {  	_ =	task.clear_ibuf [dreg:s7], $0x7FFFF;
	_ =	strace $0x90000046  }
0xb4: {  	s29 =	simm.s32 $0x9;
	_ =	strace $0x80000048  }
0xb5: {  	_ =	swait.ge [sflag:s29], $0x1  }
0xb6: {  	[sflag:s29] =	ssyncadd.s32 $0xFFFFFFFF  }
0xb7: {  	_ =	strace $0x90000048  }
0xb8: {  	_ =	sfence  }
0xb9: {  	s30 =	sld [smem:$0x0];
	_ =	sdelay $0x2  }
0xba: {  	s31 =	sshll.u32 s1, $0xD;
	s1 =	sshrl.u32 s1, $0x2  }
0xbb: {  	s3 =	sand.u32 $0x4000, s31;
	s1 =	sadd.s32 s1, s30  }
0xbc: {  	s0 =	sor.u32 s3, s0;
	s1 =	sshll.u32 s1, $0x11  }
0xbd: {  	s0 =	sor.u32 s1, s0  }
0xbe: {  	s0 =	sadd.s32 $0x8F2B, s0  }
0xbf: {  	[sflag:s0] =	ssyncadd.remote.s32 $0x1  }
0xc0: {  	_ =	sfence.sel $0xFFFF  }
0xc1: {  	[dreg:$0x0] =	wrdreg $0xFFFFFFFF;
	(pc) =	sbr.abs _section_cstart, $3  }
0xc2: {  	[dreg:$0x1] =	wrdreg $0xFFFFFFFF  }
0xc3: {  	_ =	task.clear_ibuf [dreg:s7], $0x2FFFF;
	_ =	strace $0x9FFFFFFF  }
0xc4: {  	(tm) =	ssettm $0x7FFFFFFF  }
0xc5: {  	_ =	shalt  }
tec
execute0_lowered:
.L_overlay_start_1:
0x0: {  	(tag) =	ssettag $0x1  }
0x1: {  	s0 =	rddreg [dreg:$0x0]  }
0x2: {  	s3 =	rddreg [dreg:$0x1]  }
0x3: {  	s1 =	rddreg [dreg:$0x2]  }
0x4: {  	s2 =	rddreg [dreg:$0x3];
	s11 =	stileid.u32  }
0x5: {  	s4 =	srdreg.scid;
	s28 =	simm.s32 $0xA00;
	s7 =	smul.u32 $0x500, s11  }
0x6: {  	s29 =	simm.s32 $0xC80;
	s30 =	simm.s32 $0x1;
	s8 =	smul.u32 $0x5000, s11  }
0x7: {  	s31 =	simm.s32 $0x40;
	s5 =	sand.u32 $0x1, s4;
	s11 =	smul.u32 $0x280, s11  }
0x8: {  	s4 =	simm.s32 $0x0;
	s10 =	sadd.s32 $0x16C00, s3;
	s6 =	smul.u32 $0x5000, s5  }
0x9: {  	s26 =	sadd.s32 $0x16A00, s3;
	[smem:$0x7FF] =	sst s4;
	s25 =	smul.u32 $0x2800, s5  }
0xa: {  	s5 =	ssub.s32 $0x2, s5;
	_ =	strace $0x80000047;
	[dreg:$0xa] =	wrdreg s10  }
0xb: {  	s9 =	sadd.s32 $0xCA00, s3;
	[dreg:$0xb] =	wrdreg s26;
	s12 =	sshrl.u32 s5, $0x1  }
0xc: {  	s15 =	sadd.s32 s11, s2;
	s6 =	sadd.s32 s7, s6;
	s13 =	sadd.s32 s25, s8  }
0xd: {  	s5 =	ssub.s32 s5, s12;
	s7 =	sadd.s32 s11, s1;
	s6 =	sshrl.u32 s6, $0x3  }
0xe: {  	s14 =	sor.u32 $0x100, s13;
	s18 =	sor.u32 $0xC0, s13;
	s21 =	sor.u32 $0x80, s13  }
0xf: {  	s5 =	smax.u32 s5, $0x1;
	s25 =	sor.u32 $0x40, s13;
	s26 =	sshrl.u32 s13, $0x3  }
0x10: {  	s3 =	sadd.s32 s6, s3;
	s6 =	sshrl.u32 s14, $0x3;
	s19 =	sshrl.u32 s18, $0x3  }
0x11: {  	s23 =	sshrl.u32 s21, $0x3;
	[dreg:$0xf] =	wrdreg s5;
	s16 =	sadd.s32 $0x16E00, s3  }
0x12: {  	s18 =	simm.s32 $0x80;
	s17 =	sadd.s32 s6, s9;
	[dreg:$0xd] =	wrdreg s16  }
0x13: {  	s21 =	simm.s32 $0x880;
	s6 =	sadd.s32 s6, s0;
	[dreg:$0x5] =	wrdreg s17  }
0x14: {  	s5 =	simm.s32 $0x0;
	s20 =	sadd.s32 s19, s9;
	[dreg:$0x6] =	wrdreg s6  }
0x15: {  	s22 =	sadd.s32 s19, s0;
	s3 =	sadd.s32 $0x16E10, s3;
	[dreg:$0x7] =	wrdreg s20  }
0x16: {  	s24 =	sadd.s32 s23, s9;
	s12 =	sadd.s32 s23, s0;
	[dreg:$0xe] =	wrdreg s3  }
0x17: {  	s19 =	simm.s32 $0x800;
	s23 =	simm.s32 $0x900;
	[dreg:$0x8] =	wrdreg s22  }
0x18: {  	s6 =	smov.u32 s15;
	[dreg:$0x9] =	wrdreg s24;
	s3 =	sshrl.u32 s25, $0x3  }
0x19: {  	s15 =	sadd.s32 s26, s9;
	s16 =	sadd.s32 s26, s0;
	s17 =	simm.s32 $0x3  }
0x1a: {  	s20 =	simm.s32 $0xA80;
	s22 =	simm.s32 $0xB00;
	s24 =	simm.s32 $0xB80  }
0x1b: {  	s25 =	simm.s32 $0x980;
	s26 =	simm.s32 $0xC00;
	s13 =	sadd.s32 s3, s9  }
0x1c: {  	s14 =	sadd.s32 s3, s0;
	s0 =	simm.s32 $0x2;
	[dreg:$0xc] =	wrdreg s6  }
.LBB2_1:
0x1d: {  	s3 =	rddreg [dreg:$0xa]  }
0x1e: {  	[tilespmem:s4], [sflag:$0x3] =	stream.linear.gather [hbm4b:s3+s4], $0x80, $0x38;
	[tilespmem:$0xD00] =	vst v63  }
0x1f: {  	_ =	swait.ge [sflag:s17], $0x80  }
0x20: {  	[sflag:s17] =	ssyncset.done $0x0  }
0x21: {  	s9 =	rddreg [dreg:$0xb];
	[sflag:s17] =	ssyncadd.s32 $0xFFFFFF80  }
0x22: {  	[tilespmem:s18], [sflag:$0x3] =	stream.linear.gather [hbm4b:s9+s4], $0x280, $0x38;
	[tilespmem:$0xD00] =	vst v63  }
0x23: {  	_ =	swait.ge [sflag:s17], $0x280  }
0x24: {  	[sflag:s17] =	ssyncset.done $0x0  }
0x25: {  	[sflag:s17] =	ssyncadd.s32 $0xFFFFFD80  }
0x26: {  	[spmem:s7] =	stream.linear.scatter [tilespmem:s18], [sflag:$0x3], $0x280, $0x38;
	[tilespmem:$0xD00] =	vst v63  }
0x27: {  	_ =	swait.ge [sflag:s17], $0x280  }
0x28: {  	[sflag:s17] =	ssyncset.done $0x0  }
0x29: {  	[sflag:s17] =	ssyncadd.s32 $0xFFFFFD80  }
0x2a: {  	[spmem:s6] =	stream.linear.scatter [tilespmem:s18], [sflag:$0x3], $0x280, $0x38;
	[tilespmem:$0xD00] =	vst v63  }
0x2b: {  	_ =	swait.ge [sflag:s17], $0x280  }
0x2c: {  	[sflag:s17] =	ssyncset.done $0x0  }
0x2d: {  	[sflag:s17] =	ssyncadd.s32 $0xFFFFFD80  }
0x2e: {  	s10 =	sadd.s32 $0x0, s16;
	[bflag:$0x0] =	sbarrier.arrive $0xFFFF  }
0x2f: {  	[tilespmem:s19], [sflag:$0x1] =	stream.linear.gather [hbm4b:s10+s4], $0x40, $0x38;
	[tilespmem:$0xD00] =	vst v63  }
0x30: {  	s11 =	sadd.s32 $0x0, s15  }
0x31: {  	[tilespmem:s20], [sflag:$0x1] =	stream.linear.gather [hbm4b:s11+s4], $0x40, $0x38;
	[tilespmem:$0xD00] =	vst v63  }
0x32: {  	s3 =	sadd.s32 $0x0, s14  }
0x33: {  	[tilespmem:s21], [sflag:$0x1] =	stream.linear.gather [hbm4b:s3+s4], $0x40, $0x38;
	[tilespmem:$0xD00] =	vst v63  }
0x34: {  	s8 =	smov.u32 s7;
	s7 =	sadd.s32 $0x0, s13  }
0x35: {  	[tilespmem:s22], [sflag:$0x1] =	stream.linear.gather [hbm4b:s7+s4], $0x40, $0x38;
	[tilespmem:$0xD00] =	vst v63  }
0x36: {  	s9 =	rddreg [dreg:$0x9];
	s10 =	sadd.s32 $0x0, s12  }
0x37: {  	[tilespmem:s23], [sflag:$0x1] =	stream.linear.gather [hbm4b:s10+s4], $0x40, $0x38;
	[tilespmem:$0xD00] =	vst v63  }
0x38: {  	s9 =	sadd.s32 $0x0, s9;
	s11 =	rddreg [dreg:$0x8]  }
0x39: {  	[tilespmem:s24], [sflag:$0x1] =	stream.linear.gather [hbm4b:s9+s4], $0x40, $0x38;
	[tilespmem:$0xD00] =	vst v63  }
0x3a: {  	s6 =	sadd.s32 $0x0, s11;
	s3 =	rddreg [dreg:$0x7]  }
0x3b: {  	[tilespmem:s25], [sflag:$0x1] =	stream.linear.gather [hbm4b:s6+s4], $0x40, $0x38;
	[tilespmem:$0xD00] =	vst v63  }
0x3c: {  	s7 =	rddreg [dreg:$0x6];
	s9 =	sadd.s32 $0x0, s3  }
0x3d: {  	[tilespmem:s26], [sflag:$0x1] =	stream.linear.gather [hbm4b:s9+s4], $0x40, $0x38;
	[tilespmem:$0xD00] =	vst v63  }
0x3e: {  	s10 =	rddreg [dreg:$0x5];
	s6 =	sadd.s32 $0x0, s7  }
0x3f: {  	[tilespmem:s28], [sflag:$0x1] =	stream.linear.gather [hbm4b:s6+s4], $0x40, $0x38;
	[tilespmem:$0xD00] =	vst v63  }
0x40: {  	s11 =	sadd.s32 $0x0, s10  }
0x41: {  	[tilespmem:s29], [sflag:$0x1] =	stream.linear.gather [hbm4b:s11+s4], $0x40, $0x38;
	[tilespmem:$0xD00] =	vst v63  }
0x42: {  	_ =	swait.ge [sflag:s30], $0x40  }
0x43: {  	[sflag:s30] =	ssyncset.done $0x0  }
0x44: {  	[sflag:s30] =	ssyncadd.s32 $0xFFFFFFC0  }
0x45: {  	_ =	swait.ge [sflag:s30], $0x40  }
0x46: {  	[sflag:s30] =	ssyncset.done $0x0  }
0x47: {  	[sflag:s30] =	ssyncadd.s32 $0xFFFFFFC0  }
0x48: {  	_ =	swait.ge [sflag:s30], $0x40  }
0x49: {  	[sflag:s30] =	ssyncset.done $0x0  }
0x4a: {  	[sflag:s30] =	ssyncadd.s32 $0xFFFFFFC0  }
0x4b: {  	_ =	swait.ge [sflag:s30], $0x40  }
0x4c: {  	[sflag:s30] =	ssyncset.done $0x0  }
0x4d: {  	[sflag:s30] =	ssyncadd.s32 $0xFFFFFFC0  }
0x4e: {  	_ =	swait.ge [sflag:s30], $0x40  }
0x4f: {  	[sflag:s30] =	ssyncset.done $0x0  }
0x50: {  	[sflag:s30] =	ssyncadd.s32 $0xFFFFFFC0  }
0x51: {  	_ =	swait.ge [sflag:s30], $0x40  }
0x52: {  	[sflag:s30] =	ssyncset.done $0x0  }
0x53: {  	[sflag:s30] =	ssyncadd.s32 $0xFFFFFFC0  }
0x54: {  	_ =	swait.ge [sflag:s30], $0x40  }
0x55: {  	[sflag:s30] =	ssyncset.done $0x0  }
0x56: {  	[sflag:s30] =	ssyncadd.s32 $0xFFFFFFC0  }
0x57: {  	_ =	swait.ge [sflag:s30], $0x40  }
0x58: {  	[sflag:s30] =	ssyncset.done $0x0  }
0x59: {  	[sflag:s30] =	ssyncadd.s32 $0xFFFFFFC0  }
0x5a: {  	_ =	swait.ge [sflag:s30], $0x40  }
0x5b: {  	[sflag:s30] =	ssyncset.done $0x0  }
0x5c: {  	[sflag:s30] =	ssyncadd.s32 $0xFFFFFFC0  }
0x5d: {  	_ =	swait.ge [sflag:s30], $0x40  }
0x5e: {  	[sflag:s30] =	ssyncset.done $0x0  }
0x5f: {  	[sflag:s30] =	ssyncadd.s32 $0xFFFFFFC0  }
0x60: {  	[spmem:s1] =	stream.indirect.scatter.add.f32 [tilespmem:s4], [sflag:$0x2], $0x1, s19, s31, $0xb8;
	[tilespmem:$0xD00] =	vst v63  }
0x61: {  	_ = 	snop  }
0x62: {  	[spmem:s2] =	stream.indirect.scatter.add.f32 [tilespmem:s4], [sflag:$0x2], $0x1, s20, s31, $0xb8;
	[tilespmem:$0xD00] =	vst v63  }
0x63: {  	_ = 	snop  }
0x64: {  	[spmem:s1] =	stream.indirect.scatter.add.f32 [tilespmem:s4], [sflag:$0x2], $0x1, s21, s31, $0xb8;
	[tilespmem:$0xD00] =	vst v63  }
0x65: {  	_ = 	snop  }
0x66: {  	[spmem:s2] =	stream.indirect.scatter.add.f32 [tilespmem:s4], [sflag:$0x2], $0x1, s22, s31, $0xb8;
	[tilespmem:$0xD00] =	vst v63  }
0x67: {  	_ = 	snop  }
0x68: {  	[spmem:s1] =	stream.indirect.scatter.add.f32 [tilespmem:s4], [sflag:$0x2], $0x1, s23, s31, $0xb8;
	[tilespmem:$0xD00] =	vst v63  }
0x69: {  	_ = 	snop  }
0x6a: {  	[spmem:s2] =	stream.indirect.scatter.add.f32 [tilespmem:s4], [sflag:$0x2], $0x1, s24, s31, $0xb8;
	[tilespmem:$0xD00] =	vst v63  }
0x6b: {  	_ = 	snop  }
0x6c: {  	[spmem:s1] =	stream.indirect.scatter.add.f32 [tilespmem:s4], [sflag:$0x2], $0x1, s25, s31, $0xb8;
	[tilespmem:$0xD00] =	vst v63  }
0x6d: {  	_ = 	snop  }
0x6e: {  	[spmem:s2] =	stream.indirect.scatter.add.f32 [tilespmem:s4], [sflag:$0x2], $0x1, s26, s31, $0xb8;
	[tilespmem:$0xD00] =	vst v63  }
0x6f: {  	_ = 	snop  }
0x70: {  	[spmem:s1] =	stream.indirect.scatter.add.f32 [tilespmem:s4], [sflag:$0x2], $0x1, s28, s31, $0xb8;
	[tilespmem:$0xD00] =	vst v63  }
0x71: {  	_ = 	snop  }
0x72: {  	[spmem:s2] =	stream.indirect.scatter.add.f32 [tilespmem:s4], [sflag:$0x2], $0x1, s29, s31, $0xb8;
	[tilespmem:$0xD00] =	vst v63  }
0x73: {  	_ =	swait.ge [sflag:s0], $0x40  }
0x74: {  	[sflag:s0] =	ssyncset.done $0x0  }
0x75: {  	[sflag:s0] =	ssyncadd.s32 $0xFFFFFFC0  }
0x76: {  	_ =	swait.ge [sflag:s0], $0x40  }
0x77: {  	[sflag:s0] =	ssyncset.done $0x0  }
0x78: {  	[sflag:s0] =	ssyncadd.s32 $0xFFFFFFC0  }
0x79: {  	_ =	swait.ge [sflag:s0], $0x40  }
0x7a: {  	[sflag:s0] =	ssyncset.done $0x0  }
0x7b: {  	[sflag:s0] =	ssyncadd.s32 $0xFFFFFFC0  }
0x7c: {  	_ =	swait.ge [sflag:s0], $0x40  }
0x7d: {  	[sflag:s0] =	ssyncset.done $0x0  }
0x7e: {  	[sflag:s0] =	ssyncadd.s32 $0xFFFFFFC0  }
0x7f: {  	_ =	swait.ge [sflag:s0], $0x40  }
0x80: {  	[sflag:s0] =	ssyncset.done $0x0  }
0x81: {  	[sflag:s0] =	ssyncadd.s32 $0xFFFFFFC0  }
0x82: {  	_ =	swait.ge [sflag:s0], $0x40  }
0x83: {  	[sflag:s0] =	ssyncset.done $0x0  }
0x84: {  	[sflag:s0] =	ssyncadd.s32 $0xFFFFFFC0  }
0x85: {  	_ =	swait.ge [sflag:s0], $0x40  }
0x86: {  	[sflag:s0] =	ssyncset.done $0x0  }
0x87: {  	[sflag:s0] =	ssyncadd.s32 $0xFFFFFFC0  }
0x88: {  	_ =	swait.ge [sflag:s0], $0x40  }
0x89: {  	[sflag:s0] =	ssyncset.done $0x0  }
0x8a: {  	[sflag:s0] =	ssyncadd.s32 $0xFFFFFFC0  }
0x8b: {  	_ =	swait.ge [sflag:s0], $0x40  }
0x8c: {  	[sflag:s0] =	ssyncset.done $0x0  }
0x8d: {  	[sflag:s0] =	ssyncadd.s32 $0xFFFFFFC0  }
0x8e: {  	_ =	swait.ge [sflag:s0], $0x40  }
0x8f: {  	s9 =	simm.s32 $0x50;
	s6 =	simm.s32 $0x28;
	[sflag:s0] =	ssyncset.done $0x0  }
.LBB2_2:
0x90: {  	s11 =	sadd.s32 s6, s16;
	[sflag:s0] =	ssyncadd.s32 $0xFFFFFFC0  }
0x91: {  	[tilespmem:s19], [sflag:$0x1] =	stream.linear.gather [hbm4b:s11+s4], $0x40, $0x38;
	[tilespmem:$0xD00] =	vst v63  }
0x92: {  	s7 =	sadd.s32 s6, s15  }
0x93: {  	[tilespmem:s20], [sflag:$0x1] =	stream.linear.gather [hbm4b:s7+s4], $0x40, $0x38;
	[tilespmem:$0xD00] =	vst v63  }
0x94: {  	s11 =	sadd.s32 s6, s14  }
0x95: {  	[tilespmem:s21], [sflag:$0x1] =	stream.linear.gather [hbm4b:s11+s4], $0x40, $0x38;
	[tilespmem:$0xD00] =	vst v63  }
0x96: {  	s3 =	smov.u32 s9;
	s10 =	sadd.s32 $0x28, s9;
	s7 =	sadd.s32 s6, s13  }
0x97: {  	[tilespmem:s22], [sflag:$0x1] =	stream.linear.gather [hbm4b:s7+s4], $0x40, $0x38;
	[tilespmem:$0xD00] =	vst v63  }
0x98: {  	p0 =	sne.s32 s9, $0x4D8;
	s9 =	sadd.s32 s6, s12;
	s11 =	rddreg [dreg:$0x9]  }
0x99: {  	[tilespmem:s23], [sflag:$0x1] =	stream.linear.gather [hbm4b:s9+s4], $0x40, $0x38;
	[tilespmem:$0xD00] =	vst v63  }
0x9a: {  	s7 =	rddreg [dreg:$0x8];
	s9 =	sadd.s32 s6, s11  }
0x9b: {  	[tilespmem:s24], [sflag:$0x1] =	stream.linear.gather [hbm4b:s9+s4], $0x40, $0x38;
	[tilespmem:$0xD00] =	vst v63  }
0x9c: {  	s7 =	sadd.s32 s6, s7;
	s11 =	rddreg [dreg:$0x7]  }
0x9d: {  	[tilespmem:s25], [sflag:$0x1] =	stream.linear.gather [hbm4b:s7+s4], $0x40, $0x38;
	[tilespmem:$0xD00] =	vst v63  }
0x9e: {  	s9 =	rddreg [dreg:$0x6];
	s7 =	sadd.s32 s6, s11  }
0x9f: {  	[tilespmem:s26], [sflag:$0x1] =	stream.linear.gather [hbm4b:s7+s4], $0x40, $0x38;
	[tilespmem:$0xD00] =	vst v63  }
0xa0: {  	s9 =	sadd.s32 s6, s9;
	s11 =	rddreg [dreg:$0x5]  }
0xa1: {  	[tilespmem:s28], [sflag:$0x1] =	stream.linear.gather [hbm4b:s9+s4], $0x40, $0x38;
	[tilespmem:$0xD00] =	vst v63  }
0xa2: {  	s11 =	sadd.s32 s6, s11  }
0xa3: {  	[tilespmem:s29], [sflag:$0x1] =	stream.linear.gather [hbm4b:s11+s4], $0x40, $0x38;
	[tilespmem:$0xD00] =	vst v63  }
0xa4: {  	_ =	swait.ge [sflag:s30], $0x40  }
0xa5: {  	[sflag:s30] =	ssyncset.done $0x0  }
0xa6: {  	[sflag:s30] =	ssyncadd.s32 $0xFFFFFFC0  }
0xa7: {  	_ =	swait.ge [sflag:s30], $0x40  }
0xa8: {  	[sflag:s30] =	ssyncset.done $0x0  }
0xa9: {  	[sflag:s30] =	ssyncadd.s32 $0xFFFFFFC0  }
0xaa: {  	_ =	swait.ge [sflag:s30], $0x40  }
0xab: {  	[sflag:s30] =	ssyncset.done $0x0  }
0xac: {  	[sflag:s30] =	ssyncadd.s32 $0xFFFFFFC0  }
0xad: {  	_ =	swait.ge [sflag:s30], $0x40  }
0xae: {  	[sflag:s30] =	ssyncset.done $0x0  }
0xaf: {  	[sflag:s30] =	ssyncadd.s32 $0xFFFFFFC0  }
0xb0: {  	_ =	swait.ge [sflag:s30], $0x40  }
0xb1: {  	[sflag:s30] =	ssyncset.done $0x0  }
0xb2: {  	[sflag:s30] =	ssyncadd.s32 $0xFFFFFFC0  }
0xb3: {  	_ =	swait.ge [sflag:s30], $0x40  }
0xb4: {  	[sflag:s30] =	ssyncset.done $0x0  }
0xb5: {  	[sflag:s30] =	ssyncadd.s32 $0xFFFFFFC0  }
0xb6: {  	_ =	swait.ge [sflag:s30], $0x40  }
0xb7: {  	[sflag:s30] =	ssyncset.done $0x0  }
0xb8: {  	[sflag:s30] =	ssyncadd.s32 $0xFFFFFFC0  }
0xb9: {  	_ =	swait.ge [sflag:s30], $0x40  }
0xba: {  	[sflag:s30] =	ssyncset.done $0x0  }
0xbb: {  	[sflag:s30] =	ssyncadd.s32 $0xFFFFFFC0  }
0xbc: {  	_ =	swait.ge [sflag:s30], $0x40  }
0xbd: {  	[sflag:s30] =	ssyncset.done $0x0  }
0xbe: {  	[sflag:s30] =	ssyncadd.s32 $0xFFFFFFC0  }
0xbf: {  	_ =	swait.ge [sflag:s30], $0x40  }
0xc0: {  	[sflag:s30] =	ssyncset.done $0x0  }
0xc1: {  	[sflag:s30] =	ssyncadd.s32 $0xFFFFFFC0  }
0xc2: {  	[spmem:s1] =	stream.indirect.scatter.add.f32 [tilespmem:s4], [sflag:$0x2], $0x1, s19, s31, $0xb8;
	[tilespmem:$0xD00] =	vst v63  }
0xc3: {  	_ = 	snop  }
0xc4: {  	[spmem:s2] =	stream.indirect.scatter.add.f32 [tilespmem:s4], [sflag:$0x2], $0x1, s20, s31, $0xb8;
	[tilespmem:$0xD00] =	vst v63  }
0xc5: {  	_ = 	snop  }
0xc6: {  	[spmem:s1] =	stream.indirect.scatter.add.f32 [tilespmem:s4], [sflag:$0x2], $0x1, s21, s31, $0xb8;
	[tilespmem:$0xD00] =	vst v63  }
0xc7: {  	_ = 	snop  }
0xc8: {  	[spmem:s2] =	stream.indirect.scatter.add.f32 [tilespmem:s4], [sflag:$0x2], $0x1, s22, s31, $0xb8;
	[tilespmem:$0xD00] =	vst v63  }
0xc9: {  	_ = 	snop  }
0xca: {  	[spmem:s1] =	stream.indirect.scatter.add.f32 [tilespmem:s4], [sflag:$0x2], $0x1, s23, s31, $0xb8;
	[tilespmem:$0xD00] =	vst v63  }
0xcb: {  	_ = 	snop  }
0xcc: {  	[spmem:s2] =	stream.indirect.scatter.add.f32 [tilespmem:s4], [sflag:$0x2], $0x1, s24, s31, $0xb8;
	[tilespmem:$0xD00] =	vst v63  }
0xcd: {  	_ = 	snop  }
0xce: {  	[spmem:s1] =	stream.indirect.scatter.add.f32 [tilespmem:s4], [sflag:$0x2], $0x1, s25, s31, $0xb8;
	[tilespmem:$0xD00] =	vst v63  }
0xcf: {  	_ = 	snop  }
0xd0: {  	[spmem:s2] =	stream.indirect.scatter.add.f32 [tilespmem:s4], [sflag:$0x2], $0x1, s26, s31, $0xb8;
	[tilespmem:$0xD00] =	vst v63  }
0xd1: {  	_ = 	snop  }
0xd2: {  	[spmem:s1] =	stream.indirect.scatter.add.f32 [tilespmem:s4], [sflag:$0x2], $0x1, s28, s31, $0xb8;
	[tilespmem:$0xD00] =	vst v63  }
0xd3: {  	_ = 	snop  }
0xd4: {  	[spmem:s2] =	stream.indirect.scatter.add.f32 [tilespmem:s4], [sflag:$0x2], $0x1, s29, s31, $0xb8;
	[tilespmem:$0xD00] =	vst v63  }
0xd5: {  	_ =	swait.ge [sflag:s0], $0x40  }
0xd6: {  	[sflag:s0] =	ssyncset.done $0x0  }
0xd7: {  	[sflag:s0] =	ssyncadd.s32 $0xFFFFFFC0  }
0xd8: {  	_ =	swait.ge [sflag:s0], $0x40  }
0xd9: {  	[sflag:s0] =	ssyncset.done $0x0  }
0xda: {  	[sflag:s0] =	ssyncadd.s32 $0xFFFFFFC0  }
0xdb: {  	_ =	swait.ge [sflag:s0], $0x40  }
0xdc: {  	[sflag:s0] =	ssyncset.done $0x0  }
0xdd: {  	[sflag:s0] =	ssyncadd.s32 $0xFFFFFFC0  }
0xde: {  	_ =	swait.ge [sflag:s0], $0x40  }
0xdf: {  	[sflag:s0] =	ssyncset.done $0x0  }
0xe0: {  	[sflag:s0] =	ssyncadd.s32 $0xFFFFFFC0  }
0xe1: {  	_ =	swait.ge [sflag:s0], $0x40  }
0xe2: {  	[sflag:s0] =	ssyncset.done $0x0  }
0xe3: {  	[sflag:s0] =	ssyncadd.s32 $0xFFFFFFC0  }
0xe4: {  	_ =	swait.ge [sflag:s0], $0x40  }
0xe5: {  	[sflag:s0] =	ssyncset.done $0x0  }
0xe6: {  	[sflag:s0] =	ssyncadd.s32 $0xFFFFFFC0  }
0xe7: {  	_ =	swait.ge [sflag:s0], $0x40  }
0xe8: {  	[sflag:s0] =	ssyncset.done $0x0  }
0xe9: {  	[sflag:s0] =	ssyncadd.s32 $0xFFFFFFC0  }
0xea: {  	_ =	swait.ge [sflag:s0], $0x40  }
0xeb: {  	[sflag:s0] =	ssyncset.done $0x0  }
0xec: {  	[sflag:s0] =	ssyncadd.s32 $0xFFFFFFC0  }
.Ltmp0:
0xed: {  	_ =	swait.ge [sflag:s0], $0x40;
	(pc) =	sbr.rel @p0 .LBB2_2-.Ltmp0, $4  }
0xee: {  	[sflag:s0] =	ssyncset.done $0x0  }
0xef: {  	[sflag:s0] =	ssyncadd.s32 $0xFFFFFFC0  }
0xf0: {  	_ =	swait.ge [sflag:s0], $0x40  }
0xf1: {  	s6 =	smov.u32 s3;
	s9 =	smov.u32 s10;
	[sflag:s0] =	ssyncset.done $0x0  }
0xf2: {  	s3 =	sadd.s32 s6, s16;
	[sflag:s0] =	ssyncadd.s32 $0xFFFFFFC0  }
0xf3: {  	[tilespmem:s19], [sflag:$0x1] =	stream.linear.gather [hbm4b:s3+s4], $0x40, $0x38;
	[tilespmem:$0xD00] =	vst v63  }
0xf4: {  	s11 =	sadd.s32 s6, s15  }
0xf5: {  	[tilespmem:s20], [sflag:$0x1] =	stream.linear.gather [hbm4b:s11+s4], $0x40, $0x38;
	[tilespmem:$0xD00] =	vst v63  }
0xf6: {  	s7 =	sadd.s32 s6, s14  }
0xf7: {  	[tilespmem:s21], [sflag:$0x1] =	stream.linear.gather [hbm4b:s7+s4], $0x40, $0x38;
	[tilespmem:$0xD00] =	vst v63  }
0xf8: {  	s9 =	sadd.s32 s6, s13  }
0xf9: {  	[tilespmem:s22], [sflag:$0x1] =	stream.linear.gather [hbm4b:s9+s4], $0x40, $0x38;
	[tilespmem:$0xD00] =	vst v63  }
0xfa: {  	s10 =	sadd.s32 s6, s12;
	s7 =	rddreg [dreg:$0x9]  }
0xfb: {  	[tilespmem:s23], [sflag:$0x1] =	stream.linear.gather [hbm4b:s10+s4], $0x40, $0x38;
	[tilespmem:$0xD00] =	vst v63  }
0xfc: {  	s11 =	rddreg [dreg:$0x8];
	s7 =	sadd.s32 s6, s7  }
0xfd: {  	[tilespmem:s24], [sflag:$0x1] =	stream.linear.gather [hbm4b:s7+s4], $0x40, $0x38;
	[tilespmem:$0xD00] =	vst v63  }
0xfe: {  	s3 =	sadd.s32 s6, s11;
	s9 =	rddreg [dreg:$0x7]  }
0xff: {  	[tilespmem:s25], [sflag:$0x1] =	stream.linear.gather [hbm4b:s3+s4], $0x40, $0x38;
	[tilespmem:$0xD00] =	vst v63  }
0x100: {  	s10 =	rddreg [dreg:$0x6];
	s7 =	sadd.s32 s6, s9  }
0x101: {  	[tilespmem:s26], [sflag:$0x1] =	stream.linear.gather [hbm4b:s7+s4], $0x40, $0x38;
	[tilespmem:$0xD00] =	vst v63  }
0x102: {  	s11 =	rddreg [dreg:$0x5];
	s3 =	sadd.s32 s6, s10  }
0x103: {  	[tilespmem:s28], [sflag:$0x1] =	stream.linear.gather [hbm4b:s3+s4], $0x40, $0x38;
	[tilespmem:$0xD00] =	vst v63  }
0x104: {  	s7 =	sadd.s32 s6, s11  }
0x105: {  	[tilespmem:s29], [sflag:$0x1] =	stream.linear.gather [hbm4b:s7+s4], $0x40, $0x38;
	[tilespmem:$0xD00] =	vst v63  }
0x106: {  	_ =	swait.ge [sflag:s30], $0x40  }
0x107: {  	[sflag:s30] =	ssyncset.done $0x0  }
0x108: {  	[sflag:s30] =	ssyncadd.s32 $0xFFFFFFC0  }
0x109: {  	_ =	swait.ge [sflag:s30], $0x40  }
0x10a: {  	[sflag:s30] =	ssyncset.done $0x0  }
0x10b: {  	[sflag:s30] =	ssyncadd.s32 $0xFFFFFFC0  }
0x10c: {  	_ =	swait.ge [sflag:s30], $0x40  }
0x10d: {  	[sflag:s30] =	ssyncset.done $0x0  }
0x10e: {  	[sflag:s30] =	ssyncadd.s32 $0xFFFFFFC0  }
0x10f: {  	_ =	swait.ge [sflag:s30], $0x40  }
0x110: {  	[sflag:s30] =	ssyncset.done $0x0  }
0x111: {  	[sflag:s30] =	ssyncadd.s32 $0xFFFFFFC0  }
0x112: {  	_ =	swait.ge [sflag:s30], $0x40  }
0x113: {  	[sflag:s30] =	ssyncset.done $0x0  }
0x114: {  	[sflag:s30] =	ssyncadd.s32 $0xFFFFFFC0  }
0x115: {  	_ =	swait.ge [sflag:s30], $0x40  }
0x116: {  	[sflag:s30] =	ssyncset.done $0x0  }
0x117: {  	[sflag:s30] =	ssyncadd.s32 $0xFFFFFFC0  }
0x118: {  	_ =	swait.ge [sflag:s30], $0x40  }
0x119: {  	[sflag:s30] =	ssyncset.done $0x0  }
0x11a: {  	[sflag:s30] =	ssyncadd.s32 $0xFFFFFFC0  }
0x11b: {  	_ =	swait.ge [sflag:s30], $0x40  }
0x11c: {  	[sflag:s30] =	ssyncset.done $0x0  }
0x11d: {  	[sflag:s30] =	ssyncadd.s32 $0xFFFFFFC0  }
0x11e: {  	_ =	swait.ge [sflag:s30], $0x40  }
0x11f: {  	[sflag:s30] =	ssyncset.done $0x0  }
0x120: {  	[sflag:s30] =	ssyncadd.s32 $0xFFFFFFC0  }
0x121: {  	_ =	swait.ge [sflag:s30], $0x40  }
0x122: {  	[sflag:s30] =	ssyncset.done $0x0  }
0x123: {  	[sflag:s30] =	ssyncadd.s32 $0xFFFFFFC0  }
0x124: {  	[spmem:s1] =	stream.indirect.scatter.add.f32 [tilespmem:s4], [sflag:$0x2], $0x1, s19, s31, $0xb8;
	[tilespmem:$0xD00] =	vst v63  }
0x125: {  	_ = 	snop  }
0x126: {  	[spmem:s2] =	stream.indirect.scatter.add.f32 [tilespmem:s4], [sflag:$0x2], $0x1, s20, s31, $0xb8;
	[tilespmem:$0xD00] =	vst v63  }
0x127: {  	_ = 	snop  }
0x128: {  	[spmem:s1] =	stream.indirect.scatter.add.f32 [tilespmem:s4], [sflag:$0x2], $0x1, s21, s31, $0xb8;
	[tilespmem:$0xD00] =	vst v63  }
0x129: {  	_ = 	snop  }
0x12a: {  	[spmem:s2] =	stream.indirect.scatter.add.f32 [tilespmem:s4], [sflag:$0x2], $0x1, s22, s31, $0xb8;
	[tilespmem:$0xD00] =	vst v63  }
0x12b: {  	_ = 	snop  }
0x12c: {  	[spmem:s1] =	stream.indirect.scatter.add.f32 [tilespmem:s4], [sflag:$0x2], $0x1, s23, s31, $0xb8;
	[tilespmem:$0xD00] =	vst v63  }
0x12d: {  	_ = 	snop  }
0x12e: {  	[spmem:s2] =	stream.indirect.scatter.add.f32 [tilespmem:s4], [sflag:$0x2], $0x1, s24, s31, $0xb8;
	[tilespmem:$0xD00] =	vst v63  }
0x12f: {  	_ = 	snop  }
0x130: {  	[spmem:s1] =	stream.indirect.scatter.add.f32 [tilespmem:s4], [sflag:$0x2], $0x1, s25, s31, $0xb8;
	[tilespmem:$0xD00] =	vst v63  }
0x131: {  	_ = 	snop  }
0x132: {  	[spmem:s2] =	stream.indirect.scatter.add.f32 [tilespmem:s4], [sflag:$0x2], $0x1, s26, s31, $0xb8;
	[tilespmem:$0xD00] =	vst v63  }
0x133: {  	_ = 	snop  }
0x134: {  	[spmem:s1] =	stream.indirect.scatter.add.f32 [tilespmem:s4], [sflag:$0x2], $0x1, s28, s31, $0xb8;
	[tilespmem:$0xD00] =	vst v63  }
0x135: {  	_ = 	snop  }
0x136: {  	[spmem:s2] =	stream.indirect.scatter.add.f32 [tilespmem:s4], [sflag:$0x2], $0x1, s29, s31, $0xb8;
	[tilespmem:$0xD00] =	vst v63  }
0x137: {  	_ =	swait.ge [sflag:s0], $0x40  }
0x138: {  	[sflag:s0] =	ssyncset.done $0x0  }
0x139: {  	[sflag:s0] =	ssyncadd.s32 $0xFFFFFFC0  }
0x13a: {  	_ =	swait.ge [sflag:s0], $0x40  }
0x13b: {  	[sflag:s0] =	ssyncset.done $0x0  }
0x13c: {  	[sflag:s0] =	ssyncadd.s32 $0xFFFFFFC0  }
0x13d: {  	_ =	swait.ge [sflag:s0], $0x40  }
0x13e: {  	[sflag:s0] =	ssyncset.done $0x0  }
0x13f: {  	[sflag:s0] =	ssyncadd.s32 $0xFFFFFFC0  }
0x140: {  	_ =	swait.ge [sflag:s0], $0x40  }
0x141: {  	[sflag:s0] =	ssyncset.done $0x0  }
0x142: {  	[sflag:s0] =	ssyncadd.s32 $0xFFFFFFC0  }
0x143: {  	_ =	swait.ge [sflag:s0], $0x40  }
0x144: {  	[sflag:s0] =	ssyncset.done $0x0  }
0x145: {  	[sflag:s0] =	ssyncadd.s32 $0xFFFFFFC0  }
0x146: {  	_ =	swait.ge [sflag:s0], $0x40  }
0x147: {  	[sflag:s0] =	ssyncset.done $0x0  }
0x148: {  	[sflag:s0] =	ssyncadd.s32 $0xFFFFFFC0  }
0x149: {  	_ =	swait.ge [sflag:s0], $0x40  }
0x14a: {  	[sflag:s0] =	ssyncset.done $0x0  }
0x14b: {  	[sflag:s0] =	ssyncadd.s32 $0xFFFFFFC0  }
0x14c: {  	_ =	swait.ge [sflag:s0], $0x40  }
0x14d: {  	[sflag:s0] =	ssyncset.done $0x0  }
0x14e: {  	[sflag:s0] =	ssyncadd.s32 $0xFFFFFFC0  }
0x14f: {  	_ =	swait.ge [sflag:s0], $0x40  }
0x150: {  	[sflag:s0] =	ssyncset.done $0x0  }
0x151: {  	[sflag:s0] =	ssyncadd.s32 $0xFFFFFFC0  }
0x152: {  	_ =	swait.ge [sflag:s0], $0x40  }
0x153: {  	[sflag:s0] =	ssyncset.done $0x0  }
0x154: {  	[sflag:s0] =	ssyncadd.s32 $0xFFFFFFC0  }
0x155: {  	[bflag:$0x0] =	sbarrier.arrive $0xFFFF  }
0x156: {  	[tilespmem:s18], [sflag:$0x3] =	stream.linear.gather [spmem:s8], $0x280, $0x38;
	[tilespmem:$0xD00] =	vst v63  }
0x157: {  	_ =	swait.ge [sflag:s17], $0x280  }
0x158: {  	s9 =	simm.s32 $0x100;
	[sflag:s17] =	ssyncset.done $0x0  }
0x159: {  	s7 =	smov.u32 s8;
	s8 =	rddreg [dreg:$0xd];
	[sflag:s17] =	ssyncadd.s32 $0xFFFFFD80  }
0x15a: {  	[hbm4b:s8+s18] =	stream.strided.scatter [tilespmem:s18], [sflag:$0x3], $0x280, s9, s18, $0x38;
	[tilespmem:$0xD00] =	vst v63  }
0x15b: {  	_ =	swait.ge [sflag:s17], $0x280  }
0x15c: {  	[sflag:s17] =	ssyncset.done $0x0  }
0x15d: {  	s6 =	rddreg [dreg:$0xc];
	[sflag:s17] =	ssyncadd.s32 $0xFFFFFD80  }
0x15e: {  	[tilespmem:s18], [sflag:$0x3] =	stream.linear.gather [spmem:s6], $0x280, $0x38;
	[tilespmem:$0xD00] =	vst v63  }
0x15f: {  	_ =	swait.ge [sflag:s17], $0x280  }
0x160: {  	[sflag:s17] =	ssyncset.done $0x0  }
0x161: {  	s10 =	rddreg [dreg:$0xe];
	[sflag:s17] =	ssyncadd.s32 $0xFFFFFD80  }
0x162: {  	[hbm4b:s10+s18] =	stream.strided.scatter [tilespmem:s18], [sflag:$0x3], $0x280, s9, s18, $0x38;
	[tilespmem:$0xD00] =	vst v63  }
0x163: {  	_ =	swait.ge [sflag:s17], $0x280  }
0x164: {  	s5 =	sadd.s32 $0x1, s5;
	s11 =	rddreg [dreg:$0xf]  }
0x165: {  	p0 =	sne.s32 s5, s11  }
.Ltmp1:
0x166: {  	_ = 	snop;
	(pc) =	sbr.rel @p0 .LBB2_1-.Ltmp1, $3  }
0x167: {  	_ =	sdelay $0x1  }
0x168: {  	[sflag:s17] =	ssyncset.done $0x0  }
0x169: {  	[sflag:s17] =	ssyncadd.s32 $0xFFFFFD80  }
0x16a: {  	_ =	sfence.sel $0x180000  }
0x16b: {  	[bflag:$0x0] =	sbarrier.arrive $0xFFFF  }
0x16c: {  	_ =	strace $0x90000047  }
0x16d: {  	s0 =	stileid.u32;
	[bflag:$0x2] =	sbarrier.arrive $0xFFFF  }
0x16e: {  	p0 =	sne.s32 s0, $0x0;
	s0 =	rddreg [dreg:$0x4]  }
0x16f: {  	s0 =	sadd.s32 @!p0 $0x100000, s0  }
0x170: {  	[sflag:s0] =	ssyncadd.tile.s32 @!p0 $0x1;
	_ =	shalt  }
.Lfunc_end2:
_tile_overlayer_lowered:
.L_overlay_start_2:
0x171: {  	(tag) =	ssettag $0x2  }
0x172: {  	s0 =	rddreg [dreg:$0x0];
	s2 =	stileid.u32  }
0x173: {  	s1 =	rddreg [dreg:$0x1];
	p0 =	sne.s32 s2, $0x0  }
0x174: {  	s3 =	rddreg [dreg:$0x2];
	[bflag:$0x3] =	sbarrier.arrive $0xFFFF;
	s2 =	simm.s32 @!p0 $0x1C03  }
0x175: {  	[timem:s3], [sflag:s2] =	dma.local @!p0 [hbm:s0], s1  }
0x176: {  	s0 =	simm.s32 @!p0 $0x3  }
0x177: {  	_ =	swait.ge @!p0 [sflag:s0], s1  }
0x178: {  	s1 =	ssub.s32 @!p0 $0x0, s1;
	[sflag:s0] =	ssyncset.done @!p0 $0x0  }
0x179: {  	[sflag:s0] =	ssyncadd.s32 @!p0 s1  }
0x17a: {  	[bflag:$0x3] =	sbarrier.arrive $0xFFFF  }
0x17b: {  	_ =	shalt  }

</sc_bundles>
